<compile_context>
chip_gen: v7x
topology: tpu7x:2x2x1
jax: 0.10.2.dev20260603
libtpu: 0.0.44.dev20260713+nightly
codegen_flags: <defaults>
</compile_context>

<pallas_src>
import functools

import jax
import jax.numpy as jnp
from jax import lax
from jax.experimental import pallas as pl
from jax.experimental.pallas import tpu as pltpu
from jax.experimental.pallas import tpu_sc as plsc

_CH = 40
_NB = 5


@functools.partial(jax.jit, static_argnames=("B", "T", "D"))
def _embed_sc(flat_ids, table, pe_t, B, T, D):
    N = B * T
    NW = 32
    per_w = N // NW
    n_blocks = per_w // T
    n_super = n_blocks // 2
    mesh = plsc.VectorSubcoreMesh(core_axis_name="c", subcore_axis_name="s")

    @functools.partial(
        pl.kernel,
        mesh=mesh,
        out_type=jax.ShapeDtypeStruct((N, D), jnp.float32),
        scratch_types=[
            [pltpu.VMEM((T,), jnp.int32) for _ in range(2)],
            [pltpu.VMEM((_CH, D), jnp.float32) for _ in range(_NB)],
            pltpu.VMEM((T * D // 2,), jnp.int32),
            [pltpu.SemaphoreType.DMA for _ in range(_NB)],
            [pltpu.SemaphoreType.DMA for _ in range(_NB)],
            [pltpu.SemaphoreType.DMA for _ in range(2)],
        ],
    )
    def k(ids_hbm, table_hbm, pe_hbm, out_hbm, idx2, rows, pe_v, gsem, osem,
          isem):
        wid = lax.axis_index("s") * 2 + lax.axis_index("c")
        base = wid * per_w
        pltpu.sync_copy(pe_hbm, pe_v)

        def fire_gather(p, bb, slot):
            pltpu.async_copy(
                table_hbm.at[idx2[p].at[pl.ds(bb * _CH, _CH)]],
                rows[slot], gsem[slot])

        def wait_gather(slot):
            pltpu.make_async_copy(
                table_hbm.at[pl.ds(0, _CH)], rows[slot], gsem[slot]).wait()

        def wait_store(slot):
            pltpu.make_async_copy(
                rows[slot], out_hbm.at[pl.ds(slot * _CH, _CH)],
                osem[slot]).wait()

        pltpu.sync_copy(ids_hbm.at[pl.ds(base, T)], idx2[0])
        pltpu.async_copy(ids_hbm.at[pl.ds(base + T, T)], idx2[1], isem[1])
        for b in range(_NB - 1):
            fire_gather(0, b, b)

        def super_body(i, carry):
            for h in range(2):
                flat_blk = base + (2 * i + h) * T
                for b in range(_NB):
                    wait_gather(b)

                    @plsc.parallel_loop(0, _CH, unroll=2)
                    def row_body(j, b=b):
                        for s in range(D // 32):
                            w = pe_v[
                                pl.ds((b * _CH + j) * (D // 2) + s * 16, 16)]
                            lo = lax.bitcast_convert_type(
                                w << 16, jnp.float32)
                            hi = lax.bitcast_convert_type(
                                w & jnp.int32(-65536), jnp.float32)
                            plsc.addupdate(
                                rows[b].at[j, pl.ds(s * 32, 16)], lo)
                            plsc.addupdate(
                                rows[b].at[j, pl.ds(s * 32 + 16, 16)], hi)
                    pltpu.async_copy(
                        rows[b], out_hbm.at[pl.ds(flat_blk + b * _CH, _CH)],
                        osem[b])

                    if b == _NB - 1:

                        @pl.when(2 * i + h + 2 < n_blocks)
                        def _prefetch_idx():
                            pltpu.async_copy(
                                ids_hbm.at[pl.ds(flat_blk + 2 * T, T)],
                                idx2[h], isem[h])

                    slot = (b + 4) % _NB

                    def _prefire(b=b, h=h, slot=slot, i=i):
                        if b == 0 and h == 0:
                            @pl.when(i > 0)
                            def _w():
                                wait_store(slot)
                        else:
                            wait_store(slot)

                        if b == 0:
                            fire_gather(h, _NB - 1, slot)
                        else:
                            if b == 1:
                                pltpu.make_async_copy(
                                    ids_hbm.at[pl.ds(0, T)],
                                    idx2[1 - h], isem[1 - h]).wait()
                            fire_gather(1 - h, b - 1, slot)

                    if h == 0 or b == 0:
                        _prefire()
                    else:

                        @pl.when(i < n_super - 1)
                        def _g():
                            _prefire()
            return carry

        lax.fori_loop(0, n_super, super_body, 0)

        for b in range(_NB):
            wait_store(b)

    return k(flat_ids, table, pe_t)


def kernel(input_ids, table, pe):
    B, T = input_ids.shape
    D = table.shape[1]
    pe_t = pe[0, :T, :]
    pe_bf = (
        pe_t.reshape(T, D // 32, 2, 16)
        .transpose(0, 1, 3, 2)
        .astype(jnp.bfloat16)
    )
    pe_words = jax.lax.bitcast_convert_type(
        pe_bf, jnp.int32).reshape(T * D // 2)
    flat = input_ids.reshape(B * T)
    out = _embed_sc(flat, table, pe_words, B, T, D)
    return out.reshape(B, T, D)

# --- scband reference (transcript-rebuilt; emitter-appended) ---
"""Pipeline reference for scband-embedding-28741921145353 (READ-ONLY COPY).

The authoritative reference and input builder live on the scoring server;
editing this copy changes nothing except your own understanding.
"""

import jax, jax.numpy as jnp
import numpy as np
import math

VOCAB = 16000
EMB = 256
MAX_LEN = 5000
B, T = 4096, 200

def _make_pe():
    pe = np.zeros((MAX_LEN, EMB), dtype=np.float32)
    position = np.arange(0, MAX_LEN, dtype=np.float32)[:, None]
    div_term = np.exp(np.arange(0, EMB, 2, dtype=np.float32) * (-math.log(10000.0) / EMB))
    pe[:, 0::2] = np.sin(position * div_term)
    pe[:, 1::2] = np.cos(position * div_term)
    return jnp.asarray(pe[None, :, :])

def setup_inputs(seed: int = 0) -> dict:
    key = jax.random.key(seed)
    k1, k2 = jax.random.split(key)
    input_ids = jax.random.randint(k1, (B, T), 0, VOCAB, dtype=jnp.int32)
    table = jax.random.normal(k2, (VOCAB, EMB), dtype=jnp.float32)
    pe = _make_pe()
    return {"input_ids": input_ids, "table": table, "pe": pe}

def reference(input_ids, table, pe):
    Tcur = input_ids.shape[1]
    token_embeds = jnp.take(table, input_ids, axis=0)
    pos_embeds = pe[:, :Tcur, :]
    return token_embeds + pos_embeds

if __name__ == "__main__":
    import jax
    _d = setup_inputs()
    print(jax.jit(kernel)(*tuple(_d.values())))

</pallas_src>

<mosaic_0001>
#map = affine_map<(d0, d1) -> (0)>
#map1 = affine_map<(d0, d1) -> (0, 0)>
module attributes {stable_mosaic.version = 14 : i64} {
  func.func @k(%arg0: i32, %arg1: i32, %arg2: memref<819200xi32, #tpu.memory_space<hbm>>, %arg3: memref<16000x256xf32, #tpu.memory_space<hbm>>, %arg4: memref<25600xi32, #tpu.memory_space<hbm>>, %arg5: memref<819200x256xf32, #tpu.memory_space<hbm>>, %arg6: memref<200xi32, #tpu.memory_space<vmem>>, %arg7: memref<200xi32, #tpu.memory_space<vmem>>, %arg8: memref<40x256xf32, #tpu.memory_space<vmem>>, %arg9: memref<40x256xf32, #tpu.memory_space<vmem>>, %arg10: memref<40x256xf32, #tpu.memory_space<vmem>>, %arg11: memref<40x256xf32, #tpu.memory_space<vmem>>, %arg12: memref<40x256xf32, #tpu.memory_space<vmem>>, %arg13: memref<25600xi32, #tpu.memory_space<vmem>>, %arg14: memref<!tpu.dma_semaphore, #tpu.memory_space<semaphore_mem>>, %arg15: memref<!tpu.dma_semaphore, #tpu.memory_space<semaphore_mem>>, %arg16: memref<!tpu.dma_semaphore, #tpu.memory_space<semaphore_mem>>, %arg17: memref<!tpu.dma_semaphore, #tpu.memory_space<semaphore_mem>>, %arg18: memref<!tpu.dma_semaphore, #tpu.memory_space<semaphore_mem>>, %arg19: memref<!tpu.dma_semaphore, #tpu.memory_space<semaphore_mem>>, %arg20: memref<!tpu.dma_semaphore, #tpu.memory_space<semaphore_mem>>, %arg21: memref<!tpu.dma_semaphore, #tpu.memory_space<semaphore_mem>>, %arg22: memref<!tpu.dma_semaphore, #tpu.memory_space<semaphore_mem>>, %arg23: memref<!tpu.dma_semaphore, #tpu.memory_space<semaphore_mem>>, %arg24: memref<!tpu.dma_semaphore, #tpu.memory_space<semaphore_mem>>, %arg25: memref<!tpu.dma_semaphore, #tpu.memory_space<semaphore_mem>>) attributes {dimension_semantics = [#tpu.dimension_semantics<core_parallel>, #tpu.dimension_semantics<subcore_parallel>], iteration_bounds = array<i64: 2, 16>, scalar_prefetch = 0 : i64, scratch_operands = 20 : i64, tpu.core_type = #tpu.core_type<sc_vector_subcore>, window_params = [{transform_indices = #map}, {transform_indices = #map1}, {transform_indices = #map}, {transform_indices = #map1}]} {
    %mul3A = arith.constant 2 : i32
    %mul3A_0 = arith.muli %arg1, %mul3A : i32
    %add3A = arith.addi %mul3A_0, %arg0 : i32
    %mul3A_1 = arith.constant 25600 : i32
    %mul3A_2 = arith.muli %add3A, %mul3A_1 : i32
    "tpu.region"() ({
      %run_scoped3A = tpu.sem_alloc : memref<!tpu.dma_semaphore, #tpu.memory_space<semaphore_mem>>
      tpu.enqueue_dma source(%arg4 : memref<25600xi32, #tpu.memory_space<hbm>>) target(%arg13 : memref<25600xi32, #tpu.memory_space<vmem>>) target_semaphore(%run_scoped3A : memref<!tpu.dma_semaphore, #tpu.memory_space<semaphore_mem>>)
      tpu.wait_dma2 semaphore(%run_scoped3A : memref<!tpu.dma_semaphore, #tpu.memory_space<semaphore_mem>>) src(%arg4 : memref<25600xi32, #tpu.memory_space<hbm>>) dst(%arg13 : memref<25600xi32, #tpu.memory_space<vmem>>)
      tpu.yield
    }) : () -> ()
    "tpu.region"() ({
      %run_scoped3A = tpu.sem_alloc : memref<!tpu.dma_semaphore, #tpu.memory_space<semaphore_mem>>
      %dma_start3A_60 = tpu.memref_slice %arg2[%mul3A_2] : memref<819200xi32, #tpu.memory_space<hbm>> -> memref<200xi32, #tpu.memory_space<hbm>>
      %dma_start3A_61 = tpu.memref_slice %arg2[%mul3A_2] : memref<819200xi32, #tpu.memory_space<hbm>> -> memref<200xi32, #tpu.memory_space<hbm>>
      tpu.enqueue_dma source(%dma_start3A_61 : memref<200xi32, #tpu.memory_space<hbm>>) target(%arg6 : memref<200xi32, #tpu.memory_space<vmem>>) target_semaphore(%run_scoped3A : memref<!tpu.dma_semaphore, #tpu.memory_space<semaphore_mem>>)
      %dma_wait3A_62 = tpu.memref_slice %arg2[%mul3A_2] : memref<819200xi32, #tpu.memory_space<hbm>> -> memref<200xi32, #tpu.memory_space<hbm>>
      %dma_wait3A_63 = tpu.memref_slice %arg2[%mul3A_2] : memref<819200xi32, #tpu.memory_space<hbm>> -> memref<200xi32, #tpu.memory_space<hbm>>
      tpu.wait_dma2 semaphore(%run_scoped3A : memref<!tpu.dma_semaphore, #tpu.memory_space<semaphore_mem>>) src(%dma_wait3A_63 : memref<200xi32, #tpu.memory_space<hbm>>) dst(%arg6 : memref<200xi32, #tpu.memory_space<vmem>>)
      tpu.yield
    }) : () -> ()
    %add3A_3 = arith.constant 200 : i32
    %add3A_4 = arith.addi %mul3A_2, %add3A_3 : i32
    %dma_start3A = tpu.memref_slice %arg2[%add3A_4] : memref<819200xi32, #tpu.memory_space<hbm>> -> memref<200xi32, #tpu.memory_space<hbm>>
    %dma_start3A_5 = tpu.memref_slice %arg2[%add3A_4] : memref<819200xi32, #tpu.memory_space<hbm>> -> memref<200xi32, #tpu.memory_space<hbm>>
    tpu.enqueue_dma source(%dma_start3A_5 : memref<200xi32, #tpu.memory_space<hbm>>) target(%arg7 : memref<200xi32, #tpu.memory_space<vmem>>) target_semaphore(%arg25 : memref<!tpu.dma_semaphore, #tpu.memory_space<semaphore_mem>>)
    %dma_start3A_6 = arith.constant 0 : i32
    %dma_start3A_7 = tpu.memref_slice %arg6[%dma_start3A_6] : memref<200xi32, #tpu.memory_space<vmem>> -> memref<40xi32, #tpu.memory_space<vmem>>
    %dma_start3A_8 = arith.constant 0 : i32
    %dma_start3A_9 = arith.constant 0 : i32
    %dma_start3A_10 = tpu.memref_slice %arg3[%dma_start3A_8, %dma_start3A_9] : memref<16000x256xf32, #tpu.memory_space<hbm>> -> memref<16000x256xf32, #tpu.memory_space<hbm>>
    tpu.enqueue_indirect_dma source(%dma_start3A_10 : memref<16000x256xf32, #tpu.memory_space<hbm>>) target(%arg8 : memref<40x256xf32, #tpu.memory_space<vmem>>) offsets(%dma_start3A_7 : memref<40xi32, #tpu.memory_space<vmem>>) semaphore(%arg14 : memref<!tpu.dma_semaphore, #tpu.memory_space<semaphore_mem>>)
    %dma_start3A_11 = arith.constant 40 : i32
    %dma_start3A_12 = tpu.memref_slice %arg6[%dma_start3A_11] : memref<200xi32, #tpu.memory_space<vmem>> -> memref<40xi32, #tpu.memory_space<vmem>>
    %dma_start3A_13 = arith.constant 0 : i32
    %dma_start3A_14 = arith.constant 0 : i32
    %dma_start3A_15 = tpu.memref_slice %arg3[%dma_start3A_13, %dma_start3A_14] : memref<16000x256xf32, #tpu.memory_space<hbm>> -> memref<16000x256xf32, #tpu.memory_space<hbm>>
    tpu.enqueue_indirect_dma source(%dma_start3A_15 : memref<16000x256xf32, #tpu.memory_space<hbm>>) target(%arg9 : memref<40x256xf32, #tpu.memory_space<vmem>>) offsets(%dma_start3A_12 : memref<40xi32, #tpu.memory_space<vmem>>) semaphore(%arg15 : memref<!tpu.dma_semaphore, #tpu.memory_space<semaphore_mem>>)
    %dma_start3A_16 = arith.constant 80 : i32
    %dma_start3A_17 = tpu.memref_slice %arg6[%dma_start3A_16] : memref<200xi32, #tpu.memory_space<vmem>> -> memref<40xi32, #tpu.memory_space<vmem>>
    %dma_start3A_18 = arith.constant 0 : i32
    %dma_start3A_19 = arith.constant 0 : i32
    %dma_start3A_20 = tpu.memref_slice %arg3[%dma_start3A_18, %dma_start3A_19] : memref<16000x256xf32, #tpu.memory_space<hbm>> -> memref<16000x256xf32, #tpu.memory_space<hbm>>
    tpu.enqueue_indirect_dma source(%dma_start3A_20 : memref<16000x256xf32, #tpu.memory_space<hbm>>) target(%arg10 : memref<40x256xf32, #tpu.memory_space<vmem>>) offsets(%dma_start3A_17 : memref<40xi32, #tpu.memory_space<vmem>>) semaphore(%arg16 : memref<!tpu.dma_semaphore, #tpu.memory_space<semaphore_mem>>)
    %dma_start3A_21 = arith.constant 120 : i32
    %dma_start3A_22 = tpu.memref_slice %arg6[%dma_start3A_21] : memref<200xi32, #tpu.memory_space<vmem>> -> memref<40xi32, #tpu.memory_space<vmem>>
    %dma_start3A_23 = arith.constant 0 : i32
    %dma_start3A_24 = arith.constant 0 : i32
    %dma_start3A_25 = tpu.memref_slice %arg3[%dma_start3A_23, %dma_start3A_24] : memref<16000x256xf32, #tpu.memory_space<hbm>> -> memref<16000x256xf32, #tpu.memory_space<hbm>>
    tpu.enqueue_indirect_dma source(%dma_start3A_25 : memref<16000x256xf32, #tpu.memory_space<hbm>>) target(%arg11 : memref<40x256xf32, #tpu.memory_space<vmem>>) offsets(%dma_start3A_22 : memref<40xi32, #tpu.memory_space<vmem>>) semaphore(%arg17 : memref<!tpu.dma_semaphore, #tpu.memory_space<semaphore_mem>>)
    %scan3A = arith.constant 0 : i32
    %scan3A_26 = arith.constant 0 : i32
    %scan3A_27 = arith.constant 64 : i32
    %scan3A_28 = arith.addi %scan3A_26, %scan3A_27 : i32
    %scan3A_29 = arith.constant 1 : i32
    scf.for %scan3A_60 = %scan3A_26 to %scan3A_28 step %scan3A_29  : i32 {
      %mul3A_61 = arith.constant 2 : i32
      %mul3A_62 = arith.muli %mul3A_61, %scan3A_60 : i32
      %add3A_63 = arith.constant 0 : i32
      %add3A_64 = arith.addi %mul3A_62, %add3A_63 : i32
      %mul3A_65 = arith.constant 200 : i32
      %mul3A_66 = arith.muli %add3A_64, %mul3A_65 : i32
      %add3A_67 = arith.addi %mul3A_2, %mul3A_66 : i32
      %dma_wait3A_68 = arith.constant 0 : i32
      %dma_wait3A_69 = arith.constant 0 : i32
      %dma_wait3A_70 = tpu.memref_slice %arg3[%dma_wait3A_68, %dma_wait3A_69] : memref<16000x256xf32, #tpu.memory_space<hbm>> -> memref<40x256xf32, #tpu.memory_space<hbm>>
      %dma_wait3A_71 = arith.constant 0 : i32
      %dma_wait3A_72 = arith.constant 0 : i32
      %dma_wait3A_73 = tpu.memref_slice %arg3[%dma_wait3A_71, %dma_wait3A_72] : memref<16000x256xf32, #tpu.memory_space<hbm>> -> memref<40x256xf32, #tpu.memory_space<hbm>>
      tpu.wait_dma2 semaphore(%arg14 : memref<!tpu.dma_semaphore, #tpu.memory_space<semaphore_mem>>) src(%dma_wait3A_73 : memref<40x256xf32, #tpu.memory_space<hbm>>) dst(%arg8 : memref<40x256xf32, #tpu.memory_space<vmem>>)
      %parallel_loop3A = arith.constant 0 : i32
      %parallel_loop3A_74 = arith.constant 40 : i32
      %parallel_loop3A_75 = arith.constant 1 : i32
      scf.for %parallel_loop3A_331 = %parallel_loop3A to %parallel_loop3A_74 step %parallel_loop3A_75  : i32 {
        %parallel_loop3A_332 = arith.constant 0 : i32
        %parallel_loop3A_333 = arith.addi %parallel_loop3A_332, %parallel_loop3A_331 : i32
        %parallel_loop3A_334 = arith.constant 128 : i32
        %parallel_loop3A_335 = arith.muli %parallel_loop3A_333, %parallel_loop3A_334 : i32
        %parallel_loop3A_336 = arith.constant 0 : i32
        %parallel_loop3A_337 = arith.addi %parallel_loop3A_335, %parallel_loop3A_336 : i32
        %parallel_loop3A_338 = arith.index_cast %parallel_loop3A_337 : i32 to index
        %parallel_loop3A_339 = tpu.vector_load %arg13[%parallel_loop3A_338] {strides = array<i32>} : memref<25600xi32, #tpu.memory_space<vmem>>, vector<16xi32>,
        %parallel_loop3A_340 = vector.shape_cast %parallel_loop3A_339 : vector<16xi32> to vector<16xi32>
        %parallel_loop3A_341 = arith.constant 16 : i32
        %parallel_loop3A_342 = vector.broadcast %parallel_loop3A_341 : i32 to vector<16xi32>
        %parallel_loop3A_343 = arith.shli %parallel_loop3A_340, %parallel_loop3A_342 : vector<16xi32>
        %parallel_loop3A_344 = tpu.bitcast %parallel_loop3A_343 : vector<16xi32> -> vector<16xf32>
        %parallel_loop3A_345 = arith.constant -65536 : i32
        %parallel_loop3A_346 = vector.broadcast %parallel_loop3A_345 : i32 to vector<16xi32>
        %parallel_loop3A_347 = arith.andi %parallel_loop3A_340, %parallel_loop3A_346 : vector<16xi32>
        %parallel_loop3A_348 = tpu.bitcast %parallel_loop3A_347 : vector<16xi32> -> vector<16xf32>
        %parallel_loop3A_349 = arith.index_cast %parallel_loop3A_331 : i32 to index
        %parallel_loop3A_350 = arith.constant 0 : index
        %parallel_loop3A_351 = tpu.vector_load %arg8[%parallel_loop3A_349, %parallel_loop3A_350] {strides = array<i32>} : memref<40x256xf32, #tpu.memory_space<vmem>>, vector<1x16xf32>,
        %parallel_loop3A_352 = vector.shape_cast %parallel_loop3A_351 : vector<1x16xf32> to vector<16xf32>
        %parallel_loop3A_353 = vector.shape_cast %parallel_loop3A_344 : vector<16xf32> to vector<1x16xf32>
        tpu.vector_store %arg8[%parallel_loop3A_349, %parallel_loop3A_350], %parallel_loop3A_353 {add = true, strides = array<i32>} : memref<40x256xf32, #tpu.memory_space<vmem>>, vector<1x16xf32>,
        %parallel_loop3A_354 = arith.index_cast %parallel_loop3A_331 : i32 to index
        %parallel_loop3A_355 = arith.constant 16 : index
        %parallel_loop3A_356 = tpu.vector_load %arg8[%parallel_loop3A_354, %parallel_loop3A_355] {strides = array<i32>} : memref<40x256xf32, #tpu.memory_space<vmem>>, vector<1x16xf32>,
        %parallel_loop3A_357 = vector.shape_cast %parallel_loop3A_356 : vector<1x16xf32> to vector<16xf32>
        %parallel_loop3A_358 = vector.shape_cast %parallel_loop3A_348 : vector<16xf32> to vector<1x16xf32>
        tpu.vector_store %arg8[%parallel_loop3A_354, %parallel_loop3A_355], %parallel_loop3A_358 {add = true, strides = array<i32>} : memref<40x256xf32, #tpu.memory_space<vmem>>, vector<1x16xf32>,
        %parallel_loop3A_359 = arith.constant 0 : i32
        %parallel_loop3A_360 = arith.addi %parallel_loop3A_359, %parallel_loop3A_331 : i32
        %parallel_loop3A_361 = arith.constant 128 : i32
        %parallel_loop3A_362 = arith.muli %parallel_loop3A_360, %parallel_loop3A_361 : i32
        %parallel_loop3A_363 = arith.constant 16 : i32
        %parallel_loop3A_364 = arith.addi %parallel_loop3A_362, %parallel_loop3A_363 : i32
        %parallel_loop3A_365 = arith.index_cast %parallel_loop3A_364 : i32 to index
        %parallel_loop3A_366 = tpu.vector_load %arg13[%parallel_loop3A_365] {strides = array<i32>} : memref<25600xi32, #tpu.memory_space<vmem>>, vector<16xi32>,
        %parallel_loop3A_367 = vector.shape_cast %parallel_loop3A_366 : vector<16xi32> to vector<16xi32>
        %parallel_loop3A_368 = arith.constant 16 : i32
        %parallel_loop3A_369 = vector.broadcast %parallel_loop3A_368 : i32 to vector<16xi32>
        %parallel_loop3A_370 = arith.shli %parallel_loop3A_367, %parallel_loop3A_369 : vector<16xi32>
        %parallel_loop3A_371 = tpu.bitcast %parallel_loop3A_370 : vector<16xi32> -> vector<16xf32>
        %parallel_loop3A_372 = arith.constant -65536 : i32
        %parallel_loop3A_373 = vector.broadcast %parallel_loop3A_372 : i32 to vector<16xi32>
        %parallel_loop3A_374 = arith.andi %parallel_loop3A_367, %parallel_loop3A_373 : vector<16xi32>
        %parallel_loop3A_375 = tpu.bitcast %parallel_loop3A_374 : vector<16xi32> -> vector<16xf32>
        %parallel_loop3A_376 = arith.index_cast %parallel_loop3A_331 : i32 to index
        %parallel_loop3A_377 = arith.constant 32 : index
        %parallel_loop3A_378 = tpu.vector_load %arg8[%parallel_loop3A_376, %parallel_loop3A_377] {strides = array<i32>} : memref<40x256xf32, #tpu.memory_space<vmem>>, vector<1x16xf32>,
        %parallel_loop3A_379 = vector.shape_cast %parallel_loop3A_378 : vector<1x16xf32> to vector<16xf32>
        %parallel_loop3A_380 = vector.shape_cast %parallel_loop3A_371 : vector<16xf32> to vector<1x16xf32>
        tpu.vector_store %arg8[%parallel_loop3A_376, %parallel_loop3A_377], %parallel_loop3A_380 {add = true, strides = array<i32>} : memref<40x256xf32, #tpu.memory_space<vmem>>, vector<1x16xf32>,
        %parallel_loop3A_381 = arith.index_cast %parallel_loop3A_331 : i32 to index
        %parallel_loop3A_382 = arith.constant 48 : index
        %parallel_loop3A_383 = tpu.vector_load %arg8[%parallel_loop3A_381, %parallel_loop3A_382] {strides = array<i32>} : memref<40x256xf32, #tpu.memory_space<vmem>>, vector<1x16xf32>,
        %parallel_loop3A_384 = vector.shape_cast %parallel_loop3A_383 : vector<1x16xf32> to vector<16xf32>
        %parallel_loop3A_385 = vector.shape_cast %parallel_loop3A_375 : vector<16xf32> to vector<1x16xf32>
        tpu.vector_store %arg8[%parallel_loop3A_381, %parallel_loop3A_382], %parallel_loop3A_385 {add = true, strides = array<i32>} : memref<40x256xf32, #tpu.memory_space<vmem>>, vector<1x16xf32>,
        %parallel_loop3A_386 = arith.constant 0 : i32
        %parallel_loop3A_387 = arith.addi %parallel_loop3A_386, %parallel_loop3A_331 : i32
        %parallel_loop3A_388 = arith.constant 128 : i32
        %parallel_loop3A_389 = arith.muli %parallel_loop3A_387, %parallel_loop3A_388 : i32
        %parallel_loop3A_390 = arith.constant 32 : i32
        %parallel_loop3A_391 = arith.addi %parallel_loop3A_389, %parallel_loop3A_390 : i32
        %parallel_loop3A_392 = arith.index_cast %parallel_loop3A_391 : i32 to index
        %parallel_loop3A_393 = tpu.vector_load %arg13[%parallel_loop3A_392] {strides = array<i32>} : memref<25600xi32, #tpu.memory_space<vmem>>, vector<16xi32>,
        %parallel_loop3A_394 = vector.shape_cast %parallel_loop3A_393 : vector<16xi32> to vector<16xi32>
        %parallel_loop3A_395 = arith.constant 16 : i32
        %parallel_loop3A_396 = vector.broadcast %parallel_loop3A_395 : i32 to vector<16xi32>
        %parallel_loop3A_397 = arith.shli %parallel_loop3A_394, %parallel_loop3A_396 : vector<16xi32>
        %parallel_loop3A_398 = tpu.bitcast %parallel_loop3A_397 : vector<16xi32> -> vector<16xf32>
        %parallel_loop3A_399 = arith.constant -65536 : i32
        %parallel_loop3A_400 = vector.broadcast %parallel_loop3A_399 : i32 to vector<16xi32>
        %parallel_loop3A_401 = arith.andi %parallel_loop3A_394, %parallel_loop3A_400 : vector<16xi32>
        %parallel_loop3A_402 = tpu.bitcast %parallel_loop3A_401 : vector<16xi32> -> vector<16xf32>
        %parallel_loop3A_403 = arith.index_cast %parallel_loop3A_331 : i32 to index
        %parallel_loop3A_404 = arith.constant 64 : index
        %parallel_loop3A_405 = tpu.vector_load %arg8[%parallel_loop3A_403, %parallel_loop3A_404] {strides = array<i32>} : memref<40x256xf32, #tpu.memory_space<vmem>>, vector<1x16xf32>,
        %parallel_loop3A_406 = vector.shape_cast %parallel_loop3A_405 : vector<1x16xf32> to vector<16xf32>
        %parallel_loop3A_407 = vector.shape_cast %parallel_loop3A_398 : vector<16xf32> to vector<1x16xf32>
        tpu.vector_store %arg8[%parallel_loop3A_403, %parallel_loop3A_404], %parallel_loop3A_407 {add = true, strides = array<i32>} : memref<40x256xf32, #tpu.memory_space<vmem>>, vector<1x16xf32>,
        %parallel_loop3A_408 = arith.index_cast %parallel_loop3A_331 : i32 to index
        %parallel_loop3A_409 = arith.constant 80 : index
        %parallel_loop3A_410 = tpu.vector_load %arg8[%parallel_loop3A_408, %parallel_loop3A_409] {strides = array<i32>} : memref<40x256xf32, #tpu.memory_space<vmem>>, vector<1x16xf32>,
        %parallel_loop3A_411 = vector.shape_cast %parallel_loop3A_410 : vector<1x16xf32> to vector<16xf32>
        %parallel_loop3A_412 = vector.shape_cast %parallel_loop3A_402 : vector<16xf32> to vector<1x16xf32>
        tpu.vector_store %arg8[%parallel_loop3A_408, %parallel_loop3A_409], %parallel_loop3A_412 {add = true, strides = array<i32>} : memref<40x256xf32, #tpu.memory_space<vmem>>, vector<1x16xf32>,
        %parallel_loop3A_413 = arith.constant 0 : i32
        %parallel_loop3A_414 = arith.addi %parallel_loop3A_413, %parallel_loop3A_331 : i32
        %parallel_loop3A_415 = arith.constant 128 : i32
        %parallel_loop3A_416 = arith.muli %parallel_loop3A_414, %parallel_loop3A_415 : i32
        %parallel_loop3A_417 = arith.constant 48 : i32
        %parallel_loop3A_418 = arith.addi %parallel_loop3A_416, %parallel_loop3A_417 : i32
        %parallel_loop3A_419 = arith.index_cast %parallel_loop3A_418 : i32 to index
        %parallel_loop3A_420 = tpu.vector_load %arg13[%parallel_loop3A_419] {strides = array<i32>} : memref<25600xi32, #tpu.memory_space<vmem>>, vector<16xi32>,
        %parallel_loop3A_421 = vector.shape_cast %parallel_loop3A_420 : vector<16xi32> to vector<16xi32>
        %parallel_loop3A_422 = arith.constant 16 : i32
        %parallel_loop3A_423 = vector.broadcast %parallel_loop3A_422 : i32 to vector<16xi32>
        %parallel_loop3A_424 = arith.shli %parallel_loop3A_421, %parallel_loop3A_423 : vector<16xi32>
        %parallel_loop3A_425 = tpu.bitcast %parallel_loop3A_424 : vector<16xi32> -> vector<16xf32>
        %parallel_loop3A_426 = arith.constant -65536 : i32
        %parallel_loop3A_427 = vector.broadcast %parallel_loop3A_426 : i32 to vector<16xi32>
        %parallel_loop3A_428 = arith.andi %parallel_loop3A_421, %parallel_loop3A_427 : vector<16xi32>
        %parallel_loop3A_429 = tpu.bitcast %parallel_loop3A_428 : vector<16xi32> -> vector<16xf32>
        %parallel_loop3A_430 = arith.index_cast %parallel_loop3A_331 : i32 to index
        %parallel_loop3A_431 = arith.constant 96 : index
        %parallel_loop3A_432 = tpu.vector_load %arg8[%parallel_loop3A_430, %parallel_loop3A_431] {strides = array<i32>} : memref<40x256xf32, #tpu.memory_space<vmem>>, vector<1x16xf32>,
        %parallel_loop3A_433 = vector.shape_cast %parallel_loop3A_432 : vector<1x16xf32> to vector<16xf32>
        %parallel_loop3A_434 = vector.shape_cast %parallel_loop3A_425 : vector<16xf32> to vector<1x16xf32>
        tpu.vector_store %arg8[%parallel_loop3A_430, %parallel_loop3A_431], %parallel_loop3A_434 {add = true, strides = array<i32>} : memref<40x256xf32, #tpu.memory_space<vmem>>, vector<1x16xf32>,
        %parallel_loop3A_435 = arith.index_cast %parallel_loop3A_331 : i32 to index
        %parallel_loop3A_436 = arith.constant 112 : index
        %parallel_loop3A_437 = tpu.vector_load %arg8[%parallel_loop3A_435, %parallel_loop3A_436] {strides = array<i32>} : memref<40x256xf32, #tpu.memory_space<vmem>>, vector<1x16xf32>,
        %parallel_loop3A_438 = vector.shape_cast %parallel_loop3A_437 : vector<1x16xf32> to vector<16xf32>
        %parallel_loop3A_439 = vector.shape_cast %parallel_loop3A_429 : vector<16xf32> to vector<1x16xf32>
        tpu.vector_store %arg8[%parallel_loop3A_435, %parallel_loop3A_436], %parallel_loop3A_439 {add = true, strides = array<i32>} : memref<40x256xf32, #tpu.memory_space<vmem>>, vector<1x16xf32>,
        %parallel_loop3A_440 = arith.constant 0 : i32
        %parallel_loop3A_441 = arith.addi %parallel_loop3A_440, %parallel_loop3A_331 : i32
        %parallel_loop3A_442 = arith.constant 128 : i32
        %parallel_loop3A_443 = arith.muli %parallel_loop3A_441, %parallel_loop3A_442 : i32
        %parallel_loop3A_444 = arith.constant 64 : i32
        %parallel_loop3A_445 = arith.addi %parallel_loop3A_443, %parallel_loop3A_444 : i32
        %parallel_loop3A_446 = arith.index_cast %parallel_loop3A_445 : i32 to index
        %parallel_loop3A_447 = tpu.vector_load %arg13[%parallel_loop3A_446] {strides = array<i32>} : memref<25600xi32, #tpu.memory_space<vmem>>, vector<16xi32>,
        %parallel_loop3A_448 = vector.shape_cast %parallel_loop3A_447 : vector<16xi32> to vector<16xi32>
        %parallel_loop3A_449 = arith.constant 16 : i32
        %parallel_loop3A_450 = vector.broadcast %parallel_loop3A_449 : i32 to vector<16xi32>
        %parallel_loop3A_451 = arith.shli %parallel_loop3A_448, %parallel_loop3A_450 : vector<16xi32>
        %parallel_loop3A_452 = tpu.bitcast %parallel_loop3A_451 : vector<16xi32> -> vector<16xf32>
        %parallel_loop3A_453 = arith.constant -65536 : i32
        %parallel_loop3A_454 = vector.broadcast %parallel_loop3A_453 : i32 to vector<16xi32>
        %parallel_loop3A_455 = arith.andi %parallel_loop3A_448, %parallel_loop3A_454 : vector<16xi32>
        %parallel_loop3A_456 = tpu.bitcast %parallel_loop3A_455 : vector<16xi32> -> vector<16xf32>
        %parallel_loop3A_457 = arith.index_cast %parallel_loop3A_331 : i32 to index
        %parallel_loop3A_458 = arith.constant 128 : index
        %parallel_loop3A_459 = tpu.vector_load %arg8[%parallel_loop3A_457, %parallel_loop3A_458] {strides = array<i32>} : memref<40x256xf32, #tpu.memory_space<vmem>>, vector<1x16xf32>,
        %parallel_loop3A_460 = vector.shape_cast %parallel_loop3A_459 : vector<1x16xf32> to vector<16xf32>
        %parallel_loop3A_461 = vector.shape_cast %parallel_loop3A_452 : vector<16xf32> to vector<1x16xf32>
        tpu.vector_store %arg8[%parallel_loop3A_457, %parallel_loop3A_458], %parallel_loop3A_461 {add = true, strides = array<i32>} : memref<40x256xf32, #tpu.memory_space<vmem>>, vector<1x16xf32>,
        %parallel_loop3A_462 = arith.index_cast %parallel_loop3A_331 : i32 to index
        %parallel_loop3A_463 = arith.constant 144 : index
        %parallel_loop3A_464 = tpu.vector_load %arg8[%parallel_loop3A_462, %parallel_loop3A_463] {strides = array<i32>} : memref<40x256xf32, #tpu.memory_space<vmem>>, vector<1x16xf32>,
        %parallel_loop3A_465 = vector.shape_cast %parallel_loop3A_464 : vector<1x16xf32> to vector<16xf32>
        %parallel_loop3A_466 = vector.shape_cast %parallel_loop3A_456 : vector<16xf32> to vector<1x16xf32>
        tpu.vector_store %arg8[%parallel_loop3A_462, %parallel_loop3A_463], %parallel_loop3A_466 {add = true, strides = array<i32>} : memref<40x256xf32, #tpu.memory_space<vmem>>, vector<1x16xf32>,
        %parallel_loop3A_467 = arith.constant 0 : i32
        %parallel_loop3A_468 = arith.addi %parallel_loop3A_467, %parallel_loop3A_331 : i32
        %parallel_loop3A_469 = arith.constant 128 : i32
        %parallel_loop3A_470 = arith.muli %parallel_loop3A_468, %parallel_loop3A_469 : i32
        %parallel_loop3A_471 = arith.constant 80 : i32
        %parallel_loop3A_472 = arith.addi %parallel_loop3A_470, %parallel_loop3A_471 : i32
        %parallel_loop3A_473 = arith.index_cast %parallel_loop3A_472 : i32 to index
        %parallel_loop3A_474 = tpu.vector_load %arg13[%parallel_loop3A_473] {strides = array<i32>} : memref<25600xi32, #tpu.memory_space<vmem>>, vector<16xi32>,
        %parallel_loop3A_475 = vector.shape_cast %parallel_loop3A_474 : vector<16xi32> to vector<16xi32>
        %parallel_loop3A_476 = arith.constant 16 : i32
        %parallel_loop3A_477 = vector.broadcast %parallel_loop3A_476 : i32 to vector<16xi32>
        %parallel_loop3A_478 = arith.shli %parallel_loop3A_475, %parallel_loop3A_477 : vector<16xi32>
        %parallel_loop3A_479 = tpu.bitcast %parallel_loop3A_478 : vector<16xi32> -> vector<16xf32>
        %parallel_loop3A_480 = arith.constant -65536 : i32
        %parallel_loop3A_481 = vector.broadcast %parallel_loop3A_480 : i32 to vector<16xi32>
        %parallel_loop3A_482 = arith.andi %parallel_loop3A_475, %parallel_loop3A_481 : vector<16xi32>
        %parallel_loop3A_483 = tpu.bitcast %parallel_loop3A_482 : vector<16xi32> -> vector<16xf32>
        %parallel_loop3A_484 = arith.index_cast %parallel_loop3A_331 : i32 to index
        %parallel_loop3A_485 = arith.constant 160 : index
        %parallel_loop3A_486 = tpu.vector_load %arg8[%parallel_loop3A_484, %parallel_loop3A_485] {strides = array<i32>} : memref<40x256xf32, #tpu.memory_space<vmem>>, vector<1x16xf32>,
        %parallel_loop3A_487 = vector.shape_cast %parallel_loop3A_486 : vector<1x16xf32> to vector<16xf32>
        %parallel_loop3A_488 = vector.shape_cast %parallel_loop3A_479 : vector<16xf32> to vector<1x16xf32>
        tpu.vector_store %arg8[%parallel_loop3A_484, %parallel_loop3A_485], %parallel_loop3A_488 {add = true, strides = array<i32>} : memref<40x256xf32, #tpu.memory_space<vmem>>, vector<1x16xf32>,
        %parallel_loop3A_489 = arith.index_cast %parallel_loop3A_331 : i32 to index
        %parallel_loop3A_490 = arith.constant 176 : index
        %parallel_loop3A_491 = tpu.vector_load %arg8[%parallel_loop3A_489, %parallel_loop3A_490] {strides = array<i32>} : memref<40x256xf32, #tpu.memory_space<vmem>>, vector<1x16xf32>,
        %parallel_loop3A_492 = vector.shape_cast %parallel_loop3A_491 : vector<1x16xf32> to vector<16xf32>
        %parallel_loop3A_493 = vector.shape_cast %parallel_loop3A_483 : vector<16xf32> to vector<1x16xf32>
        tpu.vector_store %arg8[%parallel_loop3A_489, %parallel_loop3A_490], %parallel_loop3A_493 {add = true, strides = array<i32>} : memref<40x256xf32, #tpu.memory_space<vmem>>, vector<1x16xf32>,
        %parallel_loop3A_494 = arith.constant 0 : i32
        %parallel_loop3A_495 = arith.addi %parallel_loop3A_494, %parallel_loop3A_331 : i32
        %parallel_loop3A_496 = arith.constant 128 : i32
        %parallel_loop3A_497 = arith.muli %parallel_loop3A_495, %parallel_loop3A_496 : i32
        %parallel_loop3A_498 = arith.constant 96 : i32
        %parallel_loop3A_499 = arith.addi %parallel_loop3A_497, %parallel_loop3A_498 : i32
        %parallel_loop3A_500 = arith.index_cast %parallel_loop3A_499 : i32 to index
        %parallel_loop3A_501 = tpu.vector_load %arg13[%parallel_loop3A_500] {strides = array<i32>} : memref<25600xi32, #tpu.memory_space<vmem>>, vector<16xi32>,
        %parallel_loop3A_502 = vector.shape_cast %parallel_loop3A_501 : vector<16xi32> to vector<16xi32>
        %parallel_loop3A_503 = arith.constant 16 : i32
        %parallel_loop3A_504 = vector.broadcast %parallel_loop3A_503 : i32 to vector<16xi32>
        %parallel_loop3A_505 = arith.shli %parallel_loop3A_502, %parallel_loop3A_504 : vector<16xi32>
        %parallel_loop3A_506 = tpu.bitcast %parallel_loop3A_505 : vector<16xi32> -> vector<16xf32>
        %parallel_loop3A_507 = arith.constant -65536 : i32
        %parallel_loop3A_508 = vector.broadcast %parallel_loop3A_507 : i32 to vector<16xi32>
        %parallel_loop3A_509 = arith.andi %parallel_loop3A_502, %parallel_loop3A_508 : vector<16xi32>
        %parallel_loop3A_510 = tpu.bitcast %parallel_loop3A_509 : vector<16xi32> -> vector<16xf32>
        %parallel_loop3A_511 = arith.index_cast %parallel_loop3A_331 : i32 to index
        %parallel_loop3A_512 = arith.constant 192 : index
        %parallel_loop3A_513 = tpu.vector_load %arg8[%parallel_loop3A_511, %parallel_loop3A_512] {strides = array<i32>} : memref<40x256xf32, #tpu.memory_space<vmem>>, vector<1x16xf32>,
        %parallel_loop3A_514 = vector.shape_cast %parallel_loop3A_513 : vector<1x16xf32> to vector<16xf32>
        %parallel_loop3A_515 = vector.shape_cast %parallel_loop3A_506 : vector<16xf32> to vector<1x16xf32>
        tpu.vector_store %arg8[%parallel_loop3A_511, %parallel_loop3A_512], %parallel_loop3A_515 {add = true, strides = array<i32>} : memref<40x256xf32, #tpu.memory_space<vmem>>, vector<1x16xf32>,
        %parallel_loop3A_516 = arith.index_cast %parallel_loop3A_331 : i32 to index
        %parallel_loop3A_517 = arith.constant 208 : index
        %parallel_loop3A_518 = tpu.vector_load %arg8[%parallel_loop3A_516, %parallel_loop3A_517] {strides = array<i32>} : memref<40x256xf32, #tpu.memory_space<vmem>>, vector<1x16xf32>,
        %parallel_loop3A_519 = vector.shape_cast %parallel_loop3A_518 : vector<1x16xf32> to vector<16xf32>
        %parallel_loop3A_520 = vector.shape_cast %parallel_loop3A_510 : vector<16xf32> to vector<1x16xf32>
        tpu.vector_store %arg8[%parallel_loop3A_516, %parallel_loop3A_517], %parallel_loop3A_520 {add = true, strides = array<i32>} : memref<40x256xf32, #tpu.memory_space<vmem>>, vector<1x16xf32>,
        %parallel_loop3A_521 = arith.constant 0 : i32
        %parallel_loop3A_522 = arith.addi %parallel_loop3A_521, %parallel_loop3A_331 : i32
        %parallel_loop3A_523 = arith.constant 128 : i32
        %parallel_loop3A_524 = arith.muli %parallel_loop3A_522, %parallel_loop3A_523 : i32
        %parallel_loop3A_525 = arith.constant 112 : i32
        %parallel_loop3A_526 = arith.addi %parallel_loop3A_524, %parallel_loop3A_525 : i32
        %parallel_loop3A_527 = arith.index_cast %parallel_loop3A_526 : i32 to index
        %parallel_loop3A_528 = tpu.vector_load %arg13[%parallel_loop3A_527] {strides = array<i32>} : memref<25600xi32, #tpu.memory_space<vmem>>, vector<16xi32>,
        %parallel_loop3A_529 = vector.shape_cast %parallel_loop3A_528 : vector<16xi32> to vector<16xi32>
        %parallel_loop3A_530 = arith.constant 16 : i32
        %parallel_loop3A_531 = vector.broadcast %parallel_loop3A_530 : i32 to vector<16xi32>
        %parallel_loop3A_532 = arith.shli %parallel_loop3A_529, %parallel_loop3A_531 : vector<16xi32>
        %parallel_loop3A_533 = tpu.bitcast %parallel_loop3A_532 : vector<16xi32> -> vector<16xf32>
        %parallel_loop3A_534 = arith.constant -65536 : i32
        %parallel_loop3A_535 = vector.broadcast %parallel_loop3A_534 : i32 to vector<16xi32>
        %parallel_loop3A_536 = arith.andi %parallel_loop3A_529, %parallel_loop3A_535 : vector<16xi32>
        %parallel_loop3A_537 = tpu.bitcast %parallel_loop3A_536 : vector<16xi32> -> vector<16xf32>
        %parallel_loop3A_538 = arith.index_cast %parallel_loop3A_331 : i32 to index
        %parallel_loop3A_539 = arith.constant 224 : index
        %parallel_loop3A_540 = tpu.vector_load %arg8[%parallel_loop3A_538, %parallel_loop3A_539] {strides = array<i32>} : memref<40x256xf32, #tpu.memory_space<vmem>>, vector<1x16xf32>,
        %parallel_loop3A_541 = vector.shape_cast %parallel_loop3A_540 : vector<1x16xf32> to vector<16xf32>
        %parallel_loop3A_542 = vector.shape_cast %parallel_loop3A_533 : vector<16xf32> to vector<1x16xf32>
        tpu.vector_store %arg8[%parallel_loop3A_538, %parallel_loop3A_539], %parallel_loop3A_542 {add = true, strides = array<i32>} : memref<40x256xf32, #tpu.memory_space<vmem>>, vector<1x16xf32>,
        %parallel_loop3A_543 = arith.index_cast %parallel_loop3A_331 : i32 to index
        %parallel_loop3A_544 = arith.constant 240 : index
        %parallel_loop3A_545 = tpu.vector_load %arg8[%parallel_loop3A_543, %parallel_loop3A_544] {strides = array<i32>} : memref<40x256xf32, #tpu.memory_space<vmem>>, vector<1x16xf32>,
        %parallel_loop3A_546 = vector.shape_cast %parallel_loop3A_545 : vector<1x16xf32> to vector<16xf32>
        %parallel_loop3A_547 = vector.shape_cast %parallel_loop3A_537 : vector<16xf32> to vector<1x16xf32>
        tpu.vector_store %arg8[%parallel_loop3A_543, %parallel_loop3A_544], %parallel_loop3A_547 {add = true, strides = array<i32>} : memref<40x256xf32, #tpu.memory_space<vmem>>, vector<1x16xf32>,
      } {sc.loop_unroll_factor = 2 : i64, sc.parallel_access}
      %add3A_76 = arith.constant 0 : i32
      %add3A_77 = arith.addi %add3A_67, %add3A_76 : i32
      %dma_start3A_78 = arith.constant 0 : i32
      %dma_start3A_79 = tpu.memref_slice %arg5[%add3A_77, %dma_start3A_78] : memref<819200x256xf32, #tpu.memory_space<hbm>> -> memref<40x256xf32, #tpu.memory_space<hbm>>
      %dma_start3A_80 = arith.constant 0 : i32
      %dma_start3A_81 = tpu.memref_slice %arg5[%add3A_77, %dma_start3A_80] : memref<819200x256xf32, #tpu.memory_space<hbm>> -> memref<40x256xf32, #tpu.memory_space<hbm>>
      tpu.enqueue_dma source(%arg8 : memref<40x256xf32, #tpu.memory_space<vmem>>) target(%dma_start3A_81 : memref<40x256xf32, #tpu.memory_space<hbm>>) target_semaphore(%arg19 : memref<!tpu.dma_semaphore, #tpu.memory_space<semaphore_mem>>)
      %gt3A = arith.constant 0 : i32
      %gt3A_82 = arith.cmpi sgt, %scan3A_60, %gt3A : i32
      %convert_element_type3A = arith.extui %gt3A_82 : i1 to i32
      %cond3A = arith.constant 0 : i32
      %cond3A_83 = arith.cmpi ne, %convert_element_type3A, %cond3A : i32
      scf.if %cond3A_83 {
        %dma_wait3A_331 = arith.constant 160 : i32
        %dma_wait3A_332 = arith.constant 0 : i32
        %dma_wait3A_333 = tpu.memref_slice %arg5[%dma_wait3A_331, %dma_wait3A_332] : memref<819200x256xf32, #tpu.memory_space<hbm>> -> memref<40x256xf32, #tpu.memory_space<hbm>>
        %dma_wait3A_334 = arith.constant 160 : i32
        %dma_wait3A_335 = arith.constant 0 : i32
        %dma_wait3A_336 = tpu.memref_slice %arg5[%dma_wait3A_334, %dma_wait3A_335] : memref<819200x256xf32, #tpu.memory_space<hbm>> -> memref<40x256xf32, #tpu.memory_space<hbm>>
        tpu.wait_dma2 semaphore(%arg23 : memref<!tpu.dma_semaphore, #tpu.memory_space<semaphore_mem>>) src(%arg12 : memref<40x256xf32, #tpu.memory_space<vmem>>) dst(%dma_wait3A_336 : memref<40x256xf32, #tpu.memory_space<hbm>>)
      } else {
      }
      %dma_start3A_84 = arith.constant 160 : i32
      %dma_start3A_85 = tpu.memref_slice %arg6[%dma_start3A_84] : memref<200xi32, #tpu.memory_space<vmem>> -> memref<40xi32, #tpu.memory_space<vmem>>
      %dma_start3A_86 = arith.constant 0 : i32
      %dma_start3A_87 = arith.constant 0 : i32
      %dma_start3A_88 = tpu.memref_slice %arg3[%dma_start3A_86, %dma_start3A_87] : memref<16000x256xf32, #tpu.memory_space<hbm>> -> memref<16000x256xf32, #tpu.memory_space<hbm>>
      tpu.enqueue_indirect_dma source(%dma_start3A_88 : memref<16000x256xf32, #tpu.memory_space<hbm>>) target(%arg12 : memref<40x256xf32, #tpu.memory_space<vmem>>) offsets(%dma_start3A_85 : memref<40xi32, #tpu.memory_space<vmem>>) semaphore(%arg18 : memref<!tpu.dma_semaphore, #tpu.memory_space<semaphore_mem>>)
      %dma_wait3A_89 = arith.constant 0 : i32
      %dma_wait3A_90 = arith.constant 0 : i32
      %dma_wait3A_91 = tpu.memref_slice %arg3[%dma_wait3A_89, %dma_wait3A_90] : memref<16000x256xf32, #tpu.memory_space<hbm>> -> memref<40x256xf32, #tpu.memory_space<hbm>>
      %dma_wait3A_92 = arith.constant 0 : i32
      %dma_wait3A_93 = arith.constant 0 : i32
      %dma_wait3A_94 = tpu.memref_slice %arg3[%dma_wait3A_92, %dma_wait3A_93] : memref<16000x256xf32, #tpu.memory_space<hbm>> -> memref<40x256xf32, #tpu.memory_space<hbm>>
      tpu.wait_dma2 semaphore(%arg15 : memref<!tpu.dma_semaphore, #tpu.memory_space<semaphore_mem>>) src(%dma_wait3A_94 : memref<40x256xf32, #tpu.memory_space<hbm>>) dst(%arg9 : memref<40x256xf32, #tpu.memory_space<vmem>>)
      %parallel_loop3A_95 = arith.constant 0 : i32
      %parallel_loop3A_96 = arith.constant 40 : i32
      %parallel_loop3A_97 = arith.constant 1 : i32
      scf.for %parallel_loop3A_331 = %parallel_loop3A_95 to %parallel_loop3A_96 step %parallel_loop3A_97  : i32 {
        %parallel_loop3A_332 = arith.constant 40 : i32
        %parallel_loop3A_333 = arith.addi %parallel_loop3A_332, %parallel_loop3A_331 : i32
        %parallel_loop3A_334 = arith.constant 128 : i32
        %parallel_loop3A_335 = arith.muli %parallel_loop3A_333, %parallel_loop3A_334 : i32
        %parallel_loop3A_336 = arith.constant 0 : i32
        %parallel_loop3A_337 = arith.addi %parallel_loop3A_335, %parallel_loop3A_336 : i32
        %parallel_loop3A_338 = arith.index_cast %parallel_loop3A_337 : i32 to index
        %parallel_loop3A_339 = tpu.vector_load %arg13[%parallel_loop3A_338] {strides = array<i32>} : memref<25600xi32, #tpu.memory_space<vmem>>, vector<16xi32>,
        %parallel_loop3A_340 = vector.shape_cast %parallel_loop3A_339 : vector<16xi32> to vector<16xi32>
        %parallel_loop3A_341 = arith.constant 16 : i32
        %parallel_loop3A_342 = vector.broadcast %parallel_loop3A_341 : i32 to vector<16xi32>
        %parallel_loop3A_343 = arith.shli %parallel_loop3A_340, %parallel_loop3A_342 : vector<16xi32>
        %parallel_loop3A_344 = tpu.bitcast %parallel_loop3A_343 : vector<16xi32> -> vector<16xf32>
        %parallel_loop3A_345 = arith.constant -65536 : i32
        %parallel_loop3A_346 = vector.broadcast %parallel_loop3A_345 : i32 to vector<16xi32>
        %parallel_loop3A_347 = arith.andi %parallel_loop3A_340, %parallel_loop3A_346 : vector<16xi32>
        %parallel_loop3A_348 = tpu.bitcast %parallel_loop3A_347 : vector<16xi32> -> vector<16xf32>
        %parallel_loop3A_349 = arith.index_cast %parallel_loop3A_331 : i32 to index
        %parallel_loop3A_350 = arith.constant 0 : index
        %parallel_loop3A_351 = tpu.vector_load %arg9[%parallel_loop3A_349, %parallel_loop3A_350] {strides = array<i32>} : memref<40x256xf32, #tpu.memory_space<vmem>>, vector<1x16xf32>,
        %parallel_loop3A_352 = vector.shape_cast %parallel_loop3A_351 : vector<1x16xf32> to vector<16xf32>
        %parallel_loop3A_353 = vector.shape_cast %parallel_loop3A_344 : vector<16xf32> to vector<1x16xf32>
        tpu.vector_store %arg9[%parallel_loop3A_349, %parallel_loop3A_350], %parallel_loop3A_353 {add = true, strides = array<i32>} : memref<40x256xf32, #tpu.memory_space<vmem>>, vector<1x16xf32>,
        %parallel_loop3A_354 = arith.index_cast %parallel_loop3A_331 : i32 to index
        %parallel_loop3A_355 = arith.constant 16 : index
        %parallel_loop3A_356 = tpu.vector_load %arg9[%parallel_loop3A_354, %parallel_loop3A_355] {strides = array<i32>} : memref<40x256xf32, #tpu.memory_space<vmem>>, vector<1x16xf32>,
        %parallel_loop3A_357 = vector.shape_cast %parallel_loop3A_356 : vector<1x16xf32> to vector<16xf32>
        %parallel_loop3A_358 = vector.shape_cast %parallel_loop3A_348 : vector<16xf32> to vector<1x16xf32>
        tpu.vector_store %arg9[%parallel_loop3A_354, %parallel_loop3A_355], %parallel_loop3A_358 {add = true, strides = array<i32>} : memref<40x256xf32, #tpu.memory_space<vmem>>, vector<1x16xf32>,
        %parallel_loop3A_359 = arith.constant 40 : i32
        %parallel_loop3A_360 = arith.addi %parallel_loop3A_359, %parallel_loop3A_331 : i32
        %parallel_loop3A_361 = arith.constant 128 : i32
        %parallel_loop3A_362 = arith.muli %parallel_loop3A_360, %parallel_loop3A_361 : i32
        %parallel_loop3A_363 = arith.constant 16 : i32
        %parallel_loop3A_364 = arith.addi %parallel_loop3A_362, %parallel_loop3A_363 : i32
        %parallel_loop3A_365 = arith.index_cast %parallel_loop3A_364 : i32 to index
        %parallel_loop3A_366 = tpu.vector_load %arg13[%parallel_loop3A_365] {strides = array<i32>} : memref<25600xi32, #tpu.memory_space<vmem>>, vector<16xi32>,
        %parallel_loop3A_367 = vector.shape_cast %parallel_loop3A_366 : vector<16xi32> to vector<16xi32>
        %parallel_loop3A_368 = arith.constant 16 : i32
        %parallel_loop3A_369 = vector.broadcast %parallel_loop3A_368 : i32 to vector<16xi32>
        %parallel_loop3A_370 = arith.shli %parallel_loop3A_367, %parallel_loop3A_369 : vector<16xi32>
        %parallel_loop3A_371 = tpu.bitcast %parallel_loop3A_370 : vector<16xi32> -> vector<16xf32>
        %parallel_loop3A_372 = arith.constant -65536 : i32
        %parallel_loop3A_373 = vector.broadcast %parallel_loop3A_372 : i32 to vector<16xi32>
        %parallel_loop3A_374 = arith.andi %parallel_loop3A_367, %parallel_loop3A_373 : vector<16xi32>
        %parallel_loop3A_375 = tpu.bitcast %parallel_loop3A_374 : vector<16xi32> -> vector<16xf32>
        %parallel_loop3A_376 = arith.index_cast %parallel_loop3A_331 : i32 to index
        %parallel_loop3A_377 = arith.constant 32 : index
        %parallel_loop3A_378 = tpu.vector_load %arg9[%parallel_loop3A_376, %parallel_loop3A_377] {strides = array<i32>} : memref<40x256xf32, #tpu.memory_space<vmem>>, vector<1x16xf32>,
        %parallel_loop3A_379 = vector.shape_cast %parallel_loop3A_378 : vector<1x16xf32> to vector<16xf32>
        %parallel_loop3A_380 = vector.shape_cast %parallel_loop3A_371 : vector<16xf32> to vector<1x16xf32>
        tpu.vector_store %arg9[%parallel_loop3A_376, %parallel_loop3A_377], %parallel_loop3A_380 {add = true, strides = array<i32>} : memref<40x256xf32, #tpu.memory_space<vmem>>, vector<1x16xf32>,
        %parallel_loop3A_381 = arith.index_cast %parallel_loop3A_331 : i32 to index
        %parallel_loop3A_382 = arith.constant 48 : index
        %parallel_loop3A_383 = tpu.vector_load %arg9[%parallel_loop3A_381, %parallel_loop3A_382] {strides = array<i32>} : memref<40x256xf32, #tpu.memory_space<vmem>>, vector<1x16xf32>,
        %parallel_loop3A_384 = vector.shape_cast %parallel_loop3A_383 : vector<1x16xf32> to vector<16xf32>
        %parallel_loop3A_385 = vector.shape_cast %parallel_loop3A_375 : vector<16xf32> to vector<1x16xf32>
        tpu.vector_store %arg9[%parallel_loop3A_381, %parallel_loop3A_382], %parallel_loop3A_385 {add = true, strides = array<i32>} : memref<40x256xf32, #tpu.memory_space<vmem>>, vector<1x16xf32>,
        %parallel_loop3A_386 = arith.constant 40 : i32
        %parallel_loop3A_387 = arith.addi %parallel_loop3A_386, %parallel_loop3A_331 : i32
        %parallel_loop3A_388 = arith.constant 128 : i32
        %parallel_loop3A_389 = arith.muli %parallel_loop3A_387, %parallel_loop3A_388 : i32
        %parallel_loop3A_390 = arith.constant 32 : i32
        %parallel_loop3A_391 = arith.addi %parallel_loop3A_389, %parallel_loop3A_390 : i32
        %parallel_loop3A_392 = arith.index_cast %parallel_loop3A_391 : i32 to index
        %parallel_loop3A_393 = tpu.vector_load %arg13[%parallel_loop3A_392] {strides = array<i32>} : memref<25600xi32, #tpu.memory_space<vmem>>, vector<16xi32>,
        %parallel_loop3A_394 = vector.shape_cast %parallel_loop3A_393 : vector<16xi32> to vector<16xi32>
        %parallel_loop3A_395 = arith.constant 16 : i32
        %parallel_loop3A_396 = vector.broadcast %parallel_loop3A_395 : i32 to vector<16xi32>
        %parallel_loop3A_397 = arith.shli %parallel_loop3A_394, %parallel_loop3A_396 : vector<16xi32>
        %parallel_loop3A_398 = tpu.bitcast %parallel_loop3A_397 : vector<16xi32> -> vector<16xf32>
        %parallel_loop3A_399 = arith.constant -65536 : i32
        %parallel_loop3A_400 = vector.broadcast %parallel_loop3A_399 : i32 to vector<16xi32>
        %parallel_loop3A_401 = arith.andi %parallel_loop3A_394, %parallel_loop3A_400 : vector<16xi32>
        %parallel_loop3A_402 = tpu.bitcast %parallel_loop3A_401 : vector<16xi32> -> vector<16xf32>
        %parallel_loop3A_403 = arith.index_cast %parallel_loop3A_331 : i32 to index
        %parallel_loop3A_404 = arith.constant 64 : index
        %parallel_loop3A_405 = tpu.vector_load %arg9[%parallel_loop3A_403, %parallel_loop3A_404] {strides = array<i32>} : memref<40x256xf32, #tpu.memory_space<vmem>>, vector<1x16xf32>,
        %parallel_loop3A_406 = vector.shape_cast %parallel_loop3A_405 : vector<1x16xf32> to vector<16xf32>
        %parallel_loop3A_407 = vector.shape_cast %parallel_loop3A_398 : vector<16xf32> to vector<1x16xf32>
        tpu.vector_store %arg9[%parallel_loop3A_403, %parallel_loop3A_404], %parallel_loop3A_407 {add = true, strides = array<i32>} : memref<40x256xf32, #tpu.memory_space<vmem>>, vector<1x16xf32>,
        %parallel_loop3A_408 = arith.index_cast %parallel_loop3A_331 : i32 to index
        %parallel_loop3A_409 = arith.constant 80 : index
        %parallel_loop3A_410 = tpu.vector_load %arg9[%parallel_loop3A_408, %parallel_loop3A_409] {strides = array<i32>} : memref<40x256xf32, #tpu.memory_space<vmem>>, vector<1x16xf32>,
        %parallel_loop3A_411 = vector.shape_cast %parallel_loop3A_410 : vector<1x16xf32> to vector<16xf32>
        %parallel_loop3A_412 = vector.shape_cast %parallel_loop3A_402 : vector<16xf32> to vector<1x16xf32>
        tpu.vector_store %arg9[%parallel_loop3A_408, %parallel_loop3A_409], %parallel_loop3A_412 {add = true, strides = array<i32>} : memref<40x256xf32, #tpu.memory_space<vmem>>, vector<1x16xf32>,
        %parallel_loop3A_413 = arith.constant 40 : i32
        %parallel_loop3A_414 = arith.addi %parallel_loop3A_413, %parallel_loop3A_331 : i32
        %parallel_loop3A_415 = arith.constant 128 : i32
        %parallel_loop3A_416 = arith.muli %parallel_loop3A_414, %parallel_loop3A_415 : i32
        %parallel_loop3A_417 = arith.constant 48 : i32
        %parallel_loop3A_418 = arith.addi %parallel_loop3A_416, %parallel_loop3A_417 : i32
        %parallel_loop3A_419 = arith.index_cast %parallel_loop3A_418 : i32 to index
        %parallel_loop3A_420 = tpu.vector_load %arg13[%parallel_loop3A_419] {strides = array<i32>} : memref<25600xi32, #tpu.memory_space<vmem>>, vector<16xi32>,
        %parallel_loop3A_421 = vector.shape_cast %parallel_loop3A_420 : vector<16xi32> to vector<16xi32>
        %parallel_loop3A_422 = arith.constant 16 : i32
        %parallel_loop3A_423 = vector.broadcast %parallel_loop3A_422 : i32 to vector<16xi32>
        %parallel_loop3A_424 = arith.shli %parallel_loop3A_421, %parallel_loop3A_423 : vector<16xi32>
        %parallel_loop3A_425 = tpu.bitcast %parallel_loop3A_424 : vector<16xi32> -> vector<16xf32>
        %parallel_loop3A_426 = arith.constant -65536 : i32
        %parallel_loop3A_427 = vector.broadcast %parallel_loop3A_426 : i32 to vector<16xi32>
        %parallel_loop3A_428 = arith.andi %parallel_loop3A_421, %parallel_loop3A_427 : vector<16xi32>
        %parallel_loop3A_429 = tpu.bitcast %parallel_loop3A_428 : vector<16xi32> -> vector<16xf32>
        %parallel_loop3A_430 = arith.index_cast %parallel_loop3A_331 : i32 to index
        %parallel_loop3A_431 = arith.constant 96 : index
        %parallel_loop3A_432 = tpu.vector_load %arg9[%parallel_loop3A_430, %parallel_loop3A_431] {strides = array<i32>} : memref<40x256xf32, #tpu.memory_space<vmem>>, vector<1x16xf32>,
        %parallel_loop3A_433 = vector.shape_cast %parallel_loop3A_432 : vector<1x16xf32> to vector<16xf32>
        %parallel_loop3A_434 = vector.shape_cast %parallel_loop3A_425 : vector<16xf32> to vector<1x16xf32>
        tpu.vector_store %arg9[%parallel_loop3A_430, %parallel_loop3A_431], %parallel_loop3A_434 {add = true, strides = array<i32>} : memref<40x256xf32, #tpu.memory_space<vmem>>, vector<1x16xf32>,
        %parallel_loop3A_435 = arith.index_cast %parallel_loop3A_331 : i32 to index
        %parallel_loop3A_436 = arith.constant 112 : index
        %parallel_loop3A_437 = tpu.vector_load %arg9[%parallel_loop3A_435, %parallel_loop3A_436] {strides = array<i32>} : memref<40x256xf32, #tpu.memory_space<vmem>>, vector<1x16xf32>,
        %parallel_loop3A_438 = vector.shape_cast %parallel_loop3A_437 : vector<1x16xf32> to vector<16xf32>
        %parallel_loop3A_439 = vector.shape_cast %parallel_loop3A_429 : vector<16xf32> to vector<1x16xf32>
        tpu.vector_store %arg9[%parallel_loop3A_435, %parallel_loop3A_436], %parallel_loop3A_439 {add = true, strides = array<i32>} : memref<40x256xf32, #tpu.memory_space<vmem>>, vector<1x16xf32>,
        %parallel_loop3A_440 = arith.constant 40 : i32
        %parallel_loop3A_441 = arith.addi %parallel_loop3A_440, %parallel_loop3A_331 : i32
        %parallel_loop3A_442 = arith.constant 128 : i32
        %parallel_loop3A_443 = arith.muli %parallel_loop3A_441, %parallel_loop3A_442 : i32
        %parallel_loop3A_444 = arith.constant 64 : i32
        %parallel_loop3A_445 = arith.addi %parallel_loop3A_443, %parallel_loop3A_444 : i32
        %parallel_loop3A_446 = arith.index_cast %parallel_loop3A_445 : i32 to index
        %parallel_loop3A_447 = tpu.vector_load %arg13[%parallel_loop3A_446] {strides = array<i32>} : memref<25600xi32, #tpu.memory_space<vmem>>, vector<16xi32>,
        %parallel_loop3A_448 = vector.shape_cast %parallel_loop3A_447 : vector<16xi32> to vector<16xi32>
        %parallel_loop3A_449 = arith.constant 16 : i32
        %parallel_loop3A_450 = vector.broadcast %parallel_loop3A_449 : i32 to vector<16xi32>
        %parallel_loop3A_451 = arith.shli %parallel_loop3A_448, %parallel_loop3A_450 : vector<16xi32>
        %parallel_loop3A_452 = tpu.bitcast %parallel_loop3A_451 : vector<16xi32> -> vector<16xf32>
        %parallel_loop3A_453 = arith.constant -65536 : i32
        %parallel_loop3A_454 = vector.broadcast %parallel_loop3A_453 : i32 to vector<16xi32>
        %parallel_loop3A_455 = arith.andi %parallel_loop3A_448, %parallel_loop3A_454 : vector<16xi32>
        %parallel_loop3A_456 = tpu.bitcast %parallel_loop3A_455 : vector<16xi32> -> vector<16xf32>
        %parallel_loop3A_457 = arith.index_cast %parallel_loop3A_331 : i32 to index
        %parallel_loop3A_458 = arith.constant 128 : index
        %parallel_loop3A_459 = tpu.vector_load %arg9[%parallel_loop3A_457, %parallel_loop3A_458] {strides = array<i32>} : memref<40x256xf32, #tpu.memory_space<vmem>>, vector<1x16xf32>,
        %parallel_loop3A_460 = vector.shape_cast %parallel_loop3A_459 : vector<1x16xf32> to vector<16xf32>
        %parallel_loop3A_461 = vector.shape_cast %parallel_loop3A_452 : vector<16xf32> to vector<1x16xf32>
        tpu.vector_store %arg9[%parallel_loop3A_457, %parallel_loop3A_458], %parallel_loop3A_461 {add = true, strides = array<i32>} : memref<40x256xf32, #tpu.memory_space<vmem>>, vector<1x16xf32>,
        %parallel_loop3A_462 = arith.index_cast %parallel_loop3A_331 : i32 to index
        %parallel_loop3A_463 = arith.constant 144 : index
        %parallel_loop3A_464 = tpu.vector_load %arg9[%parallel_loop3A_462, %parallel_loop3A_463] {strides = array<i32>} : memref<40x256xf32, #tpu.memory_space<vmem>>, vector<1x16xf32>,
        %parallel_loop3A_465 = vector.shape_cast %parallel_loop3A_464 : vector<1x16xf32> to vector<16xf32>
        %parallel_loop3A_466 = vector.shape_cast %parallel_loop3A_456 : vector<16xf32> to vector<1x16xf32>
        tpu.vector_store %arg9[%parallel_loop3A_462, %parallel_loop3A_463], %parallel_loop3A_466 {add = true, strides = array<i32>} : memref<40x256xf32, #tpu.memory_space<vmem>>, vector<1x16xf32>,
        %parallel_loop3A_467 = arith.constant 40 : i32
        %parallel_loop3A_468 = arith.addi %parallel_loop3A_467, %parallel_loop3A_331 : i32
        %parallel_loop3A_469 = arith.constant 128 : i32
        %parallel_loop3A_470 = arith.muli %parallel_loop3A_468, %parallel_loop3A_469 : i32
        %parallel_loop3A_471 = arith.constant 80 : i32
        %parallel_loop3A_472 = arith.addi %parallel_loop3A_470, %parallel_loop3A_471 : i32
        %parallel_loop3A_473 = arith.index_cast %parallel_loop3A_472 : i32 to index
        %parallel_loop3A_474 = tpu.vector_load %arg13[%parallel_loop3A_473] {strides = array<i32>} : memref<25600xi32, #tpu.memory_space<vmem>>, vector<16xi32>,
        %parallel_loop3A_475 = vector.shape_cast %parallel_loop3A_474 : vector<16xi32> to vector<16xi32>
        %parallel_loop3A_476 = arith.constant 16 : i32
        %parallel_loop3A_477 = vector.broadcast %parallel_loop3A_476 : i32 to vector<16xi32>
        %parallel_loop3A_478 = arith.shli %parallel_loop3A_475, %parallel_loop3A_477 : vector<16xi32>
        %parallel_loop3A_479 = tpu.bitcast %parallel_loop3A_478 : vector<16xi32> -> vector<16xf32>
        %parallel_loop3A_480 = arith.constant -65536 : i32
        %parallel_loop3A_481 = vector.broadcast %parallel_loop3A_480 : i32 to vector<16xi32>
        %parallel_loop3A_482 = arith.andi %parallel_loop3A_475, %parallel_loop3A_481 : vector<16xi32>
        %parallel_loop3A_483 = tpu.bitcast %parallel_loop3A_482 : vector<16xi32> -> vector<16xf32>
        %parallel_loop3A_484 = arith.index_cast %parallel_loop3A_331 : i32 to index
        %parallel_loop3A_485 = arith.constant 160 : index
        %parallel_loop3A_486 = tpu.vector_load %arg9[%parallel_loop3A_484, %parallel_loop3A_485] {strides = array<i32>} : memref<40x256xf32, #tpu.memory_space<vmem>>, vector<1x16xf32>,
        %parallel_loop3A_487 = vector.shape_cast %parallel_loop3A_486 : vector<1x16xf32> to vector<16xf32>
        %parallel_loop3A_488 = vector.shape_cast %parallel_loop3A_479 : vector<16xf32> to vector<1x16xf32>
        tpu.vector_store %arg9[%parallel_loop3A_484, %parallel_loop3A_485], %parallel_loop3A_488 {add = true, strides = array<i32>} : memref<40x256xf32, #tpu.memory_space<vmem>>, vector<1x16xf32>,
        %parallel_loop3A_489 = arith.index_cast %parallel_loop3A_331 : i32 to index
        %parallel_loop3A_490 = arith.constant 176 : index
        %parallel_loop3A_491 = tpu.vector_load %arg9[%parallel_loop3A_489, %parallel_loop3A_490] {strides = array<i32>} : memref<40x256xf32, #tpu.memory_space<vmem>>, vector<1x16xf32>,
        %parallel_loop3A_492 = vector.shape_cast %parallel_loop3A_491 : vector<1x16xf32> to vector<16xf32>
        %parallel_loop3A_493 = vector.shape_cast %parallel_loop3A_483 : vector<16xf32> to vector<1x16xf32>
        tpu.vector_store %arg9[%parallel_loop3A_489, %parallel_loop3A_490], %parallel_loop3A_493 {add = true, strides = array<i32>} : memref<40x256xf32, #tpu.memory_space<vmem>>, vector<1x16xf32>,
        %parallel_loop3A_494 = arith.constant 40 : i32
        %parallel_loop3A_495 = arith.addi %parallel_loop3A_494, %parallel_loop3A_331 : i32
        %parallel_loop3A_496 = arith.constant 128 : i32
        %parallel_loop3A_497 = arith.muli %parallel_loop3A_495, %parallel_loop3A_496 : i32
        %parallel_loop3A_498 = arith.constant 96 : i32
        %parallel_loop3A_499 = arith.addi %parallel_loop3A_497, %parallel_loop3A_498 : i32
        %parallel_loop3A_500 = arith.index_cast %parallel_loop3A_499 : i32 to index
        %parallel_loop3A_501 = tpu.vector_load %arg13[%parallel_loop3A_500] {strides = array<i32>} : memref<25600xi32, #tpu.memory_space<vmem>>, vector<16xi32>,
        %parallel_loop3A_502 = vector.shape_cast %parallel_loop3A_501 : vector<16xi32> to vector<16xi32>
        %parallel_loop3A_503 = arith.constant 16 : i32
        %parallel_loop3A_504 = vector.broadcast %parallel_loop3A_503 : i32 to vector<16xi32>
        %parallel_loop3A_505 = arith.shli %parallel_loop3A_502, %parallel_loop3A_504 : vector<16xi32>
        %parallel_loop3A_506 = tpu.bitcast %parallel_loop3A_505 : vector<16xi32> -> vector<16xf32>
        %parallel_loop3A_507 = arith.constant -65536 : i32
        %parallel_loop3A_508 = vector.broadcast %parallel_loop3A_507 : i32 to vector<16xi32>
        %parallel_loop3A_509 = arith.andi %parallel_loop3A_502, %parallel_loop3A_508 : vector<16xi32>
        %parallel_loop3A_510 = tpu.bitcast %parallel_loop3A_509 : vector<16xi32> -> vector<16xf32>
        %parallel_loop3A_511 = arith.index_cast %parallel_loop3A_331 : i32 to index
        %parallel_loop3A_512 = arith.constant 192 : index
        %parallel_loop3A_513 = tpu.vector_load %arg9[%parallel_loop3A_511, %parallel_loop3A_512] {strides = array<i32>} : memref<40x256xf32, #tpu.memory_space<vmem>>, vector<1x16xf32>,
        %parallel_loop3A_514 = vector.shape_cast %parallel_loop3A_513 : vector<1x16xf32> to vector<16xf32>
        %parallel_loop3A_515 = vector.shape_cast %parallel_loop3A_506 : vector<16xf32> to vector<1x16xf32>
        tpu.vector_store %arg9[%parallel_loop3A_511, %parallel_loop3A_512], %parallel_loop3A_515 {add = true, strides = array<i32>} : memref<40x256xf32, #tpu.memory_space<vmem>>, vector<1x16xf32>,
        %parallel_loop3A_516 = arith.index_cast %parallel_loop3A_331 : i32 to index
        %parallel_loop3A_517 = arith.constant 208 : index
        %parallel_loop3A_518 = tpu.vector_load %arg9[%parallel_loop3A_516, %parallel_loop3A_517] {strides = array<i32>} : memref<40x256xf32, #tpu.memory_space<vmem>>, vector<1x16xf32>,
        %parallel_loop3A_519 = vector.shape_cast %parallel_loop3A_518 : vector<1x16xf32> to vector<16xf32>
        %parallel_loop3A_520 = vector.shape_cast %parallel_loop3A_510 : vector<16xf32> to vector<1x16xf32>
        tpu.vector_store %arg9[%parallel_loop3A_516, %parallel_loop3A_517], %parallel_loop3A_520 {add = true, strides = array<i32>} : memref<40x256xf32, #tpu.memory_space<vmem>>, vector<1x16xf32>,
        %parallel_loop3A_521 = arith.constant 40 : i32
        %parallel_loop3A_522 = arith.addi %parallel_loop3A_521, %parallel_loop3A_331 : i32
        %parallel_loop3A_523 = arith.constant 128 : i32
        %parallel_loop3A_524 = arith.muli %parallel_loop3A_522, %parallel_loop3A_523 : i32
        %parallel_loop3A_525 = arith.constant 112 : i32
        %parallel_loop3A_526 = arith.addi %parallel_loop3A_524, %parallel_loop3A_525 : i32
        %parallel_loop3A_527 = arith.index_cast %parallel_loop3A_526 : i32 to index
        %parallel_loop3A_528 = tpu.vector_load %arg13[%parallel_loop3A_527] {strides = array<i32>} : memref<25600xi32, #tpu.memory_space<vmem>>, vector<16xi32>,
        %parallel_loop3A_529 = vector.shape_cast %parallel_loop3A_528 : vector<16xi32> to vector<16xi32>
        %parallel_loop3A_530 = arith.constant 16 : i32
        %parallel_loop3A_531 = vector.broadcast %parallel_loop3A_530 : i32 to vector<16xi32>
        %parallel_loop3A_532 = arith.shli %parallel_loop3A_529, %parallel_loop3A_531 : vector<16xi32>
        %parallel_loop3A_533 = tpu.bitcast %parallel_loop3A_532 : vector<16xi32> -> vector<16xf32>
        %parallel_loop3A_534 = arith.constant -65536 : i32
        %parallel_loop3A_535 = vector.broadcast %parallel_loop3A_534 : i32 to vector<16xi32>
        %parallel_loop3A_536 = arith.andi %parallel_loop3A_529, %parallel_loop3A_535 : vector<16xi32>
        %parallel_loop3A_537 = tpu.bitcast %parallel_loop3A_536 : vector<16xi32> -> vector<16xf32>
        %parallel_loop3A_538 = arith.index_cast %parallel_loop3A_331 : i32 to index
        %parallel_loop3A_539 = arith.constant 224 : index
        %parallel_loop3A_540 = tpu.vector_load %arg9[%parallel_loop3A_538, %parallel_loop3A_539] {strides = array<i32>} : memref<40x256xf32, #tpu.memory_space<vmem>>, vector<1x16xf32>,
        %parallel_loop3A_541 = vector.shape_cast %parallel_loop3A_540 : vector<1x16xf32> to vector<16xf32>
        %parallel_loop3A_542 = vector.shape_cast %parallel_loop3A_533 : vector<16xf32> to vector<1x16xf32>
        tpu.vector_store %arg9[%parallel_loop3A_538, %parallel_loop3A_539], %parallel_loop3A_542 {add = true, strides = array<i32>} : memref<40x256xf32, #tpu.memory_space<vmem>>, vector<1x16xf32>,
        %parallel_loop3A_543 = arith.index_cast %parallel_loop3A_331 : i32 to index
        %parallel_loop3A_544 = arith.constant 240 : index
        %parallel_loop3A_545 = tpu.vector_load %arg9[%parallel_loop3A_543, %parallel_loop3A_544] {strides = array<i32>} : memref<40x256xf32, #tpu.memory_space<vmem>>, vector<1x16xf32>,
        %parallel_loop3A_546 = vector.shape_cast %parallel_loop3A_545 : vector<1x16xf32> to vector<16xf32>
        %parallel_loop3A_547 = vector.shape_cast %parallel_loop3A_537 : vector<16xf32> to vector<1x16xf32>
        tpu.vector_store %arg9[%parallel_loop3A_543, %parallel_loop3A_544], %parallel_loop3A_547 {add = true, strides = array<i32>} : memref<40x256xf32, #tpu.memory_space<vmem>>, vector<1x16xf32>,
      } {sc.loop_unroll_factor = 2 : i64, sc.parallel_access}
      %add3A_98 = arith.constant 40 : i32
      %add3A_99 = arith.addi %add3A_67, %add3A_98 : i32
      %dma_start3A_100 = arith.constant 0 : i32
      %dma_start3A_101 = tpu.memref_slice %arg5[%add3A_99, %dma_start3A_100] : memref<819200x256xf32, #tpu.memory_space<hbm>> -> memref<40x256xf32, #tpu.memory_space<hbm>>
      %dma_start3A_102 = arith.constant 0 : i32
      %dma_start3A_103 = tpu.memref_slice %arg5[%add3A_99, %dma_start3A_102] : memref<819200x256xf32, #tpu.memory_space<hbm>> -> memref<40x256xf32, #tpu.memory_space<hbm>>
      tpu.enqueue_dma source(%arg9 : memref<40x256xf32, #tpu.memory_space<vmem>>) target(%dma_start3A_103 : memref<40x256xf32, #tpu.memory_space<hbm>>) target_semaphore(%arg20 : memref<!tpu.dma_semaphore, #tpu.memory_space<semaphore_mem>>)
      %dma_wait3A_104 = arith.constant 0 : i32
      %dma_wait3A_105 = arith.constant 0 : i32
      %dma_wait3A_106 = tpu.memref_slice %arg5[%dma_wait3A_104, %dma_wait3A_105] : memref<819200x256xf32, #tpu.memory_space<hbm>> -> memref<40x256xf32, #tpu.memory_space<hbm>>
      %dma_wait3A_107 = arith.constant 0 : i32
      %dma_wait3A_108 = arith.constant 0 : i32
      %dma_wait3A_109 = tpu.memref_slice %arg5[%dma_wait3A_107, %dma_wait3A_108] : memref<819200x256xf32, #tpu.memory_space<hbm>> -> memref<40x256xf32, #tpu.memory_space<hbm>>
      tpu.wait_dma2 semaphore(%arg19 : memref<!tpu.dma_semaphore, #tpu.memory_space<semaphore_mem>>) src(%arg8 : memref<40x256xf32, #tpu.memory_space<vmem>>) dst(%dma_wait3A_109 : memref<40x256xf32, #tpu.memory_space<hbm>>)
      %dma_wait3A_110 = arith.constant 0 : i32
      %dma_wait3A_111 = tpu.memref_slice %arg2[%dma_wait3A_110] : memref<819200xi32, #tpu.memory_space<hbm>> -> memref<200xi32, #tpu.memory_space<hbm>>
      %dma_wait3A_112 = arith.constant 0 : i32
      %dma_wait3A_113 = tpu.memref_slice %arg2[%dma_wait3A_112] : memref<819200xi32, #tpu.memory_space<hbm>> -> memref<200xi32, #tpu.memory_space<hbm>>
      tpu.wait_dma2 semaphore(%arg25 : memref<!tpu.dma_semaphore, #tpu.memory_space<semaphore_mem>>) src(%dma_wait3A_113 : memref<200xi32, #tpu.memory_space<hbm>>) dst(%arg7 : memref<200xi32, #tpu.memory_space<vmem>>)
      %dma_start3A_114 = arith.constant 0 : i32
      %dma_start3A_115 = tpu.memref_slice %arg7[%dma_start3A_114] : memref<200xi32, #tpu.memory_space<vmem>> -> memref<40xi32, #tpu.memory_space<vmem>>
      %dma_start3A_116 = arith.constant 0 : i32
      %dma_start3A_117 = arith.constant 0 : i32
      %dma_start3A_118 = tpu.memref_slice %arg3[%dma_start3A_116, %dma_start3A_117] : memref<16000x256xf32, #tpu.memory_space<hbm>> -> memref<16000x256xf32, #tpu.memory_space<hbm>>
      tpu.enqueue_indirect_dma source(%dma_start3A_118 : memref<16000x256xf32, #tpu.memory_space<hbm>>) target(%arg8 : memref<40x256xf32, #tpu.memory_space<vmem>>) offsets(%dma_start3A_115 : memref<40xi32, #tpu.memory_space<vmem>>) semaphore(%arg14 : memref<!tpu.dma_semaphore, #tpu.memory_space<semaphore_mem>>)
      %dma_wait3A_119 = arith.constant 0 : i32
      %dma_wait3A_120 = arith.constant 0 : i32
      %dma_wait3A_121 = tpu.memref_slice %arg3[%dma_wait3A_119, %dma_wait3A_120] : memref<16000x256xf32, #tpu.memory_space<hbm>> -> memref<40x256xf32, #tpu.memory_space<hbm>>
      %dma_wait3A_122 = arith.constant 0 : i32
      %dma_wait3A_123 = arith.constant 0 : i32
      %dma_wait3A_124 = tpu.memref_slice %arg3[%dma_wait3A_122, %dma_wait3A_123] : memref<16000x256xf32, #tpu.memory_space<hbm>> -> memref<40x256xf32, #tpu.memory_space<hbm>>
      tpu.wait_dma2 semaphore(%arg16 : memref<!tpu.dma_semaphore, #tpu.memory_space<semaphore_mem>>) src(%dma_wait3A_124 : memref<40x256xf32, #tpu.memory_space<hbm>>) dst(%arg10 : memref<40x256xf32, #tpu.memory_space<vmem>>)
      %parallel_loop3A_125 = arith.constant 0 : i32
      %parallel_loop3A_126 = arith.constant 40 : i32
      %parallel_loop3A_127 = arith.constant 1 : i32
      scf.for %parallel_loop3A_331 = %parallel_loop3A_125 to %parallel_loop3A_126 step %parallel_loop3A_127  : i32 {
        %parallel_loop3A_332 = arith.constant 80 : i32
        %parallel_loop3A_333 = arith.addi %parallel_loop3A_332, %parallel_loop3A_331 : i32
        %parallel_loop3A_334 = arith.constant 128 : i32
        %parallel_loop3A_335 = arith.muli %parallel_loop3A_333, %parallel_loop3A_334 : i32
        %parallel_loop3A_336 = arith.constant 0 : i32
        %parallel_loop3A_337 = arith.addi %parallel_loop3A_335, %parallel_loop3A_336 : i32
        %parallel_loop3A_338 = arith.index_cast %parallel_loop3A_337 : i32 to index
        %parallel_loop3A_339 = tpu.vector_load %arg13[%parallel_loop3A_338] {strides = array<i32>} : memref<25600xi32, #tpu.memory_space<vmem>>, vector<16xi32>,
        %parallel_loop3A_340 = vector.shape_cast %parallel_loop3A_339 : vector<16xi32> to vector<16xi32>
        %parallel_loop3A_341 = arith.constant 16 : i32
        %parallel_loop3A_342 = vector.broadcast %parallel_loop3A_341 : i32 to vector<16xi32>
        %parallel_loop3A_343 = arith.shli %parallel_loop3A_340, %parallel_loop3A_342 : vector<16xi32>
        %parallel_loop3A_344 = tpu.bitcast %parallel_loop3A_343 : vector<16xi32> -> vector<16xf32>
        %parallel_loop3A_345 = arith.constant -65536 : i32
        %parallel_loop3A_346 = vector.broadcast %parallel_loop3A_345 : i32 to vector<16xi32>
        %parallel_loop3A_347 = arith.andi %parallel_loop3A_340, %parallel_loop3A_346 : vector<16xi32>
        %parallel_loop3A_348 = tpu.bitcast %parallel_loop3A_347 : vector<16xi32> -> vector<16xf32>
        %parallel_loop3A_349 = arith.index_cast %parallel_loop3A_331 : i32 to index
        %parallel_loop3A_350 = arith.constant 0 : index
        %parallel_loop3A_351 = tpu.vector_load %arg10[%parallel_loop3A_349, %parallel_loop3A_350] {strides = array<i32>} : memref<40x256xf32, #tpu.memory_space<vmem>>, vector<1x16xf32>,
        %parallel_loop3A_352 = vector.shape_cast %parallel_loop3A_351 : vector<1x16xf32> to vector<16xf32>
        %parallel_loop3A_353 = vector.shape_cast %parallel_loop3A_344 : vector<16xf32> to vector<1x16xf32>
        tpu.vector_store %arg10[%parallel_loop3A_349, %parallel_loop3A_350], %parallel_loop3A_353 {add = true, strides = array<i32>} : memref<40x256xf32, #tpu.memory_space<vmem>>, vector<1x16xf32>,
        %parallel_loop3A_354 = arith.index_cast %parallel_loop3A_331 : i32 to index
        %parallel_loop3A_355 = arith.constant 16 : index
        %parallel_loop3A_356 = tpu.vector_load %arg10[%parallel_loop3A_354, %parallel_loop3A_355] {strides = array<i32>} : memref<40x256xf32, #tpu.memory_space<vmem>>, vector<1x16xf32>,
        %parallel_loop3A_357 = vector.shape_cast %parallel_loop3A_356 : vector<1x16xf32> to vector<16xf32>
        %parallel_loop3A_358 = vector.shape_cast %parallel_loop3A_348 : vector<16xf32> to vector<1x16xf32>
        tpu.vector_store %arg10[%parallel_loop3A_354, %parallel_loop3A_355], %parallel_loop3A_358 {add = true, strides = array<i32>} : memref<40x256xf32, #tpu.memory_space<vmem>>, vector<1x16xf32>,
        %parallel_loop3A_359 = arith.constant 80 : i32
        %parallel_loop3A_360 = arith.addi %parallel_loop3A_359, %parallel_loop3A_331 : i32
        %parallel_loop3A_361 = arith.constant 128 : i32
        %parallel_loop3A_362 = arith.muli %parallel_loop3A_360, %parallel_loop3A_361 : i32
        %parallel_loop3A_363 = arith.constant 16 : i32
        %parallel_loop3A_364 = arith.addi %parallel_loop3A_362, %parallel_loop3A_363 : i32
        %parallel_loop3A_365 = arith.index_cast %parallel_loop3A_364 : i32 to index
        %parallel_loop3A_366 = tpu.vector_load %arg13[%parallel_loop3A_365] {strides = array<i32>} : memref<25600xi32, #tpu.memory_space<vmem>>, vector<16xi32>,
        %parallel_loop3A_367 = vector.shape_cast %parallel_loop3A_366 : vector<16xi32> to vector<16xi32>
        %parallel_loop3A_368 = arith.constant 16 : i32
        %parallel_loop3A_369 = vector.broadcast %parallel_loop3A_368 : i32 to vector<16xi32>
        %parallel_loop3A_370 = arith.shli %parallel_loop3A_367, %parallel_loop3A_369 : vector<16xi32>
        %parallel_loop3A_371 = tpu.bitcast %parallel_loop3A_370 : vector<16xi32> -> vector<16xf32>
        %parallel_loop3A_372 = arith.constant -65536 : i32
        %parallel_loop3A_373 = vector.broadcast %parallel_loop3A_372 : i32 to vector<16xi32>
        %parallel_loop3A_374 = arith.andi %parallel_loop3A_367, %parallel_loop3A_373 : vector<16xi32>
        %parallel_loop3A_375 = tpu.bitcast %parallel_loop3A_374 : vector<16xi32> -> vector<16xf32>
        %parallel_loop3A_376 = arith.index_cast %parallel_loop3A_331 : i32 to index
        %parallel_loop3A_377 = arith.constant 32 : index
        %parallel_loop3A_378 = tpu.vector_load %arg10[%parallel_loop3A_376, %parallel_loop3A_377] {strides = array<i32>} : memref<40x256xf32, #tpu.memory_space<vmem>>, vector<1x16xf32>,
        %parallel_loop3A_379 = vector.shape_cast %parallel_loop3A_378 : vector<1x16xf32> to vector<16xf32>
        %parallel_loop3A_380 = vector.shape_cast %parallel_loop3A_371 : vector<16xf32> to vector<1x16xf32>
        tpu.vector_store %arg10[%parallel_loop3A_376, %parallel_loop3A_377], %parallel_loop3A_380 {add = true, strides = array<i32>} : memref<40x256xf32, #tpu.memory_space<vmem>>, vector<1x16xf32>,
        %parallel_loop3A_381 = arith.index_cast %parallel_loop3A_331 : i32 to index
        %parallel_loop3A_382 = arith.constant 48 : index
        %parallel_loop3A_383 = tpu.vector_load %arg10[%parallel_loop3A_381, %parallel_loop3A_382] {strides = array<i32>} : memref<40x256xf32, #tpu.memory_space<vmem>>, vector<1x16xf32>,
        %parallel_loop3A_384 = vector.shape_cast %parallel_loop3A_383 : vector<1x16xf32> to vector<16xf32>
        %parallel_loop3A_385 = vector.shape_cast %parallel_loop3A_375 : vector<16xf32> to vector<1x16xf32>
        tpu.vector_store %arg10[%parallel_loop3A_381, %parallel_loop3A_382], %parallel_loop3A_385 {add = true, strides = array<i32>} : memref<40x256xf32, #tpu.memory_space<vmem>>, vector<1x16xf32>,
        %parallel_loop3A_386 = arith.constant 80 : i32
        %parallel_loop3A_387 = arith.addi %parallel_loop3A_386, %parallel_loop3A_331 : i32
        %parallel_loop3A_388 = arith.constant 128 : i32
        %parallel_loop3A_389 = arith.muli %parallel_loop3A_387, %parallel_loop3A_388 : i32
        %parallel_loop3A_390 = arith.constant 32 : i32
        %parallel_loop3A_391 = arith.addi %parallel_loop3A_389, %parallel_loop3A_390 : i32
        %parallel_loop3A_392 = arith.index_cast %parallel_loop3A_391 : i32 to index
        %parallel_loop3A_393 = tpu.vector_load %arg13[%parallel_loop3A_392] {strides = array<i32>} : memref<25600xi32, #tpu.memory_space<vmem>>, vector<16xi32>,
        %parallel_loop3A_394 = vector.shape_cast %parallel_loop3A_393 : vector<16xi32> to vector<16xi32>
        %parallel_loop3A_395 = arith.constant 16 : i32
        %parallel_loop3A_396 = vector.broadcast %parallel_loop3A_395 : i32 to vector<16xi32>
        %parallel_loop3A_397 = arith.shli %parallel_loop3A_394, %parallel_loop3A_396 : vector<16xi32>
        %parallel_loop3A_398 = tpu.bitcast %parallel_loop3A_397 : vector<16xi32> -> vector<16xf32>
        %parallel_loop3A_399 = arith.constant -65536 : i32
        %parallel_loop3A_400 = vector.broadcast %parallel_loop3A_399 : i32 to vector<16xi32>
        %parallel_loop3A_401 = arith.andi %parallel_loop3A_394, %parallel_loop3A_400 : vector<16xi32>
        %parallel_loop3A_402 = tpu.bitcast %parallel_loop3A_401 : vector<16xi32> -> vector<16xf32>
        %parallel_loop3A_403 = arith.index_cast %parallel_loop3A_331 : i32 to index
        %parallel_loop3A_404 = arith.constant 64 : index
        %parallel_loop3A_405 = tpu.vector_load %arg10[%parallel_loop3A_403, %parallel_loop3A_404] {strides = array<i32>} : memref<40x256xf32, #tpu.memory_space<vmem>>, vector<1x16xf32>,
        %parallel_loop3A_406 = vector.shape_cast %parallel_loop3A_405 : vector<1x16xf32> to vector<16xf32>
        %parallel_loop3A_407 = vector.shape_cast %parallel_loop3A_398 : vector<16xf32> to vector<1x16xf32>
        tpu.vector_store %arg10[%parallel_loop3A_403, %parallel_loop3A_404], %parallel_loop3A_407 {add = true, strides = array<i32>} : memref<40x256xf32, #tpu.memory_space<vmem>>, vector<1x16xf32>,
        %parallel_loop3A_408 = arith.index_cast %parallel_loop3A_331 : i32 to index
        %parallel_loop3A_409 = arith.constant 80 : index
        %parallel_loop3A_410 = tpu.vector_load %arg10[%parallel_loop3A_408, %parallel_loop3A_409] {strides = array<i32>} : memref<40x256xf32, #tpu.memory_space<vmem>>, vector<1x16xf32>,
        %parallel_loop3A_411 = vector.shape_cast %parallel_loop3A_410 : vector<1x16xf32> to vector<16xf32>
        %parallel_loop3A_412 = vector.shape_cast %parallel_loop3A_402 : vector<16xf32> to vector<1x16xf32>
        tpu.vector_store %arg10[%parallel_loop3A_408, %parallel_loop3A_409], %parallel_loop3A_412 {add = true, strides = array<i32>} : memref<40x256xf32, #tpu.memory_space<vmem>>, vector<1x16xf32>,
        %parallel_loop3A_413 = arith.constant 80 : i32
        %parallel_loop3A_414 = arith.addi %parallel_loop3A_413, %parallel_loop3A_331 : i32
        %parallel_loop3A_415 = arith.constant 128 : i32
        %parallel_loop3A_416 = arith.muli %parallel_loop3A_414, %parallel_loop3A_415 : i32
        %parallel_loop3A_417 = arith.constant 48 : i32
        %parallel_loop3A_418 = arith.addi %parallel_loop3A_416, %parallel_loop3A_417 : i32
        %parallel_loop3A_419 = arith.index_cast %parallel_loop3A_418 : i32 to index
        %parallel_loop3A_420 = tpu.vector_load %arg13[%parallel_loop3A_419] {strides = array<i32>} : memref<25600xi32, #tpu.memory_space<vmem>>, vector<16xi32>,
        %parallel_loop3A_421 = vector.shape_cast %parallel_loop3A_420 : vector<16xi32> to vector<16xi32>
        %parallel_loop3A_422 = arith.constant 16 : i32
        %parallel_loop3A_423 = vector.broadcast %parallel_loop3A_422 : i32 to vector<16xi32>
        %parallel_loop3A_424 = arith.shli %parallel_loop3A_421, %parallel_loop3A_423 : vector<16xi32>
        %parallel_loop3A_425 = tpu.bitcast %parallel_loop3A_424 : vector<16xi32> -> vector<16xf32>
        %parallel_loop3A_426 = arith.constant -65536 : i32
        %parallel_loop3A_427 = vector.broadcast %parallel_loop3A_426 : i32 to vector<16xi32>
        %parallel_loop3A_428 = arith.andi %parallel_loop3A_421, %parallel_loop3A_427 : vector<16xi32>
        %parallel_loop3A_429 = tpu.bitcast %parallel_loop3A_428 : vector<16xi32> -> vector<16xf32>
        %parallel_loop3A_430 = arith.index_cast %parallel_loop3A_331 : i32 to index
        %parallel_loop3A_431 = arith.constant 96 : index
        %parallel_loop3A_432 = tpu.vector_load %arg10[%parallel_loop3A_430, %parallel_loop3A_431] {strides = array<i32>} : memref<40x256xf32, #tpu.memory_space<vmem>>, vector<1x16xf32>,
        %parallel_loop3A_433 = vector.shape_cast %parallel_loop3A_432 : vector<1x16xf32> to vector<16xf32>
        %parallel_loop3A_434 = vector.shape_cast %parallel_loop3A_425 : vector<16xf32> to vector<1x16xf32>
        tpu.vector_store %arg10[%parallel_loop3A_430, %parallel_loop3A_431], %parallel_loop3A_434 {add = true, strides = array<i32>} : memref<40x256xf32, #tpu.memory_space<vmem>>, vector<1x16xf32>,
        %parallel_loop3A_435 = arith.index_cast %parallel_loop3A_331 : i32 to index
        %parallel_loop3A_436 = arith.constant 112 : index
        %parallel_loop3A_437 = tpu.vector_load %arg10[%parallel_loop3A_435, %parallel_loop3A_436] {strides = array<i32>} : memref<40x256xf32, #tpu.memory_space<vmem>>, vector<1x16xf32>,
        %parallel_loop3A_438 = vector.shape_cast %parallel_loop3A_437 : vector<1x16xf32> to vector<16xf32>
        %parallel_loop3A_439 = vector.shape_cast %parallel_loop3A_429 : vector<16xf32> to vector<1x16xf32>
        tpu.vector_store %arg10[%parallel_loop3A_435, %parallel_loop3A_436], %parallel_loop3A_439 {add = true, strides = array<i32>} : memref<40x256xf32, #tpu.memory_space<vmem>>, vector<1x16xf32>,
        %parallel_loop3A_440 = arith.constant 80 : i32
        %parallel_loop3A_441 = arith.addi %parallel_loop3A_440, %parallel_loop3A_331 : i32
        %parallel_loop3A_442 = arith.constant 128 : i32
        %parallel_loop3A_443 = arith.muli %parallel_loop3A_441, %parallel_loop3A_442 : i32
        %parallel_loop3A_444 = arith.constant 64 : i32
        %parallel_loop3A_445 = arith.addi %parallel_loop3A_443, %parallel_loop3A_444 : i32
        %parallel_loop3A_446 = arith.index_cast %parallel_loop3A_445 : i32 to index
        %parallel_loop3A_447 = tpu.vector_load %arg13[%parallel_loop3A_446] {strides = array<i32>} : memref<25600xi32, #tpu.memory_space<vmem>>, vector<16xi32>,
        %parallel_loop3A_448 = vector.shape_cast %parallel_loop3A_447 : vector<16xi32> to vector<16xi32>
        %parallel_loop3A_449 = arith.constant 16 : i32
        %parallel_loop3A_450 = vector.broadcast %parallel_loop3A_449 : i32 to vector<16xi32>
        %parallel_loop3A_451 = arith.shli %parallel_loop3A_448, %parallel_loop3A_450 : vector<16xi32>
        %parallel_loop3A_452 = tpu.bitcast %parallel_loop3A_451 : vector<16xi32> -> vector<16xf32>
        %parallel_loop3A_453 = arith.constant -65536 : i32
        %parallel_loop3A_454 = vector.broadcast %parallel_loop3A_453 : i32 to vector<16xi32>
        %parallel_loop3A_455 = arith.andi %parallel_loop3A_448, %parallel_loop3A_454 : vector<16xi32>
        %parallel_loop3A_456 = tpu.bitcast %parallel_loop3A_455 : vector<16xi32> -> vector<16xf32>
        %parallel_loop3A_457 = arith.index_cast %parallel_loop3A_331 : i32 to index
        %parallel_loop3A_458 = arith.constant 128 : index
        %parallel_loop3A_459 = tpu.vector_load %arg10[%parallel_loop3A_457, %parallel_loop3A_458] {strides = array<i32>} : memref<40x256xf32, #tpu.memory_space<vmem>>, vector<1x16xf32>,
        %parallel_loop3A_460 = vector.shape_cast %parallel_loop3A_459 : vector<1x16xf32> to vector<16xf32>
        %parallel_loop3A_461 = vector.shape_cast %parallel_loop3A_452 : vector<16xf32> to vector<1x16xf32>
        tpu.vector_store %arg10[%parallel_loop3A_457, %parallel_loop3A_458], %parallel_loop3A_461 {add = true, strides = array<i32>} : memref<40x256xf32, #tpu.memory_space<vmem>>, vector<1x16xf32>,
        %parallel_loop3A_462 = arith.index_cast %parallel_loop3A_331 : i32 to index
        %parallel_loop3A_463 = arith.constant 144 : index
        %parallel_loop3A_464 = tpu.vector_load %arg10[%parallel_loop3A_462, %parallel_loop3A_463] {strides = array<i32>} : memref<40x256xf32, #tpu.memory_space<vmem>>, vector<1x16xf32>,
        %parallel_loop3A_465 = vector.shape_cast %parallel_loop3A_464 : vector<1x16xf32> to vector<16xf32>
        %parallel_loop3A_466 = vector.shape_cast %parallel_loop3A_456 : vector<16xf32> to vector<1x16xf32>
        tpu.vector_store %arg10[%parallel_loop3A_462, %parallel_loop3A_463], %parallel_loop3A_466 {add = true, strides = array<i32>} : memref<40x256xf32, #tpu.memory_space<vmem>>, vector<1x16xf32>,
        %parallel_loop3A_467 = arith.constant 80 : i32
        %parallel_loop3A_468 = arith.addi %parallel_loop3A_467, %parallel_loop3A_331 : i32
        %parallel_loop3A_469 = arith.constant 128 : i32
        %parallel_loop3A_470 = arith.muli %parallel_loop3A_468, %parallel_loop3A_469 : i32
        %parallel_loop3A_471 = arith.constant 80 : i32
        %parallel_loop3A_472 = arith.addi %parallel_loop3A_470, %parallel_loop3A_471 : i32
        %parallel_loop3A_473 = arith.index_cast %parallel_loop3A_472 : i32 to index
        %parallel_loop3A_474 = tpu.vector_load %arg13[%parallel_loop3A_473] {strides = array<i32>} : memref<25600xi32, #tpu.memory_space<vmem>>, vector<16xi32>,
        %parallel_loop3A_475 = vector.shape_cast %parallel_loop3A_474 : vector<16xi32> to vector<16xi32>
        %parallel_loop3A_476 = arith.constant 16 : i32
        %parallel_loop3A_477 = vector.broadcast %parallel_loop3A_476 : i32 to vector<16xi32>
        %parallel_loop3A_478 = arith.shli %parallel_loop3A_475, %parallel_loop3A_477 : vector<16xi32>
        %parallel_loop3A_479 = tpu.bitcast %parallel_loop3A_478 : vector<16xi32> -> vector<16xf32>
        %parallel_loop3A_480 = arith.constant -65536 : i32
        %parallel_loop3A_481 = vector.broadcast %parallel_loop3A_480 : i32 to vector<16xi32>
        %parallel_loop3A_482 = arith.andi %parallel_loop3A_475, %parallel_loop3A_481 : vector<16xi32>
        %parallel_loop3A_483 = tpu.bitcast %parallel_loop3A_482 : vector<16xi32> -> vector<16xf32>
        %parallel_loop3A_484 = arith.index_cast %parallel_loop3A_331 : i32 to index
        %parallel_loop3A_485 = arith.constant 160 : index
        %parallel_loop3A_486 = tpu.vector_load %arg10[%parallel_loop3A_484, %parallel_loop3A_485] {strides = array<i32>} : memref<40x256xf32, #tpu.memory_space<vmem>>, vector<1x16xf32>,
        %parallel_loop3A_487 = vector.shape_cast %parallel_loop3A_486 : vector<1x16xf32> to vector<16xf32>
        %parallel_loop3A_488 = vector.shape_cast %parallel_loop3A_479 : vector<16xf32> to vector<1x16xf32>
        tpu.vector_store %arg10[%parallel_loop3A_484, %parallel_loop3A_485], %parallel_loop3A_488 {add = true, strides = array<i32>} : memref<40x256xf32, #tpu.memory_space<vmem>>, vector<1x16xf32>,
        %parallel_loop3A_489 = arith.index_cast %parallel_loop3A_331 : i32 to index
        %parallel_loop3A_490 = arith.constant 176 : index
        %parallel_loop3A_491 = tpu.vector_load %arg10[%parallel_loop3A_489, %parallel_loop3A_490] {strides = array<i32>} : memref<40x256xf32, #tpu.memory_space<vmem>>, vector<1x16xf32>,
        %parallel_loop3A_492 = vector.shape_cast %parallel_loop3A_491 : vector<1x16xf32> to vector<16xf32>
        %parallel_loop3A_493 = vector.shape_cast %parallel_loop3A_483 : vector<16xf32> to vector<1x16xf32>
        tpu.vector_store %arg10[%parallel_loop3A_489, %parallel_loop3A_490], %parallel_loop3A_493 {add = true, strides = array<i32>} : memref<40x256xf32, #tpu.memory_space<vmem>>, vector<1x16xf32>,
        %parallel_loop3A_494 = arith.constant 80 : i32
        %parallel_loop3A_495 = arith.addi %parallel_loop3A_494, %parallel_loop3A_331 : i32
        %parallel_loop3A_496 = arith.constant 128 : i32
        %parallel_loop3A_497 = arith.muli %parallel_loop3A_495, %parallel_loop3A_496 : i32
        %parallel_loop3A_498 = arith.constant 96 : i32
        %parallel_loop3A_499 = arith.addi %parallel_loop3A_497, %parallel_loop3A_498 : i32
        %parallel_loop3A_500 = arith.index_cast %parallel_loop3A_499 : i32 to index
        %parallel_loop3A_501 = tpu.vector_load %arg13[%parallel_loop3A_500] {strides = array<i32>} : memref<25600xi32, #tpu.memory_space<vmem>>, vector<16xi32>,
        %parallel_loop3A_502 = vector.shape_cast %parallel_loop3A_501 : vector<16xi32> to vector<16xi32>
        %parallel_loop3A_503 = arith.constant 16 : i32
        %parallel_loop3A_504 = vector.broadcast %parallel_loop3A_503 : i32 to vector<16xi32>
        %parallel_loop3A_505 = arith.shli %parallel_loop3A_502, %parallel_loop3A_504 : vector<16xi32>
        %parallel_loop3A_506 = tpu.bitcast %parallel_loop3A_505 : vector<16xi32> -> vector<16xf32>
        %parallel_loop3A_507 = arith.constant -65536 : i32
        %parallel_loop3A_508 = vector.broadcast %parallel_loop3A_507 : i32 to vector<16xi32>
        %parallel_loop3A_509 = arith.andi %parallel_loop3A_502, %parallel_loop3A_508 : vector<16xi32>
        %parallel_loop3A_510 = tpu.bitcast %parallel_loop3A_509 : vector<16xi32> -> vector<16xf32>
        %parallel_loop3A_511 = arith.index_cast %parallel_loop3A_331 : i32 to index
        %parallel_loop3A_512 = arith.constant 192 : index
        %parallel_loop3A_513 = tpu.vector_load %arg10[%parallel_loop3A_511, %parallel_loop3A_512] {strides = array<i32>} : memref<40x256xf32, #tpu.memory_space<vmem>>, vector<1x16xf32>,
        %parallel_loop3A_514 = vector.shape_cast %parallel_loop3A_513 : vector<1x16xf32> to vector<16xf32>
        %parallel_loop3A_515 = vector.shape_cast %parallel_loop3A_506 : vector<16xf32> to vector<1x16xf32>
        tpu.vector_store %arg10[%parallel_loop3A_511, %parallel_loop3A_512], %parallel_loop3A_515 {add = true, strides = array<i32>} : memref<40x256xf32, #tpu.memory_space<vmem>>, vector<1x16xf32>,
        %parallel_loop3A_516 = arith.index_cast %parallel_loop3A_331 : i32 to index
        %parallel_loop3A_517 = arith.constant 208 : index
        %parallel_loop3A_518 = tpu.vector_load %arg10[%parallel_loop3A_516, %parallel_loop3A_517] {strides = array<i32>} : memref<40x256xf32, #tpu.memory_space<vmem>>, vector<1x16xf32>,
        %parallel_loop3A_519 = vector.shape_cast %parallel_loop3A_518 : vector<1x16xf32> to vector<16xf32>
        %parallel_loop3A_520 = vector.shape_cast %parallel_loop3A_510 : vector<16xf32> to vector<1x16xf32>
        tpu.vector_store %arg10[%parallel_loop3A_516, %parallel_loop3A_517], %parallel_loop3A_520 {add = true, strides = array<i32>} : memref<40x256xf32, #tpu.memory_space<vmem>>, vector<1x16xf32>,
        %parallel_loop3A_521 = arith.constant 80 : i32
        %parallel_loop3A_522 = arith.addi %parallel_loop3A_521, %parallel_loop3A_331 : i32
        %parallel_loop3A_523 = arith.constant 128 : i32
        %parallel_loop3A_524 = arith.muli %parallel_loop3A_522, %parallel_loop3A_523 : i32
        %parallel_loop3A_525 = arith.constant 112 : i32
        %parallel_loop3A_526 = arith.addi %parallel_loop3A_524, %parallel_loop3A_525 : i32
        %parallel_loop3A_527 = arith.index_cast %parallel_loop3A_526 : i32 to index
        %parallel_loop3A_528 = tpu.vector_load %arg13[%parallel_loop3A_527] {strides = array<i32>} : memref<25600xi32, #tpu.memory_space<vmem>>, vector<16xi32>,
        %parallel_loop3A_529 = vector.shape_cast %parallel_loop3A_528 : vector<16xi32> to vector<16xi32>
        %parallel_loop3A_530 = arith.constant 16 : i32
        %parallel_loop3A_531 = vector.broadcast %parallel_loop3A_530 : i32 to vector<16xi32>
        %parallel_loop3A_532 = arith.shli %parallel_loop3A_529, %parallel_loop3A_531 : vector<16xi32>
        %parallel_loop3A_533 = tpu.bitcast %parallel_loop3A_532 : vector<16xi32> -> vector<16xf32>
        %parallel_loop3A_534 = arith.constant -65536 : i32
        %parallel_loop3A_535 = vector.broadcast %parallel_loop3A_534 : i32 to vector<16xi32>
        %parallel_loop3A_536 = arith.andi %parallel_loop3A_529, %parallel_loop3A_535 : vector<16xi32>
        %parallel_loop3A_537 = tpu.bitcast %parallel_loop3A_536 : vector<16xi32> -> vector<16xf32>
        %parallel_loop3A_538 = arith.index_cast %parallel_loop3A_331 : i32 to index
        %parallel_loop3A_539 = arith.constant 224 : index
        %parallel_loop3A_540 = tpu.vector_load %arg10[%parallel_loop3A_538, %parallel_loop3A_539] {strides = array<i32>} : memref<40x256xf32, #tpu.memory_space<vmem>>, vector<1x16xf32>,
        %parallel_loop3A_541 = vector.shape_cast %parallel_loop3A_540 : vector<1x16xf32> to vector<16xf32>
        %parallel_loop3A_542 = vector.shape_cast %parallel_loop3A_533 : vector<16xf32> to vector<1x16xf32>
        tpu.vector_store %arg10[%parallel_loop3A_538, %parallel_loop3A_539], %parallel_loop3A_542 {add = true, strides = array<i32>} : memref<40x256xf32, #tpu.memory_space<vmem>>, vector<1x16xf32>,
        %parallel_loop3A_543 = arith.index_cast %parallel_loop3A_331 : i32 to index
        %parallel_loop3A_544 = arith.constant 240 : index
        %parallel_loop3A_545 = tpu.vector_load %arg10[%parallel_loop3A_543, %parallel_loop3A_544] {strides = array<i32>} : memref<40x256xf32, #tpu.memory_space<vmem>>, vector<1x16xf32>,
        %parallel_loop3A_546 = vector.shape_cast %parallel_loop3A_545 : vector<1x16xf32> to vector<16xf32>
        %parallel_loop3A_547 = vector.shape_cast %parallel_loop3A_537 : vector<16xf32> to vector<1x16xf32>
        tpu.vector_store %arg10[%parallel_loop3A_543, %parallel_loop3A_544], %parallel_loop3A_547 {add = true, strides = array<i32>} : memref<40x256xf32, #tpu.memory_space<vmem>>, vector<1x16xf32>,
      } {sc.loop_unroll_factor = 2 : i64, sc.parallel_access}
      %add3A_128 = arith.constant 80 : i32
      %add3A_129 = arith.addi %add3A_67, %add3A_128 : i32
      %dma_start3A_130 = arith.constant 0 : i32
      %dma_start3A_131 = tpu.memref_slice %arg5[%add3A_129, %dma_start3A_130] : memref<819200x256xf32, #tpu.memory_space<hbm>> -> memref<40x256xf32, #tpu.memory_space<hbm>>
      %dma_start3A_132 = arith.constant 0 : i32
      %dma_start3A_133 = tpu.memref_slice %arg5[%add3A_129, %dma_start3A_132] : memref<819200x256xf32, #tpu.memory_space<hbm>> -> memref<40x256xf32, #tpu.memory_space<hbm>>
      tpu.enqueue_dma source(%arg10 : memref<40x256xf32, #tpu.memory_space<vmem>>) target(%dma_start3A_133 : memref<40x256xf32, #tpu.memory_space<hbm>>) target_semaphore(%arg21 : memref<!tpu.dma_semaphore, #tpu.memory_space<semaphore_mem>>)
      %dma_wait3A_134 = arith.constant 40 : i32
      %dma_wait3A_135 = arith.constant 0 : i32
      %dma_wait3A_136 = tpu.memref_slice %arg5[%dma_wait3A_134, %dma_wait3A_135] : memref<819200x256xf32, #tpu.memory_space<hbm>> -> memref<40x256xf32, #tpu.memory_space<hbm>>
      %dma_wait3A_137 = arith.constant 40 : i32
      %dma_wait3A_138 = arith.constant 0 : i32
      %dma_wait3A_139 = tpu.memref_slice %arg5[%dma_wait3A_137, %dma_wait3A_138] : memref<819200x256xf32, #tpu.memory_space<hbm>> -> memref<40x256xf32, #tpu.memory_space<hbm>>
      tpu.wait_dma2 semaphore(%arg20 : memref<!tpu.dma_semaphore, #tpu.memory_space<semaphore_mem>>) src(%arg9 : memref<40x256xf32, #tpu.memory_space<vmem>>) dst(%dma_wait3A_139 : memref<40x256xf32, #tpu.memory_space<hbm>>)
      %dma_start3A_140 = arith.constant 40 : i32
      %dma_start3A_141 = tpu.memref_slice %arg7[%dma_start3A_140] : memref<200xi32, #tpu.memory_space<vmem>> -> memref<40xi32, #tpu.memory_space<vmem>>
      %dma_start3A_142 = arith.constant 0 : i32
      %dma_start3A_143 = arith.constant 0 : i32
      %dma_start3A_144 = tpu.memref_slice %arg3[%dma_start3A_142, %dma_start3A_143] : memref<16000x256xf32, #tpu.memory_space<hbm>> -> memref<16000x256xf32, #tpu.memory_space<hbm>>
      tpu.enqueue_indirect_dma source(%dma_start3A_144 : memref<16000x256xf32, #tpu.memory_space<hbm>>) target(%arg9 : memref<40x256xf32, #tpu.memory_space<vmem>>) offsets(%dma_start3A_141 : memref<40xi32, #tpu.memory_space<vmem>>) semaphore(%arg15 : memref<!tpu.dma_semaphore, #tpu.memory_space<semaphore_mem>>)
      %dma_wait3A_145 = arith.constant 0 : i32
      %dma_wait3A_146 = arith.constant 0 : i32
      %dma_wait3A_147 = tpu.memref_slice %arg3[%dma_wait3A_145, %dma_wait3A_146] : memref<16000x256xf32, #tpu.memory_space<hbm>> -> memref<40x256xf32, #tpu.memory_space<hbm>>
      %dma_wait3A_148 = arith.constant 0 : i32
      %dma_wait3A_149 = arith.constant 0 : i32
      %dma_wait3A_150 = tpu.memref_slice %arg3[%dma_wait3A_148, %dma_wait3A_149] : memref<16000x256xf32, #tpu.memory_space<hbm>> -> memref<40x256xf32, #tpu.memory_space<hbm>>
      tpu.wait_dma2 semaphore(%arg17 : memref<!tpu.dma_semaphore, #tpu.memory_space<semaphore_mem>>) src(%dma_wait3A_150 : memref<40x256xf32, #tpu.memory_space<hbm>>) dst(%arg11 : memref<40x256xf32, #tpu.memory_space<vmem>>)
      %parallel_loop3A_151 = arith.constant 0 : i32
      %parallel_loop3A_152 = arith.constant 40 : i32
      %parallel_loop3A_153 = arith.constant 1 : i32
      scf.for %parallel_loop3A_331 = %parallel_loop3A_151 to %parallel_loop3A_152 step %parallel_loop3A_153  : i32 {
        %parallel_loop3A_332 = arith.constant 120 : i32
        %parallel_loop3A_333 = arith.addi %parallel_loop3A_332, %parallel_loop3A_331 : i32
        %parallel_loop3A_334 = arith.constant 128 : i32
        %parallel_loop3A_335 = arith.muli %parallel_loop3A_333, %parallel_loop3A_334 : i32
        %parallel_loop3A_336 = arith.constant 0 : i32
        %parallel_loop3A_337 = arith.addi %parallel_loop3A_335, %parallel_loop3A_336 : i32
        %parallel_loop3A_338 = arith.index_cast %parallel_loop3A_337 : i32 to index
        %parallel_loop3A_339 = tpu.vector_load %arg13[%parallel_loop3A_338] {strides = array<i32>} : memref<25600xi32, #tpu.memory_space<vmem>>, vector<16xi32>,
        %parallel_loop3A_340 = vector.shape_cast %parallel_loop3A_339 : vector<16xi32> to vector<16xi32>
        %parallel_loop3A_341 = arith.constant 16 : i32
        %parallel_loop3A_342 = vector.broadcast %parallel_loop3A_341 : i32 to vector<16xi32>
        %parallel_loop3A_343 = arith.shli %parallel_loop3A_340, %parallel_loop3A_342 : vector<16xi32>
        %parallel_loop3A_344 = tpu.bitcast %parallel_loop3A_343 : vector<16xi32> -> vector<16xf32>
        %parallel_loop3A_345 = arith.constant -65536 : i32
        %parallel_loop3A_346 = vector.broadcast %parallel_loop3A_345 : i32 to vector<16xi32>
        %parallel_loop3A_347 = arith.andi %parallel_loop3A_340, %parallel_loop3A_346 : vector<16xi32>
        %parallel_loop3A_348 = tpu.bitcast %parallel_loop3A_347 : vector<16xi32> -> vector<16xf32>
        %parallel_loop3A_349 = arith.index_cast %parallel_loop3A_331 : i32 to index
        %parallel_loop3A_350 = arith.constant 0 : index
        %parallel_loop3A_351 = tpu.vector_load %arg11[%parallel_loop3A_349, %parallel_loop3A_350] {strides = array<i32>} : memref<40x256xf32, #tpu.memory_space<vmem>>, vector<1x16xf32>,
        %parallel_loop3A_352 = vector.shape_cast %parallel_loop3A_351 : vector<1x16xf32> to vector<16xf32>
        %parallel_loop3A_353 = vector.shape_cast %parallel_loop3A_344 : vector<16xf32> to vector<1x16xf32>
        tpu.vector_store %arg11[%parallel_loop3A_349, %parallel_loop3A_350], %parallel_loop3A_353 {add = true, strides = array<i32>} : memref<40x256xf32, #tpu.memory_space<vmem>>, vector<1x16xf32>,
        %parallel_loop3A_354 = arith.index_cast %parallel_loop3A_331 : i32 to index
        %parallel_loop3A_355 = arith.constant 16 : index
        %parallel_loop3A_356 = tpu.vector_load %arg11[%parallel_loop3A_354, %parallel_loop3A_355] {strides = array<i32>} : memref<40x256xf32, #tpu.memory_space<vmem>>, vector<1x16xf32>,
        %parallel_loop3A_357 = vector.shape_cast %parallel_loop3A_356 : vector<1x16xf32> to vector<16xf32>
        %parallel_loop3A_358 = vector.shape_cast %parallel_loop3A_348 : vector<16xf32> to vector<1x16xf32>
        tpu.vector_store %arg11[%parallel_loop3A_354, %parallel_loop3A_355], %parallel_loop3A_358 {add = true, strides = array<i32>} : memref<40x256xf32, #tpu.memory_space<vmem>>, vector<1x16xf32>,
        %parallel_loop3A_359 = arith.constant 120 : i32
        %parallel_loop3A_360 = arith.addi %parallel_loop3A_359, %parallel_loop3A_331 : i32
        %parallel_loop3A_361 = arith.constant 128 : i32
        %parallel_loop3A_362 = arith.muli %parallel_loop3A_360, %parallel_loop3A_361 : i32
        %parallel_loop3A_363 = arith.constant 16 : i32
        %parallel_loop3A_364 = arith.addi %parallel_loop3A_362, %parallel_loop3A_363 : i32
        %parallel_loop3A_365 = arith.index_cast %parallel_loop3A_364 : i32 to index
        %parallel_loop3A_366 = tpu.vector_load %arg13[%parallel_loop3A_365] {strides = array<i32>} : memref<25600xi32, #tpu.memory_space<vmem>>, vector<16xi32>,
        %parallel_loop3A_367 = vector.shape_cast %parallel_loop3A_366 : vector<16xi32> to vector<16xi32>
        %parallel_loop3A_368 = arith.constant 16 : i32
        %parallel_loop3A_369 = vector.broadcast %parallel_loop3A_368 : i32 to vector<16xi32>
        %parallel_loop3A_370 = arith.shli %parallel_loop3A_367, %parallel_loop3A_369 : vector<16xi32>
        %parallel_loop3A_371 = tpu.bitcast %parallel_loop3A_370 : vector<16xi32> -> vector<16xf32>
        %parallel_loop3A_372 = arith.constant -65536 : i32
        %parallel_loop3A_373 = vector.broadcast %parallel_loop3A_372 : i32 to vector<16xi32>
        %parallel_loop3A_374 = arith.andi %parallel_loop3A_367, %parallel_loop3A_373 : vector<16xi32>
        %parallel_loop3A_375 = tpu.bitcast %parallel_loop3A_374 : vector<16xi32> -> vector<16xf32>
        %parallel_loop3A_376 = arith.index_cast %parallel_loop3A_331 : i32 to index
        %parallel_loop3A_377 = arith.constant 32 : index
        %parallel_loop3A_378 = tpu.vector_load %arg11[%parallel_loop3A_376, %parallel_loop3A_377] {strides = array<i32>} : memref<40x256xf32, #tpu.memory_space<vmem>>, vector<1x16xf32>,
        %parallel_loop3A_379 = vector.shape_cast %parallel_loop3A_378 : vector<1x16xf32> to vector<16xf32>
        %parallel_loop3A_380 = vector.shape_cast %parallel_loop3A_371 : vector<16xf32> to vector<1x16xf32>
        tpu.vector_store %arg11[%parallel_loop3A_376, %parallel_loop3A_377], %parallel_loop3A_380 {add = true, strides = array<i32>} : memref<40x256xf32, #tpu.memory_space<vmem>>, vector<1x16xf32>,
        %parallel_loop3A_381 = arith.index_cast %parallel_loop3A_331 : i32 to index
        %parallel_loop3A_382 = arith.constant 48 : index
        %parallel_loop3A_383 = tpu.vector_load %arg11[%parallel_loop3A_381, %parallel_loop3A_382] {strides = array<i32>} : memref<40x256xf32, #tpu.memory_space<vmem>>, vector<1x16xf32>,
        %parallel_loop3A_384 = vector.shape_cast %parallel_loop3A_383 : vector<1x16xf32> to vector<16xf32>
        %parallel_loop3A_385 = vector.shape_cast %parallel_loop3A_375 : vector<16xf32> to vector<1x16xf32>
        tpu.vector_store %arg11[%parallel_loop3A_381, %parallel_loop3A_382], %parallel_loop3A_385 {add = true, strides = array<i32>} : memref<40x256xf32, #tpu.memory_space<vmem>>, vector<1x16xf32>,
        %parallel_loop3A_386 = arith.constant 120 : i32
        %parallel_loop3A_387 = arith.addi %parallel_loop3A_386, %parallel_loop3A_331 : i32
        %parallel_loop3A_388 = arith.constant 128 : i32
        %parallel_loop3A_389 = arith.muli %parallel_loop3A_387, %parallel_loop3A_388 : i32
        %parallel_loop3A_390 = arith.constant 32 : i32
        %parallel_loop3A_391 = arith.addi %parallel_loop3A_389, %parallel_loop3A_390 : i32
        %parallel_loop3A_392 = arith.index_cast %parallel_loop3A_391 : i32 to index
        %parallel_loop3A_393 = tpu.vector_load %arg13[%parallel_loop3A_392] {strides = array<i32>} : memref<25600xi32, #tpu.memory_space<vmem>>, vector<16xi32>,
        %parallel_loop3A_394 = vector.shape_cast %parallel_loop3A_393 : vector<16xi32> to vector<16xi32>
        %parallel_loop3A_395 = arith.constant 16 : i32
        %parallel_loop3A_396 = vector.broadcast %parallel_loop3A_395 : i32 to vector<16xi32>
        %parallel_loop3A_397 = arith.shli %parallel_loop3A_394, %parallel_loop3A_396 : vector<16xi32>
        %parallel_loop3A_398 = tpu.bitcast %parallel_loop3A_397 : vector<16xi32> -> vector<16xf32>
        %parallel_loop3A_399 = arith.constant -65536 : i32
        %parallel_loop3A_400 = vector.broadcast %parallel_loop3A_399 : i32 to vector<16xi32>
        %parallel_loop3A_401 = arith.andi %parallel_loop3A_394, %parallel_loop3A_400 : vector<16xi32>
        %parallel_loop3A_402 = tpu.bitcast %parallel_loop3A_401 : vector<16xi32> -> vector<16xf32>
        %parallel_loop3A_403 = arith.index_cast %parallel_loop3A_331 : i32 to index
        %parallel_loop3A_404 = arith.constant 64 : index
        %parallel_loop3A_405 = tpu.vector_load %arg11[%parallel_loop3A_403, %parallel_loop3A_404] {strides = array<i32>} : memref<40x256xf32, #tpu.memory_space<vmem>>, vector<1x16xf32>,
        %parallel_loop3A_406 = vector.shape_cast %parallel_loop3A_405 : vector<1x16xf32> to vector<16xf32>
        %parallel_loop3A_407 = vector.shape_cast %parallel_loop3A_398 : vector<16xf32> to vector<1x16xf32>
        tpu.vector_store %arg11[%parallel_loop3A_403, %parallel_loop3A_404], %parallel_loop3A_407 {add = true, strides = array<i32>} : memref<40x256xf32, #tpu.memory_space<vmem>>, vector<1x16xf32>,
        %parallel_loop3A_408 = arith.index_cast %parallel_loop3A_331 : i32 to index
        %parallel_loop3A_409 = arith.constant 80 : index
        %parallel_loop3A_410 = tpu.vector_load %arg11[%parallel_loop3A_408, %parallel_loop3A_409] {strides = array<i32>} : memref<40x256xf32, #tpu.memory_space<vmem>>, vector<1x16xf32>,
        %parallel_loop3A_411 = vector.shape_cast %parallel_loop3A_410 : vector<1x16xf32> to vector<16xf32>
        %parallel_loop3A_412 = vector.shape_cast %parallel_loop3A_402 : vector<16xf32> to vector<1x16xf32>
        tpu.vector_store %arg11[%parallel_loop3A_408, %parallel_loop3A_409], %parallel_loop3A_412 {add = true, strides = array<i32>} : memref<40x256xf32, #tpu.memory_space<vmem>>, vector<1x16xf32>,
        %parallel_loop3A_413 = arith.constant 120 : i32
        %parallel_loop3A_414 = arith.addi %parallel_loop3A_413, %parallel_loop3A_331 : i32
        %parallel_loop3A_415 = arith.constant 128 : i32
        %parallel_loop3A_416 = arith.muli %parallel_loop3A_414, %parallel_loop3A_415 : i32
        %parallel_loop3A_417 = arith.constant 48 : i32
        %parallel_loop3A_418 = arith.addi %parallel_loop3A_416, %parallel_loop3A_417 : i32
        %parallel_loop3A_419 = arith.index_cast %parallel_loop3A_418 : i32 to index
        %parallel_loop3A_420 = tpu.vector_load %arg13[%parallel_loop3A_419] {strides = array<i32>} : memref<25600xi32, #tpu.memory_space<vmem>>, vector<16xi32>,
        %parallel_loop3A_421 = vector.shape_cast %parallel_loop3A_420 : vector<16xi32> to vector<16xi32>
        %parallel_loop3A_422 = arith.constant 16 : i32
        %parallel_loop3A_423 = vector.broadcast %parallel_loop3A_422 : i32 to vector<16xi32>
        %parallel_loop3A_424 = arith.shli %parallel_loop3A_421, %parallel_loop3A_423 : vector<16xi32>
        %parallel_loop3A_425 = tpu.bitcast %parallel_loop3A_424 : vector<16xi32> -> vector<16xf32>
        %parallel_loop3A_426 = arith.constant -65536 : i32
        %parallel_loop3A_427 = vector.broadcast %parallel_loop3A_426 : i32 to vector<16xi32>
        %parallel_loop3A_428 = arith.andi %parallel_loop3A_421, %parallel_loop3A_427 : vector<16xi32>
        %parallel_loop3A_429 = tpu.bitcast %parallel_loop3A_428 : vector<16xi32> -> vector<16xf32>
        %parallel_loop3A_430 = arith.index_cast %parallel_loop3A_331 : i32 to index
        %parallel_loop3A_431 = arith.constant 96 : index
        %parallel_loop3A_432 = tpu.vector_load %arg11[%parallel_loop3A_430, %parallel_loop3A_431] {strides = array<i32>} : memref<40x256xf32, #tpu.memory_space<vmem>>, vector<1x16xf32>,
        %parallel_loop3A_433 = vector.shape_cast %parallel_loop3A_432 : vector<1x16xf32> to vector<16xf32>
        %parallel_loop3A_434 = vector.shape_cast %parallel_loop3A_425 : vector<16xf32> to vector<1x16xf32>
        tpu.vector_store %arg11[%parallel_loop3A_430, %parallel_loop3A_431], %parallel_loop3A_434 {add = true, strides = array<i32>} : memref<40x256xf32, #tpu.memory_space<vmem>>, vector<1x16xf32>,
        %parallel_loop3A_435 = arith.index_cast %parallel_loop3A_331 : i32 to index
        %parallel_loop3A_436 = arith.constant 112 : index
        %parallel_loop3A_437 = tpu.vector_load %arg11[%parallel_loop3A_435, %parallel_loop3A_436] {strides = array<i32>} : memref<40x256xf32, #tpu.memory_space<vmem>>, vector<1x16xf32>,
        %parallel_loop3A_438 = vector.shape_cast %parallel_loop3A_437 : vector<1x16xf32> to vector<16xf32>
        %parallel_loop3A_439 = vector.shape_cast %parallel_loop3A_429 : vector<16xf32> to vector<1x16xf32>
        tpu.vector_store %arg11[%parallel_loop3A_435, %parallel_loop3A_436], %parallel_loop3A_439 {add = true, strides = array<i32>} : memref<40x256xf32, #tpu.memory_space<vmem>>, vector<1x16xf32>,
        %parallel_loop3A_440 = arith.constant 120 : i32
        %parallel_loop3A_441 = arith.addi %parallel_loop3A_440, %parallel_loop3A_331 : i32
        %parallel_loop3A_442 = arith.constant 128 : i32
        %parallel_loop3A_443 = arith.muli %parallel_loop3A_441, %parallel_loop3A_442 : i32
        %parallel_loop3A_444 = arith.constant 64 : i32
        %parallel_loop3A_445 = arith.addi %parallel_loop3A_443, %parallel_loop3A_444 : i32
        %parallel_loop3A_446 = arith.index_cast %parallel_loop3A_445 : i32 to index
        %parallel_loop3A_447 = tpu.vector_load %arg13[%parallel_loop3A_446] {strides = array<i32>} : memref<25600xi32, #tpu.memory_space<vmem>>, vector<16xi32>,
        %parallel_loop3A_448 = vector.shape_cast %parallel_loop3A_447 : vector<16xi32> to vector<16xi32>
        %parallel_loop3A_449 = arith.constant 16 : i32
        %parallel_loop3A_450 = vector.broadcast %parallel_loop3A_449 : i32 to vector<16xi32>
        %parallel_loop3A_451 = arith.shli %parallel_loop3A_448, %parallel_loop3A_450 : vector<16xi32>
        %parallel_loop3A_452 = tpu.bitcast %parallel_loop3A_451 : vector<16xi32> -> vector<16xf32>
        %parallel_loop3A_453 = arith.constant -65536 : i32
        %parallel_loop3A_454 = vector.broadcast %parallel_loop3A_453 : i32 to vector<16xi32>
        %parallel_loop3A_455 = arith.andi %parallel_loop3A_448, %parallel_loop3A_454 : vector<16xi32>
        %parallel_loop3A_456 = tpu.bitcast %parallel_loop3A_455 : vector<16xi32> -> vector<16xf32>
        %parallel_loop3A_457 = arith.index_cast %parallel_loop3A_331 : i32 to index
        %parallel_loop3A_458 = arith.constant 128 : index
        %parallel_loop3A_459 = tpu.vector_load %arg11[%parallel_loop3A_457, %parallel_loop3A_458] {strides = array<i32>} : memref<40x256xf32, #tpu.memory_space<vmem>>, vector<1x16xf32>,
        %parallel_loop3A_460 = vector.shape_cast %parallel_loop3A_459 : vector<1x16xf32> to vector<16xf32>
        %parallel_loop3A_461 = vector.shape_cast %parallel_loop3A_452 : vector<16xf32> to vector<1x16xf32>
        tpu.vector_store %arg11[%parallel_loop3A_457, %parallel_loop3A_458], %parallel_loop3A_461 {add = true, strides = array<i32>} : memref<40x256xf32, #tpu.memory_space<vmem>>, vector<1x16xf32>,
        %parallel_loop3A_462 = arith.index_cast %parallel_loop3A_331 : i32 to index
        %parallel_loop3A_463 = arith.constant 144 : index
        %parallel_loop3A_464 = tpu.vector_load %arg11[%parallel_loop3A_462, %parallel_loop3A_463] {strides = array<i32>} : memref<40x256xf32, #tpu.memory_space<vmem>>, vector<1x16xf32>,
        %parallel_loop3A_465 = vector.shape_cast %parallel_loop3A_464 : vector<1x16xf32> to vector<16xf32>
        %parallel_loop3A_466 = vector.shape_cast %parallel_loop3A_456 : vector<16xf32> to vector<1x16xf32>
        tpu.vector_store %arg11[%parallel_loop3A_462, %parallel_loop3A_463], %parallel_loop3A_466 {add = true, strides = array<i32>} : memref<40x256xf32, #tpu.memory_space<vmem>>, vector<1x16xf32>,
        %parallel_loop3A_467 = arith.constant 120 : i32
        %parallel_loop3A_468 = arith.addi %parallel_loop3A_467, %parallel_loop3A_331 : i32
        %parallel_loop3A_469 = arith.constant 128 : i32
        %parallel_loop3A_470 = arith.muli %parallel_loop3A_468, %parallel_loop3A_469 : i32
        %parallel_loop3A_471 = arith.constant 80 : i32
        %parallel_loop3A_472 = arith.addi %parallel_loop3A_470, %parallel_loop3A_471 : i32
        %parallel_loop3A_473 = arith.index_cast %parallel_loop3A_472 : i32 to index
        %parallel_loop3A_474 = tpu.vector_load %arg13[%parallel_loop3A_473] {strides = array<i32>} : memref<25600xi32, #tpu.memory_space<vmem>>, vector<16xi32>,
        %parallel_loop3A_475 = vector.shape_cast %parallel_loop3A_474 : vector<16xi32> to vector<16xi32>
        %parallel_loop3A_476 = arith.constant 16 : i32
        %parallel_loop3A_477 = vector.broadcast %parallel_loop3A_476 : i32 to vector<16xi32>
        %parallel_loop3A_478 = arith.shli %parallel_loop3A_475, %parallel_loop3A_477 : vector<16xi32>
        %parallel_loop3A_479 = tpu.bitcast %parallel_loop3A_478 : vector<16xi32> -> vector<16xf32>
        %parallel_loop3A_480 = arith.constant -65536 : i32
        %parallel_loop3A_481 = vector.broadcast %parallel_loop3A_480 : i32 to vector<16xi32>
        %parallel_loop3A_482 = arith.andi %parallel_loop3A_475, %parallel_loop3A_481 : vector<16xi32>
        %parallel_loop3A_483 = tpu.bitcast %parallel_loop3A_482 : vector<16xi32> -> vector<16xf32>
        %parallel_loop3A_484 = arith.index_cast %parallel_loop3A_331 : i32 to index
        %parallel_loop3A_485 = arith.constant 160 : index
        %parallel_loop3A_486 = tpu.vector_load %arg11[%parallel_loop3A_484, %parallel_loop3A_485] {strides = array<i32>} : memref<40x256xf32, #tpu.memory_space<vmem>>, vector<1x16xf32>,
        %parallel_loop3A_487 = vector.shape_cast %parallel_loop3A_486 : vector<1x16xf32> to vector<16xf32>
        %parallel_loop3A_488 = vector.shape_cast %parallel_loop3A_479 : vector<16xf32> to vector<1x16xf32>
        tpu.vector_store %arg11[%parallel_loop3A_484, %parallel_loop3A_485], %parallel_loop3A_488 {add = true, strides = array<i32>} : memref<40x256xf32, #tpu.memory_space<vmem>>, vector<1x16xf32>,
        %parallel_loop3A_489 = arith.index_cast %parallel_loop3A_331 : i32 to index
        %parallel_loop3A_490 = arith.constant 176 : index
        %parallel_loop3A_491 = tpu.vector_load %arg11[%parallel_loop3A_489, %parallel_loop3A_490] {strides = array<i32>} : memref<40x256xf32, #tpu.memory_space<vmem>>, vector<1x16xf32>,
        %parallel_loop3A_492 = vector.shape_cast %parallel_loop3A_491 : vector<1x16xf32> to vector<16xf32>
        %parallel_loop3A_493 = vector.shape_cast %parallel_loop3A_483 : vector<16xf32> to vector<1x16xf32>
        tpu.vector_store %arg11[%parallel_loop3A_489, %parallel_loop3A_490], %parallel_loop3A_493 {add = true, strides = array<i32>} : memref<40x256xf32, #tpu.memory_space<vmem>>, vector<1x16xf32>,
        %parallel_loop3A_494 = arith.constant 120 : i32
        %parallel_loop3A_495 = arith.addi %parallel_loop3A_494, %parallel_loop3A_331 : i32
        %parallel_loop3A_496 = arith.constant 128 : i32
        %parallel_loop3A_497 = arith.muli %parallel_loop3A_495, %parallel_loop3A_496 : i32
        %parallel_loop3A_498 = arith.constant 96 : i32
        %parallel_loop3A_499 = arith.addi %parallel_loop3A_497, %parallel_loop3A_498 : i32
        %parallel_loop3A_500 = arith.index_cast %parallel_loop3A_499 : i32 to index
        %parallel_loop3A_501 = tpu.vector_load %arg13[%parallel_loop3A_500] {strides = array<i32>} : memref<25600xi32, #tpu.memory_space<vmem>>, vector<16xi32>,
        %parallel_loop3A_502 = vector.shape_cast %parallel_loop3A_501 : vector<16xi32> to vector<16xi32>
        %parallel_loop3A_503 = arith.constant 16 : i32
        %parallel_loop3A_504 = vector.broadcast %parallel_loop3A_503 : i32 to vector<16xi32>
        %parallel_loop3A_505 = arith.shli %parallel_loop3A_502, %parallel_loop3A_504 : vector<16xi32>
        %parallel_loop3A_506 = tpu.bitcast %parallel_loop3A_505 : vector<16xi32> -> vector<16xf32>
        %parallel_loop3A_507 = arith.constant -65536 : i32
        %parallel_loop3A_508 = vector.broadcast %parallel_loop3A_507 : i32 to vector<16xi32>
        %parallel_loop3A_509 = arith.andi %parallel_loop3A_502, %parallel_loop3A_508 : vector<16xi32>
        %parallel_loop3A_510 = tpu.bitcast %parallel_loop3A_509 : vector<16xi32> -> vector<16xf32>
        %parallel_loop3A_511 = arith.index_cast %parallel_loop3A_331 : i32 to index
        %parallel_loop3A_512 = arith.constant 192 : index
        %parallel_loop3A_513 = tpu.vector_load %arg11[%parallel_loop3A_511, %parallel_loop3A_512] {strides = array<i32>} : memref<40x256xf32, #tpu.memory_space<vmem>>, vector<1x16xf32>,
        %parallel_loop3A_514 = vector.shape_cast %parallel_loop3A_513 : vector<1x16xf32> to vector<16xf32>
        %parallel_loop3A_515 = vector.shape_cast %parallel_loop3A_506 : vector<16xf32> to vector<1x16xf32>
        tpu.vector_store %arg11[%parallel_loop3A_511, %parallel_loop3A_512], %parallel_loop3A_515 {add = true, strides = array<i32>} : memref<40x256xf32, #tpu.memory_space<vmem>>, vector<1x16xf32>,
        %parallel_loop3A_516 = arith.index_cast %parallel_loop3A_331 : i32 to index
        %parallel_loop3A_517 = arith.constant 208 : index
        %parallel_loop3A_518 = tpu.vector_load %arg11[%parallel_loop3A_516, %parallel_loop3A_517] {strides = array<i32>} : memref<40x256xf32, #tpu.memory_space<vmem>>, vector<1x16xf32>,
        %parallel_loop3A_519 = vector.shape_cast %parallel_loop3A_518 : vector<1x16xf32> to vector<16xf32>
        %parallel_loop3A_520 = vector.shape_cast %parallel_loop3A_510 : vector<16xf32> to vector<1x16xf32>
        tpu.vector_store %arg11[%parallel_loop3A_516, %parallel_loop3A_517], %parallel_loop3A_520 {add = true, strides = array<i32>} : memref<40x256xf32, #tpu.memory_space<vmem>>, vector<1x16xf32>,
        %parallel_loop3A_521 = arith.constant 120 : i32
        %parallel_loop3A_522 = arith.addi %parallel_loop3A_521, %parallel_loop3A_331 : i32
        %parallel_loop3A_523 = arith.constant 128 : i32
        %parallel_loop3A_524 = arith.muli %parallel_loop3A_522, %parallel_loop3A_523 : i32
        %parallel_loop3A_525 = arith.constant 112 : i32
        %parallel_loop3A_526 = arith.addi %parallel_loop3A_524, %parallel_loop3A_525 : i32
        %parallel_loop3A_527 = arith.index_cast %parallel_loop3A_526 : i32 to index
        %parallel_loop3A_528 = tpu.vector_load %arg13[%parallel_loop3A_527] {strides = array<i32>} : memref<25600xi32, #tpu.memory_space<vmem>>, vector<16xi32>,
        %parallel_loop3A_529 = vector.shape_cast %parallel_loop3A_528 : vector<16xi32> to vector<16xi32>
        %parallel_loop3A_530 = arith.constant 16 : i32
        %parallel_loop3A_531 = vector.broadcast %parallel_loop3A_530 : i32 to vector<16xi32>
        %parallel_loop3A_532 = arith.shli %parallel_loop3A_529, %parallel_loop3A_531 : vector<16xi32>
        %parallel_loop3A_533 = tpu.bitcast %parallel_loop3A_532 : vector<16xi32> -> vector<16xf32>
        %parallel_loop3A_534 = arith.constant -65536 : i32
        %parallel_loop3A_535 = vector.broadcast %parallel_loop3A_534 : i32 to vector<16xi32>
        %parallel_loop3A_536 = arith.andi %parallel_loop3A_529, %parallel_loop3A_535 : vector<16xi32>
        %parallel_loop3A_537 = tpu.bitcast %parallel_loop3A_536 : vector<16xi32> -> vector<16xf32>
        %parallel_loop3A_538 = arith.index_cast %parallel_loop3A_331 : i32 to index
        %parallel_loop3A_539 = arith.constant 224 : index
        %parallel_loop3A_540 = tpu.vector_load %arg11[%parallel_loop3A_538, %parallel_loop3A_539] {strides = array<i32>} : memref<40x256xf32, #tpu.memory_space<vmem>>, vector<1x16xf32>,
        %parallel_loop3A_541 = vector.shape_cast %parallel_loop3A_540 : vector<1x16xf32> to vector<16xf32>
        %parallel_loop3A_542 = vector.shape_cast %parallel_loop3A_533 : vector<16xf32> to vector<1x16xf32>
        tpu.vector_store %arg11[%parallel_loop3A_538, %parallel_loop3A_539], %parallel_loop3A_542 {add = true, strides = array<i32>} : memref<40x256xf32, #tpu.memory_space<vmem>>, vector<1x16xf32>,
        %parallel_loop3A_543 = arith.index_cast %parallel_loop3A_331 : i32 to index
        %parallel_loop3A_544 = arith.constant 240 : index
        %parallel_loop3A_545 = tpu.vector_load %arg11[%parallel_loop3A_543, %parallel_loop3A_544] {strides = array<i32>} : memref<40x256xf32, #tpu.memory_space<vmem>>, vector<1x16xf32>,
        %parallel_loop3A_546 = vector.shape_cast %parallel_loop3A_545 : vector<1x16xf32> to vector<16xf32>
        %parallel_loop3A_547 = vector.shape_cast %parallel_loop3A_537 : vector<16xf32> to vector<1x16xf32>
        tpu.vector_store %arg11[%parallel_loop3A_543, %parallel_loop3A_544], %parallel_loop3A_547 {add = true, strides = array<i32>} : memref<40x256xf32, #tpu.memory_space<vmem>>, vector<1x16xf32>,
      } {sc.loop_unroll_factor = 2 : i64, sc.parallel_access}
      %add3A_154 = arith.constant 120 : i32
      %add3A_155 = arith.addi %add3A_67, %add3A_154 : i32
      %dma_start3A_156 = arith.constant 0 : i32
      %dma_start3A_157 = tpu.memref_slice %arg5[%add3A_155, %dma_start3A_156] : memref<819200x256xf32, #tpu.memory_space<hbm>> -> memref<40x256xf32, #tpu.memory_space<hbm>>
      %dma_start3A_158 = arith.constant 0 : i32
      %dma_start3A_159 = tpu.memref_slice %arg5[%add3A_155, %dma_start3A_158] : memref<819200x256xf32, #tpu.memory_space<hbm>> -> memref<40x256xf32, #tpu.memory_space<hbm>>
      tpu.enqueue_dma source(%arg11 : memref<40x256xf32, #tpu.memory_space<vmem>>) target(%dma_start3A_159 : memref<40x256xf32, #tpu.memory_space<hbm>>) target_semaphore(%arg22 : memref<!tpu.dma_semaphore, #tpu.memory_space<semaphore_mem>>)
      %dma_wait3A_160 = arith.constant 80 : i32
      %dma_wait3A_161 = arith.constant 0 : i32
      %dma_wait3A_162 = tpu.memref_slice %arg5[%dma_wait3A_160, %dma_wait3A_161] : memref<819200x256xf32, #tpu.memory_space<hbm>> -> memref<40x256xf32, #tpu.memory_space<hbm>>
      %dma_wait3A_163 = arith.constant 80 : i32
      %dma_wait3A_164 = arith.constant 0 : i32
      %dma_wait3A_165 = tpu.memref_slice %arg5[%dma_wait3A_163, %dma_wait3A_164] : memref<819200x256xf32, #tpu.memory_space<hbm>> -> memref<40x256xf32, #tpu.memory_space<hbm>>
      tpu.wait_dma2 semaphore(%arg21 : memref<!tpu.dma_semaphore, #tpu.memory_space<semaphore_mem>>) src(%arg10 : memref<40x256xf32, #tpu.memory_space<vmem>>) dst(%dma_wait3A_165 : memref<40x256xf32, #tpu.memory_space<hbm>>)
      %dma_start3A_166 = arith.constant 80 : i32
      %dma_start3A_167 = tpu.memref_slice %arg7[%dma_start3A_166] : memref<200xi32, #tpu.memory_space<vmem>> -> memref<40xi32, #tpu.memory_space<vmem>>
      %dma_start3A_168 = arith.constant 0 : i32
      %dma_start3A_169 = arith.constant 0 : i32
      %dma_start3A_170 = tpu.memref_slice %arg3[%dma_start3A_168, %dma_start3A_169] : memref<16000x256xf32, #tpu.memory_space<hbm>> -> memref<16000x256xf32, #tpu.memory_space<hbm>>
      tpu.enqueue_indirect_dma source(%dma_start3A_170 : memref<16000x256xf32, #tpu.memory_space<hbm>>) target(%arg10 : memref<40x256xf32, #tpu.memory_space<vmem>>) offsets(%dma_start3A_167 : memref<40xi32, #tpu.memory_space<vmem>>) semaphore(%arg16 : memref<!tpu.dma_semaphore, #tpu.memory_space<semaphore_mem>>)
      %dma_wait3A_171 = arith.constant 0 : i32
      %dma_wait3A_172 = arith.constant 0 : i32
      %dma_wait3A_173 = tpu.memref_slice %arg3[%dma_wait3A_171, %dma_wait3A_172] : memref<16000x256xf32, #tpu.memory_space<hbm>> -> memref<40x256xf32, #tpu.memory_space<hbm>>
      %dma_wait3A_174 = arith.constant 0 : i32
      %dma_wait3A_175 = arith.constant 0 : i32
      %dma_wait3A_176 = tpu.memref_slice %arg3[%dma_wait3A_174, %dma_wait3A_175] : memref<16000x256xf32, #tpu.memory_space<hbm>> -> memref<40x256xf32, #tpu.memory_space<hbm>>
      tpu.wait_dma2 semaphore(%arg18 : memref<!tpu.dma_semaphore, #tpu.memory_space<semaphore_mem>>) src(%dma_wait3A_176 : memref<40x256xf32, #tpu.memory_space<hbm>>) dst(%arg12 : memref<40x256xf32, #tpu.memory_space<vmem>>)
      %parallel_loop3A_177 = arith.constant 0 : i32
      %parallel_loop3A_178 = arith.constant 40 : i32
      %parallel_loop3A_179 = arith.constant 1 : i32
      scf.for %parallel_loop3A_331 = %parallel_loop3A_177 to %parallel_loop3A_178 step %parallel_loop3A_179  : i32 {
        %parallel_loop3A_332 = arith.constant 160 : i32
        %parallel_loop3A_333 = arith.addi %parallel_loop3A_332, %parallel_loop3A_331 : i32
        %parallel_loop3A_334 = arith.constant 128 : i32
        %parallel_loop3A_335 = arith.muli %parallel_loop3A_333, %parallel_loop3A_334 : i32
        %parallel_loop3A_336 = arith.constant 0 : i32
        %parallel_loop3A_337 = arith.addi %parallel_loop3A_335, %parallel_loop3A_336 : i32
        %parallel_loop3A_338 = arith.index_cast %parallel_loop3A_337 : i32 to index
        %parallel_loop3A_339 = tpu.vector_load %arg13[%parallel_loop3A_338] {strides = array<i32>} : memref<25600xi32, #tpu.memory_space<vmem>>, vector<16xi32>,
        %parallel_loop3A_340 = vector.shape_cast %parallel_loop3A_339 : vector<16xi32> to vector<16xi32>
        %parallel_loop3A_341 = arith.constant 16 : i32
        %parallel_loop3A_342 = vector.broadcast %parallel_loop3A_341 : i32 to vector<16xi32>
        %parallel_loop3A_343 = arith.shli %parallel_loop3A_340, %parallel_loop3A_342 : vector<16xi32>
        %parallel_loop3A_344 = tpu.bitcast %parallel_loop3A_343 : vector<16xi32> -> vector<16xf32>
        %parallel_loop3A_345 = arith.constant -65536 : i32
        %parallel_loop3A_346 = vector.broadcast %parallel_loop3A_345 : i32 to vector<16xi32>
        %parallel_loop3A_347 = arith.andi %parallel_loop3A_340, %parallel_loop3A_346 : vector<16xi32>
        %parallel_loop3A_348 = tpu.bitcast %parallel_loop3A_347 : vector<16xi32> -> vector<16xf32>
        %parallel_loop3A_349 = arith.index_cast %parallel_loop3A_331 : i32 to index
        %parallel_loop3A_350 = arith.constant 0 : index
        %parallel_loop3A_351 = tpu.vector_load %arg12[%parallel_loop3A_349, %parallel_loop3A_350] {strides = array<i32>} : memref<40x256xf32, #tpu.memory_space<vmem>>, vector<1x16xf32>,
        %parallel_loop3A_352 = vector.shape_cast %parallel_loop3A_351 : vector<1x16xf32> to vector<16xf32>
        %parallel_loop3A_353 = vector.shape_cast %parallel_loop3A_344 : vector<16xf32> to vector<1x16xf32>
        tpu.vector_store %arg12[%parallel_loop3A_349, %parallel_loop3A_350], %parallel_loop3A_353 {add = true, strides = array<i32>} : memref<40x256xf32, #tpu.memory_space<vmem>>, vector<1x16xf32>,
        %parallel_loop3A_354 = arith.index_cast %parallel_loop3A_331 : i32 to index
        %parallel_loop3A_355 = arith.constant 16 : index
        %parallel_loop3A_356 = tpu.vector_load %arg12[%parallel_loop3A_354, %parallel_loop3A_355] {strides = array<i32>} : memref<40x256xf32, #tpu.memory_space<vmem>>, vector<1x16xf32>,
        %parallel_loop3A_357 = vector.shape_cast %parallel_loop3A_356 : vector<1x16xf32> to vector<16xf32>
        %parallel_loop3A_358 = vector.shape_cast %parallel_loop3A_348 : vector<16xf32> to vector<1x16xf32>
        tpu.vector_store %arg12[%parallel_loop3A_354, %parallel_loop3A_355], %parallel_loop3A_358 {add = true, strides = array<i32>} : memref<40x256xf32, #tpu.memory_space<vmem>>, vector<1x16xf32>,
        %parallel_loop3A_359 = arith.constant 160 : i32
        %parallel_loop3A_360 = arith.addi %parallel_loop3A_359, %parallel_loop3A_331 : i32
        %parallel_loop3A_361 = arith.constant 128 : i32
        %parallel_loop3A_362 = arith.muli %parallel_loop3A_360, %parallel_loop3A_361 : i32
        %parallel_loop3A_363 = arith.constant 16 : i32
        %parallel_loop3A_364 = arith.addi %parallel_loop3A_362, %parallel_loop3A_363 : i32
        %parallel_loop3A_365 = arith.index_cast %parallel_loop3A_364 : i32 to index
        %parallel_loop3A_366 = tpu.vector_load %arg13[%parallel_loop3A_365] {strides = array<i32>} : memref<25600xi32, #tpu.memory_space<vmem>>, vector<16xi32>,
        %parallel_loop3A_367 = vector.shape_cast %parallel_loop3A_366 : vector<16xi32> to vector<16xi32>
        %parallel_loop3A_368 = arith.constant 16 : i32
        %parallel_loop3A_369 = vector.broadcast %parallel_loop3A_368 : i32 to vector<16xi32>
        %parallel_loop3A_370 = arith.shli %parallel_loop3A_367, %parallel_loop3A_369 : vector<16xi32>
        %parallel_loop3A_371 = tpu.bitcast %parallel_loop3A_370 : vector<16xi32> -> vector<16xf32>
        %parallel_loop3A_372 = arith.constant -65536 : i32
        %parallel_loop3A_373 = vector.broadcast %parallel_loop3A_372 : i32 to vector<16xi32>
        %parallel_loop3A_374 = arith.andi %parallel_loop3A_367, %parallel_loop3A_373 : vector<16xi32>
        %parallel_loop3A_375 = tpu.bitcast %parallel_loop3A_374 : vector<16xi32> -> vector<16xf32>
        %parallel_loop3A_376 = arith.index_cast %parallel_loop3A_331 : i32 to index
        %parallel_loop3A_377 = arith.constant 32 : index
        %parallel_loop3A_378 = tpu.vector_load %arg12[%parallel_loop3A_376, %parallel_loop3A_377] {strides = array<i32>} : memref<40x256xf32, #tpu.memory_space<vmem>>, vector<1x16xf32>,
        %parallel_loop3A_379 = vector.shape_cast %parallel_loop3A_378 : vector<1x16xf32> to vector<16xf32>
        %parallel_loop3A_380 = vector.shape_cast %parallel_loop3A_371 : vector<16xf32> to vector<1x16xf32>
        tpu.vector_store %arg12[%parallel_loop3A_376, %parallel_loop3A_377], %parallel_loop3A_380 {add = true, strides = array<i32>} : memref<40x256xf32, #tpu.memory_space<vmem>>, vector<1x16xf32>,
        %parallel_loop3A_381 = arith.index_cast %parallel_loop3A_331 : i32 to index
        %parallel_loop3A_382 = arith.constant 48 : index
        %parallel_loop3A_383 = tpu.vector_load %arg12[%parallel_loop3A_381, %parallel_loop3A_382] {strides = array<i32>} : memref<40x256xf32, #tpu.memory_space<vmem>>, vector<1x16xf32>,
        %parallel_loop3A_384 = vector.shape_cast %parallel_loop3A_383 : vector<1x16xf32> to vector<16xf32>
        %parallel_loop3A_385 = vector.shape_cast %parallel_loop3A_375 : vector<16xf32> to vector<1x16xf32>
        tpu.vector_store %arg12[%parallel_loop3A_381, %parallel_loop3A_382], %parallel_loop3A_385 {add = true, strides = array<i32>} : memref<40x256xf32, #tpu.memory_space<vmem>>, vector<1x16xf32>,
        %parallel_loop3A_386 = arith.constant 160 : i32
        %parallel_loop3A_387 = arith.addi %parallel_loop3A_386, %parallel_loop3A_331 : i32
        %parallel_loop3A_388 = arith.constant 128 : i32
        %parallel_loop3A_389 = arith.muli %parallel_loop3A_387, %parallel_loop3A_388 : i32
        %parallel_loop3A_390 = arith.constant 32 : i32
        %parallel_loop3A_391 = arith.addi %parallel_loop3A_389, %parallel_loop3A_390 : i32
        %parallel_loop3A_392 = arith.index_cast %parallel_loop3A_391 : i32 to index
        %parallel_loop3A_393 = tpu.vector_load %arg13[%parallel_loop3A_392] {strides = array<i32>} : memref<25600xi32, #tpu.memory_space<vmem>>, vector<16xi32>,
        %parallel_loop3A_394 = vector.shape_cast %parallel_loop3A_393 : vector<16xi32> to vector<16xi32>
        %parallel_loop3A_395 = arith.constant 16 : i32
        %parallel_loop3A_396 = vector.broadcast %parallel_loop3A_395 : i32 to vector<16xi32>
        %parallel_loop3A_397 = arith.shli %parallel_loop3A_394, %parallel_loop3A_396 : vector<16xi32>
        %parallel_loop3A_398 = tpu.bitcast %parallel_loop3A_397 : vector<16xi32> -> vector<16xf32>
        %parallel_loop3A_399 = arith.constant -65536 : i32
        %parallel_loop3A_400 = vector.broadcast %parallel_loop3A_399 : i32 to vector<16xi32>
        %parallel_loop3A_401 = arith.andi %parallel_loop3A_394, %parallel_loop3A_400 : vector<16xi32>
        %parallel_loop3A_402 = tpu.bitcast %parallel_loop3A_401 : vector<16xi32> -> vector<16xf32>
        %parallel_loop3A_403 = arith.index_cast %parallel_loop3A_331 : i32 to index
        %parallel_loop3A_404 = arith.constant 64 : index
        %parallel_loop3A_405 = tpu.vector_load %arg12[%parallel_loop3A_403, %parallel_loop3A_404] {strides = array<i32>} : memref<40x256xf32, #tpu.memory_space<vmem>>, vector<1x16xf32>,
        %parallel_loop3A_406 = vector.shape_cast %parallel_loop3A_405 : vector<1x16xf32> to vector<16xf32>
        %parallel_loop3A_407 = vector.shape_cast %parallel_loop3A_398 : vector<16xf32> to vector<1x16xf32>
        tpu.vector_store %arg12[%parallel_loop3A_403, %parallel_loop3A_404], %parallel_loop3A_407 {add = true, strides = array<i32>} : memref<40x256xf32, #tpu.memory_space<vmem>>, vector<1x16xf32>,
        %parallel_loop3A_408 = arith.index_cast %parallel_loop3A_331 : i32 to index
        %parallel_loop3A_409 = arith.constant 80 : index
        %parallel_loop3A_410 = tpu.vector_load %arg12[%parallel_loop3A_408, %parallel_loop3A_409] {strides = array<i32>} : memref<40x256xf32, #tpu.memory_space<vmem>>, vector<1x16xf32>,
        %parallel_loop3A_411 = vector.shape_cast %parallel_loop3A_410 : vector<1x16xf32> to vector<16xf32>
        %parallel_loop3A_412 = vector.shape_cast %parallel_loop3A_402 : vector<16xf32> to vector<1x16xf32>
        tpu.vector_store %arg12[%parallel_loop3A_408, %parallel_loop3A_409], %parallel_loop3A_412 {add = true, strides = array<i32>} : memref<40x256xf32, #tpu.memory_space<vmem>>, vector<1x16xf32>,
        %parallel_loop3A_413 = arith.constant 160 : i32
        %parallel_loop3A_414 = arith.addi %parallel_loop3A_413, %parallel_loop3A_331 : i32
        %parallel_loop3A_415 = arith.constant 128 : i32
        %parallel_loop3A_416 = arith.muli %parallel_loop3A_414, %parallel_loop3A_415 : i32
        %parallel_loop3A_417 = arith.constant 48 : i32
        %parallel_loop3A_418 = arith.addi %parallel_loop3A_416, %parallel_loop3A_417 : i32
        %parallel_loop3A_419 = arith.index_cast %parallel_loop3A_418 : i32 to index
        %parallel_loop3A_420 = tpu.vector_load %arg13[%parallel_loop3A_419] {strides = array<i32>} : memref<25600xi32, #tpu.memory_space<vmem>>, vector<16xi32>,
        %parallel_loop3A_421 = vector.shape_cast %parallel_loop3A_420 : vector<16xi32> to vector<16xi32>
        %parallel_loop3A_422 = arith.constant 16 : i32
        %parallel_loop3A_423 = vector.broadcast %parallel_loop3A_422 : i32 to vector<16xi32>
        %parallel_loop3A_424 = arith.shli %parallel_loop3A_421, %parallel_loop3A_423 : vector<16xi32>
        %parallel_loop3A_425 = tpu.bitcast %parallel_loop3A_424 : vector<16xi32> -> vector<16xf32>
        %parallel_loop3A_426 = arith.constant -65536 : i32
        %parallel_loop3A_427 = vector.broadcast %parallel_loop3A_426 : i32 to vector<16xi32>
        %parallel_loop3A_428 = arith.andi %parallel_loop3A_421, %parallel_loop3A_427 : vector<16xi32>
        %parallel_loop3A_429 = tpu.bitcast %parallel_loop3A_428 : vector<16xi32> -> vector<16xf32>
        %parallel_loop3A_430 = arith.index_cast %parallel_loop3A_331 : i32 to index
        %parallel_loop3A_431 = arith.constant 96 : index
        %parallel_loop3A_432 = tpu.vector_load %arg12[%parallel_loop3A_430, %parallel_loop3A_431] {strides = array<i32>} : memref<40x256xf32, #tpu.memory_space<vmem>>, vector<1x16xf32>,
        %parallel_loop3A_433 = vector.shape_cast %parallel_loop3A_432 : vector<1x16xf32> to vector<16xf32>
        %parallel_loop3A_434 = vector.shape_cast %parallel_loop3A_425 : vector<16xf32> to vector<1x16xf32>
        tpu.vector_store %arg12[%parallel_loop3A_430, %parallel_loop3A_431], %parallel_loop3A_434 {add = true, strides = array<i32>} : memref<40x256xf32, #tpu.memory_space<vmem>>, vector<1x16xf32>,
        %parallel_loop3A_435 = arith.index_cast %parallel_loop3A_331 : i32 to index
        %parallel_loop3A_436 = arith.constant 112 : index
        %parallel_loop3A_437 = tpu.vector_load %arg12[%parallel_loop3A_435, %parallel_loop3A_436] {strides = array<i32>} : memref<40x256xf32, #tpu.memory_space<vmem>>, vector<1x16xf32>,
        %parallel_loop3A_438 = vector.shape_cast %parallel_loop3A_437 : vector<1x16xf32> to vector<16xf32>
        %parallel_loop3A_439 = vector.shape_cast %parallel_loop3A_429 : vector<16xf32> to vector<1x16xf32>
        tpu.vector_store %arg12[%parallel_loop3A_435, %parallel_loop3A_436], %parallel_loop3A_439 {add = true, strides = array<i32>} : memref<40x256xf32, #tpu.memory_space<vmem>>, vector<1x16xf32>,
        %parallel_loop3A_440 = arith.constant 160 : i32
        %parallel_loop3A_441 = arith.addi %parallel_loop3A_440, %parallel_loop3A_331 : i32
        %parallel_loop3A_442 = arith.constant 128 : i32
        %parallel_loop3A_443 = arith.muli %parallel_loop3A_441, %parallel_loop3A_442 : i32
        %parallel_loop3A_444 = arith.constant 64 : i32
        %parallel_loop3A_445 = arith.addi %parallel_loop3A_443, %parallel_loop3A_444 : i32
        %parallel_loop3A_446 = arith.index_cast %parallel_loop3A_445 : i32 to index
        %parallel_loop3A_447 = tpu.vector_load %arg13[%parallel_loop3A_446] {strides = array<i32>} : memref<25600xi32, #tpu.memory_space<vmem>>, vector<16xi32>,
        %parallel_loop3A_448 = vector.shape_cast %parallel_loop3A_447 : vector<16xi32> to vector<16xi32>
        %parallel_loop3A_449 = arith.constant 16 : i32
        %parallel_loop3A_450 = vector.broadcast %parallel_loop3A_449 : i32 to vector<16xi32>
        %parallel_loop3A_451 = arith.shli %parallel_loop3A_448, %parallel_loop3A_450 : vector<16xi32>
        %parallel_loop3A_452 = tpu.bitcast %parallel_loop3A_451 : vector<16xi32> -> vector<16xf32>
        %parallel_loop3A_453 = arith.constant -65536 : i32
        %parallel_loop3A_454 = vector.broadcast %parallel_loop3A_453 : i32 to vector<16xi32>
        %parallel_loop3A_455 = arith.andi %parallel_loop3A_448, %parallel_loop3A_454 : vector<16xi32>
        %parallel_loop3A_456 = tpu.bitcast %parallel_loop3A_455 : vector<16xi32> -> vector<16xf32>
        %parallel_loop3A_457 = arith.index_cast %parallel_loop3A_331 : i32 to index
        %parallel_loop3A_458 = arith.constant 128 : index
        %parallel_loop3A_459 = tpu.vector_load %arg12[%parallel_loop3A_457, %parallel_loop3A_458] {strides = array<i32>} : memref<40x256xf32, #tpu.memory_space<vmem>>, vector<1x16xf32>,
        %parallel_loop3A_460 = vector.shape_cast %parallel_loop3A_459 : vector<1x16xf32> to vector<16xf32>
        %parallel_loop3A_461 = vector.shape_cast %parallel_loop3A_452 : vector<16xf32> to vector<1x16xf32>
        tpu.vector_store %arg12[%parallel_loop3A_457, %parallel_loop3A_458], %parallel_loop3A_461 {add = true, strides = array<i32>} : memref<40x256xf32, #tpu.memory_space<vmem>>, vector<1x16xf32>,
        %parallel_loop3A_462 = arith.index_cast %parallel_loop3A_331 : i32 to index
        %parallel_loop3A_463 = arith.constant 144 : index
        %parallel_loop3A_464 = tpu.vector_load %arg12[%parallel_loop3A_462, %parallel_loop3A_463] {strides = array<i32>} : memref<40x256xf32, #tpu.memory_space<vmem>>, vector<1x16xf32>,
        %parallel_loop3A_465 = vector.shape_cast %parallel_loop3A_464 : vector<1x16xf32> to vector<16xf32>
        %parallel_loop3A_466 = vector.shape_cast %parallel_loop3A_456 : vector<16xf32> to vector<1x16xf32>
        tpu.vector_store %arg12[%parallel_loop3A_462, %parallel_loop3A_463], %parallel_loop3A_466 {add = true, strides = array<i32>} : memref<40x256xf32, #tpu.memory_space<vmem>>, vector<1x16xf32>,
        %parallel_loop3A_467 = arith.constant 160 : i32
        %parallel_loop3A_468 = arith.addi %parallel_loop3A_467, %parallel_loop3A_331 : i32
        %parallel_loop3A_469 = arith.constant 128 : i32
        %parallel_loop3A_470 = arith.muli %parallel_loop3A_468, %parallel_loop3A_469 : i32
        %parallel_loop3A_471 = arith.constant 80 : i32
        %parallel_loop3A_472 = arith.addi %parallel_loop3A_470, %parallel_loop3A_471 : i32
        %parallel_loop3A_473 = arith.index_cast %parallel_loop3A_472 : i32 to index
        %parallel_loop3A_474 = tpu.vector_load %arg13[%parallel_loop3A_473] {strides = array<i32>} : memref<25600xi32, #tpu.memory_space<vmem>>, vector<16xi32>,
        %parallel_loop3A_475 = vector.shape_cast %parallel_loop3A_474 : vector<16xi32> to vector<16xi32>
        %parallel_loop3A_476 = arith.constant 16 : i32
        %parallel_loop3A_477 = vector.broadcast %parallel_loop3A_476 : i32 to vector<16xi32>
        %parallel_loop3A_478 = arith.shli %parallel_loop3A_475, %parallel_loop3A_477 : vector<16xi32>
        %parallel_loop3A_479 = tpu.bitcast %parallel_loop3A_478 : vector<16xi32> -> vector<16xf32>
        %parallel_loop3A_480 = arith.constant -65536 : i32
        %parallel_loop3A_481 = vector.broadcast %parallel_loop3A_480 : i32 to vector<16xi32>
        %parallel_loop3A_482 = arith.andi %parallel_loop3A_475, %parallel_loop3A_481 : vector<16xi32>
        %parallel_loop3A_483 = tpu.bitcast %parallel_loop3A_482 : vector<16xi32> -> vector<16xf32>
        %parallel_loop3A_484 = arith.index_cast %parallel_loop3A_331 : i32 to index
        %parallel_loop3A_485 = arith.constant 160 : index
        %parallel_loop3A_486 = tpu.vector_load %arg12[%parallel_loop3A_484, %parallel_loop3A_485] {strides = array<i32>} : memref<40x256xf32, #tpu.memory_space<vmem>>, vector<1x16xf32>,
        %parallel_loop3A_487 = vector.shape_cast %parallel_loop3A_486 : vector<1x16xf32> to vector<16xf32>
        %parallel_loop3A_488 = vector.shape_cast %parallel_loop3A_479 : vector<16xf32> to vector<1x16xf32>
        tpu.vector_store %arg12[%parallel_loop3A_484, %parallel_loop3A_485], %parallel_loop3A_488 {add = true, strides = array<i32>} : memref<40x256xf32, #tpu.memory_space<vmem>>, vector<1x16xf32>,
        %parallel_loop3A_489 = arith.index_cast %parallel_loop3A_331 : i32 to index
        %parallel_loop3A_490 = arith.constant 176 : index
        %parallel_loop3A_491 = tpu.vector_load %arg12[%parallel_loop3A_489, %parallel_loop3A_490] {strides = array<i32>} : memref<40x256xf32, #tpu.memory_space<vmem>>, vector<1x16xf32>,
        %parallel_loop3A_492 = vector.shape_cast %parallel_loop3A_491 : vector<1x16xf32> to vector<16xf32>
        %parallel_loop3A_493 = vector.shape_cast %parallel_loop3A_483 : vector<16xf32> to vector<1x16xf32>
        tpu.vector_store %arg12[%parallel_loop3A_489, %parallel_loop3A_490], %parallel_loop3A_493 {add = true, strides = array<i32>} : memref<40x256xf32, #tpu.memory_space<vmem>>, vector<1x16xf32>,
        %parallel_loop3A_494 = arith.constant 160 : i32
        %parallel_loop3A_495 = arith.addi %parallel_loop3A_494, %parallel_loop3A_331 : i32
        %parallel_loop3A_496 = arith.constant 128 : i32
        %parallel_loop3A_497 = arith.muli %parallel_loop3A_495, %parallel_loop3A_496 : i32
        %parallel_loop3A_498 = arith.constant 96 : i32
        %parallel_loop3A_499 = arith.addi %parallel_loop3A_497, %parallel_loop3A_498 : i32
        %parallel_loop3A_500 = arith.index_cast %parallel_loop3A_499 : i32 to index
        %parallel_loop3A_501 = tpu.vector_load %arg13[%parallel_loop3A_500] {strides = array<i32>} : memref<25600xi32, #tpu.memory_space<vmem>>, vector<16xi32>,
        %parallel_loop3A_502 = vector.shape_cast %parallel_loop3A_501 : vector<16xi32> to vector<16xi32>
        %parallel_loop3A_503 = arith.constant 16 : i32
        %parallel_loop3A_504 = vector.broadcast %parallel_loop3A_503 : i32 to vector<16xi32>
        %parallel_loop3A_505 = arith.shli %parallel_loop3A_502, %parallel_loop3A_504 : vector<16xi32>
        %parallel_loop3A_506 = tpu.bitcast %parallel_loop3A_505 : vector<16xi32> -> vector<16xf32>
        %parallel_loop3A_507 = arith.constant -65536 : i32
        %parallel_loop3A_508 = vector.broadcast %parallel_loop3A_507 : i32 to vector<16xi32>
        %parallel_loop3A_509 = arith.andi %parallel_loop3A_502, %parallel_loop3A_508 : vector<16xi32>
        %parallel_loop3A_510 = tpu.bitcast %parallel_loop3A_509 : vector<16xi32> -> vector<16xf32>
        %parallel_loop3A_511 = arith.index_cast %parallel_loop3A_331 : i32 to index
        %parallel_loop3A_512 = arith.constant 192 : index
        %parallel_loop3A_513 = tpu.vector_load %arg12[%parallel_loop3A_511, %parallel_loop3A_512] {strides = array<i32>} : memref<40x256xf32, #tpu.memory_space<vmem>>, vector<1x16xf32>,
        %parallel_loop3A_514 = vector.shape_cast %parallel_loop3A_513 : vector<1x16xf32> to vector<16xf32>
        %parallel_loop3A_515 = vector.shape_cast %parallel_loop3A_506 : vector<16xf32> to vector<1x16xf32>
        tpu.vector_store %arg12[%parallel_loop3A_511, %parallel_loop3A_512], %parallel_loop3A_515 {add = true, strides = array<i32>} : memref<40x256xf32, #tpu.memory_space<vmem>>, vector<1x16xf32>,
        %parallel_loop3A_516 = arith.index_cast %parallel_loop3A_331 : i32 to index
        %parallel_loop3A_517 = arith.constant 208 : index
        %parallel_loop3A_518 = tpu.vector_load %arg12[%parallel_loop3A_516, %parallel_loop3A_517] {strides = array<i32>} : memref<40x256xf32, #tpu.memory_space<vmem>>, vector<1x16xf32>,
        %parallel_loop3A_519 = vector.shape_cast %parallel_loop3A_518 : vector<1x16xf32> to vector<16xf32>
        %parallel_loop3A_520 = vector.shape_cast %parallel_loop3A_510 : vector<16xf32> to vector<1x16xf32>
        tpu.vector_store %arg12[%parallel_loop3A_516, %parallel_loop3A_517], %parallel_loop3A_520 {add = true, strides = array<i32>} : memref<40x256xf32, #tpu.memory_space<vmem>>, vector<1x16xf32>,
        %parallel_loop3A_521 = arith.constant 160 : i32
        %parallel_loop3A_522 = arith.addi %parallel_loop3A_521, %parallel_loop3A_331 : i32
        %parallel_loop3A_523 = arith.constant 128 : i32
        %parallel_loop3A_524 = arith.muli %parallel_loop3A_522, %parallel_loop3A_523 : i32
        %parallel_loop3A_525 = arith.constant 112 : i32
        %parallel_loop3A_526 = arith.addi %parallel_loop3A_524, %parallel_loop3A_525 : i32
        %parallel_loop3A_527 = arith.index_cast %parallel_loop3A_526 : i32 to index
        %parallel_loop3A_528 = tpu.vector_load %arg13[%parallel_loop3A_527] {strides = array<i32>} : memref<25600xi32, #tpu.memory_space<vmem>>, vector<16xi32>,
        %parallel_loop3A_529 = vector.shape_cast %parallel_loop3A_528 : vector<16xi32> to vector<16xi32>
        %parallel_loop3A_530 = arith.constant 16 : i32
        %parallel_loop3A_531 = vector.broadcast %parallel_loop3A_530 : i32 to vector<16xi32>
        %parallel_loop3A_532 = arith.shli %parallel_loop3A_529, %parallel_loop3A_531 : vector<16xi32>
        %parallel_loop3A_533 = tpu.bitcast %parallel_loop3A_532 : vector<16xi32> -> vector<16xf32>
        %parallel_loop3A_534 = arith.constant -65536 : i32
        %parallel_loop3A_535 = vector.broadcast %parallel_loop3A_534 : i32 to vector<16xi32>
        %parallel_loop3A_536 = arith.andi %parallel_loop3A_529, %parallel_loop3A_535 : vector<16xi32>
        %parallel_loop3A_537 = tpu.bitcast %parallel_loop3A_536 : vector<16xi32> -> vector<16xf32>
        %parallel_loop3A_538 = arith.index_cast %parallel_loop3A_331 : i32 to index
        %parallel_loop3A_539 = arith.constant 224 : index
        %parallel_loop3A_540 = tpu.vector_load %arg12[%parallel_loop3A_538, %parallel_loop3A_539] {strides = array<i32>} : memref<40x256xf32, #tpu.memory_space<vmem>>, vector<1x16xf32>,
        %parallel_loop3A_541 = vector.shape_cast %parallel_loop3A_540 : vector<1x16xf32> to vector<16xf32>
        %parallel_loop3A_542 = vector.shape_cast %parallel_loop3A_533 : vector<16xf32> to vector<1x16xf32>
        tpu.vector_store %arg12[%parallel_loop3A_538, %parallel_loop3A_539], %parallel_loop3A_542 {add = true, strides = array<i32>} : memref<40x256xf32, #tpu.memory_space<vmem>>, vector<1x16xf32>,
        %parallel_loop3A_543 = arith.index_cast %parallel_loop3A_331 : i32 to index
        %parallel_loop3A_544 = arith.constant 240 : index
        %parallel_loop3A_545 = tpu.vector_load %arg12[%parallel_loop3A_543, %parallel_loop3A_544] {strides = array<i32>} : memref<40x256xf32, #tpu.memory_space<vmem>>, vector<1x16xf32>,
        %parallel_loop3A_546 = vector.shape_cast %parallel_loop3A_545 : vector<1x16xf32> to vector<16xf32>
        %parallel_loop3A_547 = vector.shape_cast %parallel_loop3A_537 : vector<16xf32> to vector<1x16xf32>
        tpu.vector_store %arg12[%parallel_loop3A_543, %parallel_loop3A_544], %parallel_loop3A_547 {add = true, strides = array<i32>} : memref<40x256xf32, #tpu.memory_space<vmem>>, vector<1x16xf32>,
      } {sc.loop_unroll_factor = 2 : i64, sc.parallel_access}
      %add3A_180 = arith.constant 160 : i32
      %add3A_181 = arith.addi %add3A_67, %add3A_180 : i32
      %dma_start3A_182 = arith.constant 0 : i32
      %dma_start3A_183 = tpu.memref_slice %arg5[%add3A_181, %dma_start3A_182] : memref<819200x256xf32, #tpu.memory_space<hbm>> -> memref<40x256xf32, #tpu.memory_space<hbm>>
      %dma_start3A_184 = arith.constant 0 : i32
      %dma_start3A_185 = tpu.memref_slice %arg5[%add3A_181, %dma_start3A_184] : memref<819200x256xf32, #tpu.memory_space<hbm>> -> memref<40x256xf32, #tpu.memory_space<hbm>>
      tpu.enqueue_dma source(%arg12 : memref<40x256xf32, #tpu.memory_space<vmem>>) target(%dma_start3A_185 : memref<40x256xf32, #tpu.memory_space<hbm>>) target_semaphore(%arg23 : memref<!tpu.dma_semaphore, #tpu.memory_space<semaphore_mem>>)
      %mul3A_186 = arith.constant 2 : i32
      %mul3A_187 = arith.muli %mul3A_186, %scan3A_60 : i32
      %add3A_188 = arith.constant 0 : i32
      %add3A_189 = arith.addi %mul3A_187, %add3A_188 : i32
      %add3A_190 = arith.constant 2 : i32
      %add3A_191 = arith.addi %add3A_189, %add3A_190 : i32
      %lt3A = arith.constant 128 : i32
      %lt3A_192 = arith.cmpi slt, %add3A_191, %lt3A : i32
      %convert_element_type3A_193 = arith.extui %lt3A_192 : i1 to i32
      %cond3A_194 = arith.constant 0 : i32
      %cond3A_195 = arith.cmpi ne, %convert_element_type3A_193, %cond3A_194 : i32
      scf.if %cond3A_195 {
        %add3A_331 = arith.constant 400 : i32
        %add3A_332 = arith.addi %add3A_67, %add3A_331 : i32
        %dma_start3A_333 = tpu.memref_slice %arg2[%add3A_332] : memref<819200xi32, #tpu.memory_space<hbm>> -> memref<200xi32, #tpu.memory_space<hbm>>
        %dma_start3A_334 = tpu.memref_slice %arg2[%add3A_332] : memref<819200xi32, #tpu.memory_space<hbm>> -> memref<200xi32, #tpu.memory_space<hbm>>
        tpu.enqueue_dma source(%dma_start3A_334 : memref<200xi32, #tpu.memory_space<hbm>>) target(%arg6 : memref<200xi32, #tpu.memory_space<vmem>>) target_semaphore(%arg24 : memref<!tpu.dma_semaphore, #tpu.memory_space<semaphore_mem>>)
      } else {
      }
      %dma_wait3A_196 = arith.constant 120 : i32
      %dma_wait3A_197 = arith.constant 0 : i32
      %dma_wait3A_198 = tpu.memref_slice %arg5[%dma_wait3A_196, %dma_wait3A_197] : memref<819200x256xf32, #tpu.memory_space<hbm>> -> memref<40x256xf32, #tpu.memory_space<hbm>>
      %dma_wait3A_199 = arith.constant 120 : i32
      %dma_wait3A_200 = arith.constant 0 : i32
      %dma_wait3A_201 = tpu.memref_slice %arg5[%dma_wait3A_199, %dma_wait3A_200] : memref<819200x256xf32, #tpu.memory_space<hbm>> -> memref<40x256xf32, #tpu.memory_space<hbm>>
      tpu.wait_dma2 semaphore(%arg22 : memref<!tpu.dma_semaphore, #tpu.memory_space<semaphore_mem>>) src(%arg11 : memref<40x256xf32, #tpu.memory_space<vmem>>) dst(%dma_wait3A_201 : memref<40x256xf32, #tpu.memory_space<hbm>>)
      %dma_start3A_202 = arith.constant 120 : i32
      %dma_start3A_203 = tpu.memref_slice %arg7[%dma_start3A_202] : memref<200xi32, #tpu.memory_space<vmem>> -> memref<40xi32, #tpu.memory_space<vmem>>
      %dma_start3A_204 = arith.constant 0 : i32
      %dma_start3A_205 = arith.constant 0 : i32
      %dma_start3A_206 = tpu.memref_slice %arg3[%dma_start3A_204, %dma_start3A_205] : memref<16000x256xf32, #tpu.memory_space<hbm>> -> memref<16000x256xf32, #tpu.memory_space<hbm>>
      tpu.enqueue_indirect_dma source(%dma_start3A_206 : memref<16000x256xf32, #tpu.memory_space<hbm>>) target(%arg11 : memref<40x256xf32, #tpu.memory_space<vmem>>) offsets(%dma_start3A_203 : memref<40xi32, #tpu.memory_space<vmem>>) semaphore(%arg17 : memref<!tpu.dma_semaphore, #tpu.memory_space<semaphore_mem>>)
      %mul3A_207 = arith.constant 2 : i32
      %mul3A_208 = arith.muli %mul3A_207, %scan3A_60 : i32
      %add3A_209 = arith.constant 1 : i32
      %add3A_210 = arith.addi %mul3A_208, %add3A_209 : i32
      %mul3A_211 = arith.constant 200 : i32
      %mul3A_212 = arith.muli %add3A_210, %mul3A_211 : i32
      %add3A_213 = arith.addi %mul3A_2, %mul3A_212 : i32
      %dma_wait3A_214 = arith.constant 0 : i32
      %dma_wait3A_215 = arith.constant 0 : i32
      %dma_wait3A_216 = tpu.memref_slice %arg3[%dma_wait3A_214, %dma_wait3A_215] : memref<16000x256xf32, #tpu.memory_space<hbm>> -> memref<40x256xf32, #tpu.memory_space<hbm>>
      %dma_wait3A_217 = arith.constant 0 : i32
      %dma_wait3A_218 = arith.constant 0 : i32
      %dma_wait3A_219 = tpu.memref_slice %arg3[%dma_wait3A_217, %dma_wait3A_218] : memref<16000x256xf32, #tpu.memory_space<hbm>> -> memref<40x256xf32, #tpu.memory_space<hbm>>
      tpu.wait_dma2 semaphore(%arg14 : memref<!tpu.dma_semaphore, #tpu.memory_space<semaphore_mem>>) src(%dma_wait3A_219 : memref<40x256xf32, #tpu.memory_space<hbm>>) dst(%arg8 : memref<40x256xf32, #tpu.memory_space<vmem>>)
      %parallel_loop3A_220 = arith.constant 0 : i32
      %parallel_loop3A_221 = arith.constant 40 : i32
      %parallel_loop3A_222 = arith.constant 1 : i32
      scf.for %parallel_loop3A_331 = %parallel_loop3A_220 to %parallel_loop3A_221 step %parallel_loop3A_222  : i32 {
        %parallel_loop3A_332 = arith.constant 0 : i32
        %parallel_loop3A_333 = arith.addi %parallel_loop3A_332, %parallel_loop3A_331 : i32
        %parallel_loop3A_334 = arith.constant 128 : i32
        %parallel_loop3A_335 = arith.muli %parallel_loop3A_333, %parallel_loop3A_334 : i32
        %parallel_loop3A_336 = arith.constant 0 : i32
        %parallel_loop3A_337 = arith.addi %parallel_loop3A_335, %parallel_loop3A_336 : i32
        %parallel_loop3A_338 = arith.index_cast %parallel_loop3A_337 : i32 to index
        %parallel_loop3A_339 = tpu.vector_load %arg13[%parallel_loop3A_338] {strides = array<i32>} : memref<25600xi32, #tpu.memory_space<vmem>>, vector<16xi32>,
        %parallel_loop3A_340 = vector.shape_cast %parallel_loop3A_339 : vector<16xi32> to vector<16xi32>
        %parallel_loop3A_341 = arith.constant 16 : i32
        %parallel_loop3A_342 = vector.broadcast %parallel_loop3A_341 : i32 to vector<16xi32>
        %parallel_loop3A_343 = arith.shli %parallel_loop3A_340, %parallel_loop3A_342 : vector<16xi32>
        %parallel_loop3A_344 = tpu.bitcast %parallel_loop3A_343 : vector<16xi32> -> vector<16xf32>
        %parallel_loop3A_345 = arith.constant -65536 : i32
        %parallel_loop3A_346 = vector.broadcast %parallel_loop3A_345 : i32 to vector<16xi32>
        %parallel_loop3A_347 = arith.andi %parallel_loop3A_340, %parallel_loop3A_346 : vector<16xi32>
        %parallel_loop3A_348 = tpu.bitcast %parallel_loop3A_347 : vector<16xi32> -> vector<16xf32>
        %parallel_loop3A_349 = arith.index_cast %parallel_loop3A_331 : i32 to index
        %parallel_loop3A_350 = arith.constant 0 : index
        %parallel_loop3A_351 = tpu.vector_load %arg8[%parallel_loop3A_349, %parallel_loop3A_350] {strides = array<i32>} : memref<40x256xf32, #tpu.memory_space<vmem>>, vector<1x16xf32>,
        %parallel_loop3A_352 = vector.shape_cast %parallel_loop3A_351 : vector<1x16xf32> to vector<16xf32>
        %parallel_loop3A_353 = vector.shape_cast %parallel_loop3A_344 : vector<16xf32> to vector<1x16xf32>
        tpu.vector_store %arg8[%parallel_loop3A_349, %parallel_loop3A_350], %parallel_loop3A_353 {add = true, strides = array<i32>} : memref<40x256xf32, #tpu.memory_space<vmem>>, vector<1x16xf32>,
        %parallel_loop3A_354 = arith.index_cast %parallel_loop3A_331 : i32 to index
        %parallel_loop3A_355 = arith.constant 16 : index
        %parallel_loop3A_356 = tpu.vector_load %arg8[%parallel_loop3A_354, %parallel_loop3A_355] {strides = array<i32>} : memref<40x256xf32, #tpu.memory_space<vmem>>, vector<1x16xf32>,
        %parallel_loop3A_357 = vector.shape_cast %parallel_loop3A_356 : vector<1x16xf32> to vector<16xf32>
        %parallel_loop3A_358 = vector.shape_cast %parallel_loop3A_348 : vector<16xf32> to vector<1x16xf32>
        tpu.vector_store %arg8[%parallel_loop3A_354, %parallel_loop3A_355], %parallel_loop3A_358 {add = true, strides = array<i32>} : memref<40x256xf32, #tpu.memory_space<vmem>>, vector<1x16xf32>,
        %parallel_loop3A_359 = arith.constant 0 : i32
        %parallel_loop3A_360 = arith.addi %parallel_loop3A_359, %parallel_loop3A_331 : i32
        %parallel_loop3A_361 = arith.constant 128 : i32
        %parallel_loop3A_362 = arith.muli %parallel_loop3A_360, %parallel_loop3A_361 : i32
        %parallel_loop3A_363 = arith.constant 16 : i32
        %parallel_loop3A_364 = arith.addi %parallel_loop3A_362, %parallel_loop3A_363 : i32
        %parallel_loop3A_365 = arith.index_cast %parallel_loop3A_364 : i32 to index
        %parallel_loop3A_366 = tpu.vector_load %arg13[%parallel_loop3A_365] {strides = array<i32>} : memref<25600xi32, #tpu.memory_space<vmem>>, vector<16xi32>,
        %parallel_loop3A_367 = vector.shape_cast %parallel_loop3A_366 : vector<16xi32> to vector<16xi32>
        %parallel_loop3A_368 = arith.constant 16 : i32
        %parallel_loop3A_369 = vector.broadcast %parallel_loop3A_368 : i32 to vector<16xi32>
        %parallel_loop3A_370 = arith.shli %parallel_loop3A_367, %parallel_loop3A_369 : vector<16xi32>
        %parallel_loop3A_371 = tpu.bitcast %parallel_loop3A_370 : vector<16xi32> -> vector<16xf32>
        %parallel_loop3A_372 = arith.constant -65536 : i32
        %parallel_loop3A_373 = vector.broadcast %parallel_loop3A_372 : i32 to vector<16xi32>
        %parallel_loop3A_374 = arith.andi %parallel_loop3A_367, %parallel_loop3A_373 : vector<16xi32>
        %parallel_loop3A_375 = tpu.bitcast %parallel_loop3A_374 : vector<16xi32> -> vector<16xf32>
        %parallel_loop3A_376 = arith.index_cast %parallel_loop3A_331 : i32 to index
        %parallel_loop3A_377 = arith.constant 32 : index
        %parallel_loop3A_378 = tpu.vector_load %arg8[%parallel_loop3A_376, %parallel_loop3A_377] {strides = array<i32>} : memref<40x256xf32, #tpu.memory_space<vmem>>, vector<1x16xf32>,
        %parallel_loop3A_379 = vector.shape_cast %parallel_loop3A_378 : vector<1x16xf32> to vector<16xf32>
        %parallel_loop3A_380 = vector.shape_cast %parallel_loop3A_371 : vector<16xf32> to vector<1x16xf32>
        tpu.vector_store %arg8[%parallel_loop3A_376, %parallel_loop3A_377], %parallel_loop3A_380 {add = true, strides = array<i32>} : memref<40x256xf32, #tpu.memory_space<vmem>>, vector<1x16xf32>,
        %parallel_loop3A_381 = arith.index_cast %parallel_loop3A_331 : i32 to index
        %parallel_loop3A_382 = arith.constant 48 : index
        %parallel_loop3A_383 = tpu.vector_load %arg8[%parallel_loop3A_381, %parallel_loop3A_382] {strides = array<i32>} : memref<40x256xf32, #tpu.memory_space<vmem>>, vector<1x16xf32>,
        %parallel_loop3A_384 = vector.shape_cast %parallel_loop3A_383 : vector<1x16xf32> to vector<16xf32>
        %parallel_loop3A_385 = vector.shape_cast %parallel_loop3A_375 : vector<16xf32> to vector<1x16xf32>
        tpu.vector_store %arg8[%parallel_loop3A_381, %parallel_loop3A_382], %parallel_loop3A_385 {add = true, strides = array<i32>} : memref<40x256xf32, #tpu.memory_space<vmem>>, vector<1x16xf32>,
        %parallel_loop3A_386 = arith.constant 0 : i32
        %parallel_loop3A_387 = arith.addi %parallel_loop3A_386, %parallel_loop3A_331 : i32
        %parallel_loop3A_388 = arith.constant 128 : i32
        %parallel_loop3A_389 = arith.muli %parallel_loop3A_387, %parallel_loop3A_388 : i32
        %parallel_loop3A_390 = arith.constant 32 : i32
        %parallel_loop3A_391 = arith.addi %parallel_loop3A_389, %parallel_loop3A_390 : i32
        %parallel_loop3A_392 = arith.index_cast %parallel_loop3A_391 : i32 to index
        %parallel_loop3A_393 = tpu.vector_load %arg13[%parallel_loop3A_392] {strides = array<i32>} : memref<25600xi32, #tpu.memory_space<vmem>>, vector<16xi32>,
        %parallel_loop3A_394 = vector.shape_cast %parallel_loop3A_393 : vector<16xi32> to vector<16xi32>
        %parallel_loop3A_395 = arith.constant 16 : i32
        %parallel_loop3A_396 = vector.broadcast %parallel_loop3A_395 : i32 to vector<16xi32>
        %parallel_loop3A_397 = arith.shli %parallel_loop3A_394, %parallel_loop3A_396 : vector<16xi32>
        %parallel_loop3A_398 = tpu.bitcast %parallel_loop3A_397 : vector<16xi32> -> vector<16xf32>
        %parallel_loop3A_399 = arith.constant -65536 : i32
        %parallel_loop3A_400 = vector.broadcast %parallel_loop3A_399 : i32 to vector<16xi32>
        %parallel_loop3A_401 = arith.andi %parallel_loop3A_394, %parallel_loop3A_400 : vector<16xi32>
        %parallel_loop3A_402 = tpu.bitcast %parallel_loop3A_401 : vector<16xi32> -> vector<16xf32>
        %parallel_loop3A_403 = arith.index_cast %parallel_loop3A_331 : i32 to index
        %parallel_loop3A_404 = arith.constant 64 : index
        %parallel_loop3A_405 = tpu.vector_load %arg8[%parallel_loop3A_403, %parallel_loop3A_404] {strides = array<i32>} : memref<40x256xf32, #tpu.memory_space<vmem>>, vector<1x16xf32>,
        %parallel_loop3A_406 = vector.shape_cast %parallel_loop3A_405 : vector<1x16xf32> to vector<16xf32>
        %parallel_loop3A_407 = vector.shape_cast %parallel_loop3A_398 : vector<16xf32> to vector<1x16xf32>
        tpu.vector_store %arg8[%parallel_loop3A_403, %parallel_loop3A_404], %parallel_loop3A_407 {add = true, strides = array<i32>} : memref<40x256xf32, #tpu.memory_space<vmem>>, vector<1x16xf32>,
        %parallel_loop3A_408 = arith.index_cast %parallel_loop3A_331 : i32 to index
        %parallel_loop3A_409 = arith.constant 80 : index
        %parallel_loop3A_410 = tpu.vector_load %arg8[%parallel_loop3A_408, %parallel_loop3A_409] {strides = array<i32>} : memref<40x256xf32, #tpu.memory_space<vmem>>, vector<1x16xf32>,
        %parallel_loop3A_411 = vector.shape_cast %parallel_loop3A_410 : vector<1x16xf32> to vector<16xf32>
        %parallel_loop3A_412 = vector.shape_cast %parallel_loop3A_402 : vector<16xf32> to vector<1x16xf32>
        tpu.vector_store %arg8[%parallel_loop3A_408, %parallel_loop3A_409], %parallel_loop3A_412 {add = true, strides = array<i32>} : memref<40x256xf32, #tpu.memory_space<vmem>>, vector<1x16xf32>,
        %parallel_loop3A_413 = arith.constant 0 : i32
        %parallel_loop3A_414 = arith.addi %parallel_loop3A_413, %parallel_loop3A_331 : i32
        %parallel_loop3A_415 = arith.constant 128 : i32
        %parallel_loop3A_416 = arith.muli %parallel_loop3A_414, %parallel_loop3A_415 : i32
        %parallel_loop3A_417 = arith.constant 48 : i32
        %parallel_loop3A_418 = arith.addi %parallel_loop3A_416, %parallel_loop3A_417 : i32
        %parallel_loop3A_419 = arith.index_cast %parallel_loop3A_418 : i32 to index
        %parallel_loop3A_420 = tpu.vector_load %arg13[%parallel_loop3A_419] {strides = array<i32>} : memref<25600xi32, #tpu.memory_space<vmem>>, vector<16xi32>,
        %parallel_loop3A_421 = vector.shape_cast %parallel_loop3A_420 : vector<16xi32> to vector<16xi32>
        %parallel_loop3A_422 = arith.constant 16 : i32
        %parallel_loop3A_423 = vector.broadcast %parallel_loop3A_422 : i32 to vector<16xi32>
        %parallel_loop3A_424 = arith.shli %parallel_loop3A_421, %parallel_loop3A_423 : vector<16xi32>
        %parallel_loop3A_425 = tpu.bitcast %parallel_loop3A_424 : vector<16xi32> -> vector<16xf32>
        %parallel_loop3A_426 = arith.constant -65536 : i32
        %parallel_loop3A_427 = vector.broadcast %parallel_loop3A_426 : i32 to vector<16xi32>
        %parallel_loop3A_428 = arith.andi %parallel_loop3A_421, %parallel_loop3A_427 : vector<16xi32>
        %parallel_loop3A_429 = tpu.bitcast %parallel_loop3A_428 : vector<16xi32> -> vector<16xf32>
        %parallel_loop3A_430 = arith.index_cast %parallel_loop3A_331 : i32 to index
        %parallel_loop3A_431 = arith.constant 96 : index
        %parallel_loop3A_432 = tpu.vector_load %arg8[%parallel_loop3A_430, %parallel_loop3A_431] {strides = array<i32>} : memref<40x256xf32, #tpu.memory_space<vmem>>, vector<1x16xf32>,
        %parallel_loop3A_433 = vector.shape_cast %parallel_loop3A_432 : vector<1x16xf32> to vector<16xf32>
        %parallel_loop3A_434 = vector.shape_cast %parallel_loop3A_425 : vector<16xf32> to vector<1x16xf32>
        tpu.vector_store %arg8[%parallel_loop3A_430, %parallel_loop3A_431], %parallel_loop3A_434 {add = true, strides = array<i32>} : memref<40x256xf32, #tpu.memory_space<vmem>>, vector<1x16xf32>,
        %parallel_loop3A_435 = arith.index_cast %parallel_loop3A_331 : i32 to index
        %parallel_loop3A_436 = arith.constant 112 : index
        %parallel_loop3A_437 = tpu.vector_load %arg8[%parallel_loop3A_435, %parallel_loop3A_436] {strides = array<i32>} : memref<40x256xf32, #tpu.memory_space<vmem>>, vector<1x16xf32>,
        %parallel_loop3A_438 = vector.shape_cast %parallel_loop3A_437 : vector<1x16xf32> to vector<16xf32>
        %parallel_loop3A_439 = vector.shape_cast %parallel_loop3A_429 : vector<16xf32> to vector<1x16xf32>
        tpu.vector_store %arg8[%parallel_loop3A_435, %parallel_loop3A_436], %parallel_loop3A_439 {add = true, strides = array<i32>} : memref<40x256xf32, #tpu.memory_space<vmem>>, vector<1x16xf32>,
        %parallel_loop3A_440 = arith.constant 0 : i32
        %parallel_loop3A_441 = arith.addi %parallel_loop3A_440, %parallel_loop3A_331 : i32
        %parallel_loop3A_442 = arith.constant 128 : i32
        %parallel_loop3A_443 = arith.muli %parallel_loop3A_441, %parallel_loop3A_442 : i32
        %parallel_loop3A_444 = arith.constant 64 : i32
        %parallel_loop3A_445 = arith.addi %parallel_loop3A_443, %parallel_loop3A_444 : i32
        %parallel_loop3A_446 = arith.index_cast %parallel_loop3A_445 : i32 to index
        %parallel_loop3A_447 = tpu.vector_load %arg13[%parallel_loop3A_446] {strides = array<i32>} : memref<25600xi32, #tpu.memory_space<vmem>>, vector<16xi32>,
        %parallel_loop3A_448 = vector.shape_cast %parallel_loop3A_447 : vector<16xi32> to vector<16xi32>
        %parallel_loop3A_449 = arith.constant 16 : i32
        %parallel_loop3A_450 = vector.broadcast %parallel_loop3A_449 : i32 to vector<16xi32>
        %parallel_loop3A_451 = arith.shli %parallel_loop3A_448, %parallel_loop3A_450 : vector<16xi32>
        %parallel_loop3A_452 = tpu.bitcast %parallel_loop3A_451 : vector<16xi32> -> vector<16xf32>
        %parallel_loop3A_453 = arith.constant -65536 : i32
        %parallel_loop3A_454 = vector.broadcast %parallel_loop3A_453 : i32 to vector<16xi32>
        %parallel_loop3A_455 = arith.andi %parallel_loop3A_448, %parallel_loop3A_454 : vector<16xi32>
        %parallel_loop3A_456 = tpu.bitcast %parallel_loop3A_455 : vector<16xi32> -> vector<16xf32>
        %parallel_loop3A_457 = arith.index_cast %parallel_loop3A_331 : i32 to index
        %parallel_loop3A_458 = arith.constant 128 : index
        %parallel_loop3A_459 = tpu.vector_load %arg8[%parallel_loop3A_457, %parallel_loop3A_458] {strides = array<i32>} : memref<40x256xf32, #tpu.memory_space<vmem>>, vector<1x16xf32>,
        %parallel_loop3A_460 = vector.shape_cast %parallel_loop3A_459 : vector<1x16xf32> to vector<16xf32>
        %parallel_loop3A_461 = vector.shape_cast %parallel_loop3A_452 : vector<16xf32> to vector<1x16xf32>
        tpu.vector_store %arg8[%parallel_loop3A_457, %parallel_loop3A_458], %parallel_loop3A_461 {add = true, strides = array<i32>} : memref<40x256xf32, #tpu.memory_space<vmem>>, vector<1x16xf32>,
        %parallel_loop3A_462 = arith.index_cast %parallel_loop3A_331 : i32 to index
        %parallel_loop3A_463 = arith.constant 144 : index
        %parallel_loop3A_464 = tpu.vector_load %arg8[%parallel_loop3A_462, %parallel_loop3A_463] {strides = array<i32>} : memref<40x256xf32, #tpu.memory_space<vmem>>, vector<1x16xf32>,
        %parallel_loop3A_465 = vector.shape_cast %parallel_loop3A_464 : vector<1x16xf32> to vector<16xf32>
        %parallel_loop3A_466 = vector.shape_cast %parallel_loop3A_456 : vector<16xf32> to vector<1x16xf32>
        tpu.vector_store %arg8[%parallel_loop3A_462, %parallel_loop3A_463], %parallel_loop3A_466 {add = true, strides = array<i32>} : memref<40x256xf32, #tpu.memory_space<vmem>>, vector<1x16xf32>,
        %parallel_loop3A_467 = arith.constant 0 : i32
        %parallel_loop3A_468 = arith.addi %parallel_loop3A_467, %parallel_loop3A_331 : i32
        %parallel_loop3A_469 = arith.constant 128 : i32
        %parallel_loop3A_470 = arith.muli %parallel_loop3A_468, %parallel_loop3A_469 : i32
        %parallel_loop3A_471 = arith.constant 80 : i32
        %parallel_loop3A_472 = arith.addi %parallel_loop3A_470, %parallel_loop3A_471 : i32
        %parallel_loop3A_473 = arith.index_cast %parallel_loop3A_472 : i32 to index
        %parallel_loop3A_474 = tpu.vector_load %arg13[%parallel_loop3A_473] {strides = array<i32>} : memref<25600xi32, #tpu.memory_space<vmem>>, vector<16xi32>,
        %parallel_loop3A_475 = vector.shape_cast %parallel_loop3A_474 : vector<16xi32> to vector<16xi32>
        %parallel_loop3A_476 = arith.constant 16 : i32
        %parallel_loop3A_477 = vector.broadcast %parallel_loop3A_476 : i32 to vector<16xi32>
        %parallel_loop3A_478 = arith.shli %parallel_loop3A_475, %parallel_loop3A_477 : vector<16xi32>
        %parallel_loop3A_479 = tpu.bitcast %parallel_loop3A_478 : vector<16xi32> -> vector<16xf32>
        %parallel_loop3A_480 = arith.constant -65536 : i32
        %parallel_loop3A_481 = vector.broadcast %parallel_loop3A_480 : i32 to vector<16xi32>
        %parallel_loop3A_482 = arith.andi %parallel_loop3A_475, %parallel_loop3A_481 : vector<16xi32>
        %parallel_loop3A_483 = tpu.bitcast %parallel_loop3A_482 : vector<16xi32> -> vector<16xf32>
        %parallel_loop3A_484 = arith.index_cast %parallel_loop3A_331 : i32 to index
        %parallel_loop3A_485 = arith.constant 160 : index
        %parallel_loop3A_486 = tpu.vector_load %arg8[%parallel_loop3A_484, %parallel_loop3A_485] {strides = array<i32>} : memref<40x256xf32, #tpu.memory_space<vmem>>, vector<1x16xf32>,
        %parallel_loop3A_487 = vector.shape_cast %parallel_loop3A_486 : vector<1x16xf32> to vector<16xf32>
        %parallel_loop3A_488 = vector.shape_cast %parallel_loop3A_479 : vector<16xf32> to vector<1x16xf32>
        tpu.vector_store %arg8[%parallel_loop3A_484, %parallel_loop3A_485], %parallel_loop3A_488 {add = true, strides = array<i32>} : memref<40x256xf32, #tpu.memory_space<vmem>>, vector<1x16xf32>,
        %parallel_loop3A_489 = arith.index_cast %parallel_loop3A_331 : i32 to index
        %parallel_loop3A_490 = arith.constant 176 : index
        %parallel_loop3A_491 = tpu.vector_load %arg8[%parallel_loop3A_489, %parallel_loop3A_490] {strides = array<i32>} : memref<40x256xf32, #tpu.memory_space<vmem>>, vector<1x16xf32>,
        %parallel_loop3A_492 = vector.shape_cast %parallel_loop3A_491 : vector<1x16xf32> to vector<16xf32>
        %parallel_loop3A_493 = vector.shape_cast %parallel_loop3A_483 : vector<16xf32> to vector<1x16xf32>
        tpu.vector_store %arg8[%parallel_loop3A_489, %parallel_loop3A_490], %parallel_loop3A_493 {add = true, strides = array<i32>} : memref<40x256xf32, #tpu.memory_space<vmem>>, vector<1x16xf32>,
        %parallel_loop3A_494 = arith.constant 0 : i32
        %parallel_loop3A_495 = arith.addi %parallel_loop3A_494, %parallel_loop3A_331 : i32
        %parallel_loop3A_496 = arith.constant 128 : i32
        %parallel_loop3A_497 = arith.muli %parallel_loop3A_495, %parallel_loop3A_496 : i32
        %parallel_loop3A_498 = arith.constant 96 : i32
        %parallel_loop3A_499 = arith.addi %parallel_loop3A_497, %parallel_loop3A_498 : i32
        %parallel_loop3A_500 = arith.index_cast %parallel_loop3A_499 : i32 to index
        %parallel_loop3A_501 = tpu.vector_load %arg13[%parallel_loop3A_500] {strides = array<i32>} : memref<25600xi32, #tpu.memory_space<vmem>>, vector<16xi32>,
        %parallel_loop3A_502 = vector.shape_cast %parallel_loop3A_501 : vector<16xi32> to vector<16xi32>
        %parallel_loop3A_503 = arith.constant 16 : i32
        %parallel_loop3A_504 = vector.broadcast %parallel_loop3A_503 : i32 to vector<16xi32>
        %parallel_loop3A_505 = arith.shli %parallel_loop3A_502, %parallel_loop3A_504 : vector<16xi32>
        %parallel_loop3A_506 = tpu.bitcast %parallel_loop3A_505 : vector<16xi32> -> vector<16xf32>
        %parallel_loop3A_507 = arith.constant -65536 : i32
        %parallel_loop3A_508 = vector.broadcast %parallel_loop3A_507 : i32 to vector<16xi32>
        %parallel_loop3A_509 = arith.andi %parallel_loop3A_502, %parallel_loop3A_508 : vector<16xi32>
        %parallel_loop3A_510 = tpu.bitcast %parallel_loop3A_509 : vector<16xi32> -> vector<16xf32>
        %parallel_loop3A_511 = arith.index_cast %parallel_loop3A_331 : i32 to index
        %parallel_loop3A_512 = arith.constant 192 : index
        %parallel_loop3A_513 = tpu.vector_load %arg8[%parallel_loop3A_511, %parallel_loop3A_512] {strides = array<i32>} : memref<40x256xf32, #tpu.memory_space<vmem>>, vector<1x16xf32>,
        %parallel_loop3A_514 = vector.shape_cast %parallel_loop3A_513 : vector<1x16xf32> to vector<16xf32>
        %parallel_loop3A_515 = vector.shape_cast %parallel_loop3A_506 : vector<16xf32> to vector<1x16xf32>
        tpu.vector_store %arg8[%parallel_loop3A_511, %parallel_loop3A_512], %parallel_loop3A_515 {add = true, strides = array<i32>} : memref<40x256xf32, #tpu.memory_space<vmem>>, vector<1x16xf32>,
        %parallel_loop3A_516 = arith.index_cast %parallel_loop3A_331 : i32 to index
        %parallel_loop3A_517 = arith.constant 208 : index
        %parallel_loop3A_518 = tpu.vector_load %arg8[%parallel_loop3A_516, %parallel_loop3A_517] {strides = array<i32>} : memref<40x256xf32, #tpu.memory_space<vmem>>, vector<1x16xf32>,
        %parallel_loop3A_519 = vector.shape_cast %parallel_loop3A_518 : vector<1x16xf32> to vector<16xf32>
        %parallel_loop3A_520 = vector.shape_cast %parallel_loop3A_510 : vector<16xf32> to vector<1x16xf32>
        tpu.vector_store %arg8[%parallel_loop3A_516, %parallel_loop3A_517], %parallel_loop3A_520 {add = true, strides = array<i32>} : memref<40x256xf32, #tpu.memory_space<vmem>>, vector<1x16xf32>,
        %parallel_loop3A_521 = arith.constant 0 : i32
        %parallel_loop3A_522 = arith.addi %parallel_loop3A_521, %parallel_loop3A_331 : i32
        %parallel_loop3A_523 = arith.constant 128 : i32
        %parallel_loop3A_524 = arith.muli %parallel_loop3A_522, %parallel_loop3A_523 : i32
        %parallel_loop3A_525 = arith.constant 112 : i32
        %parallel_loop3A_526 = arith.addi %parallel_loop3A_524, %parallel_loop3A_525 : i32
        %parallel_loop3A_527 = arith.index_cast %parallel_loop3A_526 : i32 to index
        %parallel_loop3A_528 = tpu.vector_load %arg13[%parallel_loop3A_527] {strides = array<i32>} : memref<25600xi32, #tpu.memory_space<vmem>>, vector<16xi32>,
        %parallel_loop3A_529 = vector.shape_cast %parallel_loop3A_528 : vector<16xi32> to vector<16xi32>
        %parallel_loop3A_530 = arith.constant 16 : i32
        %parallel_loop3A_531 = vector.broadcast %parallel_loop3A_530 : i32 to vector<16xi32>
        %parallel_loop3A_532 = arith.shli %parallel_loop3A_529, %parallel_loop3A_531 : vector<16xi32>
        %parallel_loop3A_533 = tpu.bitcast %parallel_loop3A_532 : vector<16xi32> -> vector<16xf32>
        %parallel_loop3A_534 = arith.constant -65536 : i32
        %parallel_loop3A_535 = vector.broadcast %parallel_loop3A_534 : i32 to vector<16xi32>
        %parallel_loop3A_536 = arith.andi %parallel_loop3A_529, %parallel_loop3A_535 : vector<16xi32>
        %parallel_loop3A_537 = tpu.bitcast %parallel_loop3A_536 : vector<16xi32> -> vector<16xf32>
        %parallel_loop3A_538 = arith.index_cast %parallel_loop3A_331 : i32 to index
        %parallel_loop3A_539 = arith.constant 224 : index
        %parallel_loop3A_540 = tpu.vector_load %arg8[%parallel_loop3A_538, %parallel_loop3A_539] {strides = array<i32>} : memref<40x256xf32, #tpu.memory_space<vmem>>, vector<1x16xf32>,
        %parallel_loop3A_541 = vector.shape_cast %parallel_loop3A_540 : vector<1x16xf32> to vector<16xf32>
        %parallel_loop3A_542 = vector.shape_cast %parallel_loop3A_533 : vector<16xf32> to vector<1x16xf32>
        tpu.vector_store %arg8[%parallel_loop3A_538, %parallel_loop3A_539], %parallel_loop3A_542 {add = true, strides = array<i32>} : memref<40x256xf32, #tpu.memory_space<vmem>>, vector<1x16xf32>,
        %parallel_loop3A_543 = arith.index_cast %parallel_loop3A_331 : i32 to index
        %parallel_loop3A_544 = arith.constant 240 : index
        %parallel_loop3A_545 = tpu.vector_load %arg8[%parallel_loop3A_543, %parallel_loop3A_544] {strides = array<i32>} : memref<40x256xf32, #tpu.memory_space<vmem>>, vector<1x16xf32>,
        %parallel_loop3A_546 = vector.shape_cast %parallel_loop3A_545 : vector<1x16xf32> to vector<16xf32>
        %parallel_loop3A_547 = vector.shape_cast %parallel_loop3A_537 : vector<16xf32> to vector<1x16xf32>
        tpu.vector_store %arg8[%parallel_loop3A_543, %parallel_loop3A_544], %parallel_loop3A_547 {add = true, strides = array<i32>} : memref<40x256xf32, #tpu.memory_space<vmem>>, vector<1x16xf32>,
      } {sc.loop_unroll_factor = 2 : i64, sc.parallel_access}
      %add3A_223 = arith.constant 0 : i32
      %add3A_224 = arith.addi %add3A_213, %add3A_223 : i32
      %dma_start3A_225 = arith.constant 0 : i32
      %dma_start3A_226 = tpu.memref_slice %arg5[%add3A_224, %dma_start3A_225] : memref<819200x256xf32, #tpu.memory_space<hbm>> -> memref<40x256xf32, #tpu.memory_space<hbm>>
      %dma_start3A_227 = arith.constant 0 : i32
      %dma_start3A_228 = tpu.memref_slice %arg5[%add3A_224, %dma_start3A_227] : memref<819200x256xf32, #tpu.memory_space<hbm>> -> memref<40x256xf32, #tpu.memory_space<hbm>>
      tpu.enqueue_dma source(%arg8 : memref<40x256xf32, #tpu.memory_space<vmem>>) target(%dma_start3A_228 : memref<40x256xf32, #tpu.memory_space<hbm>>) target_semaphore(%arg19 : memref<!tpu.dma_semaphore, #tpu.memory_space<semaphore_mem>>)
      %dma_wait3A_229 = arith.constant 160 : i32
      %dma_wait3A_230 = arith.constant 0 : i32
      %dma_wait3A_231 = tpu.memref_slice %arg5[%dma_wait3A_229, %dma_wait3A_230] : memref<819200x256xf32, #tpu.memory_space<hbm>> -> memref<40x256xf32, #tpu.memory_space<hbm>>
      %dma_wait3A_232 = arith.constant 160 : i32
      %dma_wait3A_233 = arith.constant 0 : i32
      %dma_wait3A_234 = tpu.memref_slice %arg5[%dma_wait3A_232, %dma_wait3A_233] : memref<819200x256xf32, #tpu.memory_space<hbm>> -> memref<40x256xf32, #tpu.memory_space<hbm>>
      tpu.wait_dma2 semaphore(%arg23 : memref<!tpu.dma_semaphore, #tpu.memory_space<semaphore_mem>>) src(%arg12 : memref<40x256xf32, #tpu.memory_space<vmem>>) dst(%dma_wait3A_234 : memref<40x256xf32, #tpu.memory_space<hbm>>)
      %dma_start3A_235 = arith.constant 160 : i32
      %dma_start3A_236 = tpu.memref_slice %arg7[%dma_start3A_235] : memref<200xi32, #tpu.memory_space<vmem>> -> memref<40xi32, #tpu.memory_space<vmem>>
      %dma_start3A_237 = arith.constant 0 : i32
      %dma_start3A_238 = arith.constant 0 : i32
      %dma_start3A_239 = tpu.memref_slice %arg3[%dma_start3A_237, %dma_start3A_238] : memref<16000x256xf32, #tpu.memory_space<hbm>> -> memref<16000x256xf32, #tpu.memory_space<hbm>>
      tpu.enqueue_indirect_dma source(%dma_start3A_239 : memref<16000x256xf32, #tpu.memory_space<hbm>>) target(%arg12 : memref<40x256xf32, #tpu.memory_space<vmem>>) offsets(%dma_start3A_236 : memref<40xi32, #tpu.memory_space<vmem>>) semaphore(%arg18 : memref<!tpu.dma_semaphore, #tpu.memory_space<semaphore_mem>>)
      %dma_wait3A_240 = arith.constant 0 : i32
      %dma_wait3A_241 = arith.constant 0 : i32
      %dma_wait3A_242 = tpu.memref_slice %arg3[%dma_wait3A_240, %dma_wait3A_241] : memref<16000x256xf32, #tpu.memory_space<hbm>> -> memref<40x256xf32, #tpu.memory_space<hbm>>
      %dma_wait3A_243 = arith.constant 0 : i32
      %dma_wait3A_244 = arith.constant 0 : i32
      %dma_wait3A_245 = tpu.memref_slice %arg3[%dma_wait3A_243, %dma_wait3A_244] : memref<16000x256xf32, #tpu.memory_space<hbm>> -> memref<40x256xf32, #tpu.memory_space<hbm>>
      tpu.wait_dma2 semaphore(%arg15 : memref<!tpu.dma_semaphore, #tpu.memory_space<semaphore_mem>>) src(%dma_wait3A_245 : memref<40x256xf32, #tpu.memory_space<hbm>>) dst(%arg9 : memref<40x256xf32, #tpu.memory_space<vmem>>)
      %parallel_loop3A_246 = arith.constant 0 : i32
      %parallel_loop3A_247 = arith.constant 40 : i32
      %parallel_loop3A_248 = arith.constant 1 : i32
      scf.for %parallel_loop3A_331 = %parallel_loop3A_246 to %parallel_loop3A_247 step %parallel_loop3A_248  : i32 {
        %parallel_loop3A_332 = arith.constant 40 : i32
        %parallel_loop3A_333 = arith.addi %parallel_loop3A_332, %parallel_loop3A_331 : i32
        %parallel_loop3A_334 = arith.constant 128 : i32
        %parallel_loop3A_335 = arith.muli %parallel_loop3A_333, %parallel_loop3A_334 : i32
        %parallel_loop3A_336 = arith.constant 0 : i32
        %parallel_loop3A_337 = arith.addi %parallel_loop3A_335, %parallel_loop3A_336 : i32
        %parallel_loop3A_338 = arith.index_cast %parallel_loop3A_337 : i32 to index
        %parallel_loop3A_339 = tpu.vector_load %arg13[%parallel_loop3A_338] {strides = array<i32>} : memref<25600xi32, #tpu.memory_space<vmem>>, vector<16xi32>,
        %parallel_loop3A_340 = vector.shape_cast %parallel_loop3A_339 : vector<16xi32> to vector<16xi32>
        %parallel_loop3A_341 = arith.constant 16 : i32
        %parallel_loop3A_342 = vector.broadcast %parallel_loop3A_341 : i32 to vector<16xi32>
        %parallel_loop3A_343 = arith.shli %parallel_loop3A_340, %parallel_loop3A_342 : vector<16xi32>
        %parallel_loop3A_344 = tpu.bitcast %parallel_loop3A_343 : vector<16xi32> -> vector<16xf32>
        %parallel_loop3A_345 = arith.constant -65536 : i32
        %parallel_loop3A_346 = vector.broadcast %parallel_loop3A_345 : i32 to vector<16xi32>
        %parallel_loop3A_347 = arith.andi %parallel_loop3A_340, %parallel_loop3A_346 : vector<16xi32>
        %parallel_loop3A_348 = tpu.bitcast %parallel_loop3A_347 : vector<16xi32> -> vector<16xf32>
        %parallel_loop3A_349 = arith.index_cast %parallel_loop3A_331 : i32 to index
        %parallel_loop3A_350 = arith.constant 0 : index
        %parallel_loop3A_351 = tpu.vector_load %arg9[%parallel_loop3A_349, %parallel_loop3A_350] {strides = array<i32>} : memref<40x256xf32, #tpu.memory_space<vmem>>, vector<1x16xf32>,
        %parallel_loop3A_352 = vector.shape_cast %parallel_loop3A_351 : vector<1x16xf32> to vector<16xf32>
        %parallel_loop3A_353 = vector.shape_cast %parallel_loop3A_344 : vector<16xf32> to vector<1x16xf32>
        tpu.vector_store %arg9[%parallel_loop3A_349, %parallel_loop3A_350], %parallel_loop3A_353 {add = true, strides = array<i32>} : memref<40x256xf32, #tpu.memory_space<vmem>>, vector<1x16xf32>,
        %parallel_loop3A_354 = arith.index_cast %parallel_loop3A_331 : i32 to index
        %parallel_loop3A_355 = arith.constant 16 : index
        %parallel_loop3A_356 = tpu.vector_load %arg9[%parallel_loop3A_354, %parallel_loop3A_355] {strides = array<i32>} : memref<40x256xf32, #tpu.memory_space<vmem>>, vector<1x16xf32>,
        %parallel_loop3A_357 = vector.shape_cast %parallel_loop3A_356 : vector<1x16xf32> to vector<16xf32>
        %parallel_loop3A_358 = vector.shape_cast %parallel_loop3A_348 : vector<16xf32> to vector<1x16xf32>
        tpu.vector_store %arg9[%parallel_loop3A_354, %parallel_loop3A_355], %parallel_loop3A_358 {add = true, strides = array<i32>} : memref<40x256xf32, #tpu.memory_space<vmem>>, vector<1x16xf32>,
        %parallel_loop3A_359 = arith.constant 40 : i32
        %parallel_loop3A_360 = arith.addi %parallel_loop3A_359, %parallel_loop3A_331 : i32
        %parallel_loop3A_361 = arith.constant 128 : i32
        %parallel_loop3A_362 = arith.muli %parallel_loop3A_360, %parallel_loop3A_361 : i32
        %parallel_loop3A_363 = arith.constant 16 : i32
        %parallel_loop3A_364 = arith.addi %parallel_loop3A_362, %parallel_loop3A_363 : i32
        %parallel_loop3A_365 = arith.index_cast %parallel_loop3A_364 : i32 to index
        %parallel_loop3A_366 = tpu.vector_load %arg13[%parallel_loop3A_365] {strides = array<i32>} : memref<25600xi32, #tpu.memory_space<vmem>>, vector<16xi32>,
        %parallel_loop3A_367 = vector.shape_cast %parallel_loop3A_366 : vector<16xi32> to vector<16xi32>
        %parallel_loop3A_368 = arith.constant 16 : i32
        %parallel_loop3A_369 = vector.broadcast %parallel_loop3A_368 : i32 to vector<16xi32>
        %parallel_loop3A_370 = arith.shli %parallel_loop3A_367, %parallel_loop3A_369 : vector<16xi32>
        %parallel_loop3A_371 = tpu.bitcast %parallel_loop3A_370 : vector<16xi32> -> vector<16xf32>
        %parallel_loop3A_372 = arith.constant -65536 : i32
        %parallel_loop3A_373 = vector.broadcast %parallel_loop3A_372 : i32 to vector<16xi32>
        %parallel_loop3A_374 = arith.andi %parallel_loop3A_367, %parallel_loop3A_373 : vector<16xi32>
        %parallel_loop3A_375 = tpu.bitcast %parallel_loop3A_374 : vector<16xi32> -> vector<16xf32>
        %parallel_loop3A_376 = arith.index_cast %parallel_loop3A_331 : i32 to index
        %parallel_loop3A_377 = arith.constant 32 : index
        %parallel_loop3A_378 = tpu.vector_load %arg9[%parallel_loop3A_376, %parallel_loop3A_377] {strides = array<i32>} : memref<40x256xf32, #tpu.memory_space<vmem>>, vector<1x16xf32>,
        %parallel_loop3A_379 = vector.shape_cast %parallel_loop3A_378 : vector<1x16xf32> to vector<16xf32>
        %parallel_loop3A_380 = vector.shape_cast %parallel_loop3A_371 : vector<16xf32> to vector<1x16xf32>
        tpu.vector_store %arg9[%parallel_loop3A_376, %parallel_loop3A_377], %parallel_loop3A_380 {add = true, strides = array<i32>} : memref<40x256xf32, #tpu.memory_space<vmem>>, vector<1x16xf32>,
        %parallel_loop3A_381 = arith.index_cast %parallel_loop3A_331 : i32 to index
        %parallel_loop3A_382 = arith.constant 48 : index
        %parallel_loop3A_383 = tpu.vector_load %arg9[%parallel_loop3A_381, %parallel_loop3A_382] {strides = array<i32>} : memref<40x256xf32, #tpu.memory_space<vmem>>, vector<1x16xf32>,
        %parallel_loop3A_384 = vector.shape_cast %parallel_loop3A_383 : vector<1x16xf32> to vector<16xf32>
        %parallel_loop3A_385 = vector.shape_cast %parallel_loop3A_375 : vector<16xf32> to vector<1x16xf32>
        tpu.vector_store %arg9[%parallel_loop3A_381, %parallel_loop3A_382], %parallel_loop3A_385 {add = true, strides = array<i32>} : memref<40x256xf32, #tpu.memory_space<vmem>>, vector<1x16xf32>,
        %parallel_loop3A_386 = arith.constant 40 : i32
        %parallel_loop3A_387 = arith.addi %parallel_loop3A_386, %parallel_loop3A_331 : i32
        %parallel_loop3A_388 = arith.constant 128 : i32
        %parallel_loop3A_389 = arith.muli %parallel_loop3A_387, %parallel_loop3A_388 : i32
        %parallel_loop3A_390 = arith.constant 32 : i32
        %parallel_loop3A_391 = arith.addi %parallel_loop3A_389, %parallel_loop3A_390 : i32
        %parallel_loop3A_392 = arith.index_cast %parallel_loop3A_391 : i32 to index
        %parallel_loop3A_393 = tpu.vector_load %arg13[%parallel_loop3A_392] {strides = array<i32>} : memref<25600xi32, #tpu.memory_space<vmem>>, vector<16xi32>,
        %parallel_loop3A_394 = vector.shape_cast %parallel_loop3A_393 : vector<16xi32> to vector<16xi32>
        %parallel_loop3A_395 = arith.constant 16 : i32
        %parallel_loop3A_396 = vector.broadcast %parallel_loop3A_395 : i32 to vector<16xi32>
        %parallel_loop3A_397 = arith.shli %parallel_loop3A_394, %parallel_loop3A_396 : vector<16xi32>
        %parallel_loop3A_398 = tpu.bitcast %parallel_loop3A_397 : vector<16xi32> -> vector<16xf32>
        %parallel_loop3A_399 = arith.constant -65536 : i32
        %parallel_loop3A_400 = vector.broadcast %parallel_loop3A_399 : i32 to vector<16xi32>
        %parallel_loop3A_401 = arith.andi %parallel_loop3A_394, %parallel_loop3A_400 : vector<16xi32>
        %parallel_loop3A_402 = tpu.bitcast %parallel_loop3A_401 : vector<16xi32> -> vector<16xf32>
        %parallel_loop3A_403 = arith.index_cast %parallel_loop3A_331 : i32 to index
        %parallel_loop3A_404 = arith.constant 64 : index
        %parallel_loop3A_405 = tpu.vector_load %arg9[%parallel_loop3A_403, %parallel_loop3A_404] {strides = array<i32>} : memref<40x256xf32, #tpu.memory_space<vmem>>, vector<1x16xf32>,
        %parallel_loop3A_406 = vector.shape_cast %parallel_loop3A_405 : vector<1x16xf32> to vector<16xf32>
        %parallel_loop3A_407 = vector.shape_cast %parallel_loop3A_398 : vector<16xf32> to vector<1x16xf32>
        tpu.vector_store %arg9[%parallel_loop3A_403, %parallel_loop3A_404], %parallel_loop3A_407 {add = true, strides = array<i32>} : memref<40x256xf32, #tpu.memory_space<vmem>>, vector<1x16xf32>,
        %parallel_loop3A_408 = arith.index_cast %parallel_loop3A_331 : i32 to index
        %parallel_loop3A_409 = arith.constant 80 : index
        %parallel_loop3A_410 = tpu.vector_load %arg9[%parallel_loop3A_408, %parallel_loop3A_409] {strides = array<i32>} : memref<40x256xf32, #tpu.memory_space<vmem>>, vector<1x16xf32>,
        %parallel_loop3A_411 = vector.shape_cast %parallel_loop3A_410 : vector<1x16xf32> to vector<16xf32>
        %parallel_loop3A_412 = vector.shape_cast %parallel_loop3A_402 : vector<16xf32> to vector<1x16xf32>
        tpu.vector_store %arg9[%parallel_loop3A_408, %parallel_loop3A_409], %parallel_loop3A_412 {add = true, strides = array<i32>} : memref<40x256xf32, #tpu.memory_space<vmem>>, vector<1x16xf32>,
        %parallel_loop3A_413 = arith.constant 40 : i32
        %parallel_loop3A_414 = arith.addi %parallel_loop3A_413, %parallel_loop3A_331 : i32
        %parallel_loop3A_415 = arith.constant 128 : i32
        %parallel_loop3A_416 = arith.muli %parallel_loop3A_414, %parallel_loop3A_415 : i32
        %parallel_loop3A_417 = arith.constant 48 : i32
        %parallel_loop3A_418 = arith.addi %parallel_loop3A_416, %parallel_loop3A_417 : i32
        %parallel_loop3A_419 = arith.index_cast %parallel_loop3A_418 : i32 to index
        %parallel_loop3A_420 = tpu.vector_load %arg13[%parallel_loop3A_419] {strides = array<i32>} : memref<25600xi32, #tpu.memory_space<vmem>>, vector<16xi32>,
        %parallel_loop3A_421 = vector.shape_cast %parallel_loop3A_420 : vector<16xi32> to vector<16xi32>
        %parallel_loop3A_422 = arith.constant 16 : i32
        %parallel_loop3A_423 = vector.broadcast %parallel_loop3A_422 : i32 to vector<16xi32>
        %parallel_loop3A_424 = arith.shli %parallel_loop3A_421, %parallel_loop3A_423 : vector<16xi32>
        %parallel_loop3A_425 = tpu.bitcast %parallel_loop3A_424 : vector<16xi32> -> vector<16xf32>
        %parallel_loop3A_426 = arith.constant -65536 : i32
        %parallel_loop3A_427 = vector.broadcast %parallel_loop3A_426 : i32 to vector<16xi32>
        %parallel_loop3A_428 = arith.andi %parallel_loop3A_421, %parallel_loop3A_427 : vector<16xi32>
        %parallel_loop3A_429 = tpu.bitcast %parallel_loop3A_428 : vector<16xi32> -> vector<16xf32>
        %parallel_loop3A_430 = arith.index_cast %parallel_loop3A_331 : i32 to index
        %parallel_loop3A_431 = arith.constant 96 : index
        %parallel_loop3A_432 = tpu.vector_load %arg9[%parallel_loop3A_430, %parallel_loop3A_431] {strides = array<i32>} : memref<40x256xf32, #tpu.memory_space<vmem>>, vector<1x16xf32>,
        %parallel_loop3A_433 = vector.shape_cast %parallel_loop3A_432 : vector<1x16xf32> to vector<16xf32>
        %parallel_loop3A_434 = vector.shape_cast %parallel_loop3A_425 : vector<16xf32> to vector<1x16xf32>
        tpu.vector_store %arg9[%parallel_loop3A_430, %parallel_loop3A_431], %parallel_loop3A_434 {add = true, strides = array<i32>} : memref<40x256xf32, #tpu.memory_space<vmem>>, vector<1x16xf32>,
        %parallel_loop3A_435 = arith.index_cast %parallel_loop3A_331 : i32 to index
        %parallel_loop3A_436 = arith.constant 112 : index
        %parallel_loop3A_437 = tpu.vector_load %arg9[%parallel_loop3A_435, %parallel_loop3A_436] {strides = array<i32>} : memref<40x256xf32, #tpu.memory_space<vmem>>, vector<1x16xf32>,
        %parallel_loop3A_438 = vector.shape_cast %parallel_loop3A_437 : vector<1x16xf32> to vector<16xf32>
        %parallel_loop3A_439 = vector.shape_cast %parallel_loop3A_429 : vector<16xf32> to vector<1x16xf32>
        tpu.vector_store %arg9[%parallel_loop3A_435, %parallel_loop3A_436], %parallel_loop3A_439 {add = true, strides = array<i32>} : memref<40x256xf32, #tpu.memory_space<vmem>>, vector<1x16xf32>,
        %parallel_loop3A_440 = arith.constant 40 : i32
        %parallel_loop3A_441 = arith.addi %parallel_loop3A_440, %parallel_loop3A_331 : i32
        %parallel_loop3A_442 = arith.constant 128 : i32
        %parallel_loop3A_443 = arith.muli %parallel_loop3A_441, %parallel_loop3A_442 : i32
        %parallel_loop3A_444 = arith.constant 64 : i32
        %parallel_loop3A_445 = arith.addi %parallel_loop3A_443, %parallel_loop3A_444 : i32
        %parallel_loop3A_446 = arith.index_cast %parallel_loop3A_445 : i32 to index
        %parallel_loop3A_447 = tpu.vector_load %arg13[%parallel_loop3A_446] {strides = array<i32>} : memref<25600xi32, #tpu.memory_space<vmem>>, vector<16xi32>,
        %parallel_loop3A_448 = vector.shape_cast %parallel_loop3A_447 : vector<16xi32> to vector<16xi32>
        %parallel_loop3A_449 = arith.constant 16 : i32
        %parallel_loop3A_450 = vector.broadcast %parallel_loop3A_449 : i32 to vector<16xi32>
        %parallel_loop3A_451 = arith.shli %parallel_loop3A_448, %parallel_loop3A_450 : vector<16xi32>
        %parallel_loop3A_452 = tpu.bitcast %parallel_loop3A_451 : vector<16xi32> -> vector<16xf32>
        %parallel_loop3A_453 = arith.constant -65536 : i32
        %parallel_loop3A_454 = vector.broadcast %parallel_loop3A_453 : i32 to vector<16xi32>
        %parallel_loop3A_455 = arith.andi %parallel_loop3A_448, %parallel_loop3A_454 : vector<16xi32>
        %parallel_loop3A_456 = tpu.bitcast %parallel_loop3A_455 : vector<16xi32> -> vector<16xf32>
        %parallel_loop3A_457 = arith.index_cast %parallel_loop3A_331 : i32 to index
        %parallel_loop3A_458 = arith.constant 128 : index
        %parallel_loop3A_459 = tpu.vector_load %arg9[%parallel_loop3A_457, %parallel_loop3A_458] {strides = array<i32>} : memref<40x256xf32, #tpu.memory_space<vmem>>, vector<1x16xf32>,
        %parallel_loop3A_460 = vector.shape_cast %parallel_loop3A_459 : vector<1x16xf32> to vector<16xf32>
        %parallel_loop3A_461 = vector.shape_cast %parallel_loop3A_452 : vector<16xf32> to vector<1x16xf32>
        tpu.vector_store %arg9[%parallel_loop3A_457, %parallel_loop3A_458], %parallel_loop3A_461 {add = true, strides = array<i32>} : memref<40x256xf32, #tpu.memory_space<vmem>>, vector<1x16xf32>,
        %parallel_loop3A_462 = arith.index_cast %parallel_loop3A_331 : i32 to index
        %parallel_loop3A_463 = arith.constant 144 : index
        %parallel_loop3A_464 = tpu.vector_load %arg9[%parallel_loop3A_462, %parallel_loop3A_463] {strides = array<i32>} : memref<40x256xf32, #tpu.memory_space<vmem>>, vector<1x16xf32>,
        %parallel_loop3A_465 = vector.shape_cast %parallel_loop3A_464 : vector<1x16xf32> to vector<16xf32>
        %parallel_loop3A_466 = vector.shape_cast %parallel_loop3A_456 : vector<16xf32> to vector<1x16xf32>
        tpu.vector_store %arg9[%parallel_loop3A_462, %parallel_loop3A_463], %parallel_loop3A_466 {add = true, strides = array<i32>} : memref<40x256xf32, #tpu.memory_space<vmem>>, vector<1x16xf32>,
        %parallel_loop3A_467 = arith.constant 40 : i32
        %parallel_loop3A_468 = arith.addi %parallel_loop3A_467, %parallel_loop3A_331 : i32
        %parallel_loop3A_469 = arith.constant 128 : i32
        %parallel_loop3A_470 = arith.muli %parallel_loop3A_468, %parallel_loop3A_469 : i32
        %parallel_loop3A_471 = arith.constant 80 : i32
        %parallel_loop3A_472 = arith.addi %parallel_loop3A_470, %parallel_loop3A_471 : i32
        %parallel_loop3A_473 = arith.index_cast %parallel_loop3A_472 : i32 to index
        %parallel_loop3A_474 = tpu.vector_load %arg13[%parallel_loop3A_473] {strides = array<i32>} : memref<25600xi32, #tpu.memory_space<vmem>>, vector<16xi32>,
        %parallel_loop3A_475 = vector.shape_cast %parallel_loop3A_474 : vector<16xi32> to vector<16xi32>
        %parallel_loop3A_476 = arith.constant 16 : i32
        %parallel_loop3A_477 = vector.broadcast %parallel_loop3A_476 : i32 to vector<16xi32>
        %parallel_loop3A_478 = arith.shli %parallel_loop3A_475, %parallel_loop3A_477 : vector<16xi32>
        %parallel_loop3A_479 = tpu.bitcast %parallel_loop3A_478 : vector<16xi32> -> vector<16xf32>
        %parallel_loop3A_480 = arith.constant -65536 : i32
        %parallel_loop3A_481 = vector.broadcast %parallel_loop3A_480 : i32 to vector<16xi32>
        %parallel_loop3A_482 = arith.andi %parallel_loop3A_475, %parallel_loop3A_481 : vector<16xi32>
        %parallel_loop3A_483 = tpu.bitcast %parallel_loop3A_482 : vector<16xi32> -> vector<16xf32>
        %parallel_loop3A_484 = arith.index_cast %parallel_loop3A_331 : i32 to index
        %parallel_loop3A_485 = arith.constant 160 : index
        %parallel_loop3A_486 = tpu.vector_load %arg9[%parallel_loop3A_484, %parallel_loop3A_485] {strides = array<i32>} : memref<40x256xf32, #tpu.memory_space<vmem>>, vector<1x16xf32>,
        %parallel_loop3A_487 = vector.shape_cast %parallel_loop3A_486 : vector<1x16xf32> to vector<16xf32>
        %parallel_loop3A_488 = vector.shape_cast %parallel_loop3A_479 : vector<16xf32> to vector<1x16xf32>
        tpu.vector_store %arg9[%parallel_loop3A_484, %parallel_loop3A_485], %parallel_loop3A_488 {add = true, strides = array<i32>} : memref<40x256xf32, #tpu.memory_space<vmem>>, vector<1x16xf32>,
        %parallel_loop3A_489 = arith.index_cast %parallel_loop3A_331 : i32 to index
        %parallel_loop3A_490 = arith.constant 176 : index
        %parallel_loop3A_491 = tpu.vector_load %arg9[%parallel_loop3A_489, %parallel_loop3A_490] {strides = array<i32>} : memref<40x256xf32, #tpu.memory_space<vmem>>, vector<1x16xf32>,
        %parallel_loop3A_492 = vector.shape_cast %parallel_loop3A_491 : vector<1x16xf32> to vector<16xf32>
        %parallel_loop3A_493 = vector.shape_cast %parallel_loop3A_483 : vector<16xf32> to vector<1x16xf32>
        tpu.vector_store %arg9[%parallel_loop3A_489, %parallel_loop3A_490], %parallel_loop3A_493 {add = true, strides = array<i32>} : memref<40x256xf32, #tpu.memory_space<vmem>>, vector<1x16xf32>,
        %parallel_loop3A_494 = arith.constant 40 : i32
        %parallel_loop3A_495 = arith.addi %parallel_loop3A_494, %parallel_loop3A_331 : i32
        %parallel_loop3A_496 = arith.constant 128 : i32
        %parallel_loop3A_497 = arith.muli %parallel_loop3A_495, %parallel_loop3A_496 : i32
        %parallel_loop3A_498 = arith.constant 96 : i32
        %parallel_loop3A_499 = arith.addi %parallel_loop3A_497, %parallel_loop3A_498 : i32
        %parallel_loop3A_500 = arith.index_cast %parallel_loop3A_499 : i32 to index
        %parallel_loop3A_501 = tpu.vector_load %arg13[%parallel_loop3A_500] {strides = array<i32>} : memref<25600xi32, #tpu.memory_space<vmem>>, vector<16xi32>,
        %parallel_loop3A_502 = vector.shape_cast %parallel_loop3A_501 : vector<16xi32> to vector<16xi32>
        %parallel_loop3A_503 = arith.constant 16 : i32
        %parallel_loop3A_504 = vector.broadcast %parallel_loop3A_503 : i32 to vector<16xi32>
        %parallel_loop3A_505 = arith.shli %parallel_loop3A_502, %parallel_loop3A_504 : vector<16xi32>
        %parallel_loop3A_506 = tpu.bitcast %parallel_loop3A_505 : vector<16xi32> -> vector<16xf32>
        %parallel_loop3A_507 = arith.constant -65536 : i32
        %parallel_loop3A_508 = vector.broadcast %parallel_loop3A_507 : i32 to vector<16xi32>
        %parallel_loop3A_509 = arith.andi %parallel_loop3A_502, %parallel_loop3A_508 : vector<16xi32>
        %parallel_loop3A_510 = tpu.bitcast %parallel_loop3A_509 : vector<16xi32> -> vector<16xf32>
        %parallel_loop3A_511 = arith.index_cast %parallel_loop3A_331 : i32 to index
        %parallel_loop3A_512 = arith.constant 192 : index
        %parallel_loop3A_513 = tpu.vector_load %arg9[%parallel_loop3A_511, %parallel_loop3A_512] {strides = array<i32>} : memref<40x256xf32, #tpu.memory_space<vmem>>, vector<1x16xf32>,
        %parallel_loop3A_514 = vector.shape_cast %parallel_loop3A_513 : vector<1x16xf32> to vector<16xf32>
        %parallel_loop3A_515 = vector.shape_cast %parallel_loop3A_506 : vector<16xf32> to vector<1x16xf32>
        tpu.vector_store %arg9[%parallel_loop3A_511, %parallel_loop3A_512], %parallel_loop3A_515 {add = true, strides = array<i32>} : memref<40x256xf32, #tpu.memory_space<vmem>>, vector<1x16xf32>,
        %parallel_loop3A_516 = arith.index_cast %parallel_loop3A_331 : i32 to index
        %parallel_loop3A_517 = arith.constant 208 : index
        %parallel_loop3A_518 = tpu.vector_load %arg9[%parallel_loop3A_516, %parallel_loop3A_517] {strides = array<i32>} : memref<40x256xf32, #tpu.memory_space<vmem>>, vector<1x16xf32>,
        %parallel_loop3A_519 = vector.shape_cast %parallel_loop3A_518 : vector<1x16xf32> to vector<16xf32>
        %parallel_loop3A_520 = vector.shape_cast %parallel_loop3A_510 : vector<16xf32> to vector<1x16xf32>
        tpu.vector_store %arg9[%parallel_loop3A_516, %parallel_loop3A_517], %parallel_loop3A_520 {add = true, strides = array<i32>} : memref<40x256xf32, #tpu.memory_space<vmem>>, vector<1x16xf32>,
        %parallel_loop3A_521 = arith.constant 40 : i32
        %parallel_loop3A_522 = arith.addi %parallel_loop3A_521, %parallel_loop3A_331 : i32
        %parallel_loop3A_523 = arith.constant 128 : i32
        %parallel_loop3A_524 = arith.muli %parallel_loop3A_522, %parallel_loop3A_523 : i32
        %parallel_loop3A_525 = arith.constant 112 : i32
        %parallel_loop3A_526 = arith.addi %parallel_loop3A_524, %parallel_loop3A_525 : i32
        %parallel_loop3A_527 = arith.index_cast %parallel_loop3A_526 : i32 to index
        %parallel_loop3A_528 = tpu.vector_load %arg13[%parallel_loop3A_527] {strides = array<i32>} : memref<25600xi32, #tpu.memory_space<vmem>>, vector<16xi32>,
        %parallel_loop3A_529 = vector.shape_cast %parallel_loop3A_528 : vector<16xi32> to vector<16xi32>
        %parallel_loop3A_530 = arith.constant 16 : i32
        %parallel_loop3A_531 = vector.broadcast %parallel_loop3A_530 : i32 to vector<16xi32>
        %parallel_loop3A_532 = arith.shli %parallel_loop3A_529, %parallel_loop3A_531 : vector<16xi32>
        %parallel_loop3A_533 = tpu.bitcast %parallel_loop3A_532 : vector<16xi32> -> vector<16xf32>
        %parallel_loop3A_534 = arith.constant -65536 : i32
        %parallel_loop3A_535 = vector.broadcast %parallel_loop3A_534 : i32 to vector<16xi32>
        %parallel_loop3A_536 = arith.andi %parallel_loop3A_529, %parallel_loop3A_535 : vector<16xi32>
        %parallel_loop3A_537 = tpu.bitcast %parallel_loop3A_536 : vector<16xi32> -> vector<16xf32>
        %parallel_loop3A_538 = arith.index_cast %parallel_loop3A_331 : i32 to index
        %parallel_loop3A_539 = arith.constant 224 : index
        %parallel_loop3A_540 = tpu.vector_load %arg9[%parallel_loop3A_538, %parallel_loop3A_539] {strides = array<i32>} : memref<40x256xf32, #tpu.memory_space<vmem>>, vector<1x16xf32>,
        %parallel_loop3A_541 = vector.shape_cast %parallel_loop3A_540 : vector<1x16xf32> to vector<16xf32>
        %parallel_loop3A_542 = vector.shape_cast %parallel_loop3A_533 : vector<16xf32> to vector<1x16xf32>
        tpu.vector_store %arg9[%parallel_loop3A_538, %parallel_loop3A_539], %parallel_loop3A_542 {add = true, strides = array<i32>} : memref<40x256xf32, #tpu.memory_space<vmem>>, vector<1x16xf32>,
        %parallel_loop3A_543 = arith.index_cast %parallel_loop3A_331 : i32 to index
        %parallel_loop3A_544 = arith.constant 240 : index
        %parallel_loop3A_545 = tpu.vector_load %arg9[%parallel_loop3A_543, %parallel_loop3A_544] {strides = array<i32>} : memref<40x256xf32, #tpu.memory_space<vmem>>, vector<1x16xf32>,
        %parallel_loop3A_546 = vector.shape_cast %parallel_loop3A_545 : vector<1x16xf32> to vector<16xf32>
        %parallel_loop3A_547 = vector.shape_cast %parallel_loop3A_537 : vector<16xf32> to vector<1x16xf32>
        tpu.vector_store %arg9[%parallel_loop3A_543, %parallel_loop3A_544], %parallel_loop3A_547 {add = true, strides = array<i32>} : memref<40x256xf32, #tpu.memory_space<vmem>>, vector<1x16xf32>,
      } {sc.loop_unroll_factor = 2 : i64, sc.parallel_access}
      %add3A_249 = arith.constant 40 : i32
      %add3A_250 = arith.addi %add3A_213, %add3A_249 : i32
      %dma_start3A_251 = arith.constant 0 : i32
      %dma_start3A_252 = tpu.memref_slice %arg5[%add3A_250, %dma_start3A_251] : memref<819200x256xf32, #tpu.memory_space<hbm>> -> memref<40x256xf32, #tpu.memory_space<hbm>>
      %dma_start3A_253 = arith.constant 0 : i32
      %dma_start3A_254 = tpu.memref_slice %arg5[%add3A_250, %dma_start3A_253] : memref<819200x256xf32, #tpu.memory_space<hbm>> -> memref<40x256xf32, #tpu.memory_space<hbm>>
      tpu.enqueue_dma source(%arg9 : memref<40x256xf32, #tpu.memory_space<vmem>>) target(%dma_start3A_254 : memref<40x256xf32, #tpu.memory_space<hbm>>) target_semaphore(%arg20 : memref<!tpu.dma_semaphore, #tpu.memory_space<semaphore_mem>>)
      %lt3A_255 = arith.constant 63 : i32
      %lt3A_256 = arith.cmpi slt, %scan3A_60, %lt3A_255 : i32
      %convert_element_type3A_257 = arith.extui %lt3A_256 : i1 to i32
      %cond3A_258 = arith.constant 0 : i32
      %cond3A_259 = arith.cmpi ne, %convert_element_type3A_257, %cond3A_258 : i32
      scf.if %cond3A_259 {
        %dma_wait3A_331 = arith.constant 0 : i32
        %dma_wait3A_332 = arith.constant 0 : i32
        %dma_wait3A_333 = tpu.memref_slice %arg5[%dma_wait3A_331, %dma_wait3A_332] : memref<819200x256xf32, #tpu.memory_space<hbm>> -> memref<40x256xf32, #tpu.memory_space<hbm>>
        %dma_wait3A_334 = arith.constant 0 : i32
        %dma_wait3A_335 = arith.constant 0 : i32
        %dma_wait3A_336 = tpu.memref_slice %arg5[%dma_wait3A_334, %dma_wait3A_335] : memref<819200x256xf32, #tpu.memory_space<hbm>> -> memref<40x256xf32, #tpu.memory_space<hbm>>
        tpu.wait_dma2 semaphore(%arg19 : memref<!tpu.dma_semaphore, #tpu.memory_space<semaphore_mem>>) src(%arg8 : memref<40x256xf32, #tpu.memory_space<vmem>>) dst(%dma_wait3A_336 : memref<40x256xf32, #tpu.memory_space<hbm>>)
        %dma_wait3A_337 = arith.constant 0 : i32
        %dma_wait3A_338 = tpu.memref_slice %arg2[%dma_wait3A_337] : memref<819200xi32, #tpu.memory_space<hbm>> -> memref<200xi32, #tpu.memory_space<hbm>>
        %dma_wait3A_339 = arith.constant 0 : i32
        %dma_wait3A_340 = tpu.memref_slice %arg2[%dma_wait3A_339] : memref<819200xi32, #tpu.memory_space<hbm>> -> memref<200xi32, #tpu.memory_space<hbm>>
        tpu.wait_dma2 semaphore(%arg24 : memref<!tpu.dma_semaphore, #tpu.memory_space<semaphore_mem>>) src(%dma_wait3A_340 : memref<200xi32, #tpu.memory_space<hbm>>) dst(%arg6 : memref<200xi32, #tpu.memory_space<vmem>>)
        %dma_start3A_341 = arith.constant 0 : i32
        %dma_start3A_342 = tpu.memref_slice %arg6[%dma_start3A_341] : memref<200xi32, #tpu.memory_space<vmem>> -> memref<40xi32, #tpu.memory_space<vmem>>
        %dma_start3A_343 = arith.constant 0 : i32
        %dma_start3A_344 = arith.constant 0 : i32
        %dma_start3A_345 = tpu.memref_slice %arg3[%dma_start3A_343, %dma_start3A_344] : memref<16000x256xf32, #tpu.memory_space<hbm>> -> memref<16000x256xf32, #tpu.memory_space<hbm>>
        tpu.enqueue_indirect_dma source(%dma_start3A_345 : memref<16000x256xf32, #tpu.memory_space<hbm>>) target(%arg8 : memref<40x256xf32, #tpu.memory_space<vmem>>) offsets(%dma_start3A_342 : memref<40xi32, #tpu.memory_space<vmem>>) semaphore(%arg14 : memref<!tpu.dma_semaphore, #tpu.memory_space<semaphore_mem>>)
      } else {
      }
      %dma_wait3A_260 = arith.constant 0 : i32
      %dma_wait3A_261 = arith.constant 0 : i32
      %dma_wait3A_262 = tpu.memref_slice %arg3[%dma_wait3A_260, %dma_wait3A_261] : memref<16000x256xf32, #tpu.memory_space<hbm>> -> memref<40x256xf32, #tpu.memory_space<hbm>>
      %dma_wait3A_263 = arith.constant 0 : i32
      %dma_wait3A_264 = arith.constant 0 : i32
      %dma_wait3A_265 = tpu.memref_slice %arg3[%dma_wait3A_263, %dma_wait3A_264] : memref<16000x256xf32, #tpu.memory_space<hbm>> -> memref<40x256xf32, #tpu.memory_space<hbm>>
      tpu.wait_dma2 semaphore(%arg16 : memref<!tpu.dma_semaphore, #tpu.memory_space<semaphore_mem>>) src(%dma_wait3A_265 : memref<40x256xf32, #tpu.memory_space<hbm>>) dst(%arg10 : memref<40x256xf32, #tpu.memory_space<vmem>>)
      %parallel_loop3A_266 = arith.constant 0 : i32
      %parallel_loop3A_267 = arith.constant 40 : i32
      %parallel_loop3A_268 = arith.constant 1 : i32
      scf.for %parallel_loop3A_331 = %parallel_loop3A_266 to %parallel_loop3A_267 step %parallel_loop3A_268  : i32 {
        %parallel_loop3A_332 = arith.constant 80 : i32
        %parallel_loop3A_333 = arith.addi %parallel_loop3A_332, %parallel_loop3A_331 : i32
        %parallel_loop3A_334 = arith.constant 128 : i32
        %parallel_loop3A_335 = arith.muli %parallel_loop3A_333, %parallel_loop3A_334 : i32
        %parallel_loop3A_336 = arith.constant 0 : i32
        %parallel_loop3A_337 = arith.addi %parallel_loop3A_335, %parallel_loop3A_336 : i32
        %parallel_loop3A_338 = arith.index_cast %parallel_loop3A_337 : i32 to index
        %parallel_loop3A_339 = tpu.vector_load %arg13[%parallel_loop3A_338] {strides = array<i32>} : memref<25600xi32, #tpu.memory_space<vmem>>, vector<16xi32>,
        %parallel_loop3A_340 = vector.shape_cast %parallel_loop3A_339 : vector<16xi32> to vector<16xi32>
        %parallel_loop3A_341 = arith.constant 16 : i32
        %parallel_loop3A_342 = vector.broadcast %parallel_loop3A_341 : i32 to vector<16xi32>
        %parallel_loop3A_343 = arith.shli %parallel_loop3A_340, %parallel_loop3A_342 : vector<16xi32>
        %parallel_loop3A_344 = tpu.bitcast %parallel_loop3A_343 : vector<16xi32> -> vector<16xf32>
        %parallel_loop3A_345 = arith.constant -65536 : i32
        %parallel_loop3A_346 = vector.broadcast %parallel_loop3A_345 : i32 to vector<16xi32>
        %parallel_loop3A_347 = arith.andi %parallel_loop3A_340, %parallel_loop3A_346 : vector<16xi32>
        %parallel_loop3A_348 = tpu.bitcast %parallel_loop3A_347 : vector<16xi32> -> vector<16xf32>
        %parallel_loop3A_349 = arith.index_cast %parallel_loop3A_331 : i32 to index
        %parallel_loop3A_350 = arith.constant 0 : index
        %parallel_loop3A_351 = tpu.vector_load %arg10[%parallel_loop3A_349, %parallel_loop3A_350] {strides = array<i32>} : memref<40x256xf32, #tpu.memory_space<vmem>>, vector<1x16xf32>,
        %parallel_loop3A_352 = vector.shape_cast %parallel_loop3A_351 : vector<1x16xf32> to vector<16xf32>
        %parallel_loop3A_353 = vector.shape_cast %parallel_loop3A_344 : vector<16xf32> to vector<1x16xf32>
        tpu.vector_store %arg10[%parallel_loop3A_349, %parallel_loop3A_350], %parallel_loop3A_353 {add = true, strides = array<i32>} : memref<40x256xf32, #tpu.memory_space<vmem>>, vector<1x16xf32>,
        %parallel_loop3A_354 = arith.index_cast %parallel_loop3A_331 : i32 to index
        %parallel_loop3A_355 = arith.constant 16 : index
        %parallel_loop3A_356 = tpu.vector_load %arg10[%parallel_loop3A_354, %parallel_loop3A_355] {strides = array<i32>} : memref<40x256xf32, #tpu.memory_space<vmem>>, vector<1x16xf32>,
        %parallel_loop3A_357 = vector.shape_cast %parallel_loop3A_356 : vector<1x16xf32> to vector<16xf32>
        %parallel_loop3A_358 = vector.shape_cast %parallel_loop3A_348 : vector<16xf32> to vector<1x16xf32>
        tpu.vector_store %arg10[%parallel_loop3A_354, %parallel_loop3A_355], %parallel_loop3A_358 {add = true, strides = array<i32>} : memref<40x256xf32, #tpu.memory_space<vmem>>, vector<1x16xf32>,
        %parallel_loop3A_359 = arith.constant 80 : i32
        %parallel_loop3A_360 = arith.addi %parallel_loop3A_359, %parallel_loop3A_331 : i32
        %parallel_loop3A_361 = arith.constant 128 : i32
        %parallel_loop3A_362 = arith.muli %parallel_loop3A_360, %parallel_loop3A_361 : i32
        %parallel_loop3A_363 = arith.constant 16 : i32
        %parallel_loop3A_364 = arith.addi %parallel_loop3A_362, %parallel_loop3A_363 : i32
        %parallel_loop3A_365 = arith.index_cast %parallel_loop3A_364 : i32 to index
        %parallel_loop3A_366 = tpu.vector_load %arg13[%parallel_loop3A_365] {strides = array<i32>} : memref<25600xi32, #tpu.memory_space<vmem>>, vector<16xi32>,
        %parallel_loop3A_367 = vector.shape_cast %parallel_loop3A_366 : vector<16xi32> to vector<16xi32>
        %parallel_loop3A_368 = arith.constant 16 : i32
        %parallel_loop3A_369 = vector.broadcast %parallel_loop3A_368 : i32 to vector<16xi32>
        %parallel_loop3A_370 = arith.shli %parallel_loop3A_367, %parallel_loop3A_369 : vector<16xi32>
        %parallel_loop3A_371 = tpu.bitcast %parallel_loop3A_370 : vector<16xi32> -> vector<16xf32>
        %parallel_loop3A_372 = arith.constant -65536 : i32
        %parallel_loop3A_373 = vector.broadcast %parallel_loop3A_372 : i32 to vector<16xi32>
        %parallel_loop3A_374 = arith.andi %parallel_loop3A_367, %parallel_loop3A_373 : vector<16xi32>
        %parallel_loop3A_375 = tpu.bitcast %parallel_loop3A_374 : vector<16xi32> -> vector<16xf32>
        %parallel_loop3A_376 = arith.index_cast %parallel_loop3A_331 : i32 to index
        %parallel_loop3A_377 = arith.constant 32 : index
        %parallel_loop3A_378 = tpu.vector_load %arg10[%parallel_loop3A_376, %parallel_loop3A_377] {strides = array<i32>} : memref<40x256xf32, #tpu.memory_space<vmem>>, vector<1x16xf32>,
        %parallel_loop3A_379 = vector.shape_cast %parallel_loop3A_378 : vector<1x16xf32> to vector<16xf32>
        %parallel_loop3A_380 = vector.shape_cast %parallel_loop3A_371 : vector<16xf32> to vector<1x16xf32>
        tpu.vector_store %arg10[%parallel_loop3A_376, %parallel_loop3A_377], %parallel_loop3A_380 {add = true, strides = array<i32>} : memref<40x256xf32, #tpu.memory_space<vmem>>, vector<1x16xf32>,
        %parallel_loop3A_381 = arith.index_cast %parallel_loop3A_331 : i32 to index
        %parallel_loop3A_382 = arith.constant 48 : index
        %parallel_loop3A_383 = tpu.vector_load %arg10[%parallel_loop3A_381, %parallel_loop3A_382] {strides = array<i32>} : memref<40x256xf32, #tpu.memory_space<vmem>>, vector<1x16xf32>,
        %parallel_loop3A_384 = vector.shape_cast %parallel_loop3A_383 : vector<1x16xf32> to vector<16xf32>
        %parallel_loop3A_385 = vector.shape_cast %parallel_loop3A_375 : vector<16xf32> to vector<1x16xf32>
        tpu.vector_store %arg10[%parallel_loop3A_381, %parallel_loop3A_382], %parallel_loop3A_385 {add = true, strides = array<i32>} : memref<40x256xf32, #tpu.memory_space<vmem>>, vector<1x16xf32>,
        %parallel_loop3A_386 = arith.constant 80 : i32
        %parallel_loop3A_387 = arith.addi %parallel_loop3A_386, %parallel_loop3A_331 : i32
        %parallel_loop3A_388 = arith.constant 128 : i32
        %parallel_loop3A_389 = arith.muli %parallel_loop3A_387, %parallel_loop3A_388 : i32
        %parallel_loop3A_390 = arith.constant 32 : i32
        %parallel_loop3A_391 = arith.addi %parallel_loop3A_389, %parallel_loop3A_390 : i32
        %parallel_loop3A_392 = arith.index_cast %parallel_loop3A_391 : i32 to index
        %parallel_loop3A_393 = tpu.vector_load %arg13[%parallel_loop3A_392] {strides = array<i32>} : memref<25600xi32, #tpu.memory_space<vmem>>, vector<16xi32>,
        %parallel_loop3A_394 = vector.shape_cast %parallel_loop3A_393 : vector<16xi32> to vector<16xi32>
        %parallel_loop3A_395 = arith.constant 16 : i32
        %parallel_loop3A_396 = vector.broadcast %parallel_loop3A_395 : i32 to vector<16xi32>
        %parallel_loop3A_397 = arith.shli %parallel_loop3A_394, %parallel_loop3A_396 : vector<16xi32>
        %parallel_loop3A_398 = tpu.bitcast %parallel_loop3A_397 : vector<16xi32> -> vector<16xf32>
        %parallel_loop3A_399 = arith.constant -65536 : i32
        %parallel_loop3A_400 = vector.broadcast %parallel_loop3A_399 : i32 to vector<16xi32>
        %parallel_loop3A_401 = arith.andi %parallel_loop3A_394, %parallel_loop3A_400 : vector<16xi32>
        %parallel_loop3A_402 = tpu.bitcast %parallel_loop3A_401 : vector<16xi32> -> vector<16xf32>
        %parallel_loop3A_403 = arith.index_cast %parallel_loop3A_331 : i32 to index
        %parallel_loop3A_404 = arith.constant 64 : index
        %parallel_loop3A_405 = tpu.vector_load %arg10[%parallel_loop3A_403, %parallel_loop3A_404] {strides = array<i32>} : memref<40x256xf32, #tpu.memory_space<vmem>>, vector<1x16xf32>,
        %parallel_loop3A_406 = vector.shape_cast %parallel_loop3A_405 : vector<1x16xf32> to vector<16xf32>
        %parallel_loop3A_407 = vector.shape_cast %parallel_loop3A_398 : vector<16xf32> to vector<1x16xf32>
        tpu.vector_store %arg10[%parallel_loop3A_403, %parallel_loop3A_404], %parallel_loop3A_407 {add = true, strides = array<i32>} : memref<40x256xf32, #tpu.memory_space<vmem>>, vector<1x16xf32>,
        %parallel_loop3A_408 = arith.index_cast %parallel_loop3A_331 : i32 to index
        %parallel_loop3A_409 = arith.constant 80 : index
        %parallel_loop3A_410 = tpu.vector_load %arg10[%parallel_loop3A_408, %parallel_loop3A_409] {strides = array<i32>} : memref<40x256xf32, #tpu.memory_space<vmem>>, vector<1x16xf32>,
        %parallel_loop3A_411 = vector.shape_cast %parallel_loop3A_410 : vector<1x16xf32> to vector<16xf32>
        %parallel_loop3A_412 = vector.shape_cast %parallel_loop3A_402 : vector<16xf32> to vector<1x16xf32>
        tpu.vector_store %arg10[%parallel_loop3A_408, %parallel_loop3A_409], %parallel_loop3A_412 {add = true, strides = array<i32>} : memref<40x256xf32, #tpu.memory_space<vmem>>, vector<1x16xf32>,
        %parallel_loop3A_413 = arith.constant 80 : i32
        %parallel_loop3A_414 = arith.addi %parallel_loop3A_413, %parallel_loop3A_331 : i32
        %parallel_loop3A_415 = arith.constant 128 : i32
        %parallel_loop3A_416 = arith.muli %parallel_loop3A_414, %parallel_loop3A_415 : i32
        %parallel_loop3A_417 = arith.constant 48 : i32
        %parallel_loop3A_418 = arith.addi %parallel_loop3A_416, %parallel_loop3A_417 : i32
        %parallel_loop3A_419 = arith.index_cast %parallel_loop3A_418 : i32 to index
        %parallel_loop3A_420 = tpu.vector_load %arg13[%parallel_loop3A_419] {strides = array<i32>} : memref<25600xi32, #tpu.memory_space<vmem>>, vector<16xi32>,
        %parallel_loop3A_421 = vector.shape_cast %parallel_loop3A_420 : vector<16xi32> to vector<16xi32>
        %parallel_loop3A_422 = arith.constant 16 : i32
        %parallel_loop3A_423 = vector.broadcast %parallel_loop3A_422 : i32 to vector<16xi32>
        %parallel_loop3A_424 = arith.shli %parallel_loop3A_421, %parallel_loop3A_423 : vector<16xi32>
        %parallel_loop3A_425 = tpu.bitcast %parallel_loop3A_424 : vector<16xi32> -> vector<16xf32>
        %parallel_loop3A_426 = arith.constant -65536 : i32
        %parallel_loop3A_427 = vector.broadcast %parallel_loop3A_426 : i32 to vector<16xi32>
        %parallel_loop3A_428 = arith.andi %parallel_loop3A_421, %parallel_loop3A_427 : vector<16xi32>
        %parallel_loop3A_429 = tpu.bitcast %parallel_loop3A_428 : vector<16xi32> -> vector<16xf32>
        %parallel_loop3A_430 = arith.index_cast %parallel_loop3A_331 : i32 to index
        %parallel_loop3A_431 = arith.constant 96 : index
        %parallel_loop3A_432 = tpu.vector_load %arg10[%parallel_loop3A_430, %parallel_loop3A_431] {strides = array<i32>} : memref<40x256xf32, #tpu.memory_space<vmem>>, vector<1x16xf32>,
        %parallel_loop3A_433 = vector.shape_cast %parallel_loop3A_432 : vector<1x16xf32> to vector<16xf32>
        %parallel_loop3A_434 = vector.shape_cast %parallel_loop3A_425 : vector<16xf32> to vector<1x16xf32>
        tpu.vector_store %arg10[%parallel_loop3A_430, %parallel_loop3A_431], %parallel_loop3A_434 {add = true, strides = array<i32>} : memref<40x256xf32, #tpu.memory_space<vmem>>, vector<1x16xf32>,
        %parallel_loop3A_435 = arith.index_cast %parallel_loop3A_331 : i32 to index
        %parallel_loop3A_436 = arith.constant 112 : index
        %parallel_loop3A_437 = tpu.vector_load %arg10[%parallel_loop3A_435, %parallel_loop3A_436] {strides = array<i32>} : memref<40x256xf32, #tpu.memory_space<vmem>>, vector<1x16xf32>,
        %parallel_loop3A_438 = vector.shape_cast %parallel_loop3A_437 : vector<1x16xf32> to vector<16xf32>
        %parallel_loop3A_439 = vector.shape_cast %parallel_loop3A_429 : vector<16xf32> to vector<1x16xf32>
        tpu.vector_store %arg10[%parallel_loop3A_435, %parallel_loop3A_436], %parallel_loop3A_439 {add = true, strides = array<i32>} : memref<40x256xf32, #tpu.memory_space<vmem>>, vector<1x16xf32>,
        %parallel_loop3A_440 = arith.constant 80 : i32
        %parallel_loop3A_441 = arith.addi %parallel_loop3A_440, %parallel_loop3A_331 : i32
        %parallel_loop3A_442 = arith.constant 128 : i32
        %parallel_loop3A_443 = arith.muli %parallel_loop3A_441, %parallel_loop3A_442 : i32
        %parallel_loop3A_444 = arith.constant 64 : i32
        %parallel_loop3A_445 = arith.addi %parallel_loop3A_443, %parallel_loop3A_444 : i32
        %parallel_loop3A_446 = arith.index_cast %parallel_loop3A_445 : i32 to index
        %parallel_loop3A_447 = tpu.vector_load %arg13[%parallel_loop3A_446] {strides = array<i32>} : memref<25600xi32, #tpu.memory_space<vmem>>, vector<16xi32>,
        %parallel_loop3A_448 = vector.shape_cast %parallel_loop3A_447 : vector<16xi32> to vector<16xi32>
        %parallel_loop3A_449 = arith.constant 16 : i32
        %parallel_loop3A_450 = vector.broadcast %parallel_loop3A_449 : i32 to vector<16xi32>
        %parallel_loop3A_451 = arith.shli %parallel_loop3A_448, %parallel_loop3A_450 : vector<16xi32>
        %parallel_loop3A_452 = tpu.bitcast %parallel_loop3A_451 : vector<16xi32> -> vector<16xf32>
        %parallel_loop3A_453 = arith.constant -65536 : i32
        %parallel_loop3A_454 = vector.broadcast %parallel_loop3A_453 : i32 to vector<16xi32>
        %parallel_loop3A_455 = arith.andi %parallel_loop3A_448, %parallel_loop3A_454 : vector<16xi32>
        %parallel_loop3A_456 = tpu.bitcast %parallel_loop3A_455 : vector<16xi32> -> vector<16xf32>
        %parallel_loop3A_457 = arith.index_cast %parallel_loop3A_331 : i32 to index
        %parallel_loop3A_458 = arith.constant 128 : index
        %parallel_loop3A_459 = tpu.vector_load %arg10[%parallel_loop3A_457, %parallel_loop3A_458] {strides = array<i32>} : memref<40x256xf32, #tpu.memory_space<vmem>>, vector<1x16xf32>,
        %parallel_loop3A_460 = vector.shape_cast %parallel_loop3A_459 : vector<1x16xf32> to vector<16xf32>
        %parallel_loop3A_461 = vector.shape_cast %parallel_loop3A_452 : vector<16xf32> to vector<1x16xf32>
        tpu.vector_store %arg10[%parallel_loop3A_457, %parallel_loop3A_458], %parallel_loop3A_461 {add = true, strides = array<i32>} : memref<40x256xf32, #tpu.memory_space<vmem>>, vector<1x16xf32>,
        %parallel_loop3A_462 = arith.index_cast %parallel_loop3A_331 : i32 to index
        %parallel_loop3A_463 = arith.constant 144 : index
        %parallel_loop3A_464 = tpu.vector_load %arg10[%parallel_loop3A_462, %parallel_loop3A_463] {strides = array<i32>} : memref<40x256xf32, #tpu.memory_space<vmem>>, vector<1x16xf32>,
        %parallel_loop3A_465 = vector.shape_cast %parallel_loop3A_464 : vector<1x16xf32> to vector<16xf32>
        %parallel_loop3A_466 = vector.shape_cast %parallel_loop3A_456 : vector<16xf32> to vector<1x16xf32>
        tpu.vector_store %arg10[%parallel_loop3A_462, %parallel_loop3A_463], %parallel_loop3A_466 {add = true, strides = array<i32>} : memref<40x256xf32, #tpu.memory_space<vmem>>, vector<1x16xf32>,
        %parallel_loop3A_467 = arith.constant 80 : i32
        %parallel_loop3A_468 = arith.addi %parallel_loop3A_467, %parallel_loop3A_331 : i32
        %parallel_loop3A_469 = arith.constant 128 : i32
        %parallel_loop3A_470 = arith.muli %parallel_loop3A_468, %parallel_loop3A_469 : i32
        %parallel_loop3A_471 = arith.constant 80 : i32
        %parallel_loop3A_472 = arith.addi %parallel_loop3A_470, %parallel_loop3A_471 : i32
        %parallel_loop3A_473 = arith.index_cast %parallel_loop3A_472 : i32 to index
        %parallel_loop3A_474 = tpu.vector_load %arg13[%parallel_loop3A_473] {strides = array<i32>} : memref<25600xi32, #tpu.memory_space<vmem>>, vector<16xi32>,
        %parallel_loop3A_475 = vector.shape_cast %parallel_loop3A_474 : vector<16xi32> to vector<16xi32>
        %parallel_loop3A_476 = arith.constant 16 : i32
        %parallel_loop3A_477 = vector.broadcast %parallel_loop3A_476 : i32 to vector<16xi32>
        %parallel_loop3A_478 = arith.shli %parallel_loop3A_475, %parallel_loop3A_477 : vector<16xi32>
        %parallel_loop3A_479 = tpu.bitcast %parallel_loop3A_478 : vector<16xi32> -> vector<16xf32>
        %parallel_loop3A_480 = arith.constant -65536 : i32
        %parallel_loop3A_481 = vector.broadcast %parallel_loop3A_480 : i32 to vector<16xi32>
        %parallel_loop3A_482 = arith.andi %parallel_loop3A_475, %parallel_loop3A_481 : vector<16xi32>
        %parallel_loop3A_483 = tpu.bitcast %parallel_loop3A_482 : vector<16xi32> -> vector<16xf32>
        %parallel_loop3A_484 = arith.index_cast %parallel_loop3A_331 : i32 to index
        %parallel_loop3A_485 = arith.constant 160 : index
        %parallel_loop3A_486 = tpu.vector_load %arg10[%parallel_loop3A_484, %parallel_loop3A_485] {strides = array<i32>} : memref<40x256xf32, #tpu.memory_space<vmem>>, vector<1x16xf32>,
        %parallel_loop3A_487 = vector.shape_cast %parallel_loop3A_486 : vector<1x16xf32> to vector<16xf32>
        %parallel_loop3A_488 = vector.shape_cast %parallel_loop3A_479 : vector<16xf32> to vector<1x16xf32>
        tpu.vector_store %arg10[%parallel_loop3A_484, %parallel_loop3A_485], %parallel_loop3A_488 {add = true, strides = array<i32>} : memref<40x256xf32, #tpu.memory_space<vmem>>, vector<1x16xf32>,
        %parallel_loop3A_489 = arith.index_cast %parallel_loop3A_331 : i32 to index
        %parallel_loop3A_490 = arith.constant 176 : index
        %parallel_loop3A_491 = tpu.vector_load %arg10[%parallel_loop3A_489, %parallel_loop3A_490] {strides = array<i32>} : memref<40x256xf32, #tpu.memory_space<vmem>>, vector<1x16xf32>,
        %parallel_loop3A_492 = vector.shape_cast %parallel_loop3A_491 : vector<1x16xf32> to vector<16xf32>
        %parallel_loop3A_493 = vector.shape_cast %parallel_loop3A_483 : vector<16xf32> to vector<1x16xf32>
        tpu.vector_store %arg10[%parallel_loop3A_489, %parallel_loop3A_490], %parallel_loop3A_493 {add = true, strides = array<i32>} : memref<40x256xf32, #tpu.memory_space<vmem>>, vector<1x16xf32>,
        %parallel_loop3A_494 = arith.constant 80 : i32
        %parallel_loop3A_495 = arith.addi %parallel_loop3A_494, %parallel_loop3A_331 : i32
        %parallel_loop3A_496 = arith.constant 128 : i32
        %parallel_loop3A_497 = arith.muli %parallel_loop3A_495, %parallel_loop3A_496 : i32
        %parallel_loop3A_498 = arith.constant 96 : i32
        %parallel_loop3A_499 = arith.addi %parallel_loop3A_497, %parallel_loop3A_498 : i32
        %parallel_loop3A_500 = arith.index_cast %parallel_loop3A_499 : i32 to index
        %parallel_loop3A_501 = tpu.vector_load %arg13[%parallel_loop3A_500] {strides = array<i32>} : memref<25600xi32, #tpu.memory_space<vmem>>, vector<16xi32>,
        %parallel_loop3A_502 = vector.shape_cast %parallel_loop3A_501 : vector<16xi32> to vector<16xi32>
        %parallel_loop3A_503 = arith.constant 16 : i32
        %parallel_loop3A_504 = vector.broadcast %parallel_loop3A_503 : i32 to vector<16xi32>
        %parallel_loop3A_505 = arith.shli %parallel_loop3A_502, %parallel_loop3A_504 : vector<16xi32>
        %parallel_loop3A_506 = tpu.bitcast %parallel_loop3A_505 : vector<16xi32> -> vector<16xf32>
        %parallel_loop3A_507 = arith.constant -65536 : i32
        %parallel_loop3A_508 = vector.broadcast %parallel_loop3A_507 : i32 to vector<16xi32>
        %parallel_loop3A_509 = arith.andi %parallel_loop3A_502, %parallel_loop3A_508 : vector<16xi32>
        %parallel_loop3A_510 = tpu.bitcast %parallel_loop3A_509 : vector<16xi32> -> vector<16xf32>
        %parallel_loop3A_511 = arith.index_cast %parallel_loop3A_331 : i32 to index
        %parallel_loop3A_512 = arith.constant 192 : index
        %parallel_loop3A_513 = tpu.vector_load %arg10[%parallel_loop3A_511, %parallel_loop3A_512] {strides = array<i32>} : memref<40x256xf32, #tpu.memory_space<vmem>>, vector<1x16xf32>,
        %parallel_loop3A_514 = vector.shape_cast %parallel_loop3A_513 : vector<1x16xf32> to vector<16xf32>
        %parallel_loop3A_515 = vector.shape_cast %parallel_loop3A_506 : vector<16xf32> to vector<1x16xf32>
        tpu.vector_store %arg10[%parallel_loop3A_511, %parallel_loop3A_512], %parallel_loop3A_515 {add = true, strides = array<i32>} : memref<40x256xf32, #tpu.memory_space<vmem>>, vector<1x16xf32>,
        %parallel_loop3A_516 = arith.index_cast %parallel_loop3A_331 : i32 to index
        %parallel_loop3A_517 = arith.constant 208 : index
        %parallel_loop3A_518 = tpu.vector_load %arg10[%parallel_loop3A_516, %parallel_loop3A_517] {strides = array<i32>} : memref<40x256xf32, #tpu.memory_space<vmem>>, vector<1x16xf32>,
        %parallel_loop3A_519 = vector.shape_cast %parallel_loop3A_518 : vector<1x16xf32> to vector<16xf32>
        %parallel_loop3A_520 = vector.shape_cast %parallel_loop3A_510 : vector<16xf32> to vector<1x16xf32>
        tpu.vector_store %arg10[%parallel_loop3A_516, %parallel_loop3A_517], %parallel_loop3A_520 {add = true, strides = array<i32>} : memref<40x256xf32, #tpu.memory_space<vmem>>, vector<1x16xf32>,
        %parallel_loop3A_521 = arith.constant 80 : i32
        %parallel_loop3A_522 = arith.addi %parallel_loop3A_521, %parallel_loop3A_331 : i32
        %parallel_loop3A_523 = arith.constant 128 : i32
        %parallel_loop3A_524 = arith.muli %parallel_loop3A_522, %parallel_loop3A_523 : i32
        %parallel_loop3A_525 = arith.constant 112 : i32
        %parallel_loop3A_526 = arith.addi %parallel_loop3A_524, %parallel_loop3A_525 : i32
        %parallel_loop3A_527 = arith.index_cast %parallel_loop3A_526 : i32 to index
        %parallel_loop3A_528 = tpu.vector_load %arg13[%parallel_loop3A_527] {strides = array<i32>} : memref<25600xi32, #tpu.memory_space<vmem>>, vector<16xi32>,
        %parallel_loop3A_529 = vector.shape_cast %parallel_loop3A_528 : vector<16xi32> to vector<16xi32>
        %parallel_loop3A_530 = arith.constant 16 : i32
        %parallel_loop3A_531 = vector.broadcast %parallel_loop3A_530 : i32 to vector<16xi32>
        %parallel_loop3A_532 = arith.shli %parallel_loop3A_529, %parallel_loop3A_531 : vector<16xi32>
        %parallel_loop3A_533 = tpu.bitcast %parallel_loop3A_532 : vector<16xi32> -> vector<16xf32>
        %parallel_loop3A_534 = arith.constant -65536 : i32
        %parallel_loop3A_535 = vector.broadcast %parallel_loop3A_534 : i32 to vector<16xi32>
        %parallel_loop3A_536 = arith.andi %parallel_loop3A_529, %parallel_loop3A_535 : vector<16xi32>
        %parallel_loop3A_537 = tpu.bitcast %parallel_loop3A_536 : vector<16xi32> -> vector<16xf32>
        %parallel_loop3A_538 = arith.index_cast %parallel_loop3A_331 : i32 to index
        %parallel_loop3A_539 = arith.constant 224 : index
        %parallel_loop3A_540 = tpu.vector_load %arg10[%parallel_loop3A_538, %parallel_loop3A_539] {strides = array<i32>} : memref<40x256xf32, #tpu.memory_space<vmem>>, vector<1x16xf32>,
        %parallel_loop3A_541 = vector.shape_cast %parallel_loop3A_540 : vector<1x16xf32> to vector<16xf32>
        %parallel_loop3A_542 = vector.shape_cast %parallel_loop3A_533 : vector<16xf32> to vector<1x16xf32>
        tpu.vector_store %arg10[%parallel_loop3A_538, %parallel_loop3A_539], %parallel_loop3A_542 {add = true, strides = array<i32>} : memref<40x256xf32, #tpu.memory_space<vmem>>, vector<1x16xf32>,
        %parallel_loop3A_543 = arith.index_cast %parallel_loop3A_331 : i32 to index
        %parallel_loop3A_544 = arith.constant 240 : index
        %parallel_loop3A_545 = tpu.vector_load %arg10[%parallel_loop3A_543, %parallel_loop3A_544] {strides = array<i32>} : memref<40x256xf32, #tpu.memory_space<vmem>>, vector<1x16xf32>,
        %parallel_loop3A_546 = vector.shape_cast %parallel_loop3A_545 : vector<1x16xf32> to vector<16xf32>
        %parallel_loop3A_547 = vector.shape_cast %parallel_loop3A_537 : vector<16xf32> to vector<1x16xf32>
        tpu.vector_store %arg10[%parallel_loop3A_543, %parallel_loop3A_544], %parallel_loop3A_547 {add = true, strides = array<i32>} : memref<40x256xf32, #tpu.memory_space<vmem>>, vector<1x16xf32>,
      } {sc.loop_unroll_factor = 2 : i64, sc.parallel_access}
      %add3A_269 = arith.constant 80 : i32
      %add3A_270 = arith.addi %add3A_213, %add3A_269 : i32
      %dma_start3A_271 = arith.constant 0 : i32
      %dma_start3A_272 = tpu.memref_slice %arg5[%add3A_270, %dma_start3A_271] : memref<819200x256xf32, #tpu.memory_space<hbm>> -> memref<40x256xf32, #tpu.memory_space<hbm>>
      %dma_start3A_273 = arith.constant 0 : i32
      %dma_start3A_274 = tpu.memref_slice %arg5[%add3A_270, %dma_start3A_273] : memref<819200x256xf32, #tpu.memory_space<hbm>> -> memref<40x256xf32, #tpu.memory_space<hbm>>
      tpu.enqueue_dma source(%arg10 : memref<40x256xf32, #tpu.memory_space<vmem>>) target(%dma_start3A_274 : memref<40x256xf32, #tpu.memory_space<hbm>>) target_semaphore(%arg21 : memref<!tpu.dma_semaphore, #tpu.memory_space<semaphore_mem>>)
      %lt3A_275 = arith.constant 63 : i32
      %lt3A_276 = arith.cmpi slt, %scan3A_60, %lt3A_275 : i32
      %convert_element_type3A_277 = arith.extui %lt3A_276 : i1 to i32
      %cond3A_278 = arith.constant 0 : i32
      %cond3A_279 = arith.cmpi ne, %convert_element_type3A_277, %cond3A_278 : i32
      scf.if %cond3A_279 {
        %dma_wait3A_331 = arith.constant 40 : i32
        %dma_wait3A_332 = arith.constant 0 : i32
        %dma_wait3A_333 = tpu.memref_slice %arg5[%dma_wait3A_331, %dma_wait3A_332] : memref<819200x256xf32, #tpu.memory_space<hbm>> -> memref<40x256xf32, #tpu.memory_space<hbm>>
        %dma_wait3A_334 = arith.constant 40 : i32
        %dma_wait3A_335 = arith.constant 0 : i32
        %dma_wait3A_336 = tpu.memref_slice %arg5[%dma_wait3A_334, %dma_wait3A_335] : memref<819200x256xf32, #tpu.memory_space<hbm>> -> memref<40x256xf32, #tpu.memory_space<hbm>>
        tpu.wait_dma2 semaphore(%arg20 : memref<!tpu.dma_semaphore, #tpu.memory_space<semaphore_mem>>) src(%arg9 : memref<40x256xf32, #tpu.memory_space<vmem>>) dst(%dma_wait3A_336 : memref<40x256xf32, #tpu.memory_space<hbm>>)
        %dma_start3A_337 = arith.constant 40 : i32
        %dma_start3A_338 = tpu.memref_slice %arg6[%dma_start3A_337] : memref<200xi32, #tpu.memory_space<vmem>> -> memref<40xi32, #tpu.memory_space<vmem>>
        %dma_start3A_339 = arith.constant 0 : i32
        %dma_start3A_340 = arith.constant 0 : i32
        %dma_start3A_341 = tpu.memref_slice %arg3[%dma_start3A_339, %dma_start3A_340] : memref<16000x256xf32, #tpu.memory_space<hbm>> -> memref<16000x256xf32, #tpu.memory_space<hbm>>
        tpu.enqueue_indirect_dma source(%dma_start3A_341 : memref<16000x256xf32, #tpu.memory_space<hbm>>) target(%arg9 : memref<40x256xf32, #tpu.memory_space<vmem>>) offsets(%dma_start3A_338 : memref<40xi32, #tpu.memory_space<vmem>>) semaphore(%arg15 : memref<!tpu.dma_semaphore, #tpu.memory_space<semaphore_mem>>)
      } else {
      }
      %dma_wait3A_280 = arith.constant 0 : i32
      %dma_wait3A_281 = arith.constant 0 : i32
      %dma_wait3A_282 = tpu.memref_slice %arg3[%dma_wait3A_280, %dma_wait3A_281] : memref<16000x256xf32, #tpu.memory_space<hbm>> -> memref<40x256xf32, #tpu.memory_space<hbm>>
      %dma_wait3A_283 = arith.constant 0 : i32
      %dma_wait3A_284 = arith.constant 0 : i32
      %dma_wait3A_285 = tpu.memref_slice %arg3[%dma_wait3A_283, %dma_wait3A_284] : memref<16000x256xf32, #tpu.memory_space<hbm>> -> memref<40x256xf32, #tpu.memory_space<hbm>>
      tpu.wait_dma2 semaphore(%arg17 : memref<!tpu.dma_semaphore, #tpu.memory_space<semaphore_mem>>) src(%dma_wait3A_285 : memref<40x256xf32, #tpu.memory_space<hbm>>) dst(%arg11 : memref<40x256xf32, #tpu.memory_space<vmem>>)
      %parallel_loop3A_286 = arith.constant 0 : i32
      %parallel_loop3A_287 = arith.constant 40 : i32
      %parallel_loop3A_288 = arith.constant 1 : i32
      scf.for %parallel_loop3A_331 = %parallel_loop3A_286 to %parallel_loop3A_287 step %parallel_loop3A_288  : i32 {
        %parallel_loop3A_332 = arith.constant 120 : i32
        %parallel_loop3A_333 = arith.addi %parallel_loop3A_332, %parallel_loop3A_331 : i32
        %parallel_loop3A_334 = arith.constant 128 : i32
        %parallel_loop3A_335 = arith.muli %parallel_loop3A_333, %parallel_loop3A_334 : i32
        %parallel_loop3A_336 = arith.constant 0 : i32
        %parallel_loop3A_337 = arith.addi %parallel_loop3A_335, %parallel_loop3A_336 : i32
        %parallel_loop3A_338 = arith.index_cast %parallel_loop3A_337 : i32 to index
        %parallel_loop3A_339 = tpu.vector_load %arg13[%parallel_loop3A_338] {strides = array<i32>} : memref<25600xi32, #tpu.memory_space<vmem>>, vector<16xi32>,
        %parallel_loop3A_340 = vector.shape_cast %parallel_loop3A_339 : vector<16xi32> to vector<16xi32>
        %parallel_loop3A_341 = arith.constant 16 : i32
        %parallel_loop3A_342 = vector.broadcast %parallel_loop3A_341 : i32 to vector<16xi32>
        %parallel_loop3A_343 = arith.shli %parallel_loop3A_340, %parallel_loop3A_342 : vector<16xi32>
        %parallel_loop3A_344 = tpu.bitcast %parallel_loop3A_343 : vector<16xi32> -> vector<16xf32>
        %parallel_loop3A_345 = arith.constant -65536 : i32
        %parallel_loop3A_346 = vector.broadcast %parallel_loop3A_345 : i32 to vector<16xi32>
        %parallel_loop3A_347 = arith.andi %parallel_loop3A_340, %parallel_loop3A_346 : vector<16xi32>
        %parallel_loop3A_348 = tpu.bitcast %parallel_loop3A_347 : vector<16xi32> -> vector<16xf32>
        %parallel_loop3A_349 = arith.index_cast %parallel_loop3A_331 : i32 to index
        %parallel_loop3A_350 = arith.constant 0 : index
        %parallel_loop3A_351 = tpu.vector_load %arg11[%parallel_loop3A_349, %parallel_loop3A_350] {strides = array<i32>} : memref<40x256xf32, #tpu.memory_space<vmem>>, vector<1x16xf32>,
        %parallel_loop3A_352 = vector.shape_cast %parallel_loop3A_351 : vector<1x16xf32> to vector<16xf32>
        %parallel_loop3A_353 = vector.shape_cast %parallel_loop3A_344 : vector<16xf32> to vector<1x16xf32>
        tpu.vector_store %arg11[%parallel_loop3A_349, %parallel_loop3A_350], %parallel_loop3A_353 {add = true, strides = array<i32>} : memref<40x256xf32, #tpu.memory_space<vmem>>, vector<1x16xf32>,
        %parallel_loop3A_354 = arith.index_cast %parallel_loop3A_331 : i32 to index
        %parallel_loop3A_355 = arith.constant 16 : index
        %parallel_loop3A_356 = tpu.vector_load %arg11[%parallel_loop3A_354, %parallel_loop3A_355] {strides = array<i32>} : memref<40x256xf32, #tpu.memory_space<vmem>>, vector<1x16xf32>,
        %parallel_loop3A_357 = vector.shape_cast %parallel_loop3A_356 : vector<1x16xf32> to vector<16xf32>
        %parallel_loop3A_358 = vector.shape_cast %parallel_loop3A_348 : vector<16xf32> to vector<1x16xf32>
        tpu.vector_store %arg11[%parallel_loop3A_354, %parallel_loop3A_355], %parallel_loop3A_358 {add = true, strides = array<i32>} : memref<40x256xf32, #tpu.memory_space<vmem>>, vector<1x16xf32>,
        %parallel_loop3A_359 = arith.constant 120 : i32
        %parallel_loop3A_360 = arith.addi %parallel_loop3A_359, %parallel_loop3A_331 : i32
        %parallel_loop3A_361 = arith.constant 128 : i32
        %parallel_loop3A_362 = arith.muli %parallel_loop3A_360, %parallel_loop3A_361 : i32
        %parallel_loop3A_363 = arith.constant 16 : i32
        %parallel_loop3A_364 = arith.addi %parallel_loop3A_362, %parallel_loop3A_363 : i32
        %parallel_loop3A_365 = arith.index_cast %parallel_loop3A_364 : i32 to index
        %parallel_loop3A_366 = tpu.vector_load %arg13[%parallel_loop3A_365] {strides = array<i32>} : memref<25600xi32, #tpu.memory_space<vmem>>, vector<16xi32>,
        %parallel_loop3A_367 = vector.shape_cast %parallel_loop3A_366 : vector<16xi32> to vector<16xi32>
        %parallel_loop3A_368 = arith.constant 16 : i32
        %parallel_loop3A_369 = vector.broadcast %parallel_loop3A_368 : i32 to vector<16xi32>
        %parallel_loop3A_370 = arith.shli %parallel_loop3A_367, %parallel_loop3A_369 : vector<16xi32>
        %parallel_loop3A_371 = tpu.bitcast %parallel_loop3A_370 : vector<16xi32> -> vector<16xf32>
        %parallel_loop3A_372 = arith.constant -65536 : i32
        %parallel_loop3A_373 = vector.broadcast %parallel_loop3A_372 : i32 to vector<16xi32>
        %parallel_loop3A_374 = arith.andi %parallel_loop3A_367, %parallel_loop3A_373 : vector<16xi32>
        %parallel_loop3A_375 = tpu.bitcast %parallel_loop3A_374 : vector<16xi32> -> vector<16xf32>
        %parallel_loop3A_376 = arith.index_cast %parallel_loop3A_331 : i32 to index
        %parallel_loop3A_377 = arith.constant 32 : index
        %parallel_loop3A_378 = tpu.vector_load %arg11[%parallel_loop3A_376, %parallel_loop3A_377] {strides = array<i32>} : memref<40x256xf32, #tpu.memory_space<vmem>>, vector<1x16xf32>,
        %parallel_loop3A_379 = vector.shape_cast %parallel_loop3A_378 : vector<1x16xf32> to vector<16xf32>
        %parallel_loop3A_380 = vector.shape_cast %parallel_loop3A_371 : vector<16xf32> to vector<1x16xf32>
        tpu.vector_store %arg11[%parallel_loop3A_376, %parallel_loop3A_377], %parallel_loop3A_380 {add = true, strides = array<i32>} : memref<40x256xf32, #tpu.memory_space<vmem>>, vector<1x16xf32>,
        %parallel_loop3A_381 = arith.index_cast %parallel_loop3A_331 : i32 to index
        %parallel_loop3A_382 = arith.constant 48 : index
        %parallel_loop3A_383 = tpu.vector_load %arg11[%parallel_loop3A_381, %parallel_loop3A_382] {strides = array<i32>} : memref<40x256xf32, #tpu.memory_space<vmem>>, vector<1x16xf32>,
        %parallel_loop3A_384 = vector.shape_cast %parallel_loop3A_383 : vector<1x16xf32> to vector<16xf32>
        %parallel_loop3A_385 = vector.shape_cast %parallel_loop3A_375 : vector<16xf32> to vector<1x16xf32>
        tpu.vector_store %arg11[%parallel_loop3A_381, %parallel_loop3A_382], %parallel_loop3A_385 {add = true, strides = array<i32>} : memref<40x256xf32, #tpu.memory_space<vmem>>, vector<1x16xf32>,
        %parallel_loop3A_386 = arith.constant 120 : i32
        %parallel_loop3A_387 = arith.addi %parallel_loop3A_386, %parallel_loop3A_331 : i32
        %parallel_loop3A_388 = arith.constant 128 : i32
        %parallel_loop3A_389 = arith.muli %parallel_loop3A_387, %parallel_loop3A_388 : i32
        %parallel_loop3A_390 = arith.constant 32 : i32
        %parallel_loop3A_391 = arith.addi %parallel_loop3A_389, %parallel_loop3A_390 : i32
        %parallel_loop3A_392 = arith.index_cast %parallel_loop3A_391 : i32 to index
        %parallel_loop3A_393 = tpu.vector_load %arg13[%parallel_loop3A_392] {strides = array<i32>} : memref<25600xi32, #tpu.memory_space<vmem>>, vector<16xi32>,
        %parallel_loop3A_394 = vector.shape_cast %parallel_loop3A_393 : vector<16xi32> to vector<16xi32>
        %parallel_loop3A_395 = arith.constant 16 : i32
        %parallel_loop3A_396 = vector.broadcast %parallel_loop3A_395 : i32 to vector<16xi32>
        %parallel_loop3A_397 = arith.shli %parallel_loop3A_394, %parallel_loop3A_396 : vector<16xi32>
        %parallel_loop3A_398 = tpu.bitcast %parallel_loop3A_397 : vector<16xi32> -> vector<16xf32>
        %parallel_loop3A_399 = arith.constant -65536 : i32
        %parallel_loop3A_400 = vector.broadcast %parallel_loop3A_399 : i32 to vector<16xi32>
        %parallel_loop3A_401 = arith.andi %parallel_loop3A_394, %parallel_loop3A_400 : vector<16xi32>
        %parallel_loop3A_402 = tpu.bitcast %parallel_loop3A_401 : vector<16xi32> -> vector<16xf32>
        %parallel_loop3A_403 = arith.index_cast %parallel_loop3A_331 : i32 to index
        %parallel_loop3A_404 = arith.constant 64 : index
        %parallel_loop3A_405 = tpu.vector_load %arg11[%parallel_loop3A_403, %parallel_loop3A_404] {strides = array<i32>} : memref<40x256xf32, #tpu.memory_space<vmem>>, vector<1x16xf32>,
        %parallel_loop3A_406 = vector.shape_cast %parallel_loop3A_405 : vector<1x16xf32> to vector<16xf32>
        %parallel_loop3A_407 = vector.shape_cast %parallel_loop3A_398 : vector<16xf32> to vector<1x16xf32>
        tpu.vector_store %arg11[%parallel_loop3A_403, %parallel_loop3A_404], %parallel_loop3A_407 {add = true, strides = array<i32>} : memref<40x256xf32, #tpu.memory_space<vmem>>, vector<1x16xf32>,
        %parallel_loop3A_408 = arith.index_cast %parallel_loop3A_331 : i32 to index
        %parallel_loop3A_409 = arith.constant 80 : index
        %parallel_loop3A_410 = tpu.vector_load %arg11[%parallel_loop3A_408, %parallel_loop3A_409] {strides = array<i32>} : memref<40x256xf32, #tpu.memory_space<vmem>>, vector<1x16xf32>,
        %parallel_loop3A_411 = vector.shape_cast %parallel_loop3A_410 : vector<1x16xf32> to vector<16xf32>
        %parallel_loop3A_412 = vector.shape_cast %parallel_loop3A_402 : vector<16xf32> to vector<1x16xf32>
        tpu.vector_store %arg11[%parallel_loop3A_408, %parallel_loop3A_409], %parallel_loop3A_412 {add = true, strides = array<i32>} : memref<40x256xf32, #tpu.memory_space<vmem>>, vector<1x16xf32>,
        %parallel_loop3A_413 = arith.constant 120 : i32
        %parallel_loop3A_414 = arith.addi %parallel_loop3A_413, %parallel_loop3A_331 : i32
        %parallel_loop3A_415 = arith.constant 128 : i32
        %parallel_loop3A_416 = arith.muli %parallel_loop3A_414, %parallel_loop3A_415 : i32
        %parallel_loop3A_417 = arith.constant 48 : i32
        %parallel_loop3A_418 = arith.addi %parallel_loop3A_416, %parallel_loop3A_417 : i32
        %parallel_loop3A_419 = arith.index_cast %parallel_loop3A_418 : i32 to index
        %parallel_loop3A_420 = tpu.vector_load %arg13[%parallel_loop3A_419] {strides = array<i32>} : memref<25600xi32, #tpu.memory_space<vmem>>, vector<16xi32>,
        %parallel_loop3A_421 = vector.shape_cast %parallel_loop3A_420 : vector<16xi32> to vector<16xi32>
        %parallel_loop3A_422 = arith.constant 16 : i32
        %parallel_loop3A_423 = vector.broadcast %parallel_loop3A_422 : i32 to vector<16xi32>
        %parallel_loop3A_424 = arith.shli %parallel_loop3A_421, %parallel_loop3A_423 : vector<16xi32>
        %parallel_loop3A_425 = tpu.bitcast %parallel_loop3A_424 : vector<16xi32> -> vector<16xf32>
        %parallel_loop3A_426 = arith.constant -65536 : i32
        %parallel_loop3A_427 = vector.broadcast %parallel_loop3A_426 : i32 to vector<16xi32>
        %parallel_loop3A_428 = arith.andi %parallel_loop3A_421, %parallel_loop3A_427 : vector<16xi32>
        %parallel_loop3A_429 = tpu.bitcast %parallel_loop3A_428 : vector<16xi32> -> vector<16xf32>
        %parallel_loop3A_430 = arith.index_cast %parallel_loop3A_331 : i32 to index
        %parallel_loop3A_431 = arith.constant 96 : index
        %parallel_loop3A_432 = tpu.vector_load %arg11[%parallel_loop3A_430, %parallel_loop3A_431] {strides = array<i32>} : memref<40x256xf32, #tpu.memory_space<vmem>>, vector<1x16xf32>,
        %parallel_loop3A_433 = vector.shape_cast %parallel_loop3A_432 : vector<1x16xf32> to vector<16xf32>
        %parallel_loop3A_434 = vector.shape_cast %parallel_loop3A_425 : vector<16xf32> to vector<1x16xf32>
        tpu.vector_store %arg11[%parallel_loop3A_430, %parallel_loop3A_431], %parallel_loop3A_434 {add = true, strides = array<i32>} : memref<40x256xf32, #tpu.memory_space<vmem>>, vector<1x16xf32>,
        %parallel_loop3A_435 = arith.index_cast %parallel_loop3A_331 : i32 to index
        %parallel_loop3A_436 = arith.constant 112 : index
        %parallel_loop3A_437 = tpu.vector_load %arg11[%parallel_loop3A_435, %parallel_loop3A_436] {strides = array<i32>} : memref<40x256xf32, #tpu.memory_space<vmem>>, vector<1x16xf32>,
        %parallel_loop3A_438 = vector.shape_cast %parallel_loop3A_437 : vector<1x16xf32> to vector<16xf32>
        %parallel_loop3A_439 = vector.shape_cast %parallel_loop3A_429 : vector<16xf32> to vector<1x16xf32>
        tpu.vector_store %arg11[%parallel_loop3A_435, %parallel_loop3A_436], %parallel_loop3A_439 {add = true, strides = array<i32>} : memref<40x256xf32, #tpu.memory_space<vmem>>, vector<1x16xf32>,
        %parallel_loop3A_440 = arith.constant 120 : i32
        %parallel_loop3A_441 = arith.addi %parallel_loop3A_440, %parallel_loop3A_331 : i32
        %parallel_loop3A_442 = arith.constant 128 : i32
        %parallel_loop3A_443 = arith.muli %parallel_loop3A_441, %parallel_loop3A_442 : i32
        %parallel_loop3A_444 = arith.constant 64 : i32
        %parallel_loop3A_445 = arith.addi %parallel_loop3A_443, %parallel_loop3A_444 : i32
        %parallel_loop3A_446 = arith.index_cast %parallel_loop3A_445 : i32 to index
        %parallel_loop3A_447 = tpu.vector_load %arg13[%parallel_loop3A_446] {strides = array<i32>} : memref<25600xi32, #tpu.memory_space<vmem>>, vector<16xi32>,
        %parallel_loop3A_448 = vector.shape_cast %parallel_loop3A_447 : vector<16xi32> to vector<16xi32>
        %parallel_loop3A_449 = arith.constant 16 : i32
        %parallel_loop3A_450 = vector.broadcast %parallel_loop3A_449 : i32 to vector<16xi32>
        %parallel_loop3A_451 = arith.shli %parallel_loop3A_448, %parallel_loop3A_450 : vector<16xi32>
        %parallel_loop3A_452 = tpu.bitcast %parallel_loop3A_451 : vector<16xi32> -> vector<16xf32>
        %parallel_loop3A_453 = arith.constant -65536 : i32
        %parallel_loop3A_454 = vector.broadcast %parallel_loop3A_453 : i32 to vector<16xi32>
        %parallel_loop3A_455 = arith.andi %parallel_loop3A_448, %parallel_loop3A_454 : vector<16xi32>
        %parallel_loop3A_456 = tpu.bitcast %parallel_loop3A_455 : vector<16xi32> -> vector<16xf32>
        %parallel_loop3A_457 = arith.index_cast %parallel_loop3A_331 : i32 to index
        %parallel_loop3A_458 = arith.constant 128 : index
        %parallel_loop3A_459 = tpu.vector_load %arg11[%parallel_loop3A_457, %parallel_loop3A_458] {strides = array<i32>} : memref<40x256xf32, #tpu.memory_space<vmem>>, vector<1x16xf32>,
        %parallel_loop3A_460 = vector.shape_cast %parallel_loop3A_459 : vector<1x16xf32> to vector<16xf32>
        %parallel_loop3A_461 = vector.shape_cast %parallel_loop3A_452 : vector<16xf32> to vector<1x16xf32>
        tpu.vector_store %arg11[%parallel_loop3A_457, %parallel_loop3A_458], %parallel_loop3A_461 {add = true, strides = array<i32>} : memref<40x256xf32, #tpu.memory_space<vmem>>, vector<1x16xf32>,
        %parallel_loop3A_462 = arith.index_cast %parallel_loop3A_331 : i32 to index
        %parallel_loop3A_463 = arith.constant 144 : index
        %parallel_loop3A_464 = tpu.vector_load %arg11[%parallel_loop3A_462, %parallel_loop3A_463] {strides = array<i32>} : memref<40x256xf32, #tpu.memory_space<vmem>>, vector<1x16xf32>,
        %parallel_loop3A_465 = vector.shape_cast %parallel_loop3A_464 : vector<1x16xf32> to vector<16xf32>
        %parallel_loop3A_466 = vector.shape_cast %parallel_loop3A_456 : vector<16xf32> to vector<1x16xf32>
        tpu.vector_store %arg11[%parallel_loop3A_462, %parallel_loop3A_463], %parallel_loop3A_466 {add = true, strides = array<i32>} : memref<40x256xf32, #tpu.memory_space<vmem>>, vector<1x16xf32>,
        %parallel_loop3A_467 = arith.constant 120 : i32
        %parallel_loop3A_468 = arith.addi %parallel_loop3A_467, %parallel_loop3A_331 : i32
        %parallel_loop3A_469 = arith.constant 128 : i32
        %parallel_loop3A_470 = arith.muli %parallel_loop3A_468, %parallel_loop3A_469 : i32
        %parallel_loop3A_471 = arith.constant 80 : i32
        %parallel_loop3A_472 = arith.addi %parallel_loop3A_470, %parallel_loop3A_471 : i32
        %parallel_loop3A_473 = arith.index_cast %parallel_loop3A_472 : i32 to index
        %parallel_loop3A_474 = tpu.vector_load %arg13[%parallel_loop3A_473] {strides = array<i32>} : memref<25600xi32, #tpu.memory_space<vmem>>, vector<16xi32>,
        %parallel_loop3A_475 = vector.shape_cast %parallel_loop3A_474 : vector<16xi32> to vector<16xi32>
        %parallel_loop3A_476 = arith.constant 16 : i32
        %parallel_loop3A_477 = vector.broadcast %parallel_loop3A_476 : i32 to vector<16xi32>
        %parallel_loop3A_478 = arith.shli %parallel_loop3A_475, %parallel_loop3A_477 : vector<16xi32>
        %parallel_loop3A_479 = tpu.bitcast %parallel_loop3A_478 : vector<16xi32> -> vector<16xf32>
        %parallel_loop3A_480 = arith.constant -65536 : i32
        %parallel_loop3A_481 = vector.broadcast %parallel_loop3A_480 : i32 to vector<16xi32>
        %parallel_loop3A_482 = arith.andi %parallel_loop3A_475, %parallel_loop3A_481 : vector<16xi32>
        %parallel_loop3A_483 = tpu.bitcast %parallel_loop3A_482 : vector<16xi32> -> vector<16xf32>
        %parallel_loop3A_484 = arith.index_cast %parallel_loop3A_331 : i32 to index
        %parallel_loop3A_485 = arith.constant 160 : index
        %parallel_loop3A_486 = tpu.vector_load %arg11[%parallel_loop3A_484, %parallel_loop3A_485] {strides = array<i32>} : memref<40x256xf32, #tpu.memory_space<vmem>>, vector<1x16xf32>,
        %parallel_loop3A_487 = vector.shape_cast %parallel_loop3A_486 : vector<1x16xf32> to vector<16xf32>
        %parallel_loop3A_488 = vector.shape_cast %parallel_loop3A_479 : vector<16xf32> to vector<1x16xf32>
        tpu.vector_store %arg11[%parallel_loop3A_484, %parallel_loop3A_485], %parallel_loop3A_488 {add = true, strides = array<i32>} : memref<40x256xf32, #tpu.memory_space<vmem>>, vector<1x16xf32>,
        %parallel_loop3A_489 = arith.index_cast %parallel_loop3A_331 : i32 to index
        %parallel_loop3A_490 = arith.constant 176 : index
        %parallel_loop3A_491 = tpu.vector_load %arg11[%parallel_loop3A_489, %parallel_loop3A_490] {strides = array<i32>} : memref<40x256xf32, #tpu.memory_space<vmem>>, vector<1x16xf32>,
        %parallel_loop3A_492 = vector.shape_cast %parallel_loop3A_491 : vector<1x16xf32> to vector<16xf32>
        %parallel_loop3A_493 = vector.shape_cast %parallel_loop3A_483 : vector<16xf32> to vector<1x16xf32>
        tpu.vector_store %arg11[%parallel_loop3A_489, %parallel_loop3A_490], %parallel_loop3A_493 {add = true, strides = array<i32>} : memref<40x256xf32, #tpu.memory_space<vmem>>, vector<1x16xf32>,
        %parallel_loop3A_494 = arith.constant 120 : i32
        %parallel_loop3A_495 = arith.addi %parallel_loop3A_494, %parallel_loop3A_331 : i32
        %parallel_loop3A_496 = arith.constant 128 : i32
        %parallel_loop3A_497 = arith.muli %parallel_loop3A_495, %parallel_loop3A_496 : i32
        %parallel_loop3A_498 = arith.constant 96 : i32
        %parallel_loop3A_499 = arith.addi %parallel_loop3A_497, %parallel_loop3A_498 : i32
        %parallel_loop3A_500 = arith.index_cast %parallel_loop3A_499 : i32 to index
        %parallel_loop3A_501 = tpu.vector_load %arg13[%parallel_loop3A_500] {strides = array<i32>} : memref<25600xi32, #tpu.memory_space<vmem>>, vector<16xi32>,
        %parallel_loop3A_502 = vector.shape_cast %parallel_loop3A_501 : vector<16xi32> to vector<16xi32>
        %parallel_loop3A_503 = arith.constant 16 : i32
        %parallel_loop3A_504 = vector.broadcast %parallel_loop3A_503 : i32 to vector<16xi32>
        %parallel_loop3A_505 = arith.shli %parallel_loop3A_502, %parallel_loop3A_504 : vector<16xi32>
        %parallel_loop3A_506 = tpu.bitcast %parallel_loop3A_505 : vector<16xi32> -> vector<16xf32>
        %parallel_loop3A_507 = arith.constant -65536 : i32
        %parallel_loop3A_508 = vector.broadcast %parallel_loop3A_507 : i32 to vector<16xi32>
        %parallel_loop3A_509 = arith.andi %parallel_loop3A_502, %parallel_loop3A_508 : vector<16xi32>
        %parallel_loop3A_510 = tpu.bitcast %parallel_loop3A_509 : vector<16xi32> -> vector<16xf32>
        %parallel_loop3A_511 = arith.index_cast %parallel_loop3A_331 : i32 to index
        %parallel_loop3A_512 = arith.constant 192 : index
        %parallel_loop3A_513 = tpu.vector_load %arg11[%parallel_loop3A_511, %parallel_loop3A_512] {strides = array<i32>} : memref<40x256xf32, #tpu.memory_space<vmem>>, vector<1x16xf32>,
        %parallel_loop3A_514 = vector.shape_cast %parallel_loop3A_513 : vector<1x16xf32> to vector<16xf32>
        %parallel_loop3A_515 = vector.shape_cast %parallel_loop3A_506 : vector<16xf32> to vector<1x16xf32>
        tpu.vector_store %arg11[%parallel_loop3A_511, %parallel_loop3A_512], %parallel_loop3A_515 {add = true, strides = array<i32>} : memref<40x256xf32, #tpu.memory_space<vmem>>, vector<1x16xf32>,
        %parallel_loop3A_516 = arith.index_cast %parallel_loop3A_331 : i32 to index
        %parallel_loop3A_517 = arith.constant 208 : index
        %parallel_loop3A_518 = tpu.vector_load %arg11[%parallel_loop3A_516, %parallel_loop3A_517] {strides = array<i32>} : memref<40x256xf32, #tpu.memory_space<vmem>>, vector<1x16xf32>,
        %parallel_loop3A_519 = vector.shape_cast %parallel_loop3A_518 : vector<1x16xf32> to vector<16xf32>
        %parallel_loop3A_520 = vector.shape_cast %parallel_loop3A_510 : vector<16xf32> to vector<1x16xf32>
        tpu.vector_store %arg11[%parallel_loop3A_516, %parallel_loop3A_517], %parallel_loop3A_520 {add = true, strides = array<i32>} : memref<40x256xf32, #tpu.memory_space<vmem>>, vector<1x16xf32>,
        %parallel_loop3A_521 = arith.constant 120 : i32
        %parallel_loop3A_522 = arith.addi %parallel_loop3A_521, %parallel_loop3A_331 : i32
        %parallel_loop3A_523 = arith.constant 128 : i32
        %parallel_loop3A_524 = arith.muli %parallel_loop3A_522, %parallel_loop3A_523 : i32
        %parallel_loop3A_525 = arith.constant 112 : i32
        %parallel_loop3A_526 = arith.addi %parallel_loop3A_524, %parallel_loop3A_525 : i32
        %parallel_loop3A_527 = arith.index_cast %parallel_loop3A_526 : i32 to index
        %parallel_loop3A_528 = tpu.vector_load %arg13[%parallel_loop3A_527] {strides = array<i32>} : memref<25600xi32, #tpu.memory_space<vmem>>, vector<16xi32>,
        %parallel_loop3A_529 = vector.shape_cast %parallel_loop3A_528 : vector<16xi32> to vector<16xi32>
        %parallel_loop3A_530 = arith.constant 16 : i32
        %parallel_loop3A_531 = vector.broadcast %parallel_loop3A_530 : i32 to vector<16xi32>
        %parallel_loop3A_532 = arith.shli %parallel_loop3A_529, %parallel_loop3A_531 : vector<16xi32>
        %parallel_loop3A_533 = tpu.bitcast %parallel_loop3A_532 : vector<16xi32> -> vector<16xf32>
        %parallel_loop3A_534 = arith.constant -65536 : i32
        %parallel_loop3A_535 = vector.broadcast %parallel_loop3A_534 : i32 to vector<16xi32>
        %parallel_loop3A_536 = arith.andi %parallel_loop3A_529, %parallel_loop3A_535 : vector<16xi32>
        %parallel_loop3A_537 = tpu.bitcast %parallel_loop3A_536 : vector<16xi32> -> vector<16xf32>
        %parallel_loop3A_538 = arith.index_cast %parallel_loop3A_331 : i32 to index
        %parallel_loop3A_539 = arith.constant 224 : index
        %parallel_loop3A_540 = tpu.vector_load %arg11[%parallel_loop3A_538, %parallel_loop3A_539] {strides = array<i32>} : memref<40x256xf32, #tpu.memory_space<vmem>>, vector<1x16xf32>,
        %parallel_loop3A_541 = vector.shape_cast %parallel_loop3A_540 : vector<1x16xf32> to vector<16xf32>
        %parallel_loop3A_542 = vector.shape_cast %parallel_loop3A_533 : vector<16xf32> to vector<1x16xf32>
        tpu.vector_store %arg11[%parallel_loop3A_538, %parallel_loop3A_539], %parallel_loop3A_542 {add = true, strides = array<i32>} : memref<40x256xf32, #tpu.memory_space<vmem>>, vector<1x16xf32>,
        %parallel_loop3A_543 = arith.index_cast %parallel_loop3A_331 : i32 to index
        %parallel_loop3A_544 = arith.constant 240 : index
        %parallel_loop3A_545 = tpu.vector_load %arg11[%parallel_loop3A_543, %parallel_loop3A_544] {strides = array<i32>} : memref<40x256xf32, #tpu.memory_space<vmem>>, vector<1x16xf32>,
        %parallel_loop3A_546 = vector.shape_cast %parallel_loop3A_545 : vector<1x16xf32> to vector<16xf32>
        %parallel_loop3A_547 = vector.shape_cast %parallel_loop3A_537 : vector<16xf32> to vector<1x16xf32>
        tpu.vector_store %arg11[%parallel_loop3A_543, %parallel_loop3A_544], %parallel_loop3A_547 {add = true, strides = array<i32>} : memref<40x256xf32, #tpu.memory_space<vmem>>, vector<1x16xf32>,
      } {sc.loop_unroll_factor = 2 : i64, sc.parallel_access}
      %add3A_289 = arith.constant 120 : i32
      %add3A_290 = arith.addi %add3A_213, %add3A_289 : i32
      %dma_start3A_291 = arith.constant 0 : i32
      %dma_start3A_292 = tpu.memref_slice %arg5[%add3A_290, %dma_start3A_291] : memref<819200x256xf32, #tpu.memory_space<hbm>> -> memref<40x256xf32, #tpu.memory_space<hbm>>
      %dma_start3A_293 = arith.constant 0 : i32
      %dma_start3A_294 = tpu.memref_slice %arg5[%add3A_290, %dma_start3A_293] : memref<819200x256xf32, #tpu.memory_space<hbm>> -> memref<40x256xf32, #tpu.memory_space<hbm>>
      tpu.enqueue_dma source(%arg11 : memref<40x256xf32, #tpu.memory_space<vmem>>) target(%dma_start3A_294 : memref<40x256xf32, #tpu.memory_space<hbm>>) target_semaphore(%arg22 : memref<!tpu.dma_semaphore, #tpu.memory_space<semaphore_mem>>)
      %lt3A_295 = arith.constant 63 : i32
      %lt3A_296 = arith.cmpi slt, %scan3A_60, %lt3A_295 : i32
      %convert_element_type3A_297 = arith.extui %lt3A_296 : i1 to i32
      %cond3A_298 = arith.constant 0 : i32
      %cond3A_299 = arith.cmpi ne, %convert_element_type3A_297, %cond3A_298 : i32
      scf.if %cond3A_299 {
        %dma_wait3A_331 = arith.constant 80 : i32
        %dma_wait3A_332 = arith.constant 0 : i32
        %dma_wait3A_333 = tpu.memref_slice %arg5[%dma_wait3A_331, %dma_wait3A_332] : memref<819200x256xf32, #tpu.memory_space<hbm>> -> memref<40x256xf32, #tpu.memory_space<hbm>>
        %dma_wait3A_334 = arith.constant 80 : i32
        %dma_wait3A_335 = arith.constant 0 : i32
        %dma_wait3A_336 = tpu.memref_slice %arg5[%dma_wait3A_334, %dma_wait3A_335] : memref<819200x256xf32, #tpu.memory_space<hbm>> -> memref<40x256xf32, #tpu.memory_space<hbm>>
        tpu.wait_dma2 semaphore(%arg21 : memref<!tpu.dma_semaphore, #tpu.memory_space<semaphore_mem>>) src(%arg10 : memref<40x256xf32, #tpu.memory_space<vmem>>) dst(%dma_wait3A_336 : memref<40x256xf32, #tpu.memory_space<hbm>>)
        %dma_start3A_337 = arith.constant 80 : i32
        %dma_start3A_338 = tpu.memref_slice %arg6[%dma_start3A_337] : memref<200xi32, #tpu.memory_space<vmem>> -> memref<40xi32, #tpu.memory_space<vmem>>
        %dma_start3A_339 = arith.constant 0 : i32
        %dma_start3A_340 = arith.constant 0 : i32
        %dma_start3A_341 = tpu.memref_slice %arg3[%dma_start3A_339, %dma_start3A_340] : memref<16000x256xf32, #tpu.memory_space<hbm>> -> memref<16000x256xf32, #tpu.memory_space<hbm>>
        tpu.enqueue_indirect_dma source(%dma_start3A_341 : memref<16000x256xf32, #tpu.memory_space<hbm>>) target(%arg10 : memref<40x256xf32, #tpu.memory_space<vmem>>) offsets(%dma_start3A_338 : memref<40xi32, #tpu.memory_space<vmem>>) semaphore(%arg16 : memref<!tpu.dma_semaphore, #tpu.memory_space<semaphore_mem>>)
      } else {
      }
      %dma_wait3A_300 = arith.constant 0 : i32
      %dma_wait3A_301 = arith.constant 0 : i32
      %dma_wait3A_302 = tpu.memref_slice %arg3[%dma_wait3A_300, %dma_wait3A_301] : memref<16000x256xf32, #tpu.memory_space<hbm>> -> memref<40x256xf32, #tpu.memory_space<hbm>>
      %dma_wait3A_303 = arith.constant 0 : i32
      %dma_wait3A_304 = arith.constant 0 : i32
      %dma_wait3A_305 = tpu.memref_slice %arg3[%dma_wait3A_303, %dma_wait3A_304] : memref<16000x256xf32, #tpu.memory_space<hbm>> -> memref<40x256xf32, #tpu.memory_space<hbm>>
      tpu.wait_dma2 semaphore(%arg18 : memref<!tpu.dma_semaphore, #tpu.memory_space<semaphore_mem>>) src(%dma_wait3A_305 : memref<40x256xf32, #tpu.memory_space<hbm>>) dst(%arg12 : memref<40x256xf32, #tpu.memory_space<vmem>>)
      %parallel_loop3A_306 = arith.constant 0 : i32
      %parallel_loop3A_307 = arith.constant 40 : i32
      %parallel_loop3A_308 = arith.constant 1 : i32
      scf.for %parallel_loop3A_331 = %parallel_loop3A_306 to %parallel_loop3A_307 step %parallel_loop3A_308  : i32 {
        %parallel_loop3A_332 = arith.constant 160 : i32
        %parallel_loop3A_333 = arith.addi %parallel_loop3A_332, %parallel_loop3A_331 : i32
        %parallel_loop3A_334 = arith.constant 128 : i32
        %parallel_loop3A_335 = arith.muli %parallel_loop3A_333, %parallel_loop3A_334 : i32
        %parallel_loop3A_336 = arith.constant 0 : i32
        %parallel_loop3A_337 = arith.addi %parallel_loop3A_335, %parallel_loop3A_336 : i32
        %parallel_loop3A_338 = arith.index_cast %parallel_loop3A_337 : i32 to index
        %parallel_loop3A_339 = tpu.vector_load %arg13[%parallel_loop3A_338] {strides = array<i32>} : memref<25600xi32, #tpu.memory_space<vmem>>, vector<16xi32>,
        %parallel_loop3A_340 = vector.shape_cast %parallel_loop3A_339 : vector<16xi32> to vector<16xi32>
        %parallel_loop3A_341 = arith.constant 16 : i32
        %parallel_loop3A_342 = vector.broadcast %parallel_loop3A_341 : i32 to vector<16xi32>
        %parallel_loop3A_343 = arith.shli %parallel_loop3A_340, %parallel_loop3A_342 : vector<16xi32>
        %parallel_loop3A_344 = tpu.bitcast %parallel_loop3A_343 : vector<16xi32> -> vector<16xf32>
        %parallel_loop3A_345 = arith.constant -65536 : i32
        %parallel_loop3A_346 = vector.broadcast %parallel_loop3A_345 : i32 to vector<16xi32>
        %parallel_loop3A_347 = arith.andi %parallel_loop3A_340, %parallel_loop3A_346 : vector<16xi32>
        %parallel_loop3A_348 = tpu.bitcast %parallel_loop3A_347 : vector<16xi32> -> vector<16xf32>
        %parallel_loop3A_349 = arith.index_cast %parallel_loop3A_331 : i32 to index
        %parallel_loop3A_350 = arith.constant 0 : index
        %parallel_loop3A_351 = tpu.vector_load %arg12[%parallel_loop3A_349, %parallel_loop3A_350] {strides = array<i32>} : memref<40x256xf32, #tpu.memory_space<vmem>>, vector<1x16xf32>,
        %parallel_loop3A_352 = vector.shape_cast %parallel_loop3A_351 : vector<1x16xf32> to vector<16xf32>
        %parallel_loop3A_353 = vector.shape_cast %parallel_loop3A_344 : vector<16xf32> to vector<1x16xf32>
        tpu.vector_store %arg12[%parallel_loop3A_349, %parallel_loop3A_350], %parallel_loop3A_353 {add = true, strides = array<i32>} : memref<40x256xf32, #tpu.memory_space<vmem>>, vector<1x16xf32>,
        %parallel_loop3A_354 = arith.index_cast %parallel_loop3A_331 : i32 to index
        %parallel_loop3A_355 = arith.constant 16 : index
        %parallel_loop3A_356 = tpu.vector_load %arg12[%parallel_loop3A_354, %parallel_loop3A_355] {strides = array<i32>} : memref<40x256xf32, #tpu.memory_space<vmem>>, vector<1x16xf32>,
        %parallel_loop3A_357 = vector.shape_cast %parallel_loop3A_356 : vector<1x16xf32> to vector<16xf32>
        %parallel_loop3A_358 = vector.shape_cast %parallel_loop3A_348 : vector<16xf32> to vector<1x16xf32>
        tpu.vector_store %arg12[%parallel_loop3A_354, %parallel_loop3A_355], %parallel_loop3A_358 {add = true, strides = array<i32>} : memref<40x256xf32, #tpu.memory_space<vmem>>, vector<1x16xf32>,
        %parallel_loop3A_359 = arith.constant 160 : i32
        %parallel_loop3A_360 = arith.addi %parallel_loop3A_359, %parallel_loop3A_331 : i32
        %parallel_loop3A_361 = arith.constant 128 : i32
        %parallel_loop3A_362 = arith.muli %parallel_loop3A_360, %parallel_loop3A_361 : i32
        %parallel_loop3A_363 = arith.constant 16 : i32
        %parallel_loop3A_364 = arith.addi %parallel_loop3A_362, %parallel_loop3A_363 : i32
        %parallel_loop3A_365 = arith.index_cast %parallel_loop3A_364 : i32 to index
        %parallel_loop3A_366 = tpu.vector_load %arg13[%parallel_loop3A_365] {strides = array<i32>} : memref<25600xi32, #tpu.memory_space<vmem>>, vector<16xi32>,
        %parallel_loop3A_367 = vector.shape_cast %parallel_loop3A_366 : vector<16xi32> to vector<16xi32>
        %parallel_loop3A_368 = arith.constant 16 : i32
        %parallel_loop3A_369 = vector.broadcast %parallel_loop3A_368 : i32 to vector<16xi32>
        %parallel_loop3A_370 = arith.shli %parallel_loop3A_367, %parallel_loop3A_369 : vector<16xi32>
        %parallel_loop3A_371 = tpu.bitcast %parallel_loop3A_370 : vector<16xi32> -> vector<16xf32>
        %parallel_loop3A_372 = arith.constant -65536 : i32
        %parallel_loop3A_373 = vector.broadcast %parallel_loop3A_372 : i32 to vector<16xi32>
        %parallel_loop3A_374 = arith.andi %parallel_loop3A_367, %parallel_loop3A_373 : vector<16xi32>
        %parallel_loop3A_375 = tpu.bitcast %parallel_loop3A_374 : vector<16xi32> -> vector<16xf32>
        %parallel_loop3A_376 = arith.index_cast %parallel_loop3A_331 : i32 to index
        %parallel_loop3A_377 = arith.constant 32 : index
        %parallel_loop3A_378 = tpu.vector_load %arg12[%parallel_loop3A_376, %parallel_loop3A_377] {strides = array<i32>} : memref<40x256xf32, #tpu.memory_space<vmem>>, vector<1x16xf32>,
        %parallel_loop3A_379 = vector.shape_cast %parallel_loop3A_378 : vector<1x16xf32> to vector<16xf32>
        %parallel_loop3A_380 = vector.shape_cast %parallel_loop3A_371 : vector<16xf32> to vector<1x16xf32>
        tpu.vector_store %arg12[%parallel_loop3A_376, %parallel_loop3A_377], %parallel_loop3A_380 {add = true, strides = array<i32>} : memref<40x256xf32, #tpu.memory_space<vmem>>, vector<1x16xf32>,
        %parallel_loop3A_381 = arith.index_cast %parallel_loop3A_331 : i32 to index
        %parallel_loop3A_382 = arith.constant 48 : index
        %parallel_loop3A_383 = tpu.vector_load %arg12[%parallel_loop3A_381, %parallel_loop3A_382] {strides = array<i32>} : memref<40x256xf32, #tpu.memory_space<vmem>>, vector<1x16xf32>,
        %parallel_loop3A_384 = vector.shape_cast %parallel_loop3A_383 : vector<1x16xf32> to vector<16xf32>
        %parallel_loop3A_385 = vector.shape_cast %parallel_loop3A_375 : vector<16xf32> to vector<1x16xf32>
        tpu.vector_store %arg12[%parallel_loop3A_381, %parallel_loop3A_382], %parallel_loop3A_385 {add = true, strides = array<i32>} : memref<40x256xf32, #tpu.memory_space<vmem>>, vector<1x16xf32>,
        %parallel_loop3A_386 = arith.constant 160 : i32
        %parallel_loop3A_387 = arith.addi %parallel_loop3A_386, %parallel_loop3A_331 : i32
        %parallel_loop3A_388 = arith.constant 128 : i32
        %parallel_loop3A_389 = arith.muli %parallel_loop3A_387, %parallel_loop3A_388 : i32
        %parallel_loop3A_390 = arith.constant 32 : i32
        %parallel_loop3A_391 = arith.addi %parallel_loop3A_389, %parallel_loop3A_390 : i32
        %parallel_loop3A_392 = arith.index_cast %parallel_loop3A_391 : i32 to index
        %parallel_loop3A_393 = tpu.vector_load %arg13[%parallel_loop3A_392] {strides = array<i32>} : memref<25600xi32, #tpu.memory_space<vmem>>, vector<16xi32>,
        %parallel_loop3A_394 = vector.shape_cast %parallel_loop3A_393 : vector<16xi32> to vector<16xi32>
        %parallel_loop3A_395 = arith.constant 16 : i32
        %parallel_loop3A_396 = vector.broadcast %parallel_loop3A_395 : i32 to vector<16xi32>
        %parallel_loop3A_397 = arith.shli %parallel_loop3A_394, %parallel_loop3A_396 : vector<16xi32>
        %parallel_loop3A_398 = tpu.bitcast %parallel_loop3A_397 : vector<16xi32> -> vector<16xf32>
        %parallel_loop3A_399 = arith.constant -65536 : i32
        %parallel_loop3A_400 = vector.broadcast %parallel_loop3A_399 : i32 to vector<16xi32>
        %parallel_loop3A_401 = arith.andi %parallel_loop3A_394, %parallel_loop3A_400 : vector<16xi32>
        %parallel_loop3A_402 = tpu.bitcast %parallel_loop3A_401 : vector<16xi32> -> vector<16xf32>
        %parallel_loop3A_403 = arith.index_cast %parallel_loop3A_331 : i32 to index
        %parallel_loop3A_404 = arith.constant 64 : index
        %parallel_loop3A_405 = tpu.vector_load %arg12[%parallel_loop3A_403, %parallel_loop3A_404] {strides = array<i32>} : memref<40x256xf32, #tpu.memory_space<vmem>>, vector<1x16xf32>,
        %parallel_loop3A_406 = vector.shape_cast %parallel_loop3A_405 : vector<1x16xf32> to vector<16xf32>
        %parallel_loop3A_407 = vector.shape_cast %parallel_loop3A_398 : vector<16xf32> to vector<1x16xf32>
        tpu.vector_store %arg12[%parallel_loop3A_403, %parallel_loop3A_404], %parallel_loop3A_407 {add = true, strides = array<i32>} : memref<40x256xf32, #tpu.memory_space<vmem>>, vector<1x16xf32>,
        %parallel_loop3A_408 = arith.index_cast %parallel_loop3A_331 : i32 to index
        %parallel_loop3A_409 = arith.constant 80 : index
        %parallel_loop3A_410 = tpu.vector_load %arg12[%parallel_loop3A_408, %parallel_loop3A_409] {strides = array<i32>} : memref<40x256xf32, #tpu.memory_space<vmem>>, vector<1x16xf32>,
        %parallel_loop3A_411 = vector.shape_cast %parallel_loop3A_410 : vector<1x16xf32> to vector<16xf32>
        %parallel_loop3A_412 = vector.shape_cast %parallel_loop3A_402 : vector<16xf32> to vector<1x16xf32>
        tpu.vector_store %arg12[%parallel_loop3A_408, %parallel_loop3A_409], %parallel_loop3A_412 {add = true, strides = array<i32>} : memref<40x256xf32, #tpu.memory_space<vmem>>, vector<1x16xf32>,
        %parallel_loop3A_413 = arith.constant 160 : i32
        %parallel_loop3A_414 = arith.addi %parallel_loop3A_413, %parallel_loop3A_331 : i32
        %parallel_loop3A_415 = arith.constant 128 : i32
        %parallel_loop3A_416 = arith.muli %parallel_loop3A_414, %parallel_loop3A_415 : i32
        %parallel_loop3A_417 = arith.constant 48 : i32
        %parallel_loop3A_418 = arith.addi %parallel_loop3A_416, %parallel_loop3A_417 : i32
        %parallel_loop3A_419 = arith.index_cast %parallel_loop3A_418 : i32 to index
        %parallel_loop3A_420 = tpu.vector_load %arg13[%parallel_loop3A_419] {strides = array<i32>} : memref<25600xi32, #tpu.memory_space<vmem>>, vector<16xi32>,
        %parallel_loop3A_421 = vector.shape_cast %parallel_loop3A_420 : vector<16xi32> to vector<16xi32>
        %parallel_loop3A_422 = arith.constant 16 : i32
        %parallel_loop3A_423 = vector.broadcast %parallel_loop3A_422 : i32 to vector<16xi32>
        %parallel_loop3A_424 = arith.shli %parallel_loop3A_421, %parallel_loop3A_423 : vector<16xi32>
        %parallel_loop3A_425 = tpu.bitcast %parallel_loop3A_424 : vector<16xi32> -> vector<16xf32>
        %parallel_loop3A_426 = arith.constant -65536 : i32
        %parallel_loop3A_427 = vector.broadcast %parallel_loop3A_426 : i32 to vector<16xi32>
        %parallel_loop3A_428 = arith.andi %parallel_loop3A_421, %parallel_loop3A_427 : vector<16xi32>
        %parallel_loop3A_429 = tpu.bitcast %parallel_loop3A_428 : vector<16xi32> -> vector<16xf32>
        %parallel_loop3A_430 = arith.index_cast %parallel_loop3A_331 : i32 to index
        %parallel_loop3A_431 = arith.constant 96 : index
        %parallel_loop3A_432 = tpu.vector_load %arg12[%parallel_loop3A_430, %parallel_loop3A_431] {strides = array<i32>} : memref<40x256xf32, #tpu.memory_space<vmem>>, vector<1x16xf32>,
        %parallel_loop3A_433 = vector.shape_cast %parallel_loop3A_432 : vector<1x16xf32> to vector<16xf32>
        %parallel_loop3A_434 = vector.shape_cast %parallel_loop3A_425 : vector<16xf32> to vector<1x16xf32>
        tpu.vector_store %arg12[%parallel_loop3A_430, %parallel_loop3A_431], %parallel_loop3A_434 {add = true, strides = array<i32>} : memref<40x256xf32, #tpu.memory_space<vmem>>, vector<1x16xf32>,
        %parallel_loop3A_435 = arith.index_cast %parallel_loop3A_331 : i32 to index
        %parallel_loop3A_436 = arith.constant 112 : index
        %parallel_loop3A_437 = tpu.vector_load %arg12[%parallel_loop3A_435, %parallel_loop3A_436] {strides = array<i32>} : memref<40x256xf32, #tpu.memory_space<vmem>>, vector<1x16xf32>,
        %parallel_loop3A_438 = vector.shape_cast %parallel_loop3A_437 : vector<1x16xf32> to vector<16xf32>
        %parallel_loop3A_439 = vector.shape_cast %parallel_loop3A_429 : vector<16xf32> to vector<1x16xf32>
        tpu.vector_store %arg12[%parallel_loop3A_435, %parallel_loop3A_436], %parallel_loop3A_439 {add = true, strides = array<i32>} : memref<40x256xf32, #tpu.memory_space<vmem>>, vector<1x16xf32>,
        %parallel_loop3A_440 = arith.constant 160 : i32
        %parallel_loop3A_441 = arith.addi %parallel_loop3A_440, %parallel_loop3A_331 : i32
        %parallel_loop3A_442 = arith.constant 128 : i32
        %parallel_loop3A_443 = arith.muli %parallel_loop3A_441, %parallel_loop3A_442 : i32
        %parallel_loop3A_444 = arith.constant 64 : i32
        %parallel_loop3A_445 = arith.addi %parallel_loop3A_443, %parallel_loop3A_444 : i32
        %parallel_loop3A_446 = arith.index_cast %parallel_loop3A_445 : i32 to index
        %parallel_loop3A_447 = tpu.vector_load %arg13[%parallel_loop3A_446] {strides = array<i32>} : memref<25600xi32, #tpu.memory_space<vmem>>, vector<16xi32>,
        %parallel_loop3A_448 = vector.shape_cast %parallel_loop3A_447 : vector<16xi32> to vector<16xi32>
        %parallel_loop3A_449 = arith.constant 16 : i32
        %parallel_loop3A_450 = vector.broadcast %parallel_loop3A_449 : i32 to vector<16xi32>
        %parallel_loop3A_451 = arith.shli %parallel_loop3A_448, %parallel_loop3A_450 : vector<16xi32>
        %parallel_loop3A_452 = tpu.bitcast %parallel_loop3A_451 : vector<16xi32> -> vector<16xf32>
        %parallel_loop3A_453 = arith.constant -65536 : i32
        %parallel_loop3A_454 = vector.broadcast %parallel_loop3A_453 : i32 to vector<16xi32>
        %parallel_loop3A_455 = arith.andi %parallel_loop3A_448, %parallel_loop3A_454 : vector<16xi32>
        %parallel_loop3A_456 = tpu.bitcast %parallel_loop3A_455 : vector<16xi32> -> vector<16xf32>
        %parallel_loop3A_457 = arith.index_cast %parallel_loop3A_331 : i32 to index
        %parallel_loop3A_458 = arith.constant 128 : index
        %parallel_loop3A_459 = tpu.vector_load %arg12[%parallel_loop3A_457, %parallel_loop3A_458] {strides = array<i32>} : memref<40x256xf32, #tpu.memory_space<vmem>>, vector<1x16xf32>,
        %parallel_loop3A_460 = vector.shape_cast %parallel_loop3A_459 : vector<1x16xf32> to vector<16xf32>
        %parallel_loop3A_461 = vector.shape_cast %parallel_loop3A_452 : vector<16xf32> to vector<1x16xf32>
        tpu.vector_store %arg12[%parallel_loop3A_457, %parallel_loop3A_458], %parallel_loop3A_461 {add = true, strides = array<i32>} : memref<40x256xf32, #tpu.memory_space<vmem>>, vector<1x16xf32>,
        %parallel_loop3A_462 = arith.index_cast %parallel_loop3A_331 : i32 to index
        %parallel_loop3A_463 = arith.constant 144 : index
        %parallel_loop3A_464 = tpu.vector_load %arg12[%parallel_loop3A_462, %parallel_loop3A_463] {strides = array<i32>} : memref<40x256xf32, #tpu.memory_space<vmem>>, vector<1x16xf32>,
        %parallel_loop3A_465 = vector.shape_cast %parallel_loop3A_464 : vector<1x16xf32> to vector<16xf32>
        %parallel_loop3A_466 = vector.shape_cast %parallel_loop3A_456 : vector<16xf32> to vector<1x16xf32>
        tpu.vector_store %arg12[%parallel_loop3A_462, %parallel_loop3A_463], %parallel_loop3A_466 {add = true, strides = array<i32>} : memref<40x256xf32, #tpu.memory_space<vmem>>, vector<1x16xf32>,
        %parallel_loop3A_467 = arith.constant 160 : i32
        %parallel_loop3A_468 = arith.addi %parallel_loop3A_467, %parallel_loop3A_331 : i32
        %parallel_loop3A_469 = arith.constant 128 : i32
        %parallel_loop3A_470 = arith.muli %parallel_loop3A_468, %parallel_loop3A_469 : i32
        %parallel_loop3A_471 = arith.constant 80 : i32
        %parallel_loop3A_472 = arith.addi %parallel_loop3A_470, %parallel_loop3A_471 : i32
        %parallel_loop3A_473 = arith.index_cast %parallel_loop3A_472 : i32 to index
        %parallel_loop3A_474 = tpu.vector_load %arg13[%parallel_loop3A_473] {strides = array<i32>} : memref<25600xi32, #tpu.memory_space<vmem>>, vector<16xi32>,
        %parallel_loop3A_475 = vector.shape_cast %parallel_loop3A_474 : vector<16xi32> to vector<16xi32>
        %parallel_loop3A_476 = arith.constant 16 : i32
        %parallel_loop3A_477 = vector.broadcast %parallel_loop3A_476 : i32 to vector<16xi32>
        %parallel_loop3A_478 = arith.shli %parallel_loop3A_475, %parallel_loop3A_477 : vector<16xi32>
        %parallel_loop3A_479 = tpu.bitcast %parallel_loop3A_478 : vector<16xi32> -> vector<16xf32>
        %parallel_loop3A_480 = arith.constant -65536 : i32
        %parallel_loop3A_481 = vector.broadcast %parallel_loop3A_480 : i32 to vector<16xi32>
        %parallel_loop3A_482 = arith.andi %parallel_loop3A_475, %parallel_loop3A_481 : vector<16xi32>
        %parallel_loop3A_483 = tpu.bitcast %parallel_loop3A_482 : vector<16xi32> -> vector<16xf32>
        %parallel_loop3A_484 = arith.index_cast %parallel_loop3A_331 : i32 to index
        %parallel_loop3A_485 = arith.constant 160 : index
        %parallel_loop3A_486 = tpu.vector_load %arg12[%parallel_loop3A_484, %parallel_loop3A_485] {strides = array<i32>} : memref<40x256xf32, #tpu.memory_space<vmem>>, vector<1x16xf32>,
        %parallel_loop3A_487 = vector.shape_cast %parallel_loop3A_486 : vector<1x16xf32> to vector<16xf32>
        %parallel_loop3A_488 = vector.shape_cast %parallel_loop3A_479 : vector<16xf32> to vector<1x16xf32>
        tpu.vector_store %arg12[%parallel_loop3A_484, %parallel_loop3A_485], %parallel_loop3A_488 {add = true, strides = array<i32>} : memref<40x256xf32, #tpu.memory_space<vmem>>, vector<1x16xf32>,
        %parallel_loop3A_489 = arith.index_cast %parallel_loop3A_331 : i32 to index
        %parallel_loop3A_490 = arith.constant 176 : index
        %parallel_loop3A_491 = tpu.vector_load %arg12[%parallel_loop3A_489, %parallel_loop3A_490] {strides = array<i32>} : memref<40x256xf32, #tpu.memory_space<vmem>>, vector<1x16xf32>,
        %parallel_loop3A_492 = vector.shape_cast %parallel_loop3A_491 : vector<1x16xf32> to vector<16xf32>
        %parallel_loop3A_493 = vector.shape_cast %parallel_loop3A_483 : vector<16xf32> to vector<1x16xf32>
        tpu.vector_store %arg12[%parallel_loop3A_489, %parallel_loop3A_490], %parallel_loop3A_493 {add = true, strides = array<i32>} : memref<40x256xf32, #tpu.memory_space<vmem>>, vector<1x16xf32>,
        %parallel_loop3A_494 = arith.constant 160 : i32
        %parallel_loop3A_495 = arith.addi %parallel_loop3A_494, %parallel_loop3A_331 : i32
        %parallel_loop3A_496 = arith.constant 128 : i32
        %parallel_loop3A_497 = arith.muli %parallel_loop3A_495, %parallel_loop3A_496 : i32
        %parallel_loop3A_498 = arith.constant 96 : i32
        %parallel_loop3A_499 = arith.addi %parallel_loop3A_497, %parallel_loop3A_498 : i32
        %parallel_loop3A_500 = arith.index_cast %parallel_loop3A_499 : i32 to index
        %parallel_loop3A_501 = tpu.vector_load %arg13[%parallel_loop3A_500] {strides = array<i32>} : memref<25600xi32, #tpu.memory_space<vmem>>, vector<16xi32>,
        %parallel_loop3A_502 = vector.shape_cast %parallel_loop3A_501 : vector<16xi32> to vector<16xi32>
        %parallel_loop3A_503 = arith.constant 16 : i32
        %parallel_loop3A_504 = vector.broadcast %parallel_loop3A_503 : i32 to vector<16xi32>
        %parallel_loop3A_505 = arith.shli %parallel_loop3A_502, %parallel_loop3A_504 : vector<16xi32>
        %parallel_loop3A_506 = tpu.bitcast %parallel_loop3A_505 : vector<16xi32> -> vector<16xf32>
        %parallel_loop3A_507 = arith.constant -65536 : i32
        %parallel_loop3A_508 = vector.broadcast %parallel_loop3A_507 : i32 to vector<16xi32>
        %parallel_loop3A_509 = arith.andi %parallel_loop3A_502, %parallel_loop3A_508 : vector<16xi32>
        %parallel_loop3A_510 = tpu.bitcast %parallel_loop3A_509 : vector<16xi32> -> vector<16xf32>
        %parallel_loop3A_511 = arith.index_cast %parallel_loop3A_331 : i32 to index
        %parallel_loop3A_512 = arith.constant 192 : index
        %parallel_loop3A_513 = tpu.vector_load %arg12[%parallel_loop3A_511, %parallel_loop3A_512] {strides = array<i32>} : memref<40x256xf32, #tpu.memory_space<vmem>>, vector<1x16xf32>,
        %parallel_loop3A_514 = vector.shape_cast %parallel_loop3A_513 : vector<1x16xf32> to vector<16xf32>
        %parallel_loop3A_515 = vector.shape_cast %parallel_loop3A_506 : vector<16xf32> to vector<1x16xf32>
        tpu.vector_store %arg12[%parallel_loop3A_511, %parallel_loop3A_512], %parallel_loop3A_515 {add = true, strides = array<i32>} : memref<40x256xf32, #tpu.memory_space<vmem>>, vector<1x16xf32>,
        %parallel_loop3A_516 = arith.index_cast %parallel_loop3A_331 : i32 to index
        %parallel_loop3A_517 = arith.constant 208 : index
        %parallel_loop3A_518 = tpu.vector_load %arg12[%parallel_loop3A_516, %parallel_loop3A_517] {strides = array<i32>} : memref<40x256xf32, #tpu.memory_space<vmem>>, vector<1x16xf32>,
        %parallel_loop3A_519 = vector.shape_cast %parallel_loop3A_518 : vector<1x16xf32> to vector<16xf32>
        %parallel_loop3A_520 = vector.shape_cast %parallel_loop3A_510 : vector<16xf32> to vector<1x16xf32>
        tpu.vector_store %arg12[%parallel_loop3A_516, %parallel_loop3A_517], %parallel_loop3A_520 {add = true, strides = array<i32>} : memref<40x256xf32, #tpu.memory_space<vmem>>, vector<1x16xf32>,
        %parallel_loop3A_521 = arith.constant 160 : i32
        %parallel_loop3A_522 = arith.addi %parallel_loop3A_521, %parallel_loop3A_331 : i32
        %parallel_loop3A_523 = arith.constant 128 : i32
        %parallel_loop3A_524 = arith.muli %parallel_loop3A_522, %parallel_loop3A_523 : i32
        %parallel_loop3A_525 = arith.constant 112 : i32
        %parallel_loop3A_526 = arith.addi %parallel_loop3A_524, %parallel_loop3A_525 : i32
        %parallel_loop3A_527 = arith.index_cast %parallel_loop3A_526 : i32 to index
        %parallel_loop3A_528 = tpu.vector_load %arg13[%parallel_loop3A_527] {strides = array<i32>} : memref<25600xi32, #tpu.memory_space<vmem>>, vector<16xi32>,
        %parallel_loop3A_529 = vector.shape_cast %parallel_loop3A_528 : vector<16xi32> to vector<16xi32>
        %parallel_loop3A_530 = arith.constant 16 : i32
        %parallel_loop3A_531 = vector.broadcast %parallel_loop3A_530 : i32 to vector<16xi32>
        %parallel_loop3A_532 = arith.shli %parallel_loop3A_529, %parallel_loop3A_531 : vector<16xi32>
        %parallel_loop3A_533 = tpu.bitcast %parallel_loop3A_532 : vector<16xi32> -> vector<16xf32>
        %parallel_loop3A_534 = arith.constant -65536 : i32
        %parallel_loop3A_535 = vector.broadcast %parallel_loop3A_534 : i32 to vector<16xi32>
        %parallel_loop3A_536 = arith.andi %parallel_loop3A_529, %parallel_loop3A_535 : vector<16xi32>
        %parallel_loop3A_537 = tpu.bitcast %parallel_loop3A_536 : vector<16xi32> -> vector<16xf32>
        %parallel_loop3A_538 = arith.index_cast %parallel_loop3A_331 : i32 to index
        %parallel_loop3A_539 = arith.constant 224 : index
        %parallel_loop3A_540 = tpu.vector_load %arg12[%parallel_loop3A_538, %parallel_loop3A_539] {strides = array<i32>} : memref<40x256xf32, #tpu.memory_space<vmem>>, vector<1x16xf32>,
        %parallel_loop3A_541 = vector.shape_cast %parallel_loop3A_540 : vector<1x16xf32> to vector<16xf32>
        %parallel_loop3A_542 = vector.shape_cast %parallel_loop3A_533 : vector<16xf32> to vector<1x16xf32>
        tpu.vector_store %arg12[%parallel_loop3A_538, %parallel_loop3A_539], %parallel_loop3A_542 {add = true, strides = array<i32>} : memref<40x256xf32, #tpu.memory_space<vmem>>, vector<1x16xf32>,
        %parallel_loop3A_543 = arith.index_cast %parallel_loop3A_331 : i32 to index
        %parallel_loop3A_544 = arith.constant 240 : index
        %parallel_loop3A_545 = tpu.vector_load %arg12[%parallel_loop3A_543, %parallel_loop3A_544] {strides = array<i32>} : memref<40x256xf32, #tpu.memory_space<vmem>>, vector<1x16xf32>,
        %parallel_loop3A_546 = vector.shape_cast %parallel_loop3A_545 : vector<1x16xf32> to vector<16xf32>
        %parallel_loop3A_547 = vector.shape_cast %parallel_loop3A_537 : vector<16xf32> to vector<1x16xf32>
        tpu.vector_store %arg12[%parallel_loop3A_543, %parallel_loop3A_544], %parallel_loop3A_547 {add = true, strides = array<i32>} : memref<40x256xf32, #tpu.memory_space<vmem>>, vector<1x16xf32>,
      } {sc.loop_unroll_factor = 2 : i64, sc.parallel_access}
      %add3A_309 = arith.constant 160 : i32
      %add3A_310 = arith.addi %add3A_213, %add3A_309 : i32
      %dma_start3A_311 = arith.constant 0 : i32
      %dma_start3A_312 = tpu.memref_slice %arg5[%add3A_310, %dma_start3A_311] : memref<819200x256xf32, #tpu.memory_space<hbm>> -> memref<40x256xf32, #tpu.memory_space<hbm>>
      %dma_start3A_313 = arith.constant 0 : i32
      %dma_start3A_314 = tpu.memref_slice %arg5[%add3A_310, %dma_start3A_313] : memref<819200x256xf32, #tpu.memory_space<hbm>> -> memref<40x256xf32, #tpu.memory_space<hbm>>
      tpu.enqueue_dma source(%arg12 : memref<40x256xf32, #tpu.memory_space<vmem>>) target(%dma_start3A_314 : memref<40x256xf32, #tpu.memory_space<hbm>>) target_semaphore(%arg23 : memref<!tpu.dma_semaphore, #tpu.memory_space<semaphore_mem>>)
      %mul3A_315 = arith.constant 2 : i32
      %mul3A_316 = arith.muli %mul3A_315, %scan3A_60 : i32
      %add3A_317 = arith.constant 1 : i32
      %add3A_318 = arith.addi %mul3A_316, %add3A_317 : i32
      %add3A_319 = arith.constant 2 : i32
      %add3A_320 = arith.addi %add3A_318, %add3A_319 : i32
      %lt3A_321 = arith.constant 128 : i32
      %lt3A_322 = arith.cmpi slt, %add3A_320, %lt3A_321 : i32
      %convert_element_type3A_323 = arith.extui %lt3A_322 : i1 to i32
      %cond3A_324 = arith.constant 0 : i32
      %cond3A_325 = arith.cmpi ne, %convert_element_type3A_323, %cond3A_324 : i32
      scf.if %cond3A_325 {
        %add3A_331 = arith.constant 400 : i32
        %add3A_332 = arith.addi %add3A_213, %add3A_331 : i32
        %dma_start3A_333 = tpu.memref_slice %arg2[%add3A_332] : memref<819200xi32, #tpu.memory_space<hbm>> -> memref<200xi32, #tpu.memory_space<hbm>>
        %dma_start3A_334 = tpu.memref_slice %arg2[%add3A_332] : memref<819200xi32, #tpu.memory_space<hbm>> -> memref<200xi32, #tpu.memory_space<hbm>>
        tpu.enqueue_dma source(%dma_start3A_334 : memref<200xi32, #tpu.memory_space<hbm>>) target(%arg7 : memref<200xi32, #tpu.memory_space<vmem>>) target_semaphore(%arg25 : memref<!tpu.dma_semaphore, #tpu.memory_space<semaphore_mem>>)
      } else {
      }
      %lt3A_326 = arith.constant 63 : i32
      %lt3A_327 = arith.cmpi slt, %scan3A_60, %lt3A_326 : i32
      %convert_element_type3A_328 = arith.extui %lt3A_327 : i1 to i32
      %cond3A_329 = arith.constant 0 : i32
      %cond3A_330 = arith.cmpi ne, %convert_element_type3A_328, %cond3A_329 : i32
      scf.if %cond3A_330 {
        %dma_wait3A_331 = arith.constant 120 : i32
        %dma_wait3A_332 = arith.constant 0 : i32
        %dma_wait3A_333 = tpu.memref_slice %arg5[%dma_wait3A_331, %dma_wait3A_332] : memref<819200x256xf32, #tpu.memory_space<hbm>> -> memref<40x256xf32, #tpu.memory_space<hbm>>
        %dma_wait3A_334 = arith.constant 120 : i32
        %dma_wait3A_335 = arith.constant 0 : i32
        %dma_wait3A_336 = tpu.memref_slice %arg5[%dma_wait3A_334, %dma_wait3A_335] : memref<819200x256xf32, #tpu.memory_space<hbm>> -> memref<40x256xf32, #tpu.memory_space<hbm>>
        tpu.wait_dma2 semaphore(%arg22 : memref<!tpu.dma_semaphore, #tpu.memory_space<semaphore_mem>>) src(%arg11 : memref<40x256xf32, #tpu.memory_space<vmem>>) dst(%dma_wait3A_336 : memref<40x256xf32, #tpu.memory_space<hbm>>)
        %dma_start3A_337 = arith.constant 120 : i32
        %dma_start3A_338 = tpu.memref_slice %arg6[%dma_start3A_337] : memref<200xi32, #tpu.memory_space<vmem>> -> memref<40xi32, #tpu.memory_space<vmem>>
        %dma_start3A_339 = arith.constant 0 : i32
        %dma_start3A_340 = arith.constant 0 : i32
        %dma_start3A_341 = tpu.memref_slice %arg3[%dma_start3A_339, %dma_start3A_340] : memref<16000x256xf32, #tpu.memory_space<hbm>> -> memref<16000x256xf32, #tpu.memory_space<hbm>>
        tpu.enqueue_indirect_dma source(%dma_start3A_341 : memref<16000x256xf32, #tpu.memory_space<hbm>>) target(%arg11 : memref<40x256xf32, #tpu.memory_space<vmem>>) offsets(%dma_start3A_338 : memref<40xi32, #tpu.memory_space<vmem>>) semaphore(%arg17 : memref<!tpu.dma_semaphore, #tpu.memory_space<semaphore_mem>>)
      } else {
      }
    }
    %scan3A_30 = arith.constant 64 : i32
    %dma_wait3A = arith.constant 0 : i32
    %dma_wait3A_31 = arith.constant 0 : i32
    %dma_wait3A_32 = tpu.memref_slice %arg5[%dma_wait3A, %dma_wait3A_31] : memref<819200x256xf32, #tpu.memory_space<hbm>> -> memref<40x256xf32, #tpu.memory_space<hbm>>
    %dma_wait3A_33 = arith.constant 0 : i32
    %dma_wait3A_34 = arith.constant 0 : i32
    %dma_wait3A_35 = tpu.memref_slice %arg5[%dma_wait3A_33, %dma_wait3A_34] : memref<819200x256xf32, #tpu.memory_space<hbm>> -> memref<40x256xf32, #tpu.memory_space<hbm>>
    tpu.wait_dma2 semaphore(%arg19 : memref<!tpu.dma_semaphore, #tpu.memory_space<semaphore_mem>>) src(%arg8 : memref<40x256xf32, #tpu.memory_space<vmem>>) dst(%dma_wait3A_35 : memref<40x256xf32, #tpu.memory_space<hbm>>)
    %dma_wait3A_36 = arith.constant 40 : i32
    %dma_wait3A_37 = arith.constant 0 : i32
    %dma_wait3A_38 = tpu.memref_slice %arg5[%dma_wait3A_36, %dma_wait3A_37] : memref<819200x256xf32, #tpu.memory_space<hbm>> -> memref<40x256xf32, #tpu.memory_space<hbm>>
    %dma_wait3A_39 = arith.constant 40 : i32
    %dma_wait3A_40 = arith.constant 0 : i32
    %dma_wait3A_41 = tpu.memref_slice %arg5[%dma_wait3A_39, %dma_wait3A_40] : memref<819200x256xf32, #tpu.memory_space<hbm>> -> memref<40x256xf32, #tpu.memory_space<hbm>>
    tpu.wait_dma2 semaphore(%arg20 : memref<!tpu.dma_semaphore, #tpu.memory_space<semaphore_mem>>) src(%arg9 : memref<40x256xf32, #tpu.memory_space<vmem>>) dst(%dma_wait3A_41 : memref<40x256xf32, #tpu.memory_space<hbm>>)
    %dma_wait3A_42 = arith.constant 80 : i32
    %dma_wait3A_43 = arith.constant 0 : i32
    %dma_wait3A_44 = tpu.memref_slice %arg5[%dma_wait3A_42, %dma_wait3A_43] : memref<819200x256xf32, #tpu.memory_space<hbm>> -> memref<40x256xf32, #tpu.memory_space<hbm>>
    %dma_wait3A_45 = arith.constant 80 : i32
    %dma_wait3A_46 = arith.constant 0 : i32
    %dma_wait3A_47 = tpu.memref_slice %arg5[%dma_wait3A_45, %dma_wait3A_46] : memref<819200x256xf32, #tpu.memory_space<hbm>> -> memref<40x256xf32, #tpu.memory_space<hbm>>
    tpu.wait_dma2 semaphore(%arg21 : memref<!tpu.dma_semaphore, #tpu.memory_space<semaphore_mem>>) src(%arg10 : memref<40x256xf32, #tpu.memory_space<vmem>>) dst(%dma_wait3A_47 : memref<40x256xf32, #tpu.memory_space<hbm>>)
    %dma_wait3A_48 = arith.constant 120 : i32
    %dma_wait3A_49 = arith.constant 0 : i32
    %dma_wait3A_50 = tpu.memref_slice %arg5[%dma_wait3A_48, %dma_wait3A_49] : memref<819200x256xf32, #tpu.memory_space<hbm>> -> memref<40x256xf32, #tpu.memory_space<hbm>>
    %dma_wait3A_51 = arith.constant 120 : i32
    %dma_wait3A_52 = arith.constant 0 : i32
    %dma_wait3A_53 = tpu.memref_slice %arg5[%dma_wait3A_51, %dma_wait3A_52] : memref<819200x256xf32, #tpu.memory_space<hbm>> -> memref<40x256xf32, #tpu.memory_space<hbm>>
    tpu.wait_dma2 semaphore(%arg22 : memref<!tpu.dma_semaphore, #tpu.memory_space<semaphore_mem>>) src(%arg11 : memref<40x256xf32, #tpu.memory_space<vmem>>) dst(%dma_wait3A_53 : memref<40x256xf32, #tpu.memory_space<hbm>>)
    %dma_wait3A_54 = arith.constant 160 : i32
    %dma_wait3A_55 = arith.constant 0 : i32
    %dma_wait3A_56 = tpu.memref_slice %arg5[%dma_wait3A_54, %dma_wait3A_55] : memref<819200x256xf32, #tpu.memory_space<hbm>> -> memref<40x256xf32, #tpu.memory_space<hbm>>
    %dma_wait3A_57 = arith.constant 160 : i32
    %dma_wait3A_58 = arith.constant 0 : i32
    %dma_wait3A_59 = tpu.memref_slice %arg5[%dma_wait3A_57, %dma_wait3A_58] : memref<819200x256xf32, #tpu.memory_space<hbm>> -> memref<40x256xf32, #tpu.memory_space<hbm>>
    tpu.wait_dma2 semaphore(%arg23 : memref<!tpu.dma_semaphore, #tpu.memory_space<semaphore_mem>>) src(%arg12 : memref<40x256xf32, #tpu.memory_space<vmem>>) dst(%dma_wait3A_59 : memref<40x256xf32, #tpu.memory_space<hbm>>)
    return
  }
}

</mosaic_0001>

<sc_bundles>
// kernel: _embed_sc.3.cloned.1.call-start
scs
__scs_entry_jumppad:
0x0: {  	(pc) =	sbr.rel $0x88, $3  }
0x1: {  	(tag) =	ssettag $0x0;
	lr =	simm.s32 $0x1  }
0x2: {  	[smem:$0x3F9E] =	sst lr;
	_ =	strace $0xD0000000  }
0x3: {  	_ = 	snop  }
0x4: {  	_ = 	snop  }
0x5: {  	_ = 	snop  }
0x6: {  	_ = 	snop  }
0x7: {  	_ = 	snop  }
__scs_overlays_trampoline_lowered:
0x8: {  	[smem:$0x3FAD] =	sst s0  }
0x9: {  	[smem:$0x3FAE] =	sst s1  }
0xa: {  	[smem:$0x3FAF] =	sst s2  }
0xb: {  	[smem:$0x3FB0] =	sst s3  }
0xc: {  	[smem:$0x3FB1] =	sst s4  }
0xd: {  	[smem:$0x3FB2] =	sst s5  }
0xe: {  	[smem:$0x3FB3] =	sst s6  }
0xf: {  	[smem:$0x3FB4] =	sst s7  }
0x10: {  	[smem:$0x3FB5] =	sst s8  }
0x11: {  	[smem:$0x3FB6] =	sst s9;
	s0 =	simm.s32 @!p0 $0x0  }
0x12: {  	s1 =	sld [smem:$0x3F9C];
	s0 =	simm.s32 @p0 $0x1  }
0x13: {  	[smem:$0x3FB7] =	sst s0;
	s0 =	simm.s32 @!p1 $0x0  }
0x14: {  	s2 =	sld [smem:$0x3F9B];
	s0 =	simm.s32 @p1 $0x1  }
0x15: {  	[smem:$0x3FB8] =	sst s0;
	s0 =	simm.s32 @!p2 $0x0  }
0x16: {  	s3 =	sld [smem:$0x3FDB];
	s0 =	simm.s32 @p2 $0x1  }
0x17: {  	s4 =	simm.s32 $0x1BF5;
	[smem:$0x3FBA] =	sst s0  }
0x18: {  	s0 =	sld [smem:$0x3F9D];
	_ =	swait.ge [sflag:s4], $0x0  }
0x19: {  	s7 =	sld [smem:$0x3F9E]  }
0x1a: {  	s8 =	sadd.s32 $0xFFFFE003, lr  }
0x1b: {  	s9 =	sadd.s32 $0xFFFFFEF7, lr;
	s5 =	simm.s32 $0xFFFFFFFF;
	p2 =	slt.u32 s8, $0xFFFFF086  }
0x1c: {  	p1 =	slt.u32 s9, $0xF7A;
	s5 =	simm.s32 @!p2 $0x0  }
0x1d: {  	s5 =	simm.s32 @p1 $0x1;
	p0 =	seq.s32 s7, s2  }
0x1e: {  	s7 =	smul.u32 @!p0 $0xF7A, s2;
	p2 =	seq.s32 @!p0 s5, $0x0  }
0x1f: {  	s9 =	smul.u32 $0xF7A, s1;
	s8 =	simm.s32 @!p0 $0x1BF5;
	p2 =	por !p2, p0  }
0x20: {  	[sflag:s8] =	ssyncset.s32 @!p0 $0xFFFFF086;
	s6 =	sadd.s32 @!p0 s3, s7;
	s7 =	simm.s32 @!p0 $0x108  }
0x21: {  	s3 =	sadd.s32 s3, s9;
	s6 =	sadd.s32 @!p0 $0x88, s6;
	s7 =	simm.s32 @p2 $0x1082  }
0x22: {  	[simem:s7], [sflag:s8] =	dma.local @!p0 [hbm:s6], $0xF7A  }
0x23: {  	s9 =	sor.u32 $0xD0000000, s2;
	s6 =	simm.s32 $0x108;
	_ =	swait.ge @!p0 [sflag:s8], $0x0  }
0x24: {  	s3 =	sadd.s32 $0x88, s3;
	s6 =	simm.s32 @!p1 $0x1082;
	[sflag:s4] =	ssyncset.s32 $0xFFFFF086  }
0x25: {  	[simem:s6], [sflag:s4] =	dma.local [hbm:s3], $0xF7A  }
0x26: {  	[smem:$0x3F9E] =	sst s1;
	(tag) =	ssettag s2;
	_ =	strace s9  }
0x27: {  	s1 =	sld [smem:$0x3FAE]  }
0x28: {  	s2 =	sld [smem:$0x3FAF]  }
0x29: {  	s4 =	sld [smem:$0x3FB1]  }
0x2a: {  	p0 =	seq.s32 s5, $0x0;
	s5 =	sld [smem:$0x3FB2]  }
0x2b: {  	s6 =	sld [smem:$0x3FB3]  }
0x2c: {  	s7 =	sld [smem:$0x3FB4]  }
0x2d: {  	s3 =	simm.s32 $0x108;
	s8 =	sld [smem:$0x3FB5]  }
0x2e: {  	s3 =	simm.s32 @!p0 $0x1082;
	s9 =	sld [smem:$0x3FB6]  }
0x2f: {  	lr =	sadd.s32 s0, s3;
	s0 =	sld [smem:$0x3FAD]  }
0x30: {  	s3 =	sld [smem:$0x3FB0]  }
0x31: {  	[smem:$0x3FB9] =	sst s10  }
0x32: {  	s10 =	sld [smem:$0x3FB7];
	_ =	sdelay $0x3  }
0x33: {  	p0 =	seq.s32 s10, $0x1;
	s10 =	sld [smem:$0x3FB9];
	_ =	sdelay $0x3  }
0x34: {  	[smem:$0x3FB9] =	sst s10  }
0x35: {  	s10 =	sld [smem:$0x3FB8];
	_ =	sdelay $0x3  }
0x36: {  	p1 =	seq.s32 s10, $0x1;
	s10 =	sld [smem:$0x3FB9];
	_ =	sdelay $0x3  }
0x37: {  	[smem:$0x3FB9] =	sst s10  }
0x38: {  	s10 =	sld [smem:$0x3FBA]  }
0x39: {  	_ = 	snop;
	(pc) =	sbr.ind lr, $3  }
0x3a: {  	_ = 	snop  }
0x3b: {  	_ = 	snop  }
0x3c: {  	p2 =	seq.s32 s10, $0x1;
	s10 =	sld [smem:$0x3FB9]  }
0x3d: {  	_ =	shalt  }
0x3e: {  	_ =	shalt  }
0x3f: {  	_ =	shalt  }
0x40: {  	_ =	shalt  }
0x41: {  	_ =	shalt  }
0x42: {  	_ =	shalt  }
0x43: {  	_ =	shalt  }
0x44: {  	_ =	shalt  }
0x45: {  	_ =	shalt  }
0x46: {  	_ =	shalt  }
0x47: {  	_ =	shalt  }
0x48: {  	_ =	shalt  }
0x49: {  	_ =	shalt  }
0x4a: {  	_ =	shalt  }
0x4b: {  	_ =	shalt  }
0x4c: {  	_ =	shalt  }
0x4d: {  	_ =	shalt  }
0x4e: {  	_ =	shalt  }
0x4f: {  	_ =	shalt  }
0x50: {  	_ =	shalt  }
0x51: {  	_ =	shalt  }
0x52: {  	_ =	shalt  }
0x53: {  	_ =	shalt  }
0x54: {  	_ =	shalt  }
0x55: {  	_ =	shalt  }
0x56: {  	_ =	shalt  }
0x57: {  	_ =	shalt  }
0x58: {  	_ =	shalt  }
0x59: {  	_ =	shalt  }
0x5a: {  	_ =	shalt  }
0x5b: {  	_ =	shalt  }
0x5c: {  	_ =	shalt  }
0x5d: {  	_ =	shalt  }
0x5e: {  	_ =	shalt  }
0x5f: {  	_ =	shalt  }
0x60: {  	_ =	shalt  }
0x61: {  	_ =	shalt  }
0x62: {  	_ =	shalt  }
0x63: {  	_ =	shalt  }
0x64: {  	_ =	shalt  }
0x65: {  	_ =	shalt  }
0x66: {  	_ =	shalt  }
0x67: {  	_ =	shalt  }
0x68: {  	_ =	shalt  }
0x69: {  	_ =	shalt  }
0x6a: {  	_ =	shalt  }
0x6b: {  	_ =	shalt  }
0x6c: {  	_ =	shalt  }
0x6d: {  	_ =	shalt  }
0x6e: {  	_ =	shalt  }
0x6f: {  	_ =	shalt  }
0x70: {  	_ =	shalt  }
0x71: {  	_ =	shalt  }
0x72: {  	_ =	shalt  }
0x73: {  	_ =	shalt  }
0x74: {  	_ =	shalt  }
0x75: {  	_ =	shalt  }
0x76: {  	_ =	shalt  }
0x77: {  	_ =	shalt  }
0x78: {  	_ =	shalt  }
0x79: {  	_ =	shalt  }
0x7a: {  	_ =	shalt  }
0x7b: {  	_ =	shalt  }
0x7c: {  	_ =	shalt  }
0x7d: {  	_ =	shalt  }
0x7e: {  	_ =	shalt  }
0x7f: {  	_ =	shalt  }
0x80: {  	_ =	shalt  }
0x81: {  	_ =	shalt  }
0x82: {  	_ =	shalt  }
0x83: {  	_ =	shalt  }
0x84: {  	_ =	shalt  }
0x85: {  	_ =	shalt  }
0x86: {  	_ =	shalt  }
0x87: {  	_ =	shalt  }
.Lfunc_end0:
.L_simem_size_0:
called_computation_lowered:
.L_overlay_start_0:
0x88: {  	s2 =	sld [smem:$0x3FD9]  }
0x89: {  	s3 =	sld [smem:$0x3FFE];
	_ =	sdelay $0x1  }
0x8a: {  	s1 =	srdreg.scid  }
0x8b: {  	s0 =	sand.u32 $0x1, s1  }
0x8c: {  	s18 =	sshll.u32 s0, $0xA;
	s2 =	sadd.s32 s3, s2  }
0x8d: {  	s2 =	sadd.s32 s2, s18  }
0x8e: {  	[smem:$0x3FC5] =	sst s2  }
0x8f: {  	_ = 	snop  }
0x90: {  	s2 =	sld [smem:$0x3FC9]  }
0x91: {  	s19 =	sld [smem:$0x3FC8]  }
0x92: {  	s4 =	sld [smem:$0x3FC7]  }
0x93: {  	s5 =	sld [smem:$0x3FD0];
	(tm) =	ssettm $0x1  }
0x94: {  	s6 =	sld [smem:$0x3FFB];
	_ =	sdelay $0x3  }
0x95: {  	_ =	strace s6  }
0x96: {  	s6 =	sld [smem:$0x3FFC];
	_ =	sdelay $0x3  }
0x97: {  	_ =	strace s6  }
0x98: {  	s6 =	sld [smem:$0x3FFD];
	_ =	sdelay $0x3  }
0x99: {  	_ =	strace s6  }
0x9a: {  	_ =	strace $0x8FFFFFFF  }
0x9b: {  	s20 =	sld [smem:$0x3FDB];
	_ =	sdelay $0x1  }
0x9c: {  	s7 =	simm.s32 $_scs_section_size  }
0x9d: {  	s8 =	simm.s32 $_size__tile_overlayer_lowered;
	s9 =	simm.s32 $_tile_overlayer_lowered  }
0x9e: {  	s23 =	simm.s32 $0x1BFF;
	s22 =	sshll.u32 s9, $0x1;
	s6 =	sadd.s32 s7, s20  }
0x9f: {  	s10 =	simm.s32 $0x0;
	s21 =	sshll.u32 s8, $0x1;
	s8 =	sadd.s32 s22, s6  }
0xa0: {  	[timem:s10], [sflag:s23] =	dma.local [hbm:s8], s21  }
0xa1: {  	_ =	swait.ge [sflag:s23], s21  }
0xa2: {  	s7 =	ssub.s32 $0x0, s21;
	[sflag:s23] =	ssyncset.done $0x0  }
0xa3: {  	[sflag:s23] =	ssyncadd.s32 s7;
	_ =	sdelay $0x1  }
0xa4: {  	s24 =	simm.s32 $0x1B8B  }
0xa5: {  	_ =	swait.ge [sflag:s24], $0x1  }
0xa6: {  	[sflag:s24] =	ssyncset.done $0x0  }
0xa7: {  	s25 =	simm.s32 $0x1B8E;
	[sflag:s24] =	ssyncadd.s32 $0xFFFFFFFF  }
0xa8: {  	s26 =	simm.s32 $execute0_lowered;
	[smem:$0x3FD2] =	sst s25  }
0xa9: {  	s7 =	sshll.u32 s26, $0x1;
	_ =	strace $0x80000046;
	[dreg:$0x1] =	wrdreg $0xFFFFFFFF  }
0xaa: {  	s28 =	simm.s32 $_size_execute0_lowered;
	s6 =	sadd.s32 s6, s7;
	[dreg:$0x0] =	wrdreg $0x0  }
0xab: {  	s7 =	sshll.u32 s28, $0x1;
	[dreg:$0x2] =	wrdreg s6  }
0xac: {  	[dreg:$0x3] =	wrdreg s7  }
0xad: {  	[dreg:$0x4] =	wrdreg $0xC0  }
0xae: {  	_ =	task [dreg:s10], $0x5FFFF  }
0xaf: {  	[dreg:$0x1] =	wrdreg $0xFFFFFFFF  }
0xb0: {  	[dreg:$0x0] =	wrdreg $0x60  }
0xb1: {  	[dreg:$0x2] =	wrdreg s2  }
0xb2: {  	[dreg:$0x3] =	wrdreg s19  }
0xb3: {  	[dreg:$0x4] =	wrdreg s4  }
0xb4: {  	[dreg:$0x5] =	wrdreg s5  }
0xb5: {  	[dreg:$0x6] =	wrdreg $0x9  }
0xb6: {  	_ =	task.clear_ibuf [dreg:s10], $0x7FFFF;
	_ =	strace $0x90000046  }
0xb7: {  	s29 =	simm.s32 $0x9;
	_ =	strace $0x80000048  }
0xb8: {  	_ =	swait.ge [sflag:s29], $0x1  }
0xb9: {  	[sflag:s29] =	ssyncadd.s32 $0xFFFFFFFF  }
0xba: {  	_ =	strace $0x90000048  }
0xbb: {  	_ =	sfence  }
0xbc: {  	s30 =	sld [smem:$0x0];
	_ =	sdelay $0x2  }
0xbd: {  	s31 =	sshll.u32 s1, $0xD;
	s1 =	sshrl.u32 s1, $0x2  }
0xbe: {  	s3 =	sand.u32 $0x4000, s31;
	s1 =	sadd.s32 s1, s30  }
0xbf: {  	s0 =	sor.u32 s3, s0;
	s1 =	sshll.u32 s1, $0x11  }
0xc0: {  	s0 =	sor.u32 s1, s0  }
0xc1: {  	s0 =	sadd.s32 $0x8F2B, s0  }
0xc2: {  	[sflag:s0] =	ssyncadd.remote.s32 $0x1  }
0xc3: {  	_ =	sfence.sel $0xFFFF  }
0xc4: {  	[dreg:$0x0] =	wrdreg $0xFFFFFFFF;
	(pc) =	sbr.abs _section_cstart, $3  }
0xc5: {  	[dreg:$0x1] =	wrdreg $0xFFFFFFFF  }
0xc6: {  	_ =	task.clear_ibuf [dreg:s10], $0x2FFFF;
	_ =	strace $0x9FFFFFFF  }
0xc7: {  	(tm) =	ssettm $0x7FFFFFFF  }
tec
execute0_lowered:
.L_overlay_start_1:
0x0: {  	(tag) =	ssettag $0x1  }
0x1: {  	s4 =	rddreg [dreg:$0x0]  }
0x2: {  	s0 =	srdreg.scid;
	s2 =	rddreg [dreg:$0x1]  }
0x3: {  	s1 =	stileid.u32;
	s5 =	rddreg [dreg:$0x3]  }
0x4: {  	s7 =	simm.s32 $0x0;
	s16 =	simm.s32 $0x7A00;
	s18 =	simm.s32 $0x1  }
0x5: {  	s20 =	simm.s32 $0xA200;
	s26 =	simm.s32 $0x2;
	s31 =	simm.s32 $0x3  }
0x6: {  	s0 =	sand.u32 $0x1, s0;
	s1 =	sshll.u32 s1, $0x1;
	[smem:$0x7FF] =	sst s7  }
0x7: {  	s28 =	sadd.s32 $0x500, s5;
	s29 =	sadd.s32 $0xA00, s5;
	s12 =	sadd.s32 $0xF00, s5  }
0x8: {  	s1 =	sor.u32 s0, s1;
	s0 =	ssub.s32 $0x2, s0;
	_ =	strace $0x80000047  }
0x9: {  	[dreg:$0x8] =	wrdreg s28;
	s6 =	smul.u32 $0x6400, s1;
	s3 =	sshrl.u32 s0, $0x1  }
0xa: {  	s13 =	sadd.s32 $0x1400, s5;
	[dreg:$0x9] =	wrdreg s29;
	s0 =	ssub.s32 s0, s3  }
.Ltmp0:
0xb: {  	[dreg:$0x5] =	wrdreg s6;
	s30 =	sor.u32 $0xC8, s6;
	(pc) =	sbr.rel .LBB2_1-.Ltmp0, $4  }
0xc: {  	s1 =	sshrl.u32 s6, $0x3;
	s0 =	smax.u32 s0, $0x1;
	[dreg:$0xa] =	wrdreg s30  }
0xd: {  	v2 =	vlaneseq.u32;
	s5 =	simm.s32 $0x9;
	s1 =	sadd.s32 s4, s1;
	[dreg:$0xb] =	wrdreg s0  }
0xe: {  	vm0 =	vmmov $0xffff;
	v1 =	vshrl.u32 v2, $0x3;
	s6 =	simm.s32 $0x0;
	[dreg:$0x6] =	wrdreg s1;
	s1 =	sadd.s32 $0x19, s1  }
0xf: {  	v0 =	vand.u32 $0x7, v2;
	v2 =	vor.u32 $0x8, v2;
	v1 =	vmul.u32 $0x8, v1;
	s0 =	simm.s32 $0x4;
	[dreg:$0x7] =	wrdreg s1;
	s1 =	simm.s32 $0x5  }
.LBB2_24:
0x10: {  	s3 =	simm.s32 $0x6  }
0x11: {  	_ =	swait.ge [sflag:s3], $0x2800  }
0x12: {  	[sflag:s3] =	ssyncset.done $0x0  }
0x13: {  	s28 =	simm.s32 $0x7;
	[sflag:s3] =	ssyncadd.s32 $0xFFFFD800  }
0x14: {  	_ =	swait.ge [sflag:s28], $0x2800  }
0x15: {  	[sflag:s28] =	ssyncset.done $0x0  }
0x16: {  	s29 =	simm.s32 $0x8;
	[sflag:s28] =	ssyncadd.s32 $0xFFFFD800  }
0x17: {  	_ =	swait.ge [sflag:s29], $0x2800  }
0x18: {  	[sflag:s29] =	ssyncset.done $0x0  }
0x19: {  	[sflag:s29] =	ssyncadd.s32 $0xFFFFD800  }
0x1a: {  	_ =	swait.ge [sflag:s5], $0x2800  }
0x1b: {  	[sflag:s5] =	ssyncset.done $0x0  }
0x1c: {  	s4 =	simm.s32 $0xA;
	[sflag:s5] =	ssyncadd.s32 $0xFFFFD800  }
0x1d: {  	_ =	swait.ge [sflag:s4], $0x2800  }
0x1e: {  	s6 =	rddreg [dreg:$0xc]  }
0x1f: {  	s30 =	rddreg [dreg:$0xb];
	s6 =	sadd.s32 $0x1, s6  }
0x20: {  	p0 =	sne.s32 s6, s30  }
.Ltmp1:
0x21: {  	_ = 	snop;
	(pc) =	sbr.rel @!p0 .LBB2_25-.Ltmp1, $3  }
0x22: {  	_ =	sdelay $0x1  }
0x23: {  	[sflag:s4] =	ssyncset.done $0x0  }
0x24: {  	[sflag:s4] =	ssyncadd.s32 $0xFFFFD800  }
.LBB2_1:
0x25: {  	[dreg:$0xc] =	wrdreg s6  }
0x26: {  	s3 =	rddreg [dreg:$0x2];
	s4 =	simm.s32 $0xCA00;
	s24 =	simm.s32 $0xD  }
0x27: {  	[tilespmem:s4], [sflag:$0xD] =	stream.linear.gather [hbm4b:s3+s7], $0x6400, $0x38;
	[tilespmem:$0x12E00] =	vst v63  }
0x28: {  	_ =	swait.ge [sflag:s24], $0x6400  }
0x29: {  	[sflag:s24] =	ssyncset.done $0x0  }
0x2a: {  	s25 =	rddreg [dreg:$0x6];
	[sflag:s24] =	ssyncadd.s32 $0xFFFF9C00  }
0x2b: {  	[tilespmem:s7], [sflag:$0xD] =	stream.linear.gather [hbm4b:s25+s7], $0xC8, $0x38;
	[tilespmem:$0x12E00] =	vst v63  }
0x2c: {  	_ =	swait.ge [sflag:s24], $0xC8  }
0x2d: {  	[sflag:s24] =	ssyncset.done $0x0  }
0x2e: {  	s29 =	simm.s32 $0x100;
	s28 =	rddreg [dreg:$0x7];
	[sflag:s24] =	ssyncadd.s32 $0xFFFFFF38  }
0x2f: {  	[tilespmem:s29], [sflag:$0xC] =	stream.linear.gather [hbm4b:s28+s7], $0xC8, $0x38;
	[tilespmem:$0x12E00] =	vst v63  }
0x30: {  	v3 =	vld [tilespmem:$0x0];
	_ =	sdelay $0x4  }
0x31: {  	v4 =	vshll.u32 v3, $0x1  }
0x32: {  	v3 =	vand.u32 $0x7, v3;
	v4 =	vand.u32 $0xFFFFFFF0, v4  }
0x33: {  	v3 =	vor.u32 v3, v4  }
0x34: {  	v4 =	vperm.xlane v3, v0;
	_ =	sdelay $0x1  }
0x35: {  	v3 =	vperm.xlane v3, v2;
	v4 =	vadd.s32 v1, v4;
	_ =	sdelay $0x1  }
0x36: {  	v3 =	vadd.s32 v1, v3;
	_ =	sdelay $0x1  }
0x37: {  	s30 =	simm.s32 $0x200  }
0x38: {  	[tilespmem:s30], [sflag:$0x1] =	stream.indirect_vreg.gather [hbm4b:s2+s7], $0x80, v4, vm0, $0xb8;
	[tilespmem:$0x12E00] =	vst v63  }
0x39: {  	s4 =	simm.s32 $0xA00  }
0x3a: {  	[tilespmem:s4], [sflag:$0x1] =	stream.indirect_vreg.gather [hbm4b:s2+s7], $0x80, v3, vm0, $0xb8;
	[tilespmem:$0x12E00] =	vst v63  }
0x3b: {  	v3 =	vld [tilespmem:$0x10];
	_ =	sdelay $0x4  }
0x3c: {  	v53 =	vshll.u32 v3, $0x1  }
0x3d: {  	v3 =	vand.u32 $0x7, v3;
	v4 =	vand.u32 $0xFFFFFFF0, v53  }
0x3e: {  	v3 =	vor.u32 v3, v4  }
0x3f: {  	v4 =	vperm.xlane v3, v0;
	_ =	sdelay $0x1  }
0x40: {  	v3 =	vperm.xlane v3, v2;
	v4 =	vadd.s32 v1, v4;
	_ =	sdelay $0x1  }
0x41: {  	v3 =	vadd.s32 v1, v3;
	_ =	sdelay $0x1  }
0x42: {  	s6 =	simm.s32 $0x1200  }
0x43: {  	[tilespmem:s6], [sflag:$0x1] =	stream.indirect_vreg.gather [hbm4b:s2+s7], $0x80, v4, vm0, $0xb8;
	[tilespmem:$0x12E00] =	vst v63  }
0x44: {  	s8 =	simm.s32 $0x1A00  }
0x45: {  	[tilespmem:s8], [sflag:$0x1] =	stream.indirect_vreg.gather [hbm4b:s2+s7], $0x80, v3, vm0, $0xb8;
	[tilespmem:$0x12E00] =	vst v63  }
0x46: {  	v3 =	vld.msk [tilespmem:$0x20], $0xff;
	_ =	sdelay $0x4  }
0x47: {  	v54 =	vshll.u32 v3, $0x1  }
0x48: {  	v3 =	vand.u32 $0x7, v3;
	v4 =	vand.u32 $0xFFFFFFF0, v54  }
0x49: {  	v3 =	vor.u32 v3, v4  }
0x4a: {  	v3 =	vperm.xlane v3, v0;
	_ =	sdelay $0x1  }
0x4b: {  	v3 =	vadd.s32 v1, v3;
	_ =	sdelay $0x3  }
0x4c: {  	s9 =	simm.s32 $0x2200  }
0x4d: {  	[tilespmem:s9], [sflag:$0x1] =	stream.indirect_vreg.gather [hbm4b:s2+s7], $0x80, v3, vm0, $0xb8;
	[tilespmem:$0x12E00] =	vst v63  }
0x4e: {  	v3 =	vld [tilespmem:$0x28];
	_ =	sdelay $0x4  }
0x4f: {  	v55 =	vshll.u32 v3, $0x1  }
0x50: {  	v3 =	vand.u32 $0x7, v3;
	v4 =	vand.u32 $0xFFFFFFF0, v55  }
0x51: {  	v3 =	vor.u32 v3, v4  }
0x52: {  	v4 =	vperm.xlane v3, v0;
	_ =	sdelay $0x1  }
0x53: {  	v3 =	vperm.xlane v3, v2;
	v4 =	vadd.s32 v1, v4;
	_ =	sdelay $0x1  }
0x54: {  	v3 =	vadd.s32 v1, v3;
	_ =	sdelay $0x1  }
0x55: {  	s10 =	simm.s32 $0x2A00  }
0x56: {  	[tilespmem:s10], [sflag:$0x2] =	stream.indirect_vreg.gather [hbm4b:s2+s7], $0x80, v4, vm0, $0xb8;
	[tilespmem:$0x12E00] =	vst v63  }
0x57: {  	s11 =	simm.s32 $0x3200  }
0x58: {  	[tilespmem:s11], [sflag:$0x2] =	stream.indirect_vreg.gather [hbm4b:s2+s7], $0x80, v3, vm0, $0xb8;
	[tilespmem:$0x12E00] =	vst v63  }
0x59: {  	v3 =	vld [tilespmem:$0x38];
	_ =	sdelay $0x4  }
0x5a: {  	v56 =	vshll.u32 v3, $0x1  }
0x5b: {  	v3 =	vand.u32 $0x7, v3;
	v4 =	vand.u32 $0xFFFFFFF0, v56  }
0x5c: {  	v3 =	vor.u32 v3, v4  }
0x5d: {  	v4 =	vperm.xlane v3, v0;
	_ =	sdelay $0x1  }
0x5e: {  	v3 =	vperm.xlane v3, v2;
	v4 =	vadd.s32 v1, v4;
	_ =	sdelay $0x1  }
0x5f: {  	v3 =	vadd.s32 v1, v3;
	_ =	sdelay $0x1  }
0x60: {  	s14 =	simm.s32 $0x3A00  }
0x61: {  	[tilespmem:s14], [sflag:$0x2] =	stream.indirect_vreg.gather [hbm4b:s2+s7], $0x80, v4, vm0, $0xb8;
	[tilespmem:$0x12E00] =	vst v63  }
0x62: {  	s15 =	simm.s32 $0x4200  }
0x63: {  	[tilespmem:s15], [sflag:$0x2] =	stream.indirect_vreg.gather [hbm4b:s2+s7], $0x80, v3, vm0, $0xb8;
	[tilespmem:$0x12E00] =	vst v63  }
0x64: {  	v3 =	vld.msk [tilespmem:$0x48], $0xff;
	_ =	sdelay $0x4  }
0x65: {  	v57 =	vshll.u32 v3, $0x1  }
0x66: {  	v3 =	vand.u32 $0x7, v3;
	v4 =	vand.u32 $0xFFFFFFF0, v57  }
0x67: {  	v3 =	vor.u32 v3, v4  }
0x68: {  	v3 =	vperm.xlane v3, v0;
	_ =	sdelay $0x1  }
0x69: {  	v3 =	vadd.s32 v1, v3;
	_ =	sdelay $0x3  }
0x6a: {  	s17 =	simm.s32 $0x4A00  }
0x6b: {  	[tilespmem:s17], [sflag:$0x2] =	stream.indirect_vreg.gather [hbm4b:s2+s7], $0x80, v3, vm0, $0xb8;
	[tilespmem:$0x12E00] =	vst v63  }
0x6c: {  	v3 =	vld [tilespmem:$0x50];
	_ =	sdelay $0x4  }
0x6d: {  	v58 =	vshll.u32 v3, $0x1  }
0x6e: {  	v3 =	vand.u32 $0x7, v3;
	v4 =	vand.u32 $0xFFFFFFF0, v58  }
0x6f: {  	v3 =	vor.u32 v3, v4  }
0x70: {  	v4 =	vperm.xlane v3, v0;
	_ =	sdelay $0x1  }
0x71: {  	v3 =	vperm.xlane v3, v2;
	v4 =	vadd.s32 v1, v4;
	_ =	sdelay $0x1  }
0x72: {  	v3 =	vadd.s32 v1, v3;
	_ =	sdelay $0x1  }
0x73: {  	s19 =	simm.s32 $0x5200  }
0x74: {  	[tilespmem:s19], [sflag:$0x3] =	stream.indirect_vreg.gather [hbm4b:s2+s7], $0x80, v4, vm0, $0xb8;
	[tilespmem:$0x12E00] =	vst v63  }
0x75: {  	s21 =	simm.s32 $0x5A00  }
0x76: {  	[tilespmem:s21], [sflag:$0x3] =	stream.indirect_vreg.gather [hbm4b:s2+s7], $0x80, v3, vm0, $0xb8;
	[tilespmem:$0x12E00] =	vst v63  }
0x77: {  	v3 =	vld [tilespmem:$0x60];
	_ =	sdelay $0x4  }
0x78: {  	v59 =	vshll.u32 v3, $0x1  }
0x79: {  	v3 =	vand.u32 $0x7, v3;
	v4 =	vand.u32 $0xFFFFFFF0, v59  }
0x7a: {  	v3 =	vor.u32 v3, v4  }
0x7b: {  	v4 =	vperm.xlane v3, v0;
	_ =	sdelay $0x1  }
0x7c: {  	v3 =	vperm.xlane v3, v2;
	v4 =	vadd.s32 v1, v4;
	_ =	sdelay $0x1  }
0x7d: {  	v3 =	vadd.s32 v1, v3;
	_ =	sdelay $0x1  }
0x7e: {  	s22 =	simm.s32 $0x6200  }
0x7f: {  	[tilespmem:s22], [sflag:$0x3] =	stream.indirect_vreg.gather [hbm4b:s2+s7], $0x80, v4, vm0, $0xb8;
	[tilespmem:$0x12E00] =	vst v63  }
0x80: {  	s23 =	simm.s32 $0x6A00  }
0x81: {  	[tilespmem:s23], [sflag:$0x3] =	stream.indirect_vreg.gather [hbm4b:s2+s7], $0x80, v3, vm0, $0xb8;
	[tilespmem:$0x12E00] =	vst v63  }
0x82: {  	v3 =	vld.msk [tilespmem:$0x70], $0xff;
	_ =	sdelay $0x4  }
0x83: {  	v60 =	vshll.u32 v3, $0x1  }
0x84: {  	v3 =	vand.u32 $0x7, v3;
	v4 =	vand.u32 $0xFFFFFFF0, v60  }
0x85: {  	v3 =	vor.u32 v3, v4  }
0x86: {  	v3 =	vperm.xlane v3, v0;
	_ =	sdelay $0x1  }
0x87: {  	v3 =	vadd.s32 v1, v3;
	_ =	sdelay $0x3  }
0x88: {  	s24 =	simm.s32 $0x7200  }
0x89: {  	[tilespmem:s24], [sflag:$0x3] =	stream.indirect_vreg.gather [hbm4b:s2+s7], $0x80, v3, vm0, $0xb8;
	[tilespmem:$0x12E00] =	vst v63  }
0x8a: {  	v3 =	vld [tilespmem:$0x78];
	_ =	sdelay $0x4  }
0x8b: {  	v61 =	vshll.u32 v3, $0x1  }
0x8c: {  	v3 =	vand.u32 $0x7, v3;
	v4 =	vand.u32 $0xFFFFFFF0, v61  }
0x8d: {  	v3 =	vor.u32 v3, v4  }
0x8e: {  	v4 =	vperm.xlane v3, v0;
	_ =	sdelay $0x1  }
0x8f: {  	v3 =	vperm.xlane v3, v2;
	v4 =	vadd.s32 v1, v4;
	_ =	sdelay $0x1  }
0x90: {  	v3 =	vadd.s32 v1, v3;
	_ =	sdelay $0x2  }
0x91: {  	[tilespmem:s16], [sflag:$0x4] =	stream.indirect_vreg.gather [hbm4b:s2+s7], $0x80, v4, vm0, $0xb8;
	[tilespmem:$0x12E00] =	vst v63  }
0x92: {  	s25 =	simm.s32 $0x8200  }
0x93: {  	[tilespmem:s25], [sflag:$0x4] =	stream.indirect_vreg.gather [hbm4b:s2+s7], $0x80, v3, vm0, $0xb8;
	[tilespmem:$0x12E00] =	vst v63  }
0x94: {  	v3 =	vld [tilespmem:$0x88];
	_ =	sdelay $0x4  }
0x95: {  	v62 =	vshll.u32 v3, $0x1  }
0x96: {  	v3 =	vand.u32 $0x7, v3;
	v4 =	vand.u32 $0xFFFFFFF0, v62  }
0x97: {  	v3 =	vor.u32 v3, v4  }
0x98: {  	v4 =	vperm.xlane v3, v0;
	_ =	sdelay $0x1  }
0x99: {  	v3 =	vperm.xlane v3, v2;
	v4 =	vadd.s32 v1, v4;
	_ =	sdelay $0x1  }
0x9a: {  	v3 =	vadd.s32 v1, v3;
	_ =	sdelay $0x1  }
0x9b: {  	s28 =	simm.s32 $0x8A00  }
0x9c: {  	[tilespmem:s28], [sflag:$0x4] =	stream.indirect_vreg.gather [hbm4b:s2+s7], $0x80, v4, vm0, $0xb8;
	[tilespmem:$0x12E00] =	vst v63  }
0x9d: {  	s29 =	simm.s32 $0x9200  }
0x9e: {  	[tilespmem:s29], [sflag:$0x4] =	stream.indirect_vreg.gather [hbm4b:s2+s7], $0x80, v3, vm0, $0xb8;
	[tilespmem:$0x12E00] =	vst v63  }
0x9f: {  	v3 =	vld.msk [tilespmem:$0x98], $0xff;
	_ =	sdelay $0x4  }
0xa0: {  	v63 =	vshll.u32 v3, $0x1  }
0xa1: {  	v3 =	vand.u32 $0x7, v3;
	v4 =	vand.u32 $0xFFFFFFF0, v63  }
0xa2: {  	v3 =	vor.u32 v3, v4  }
0xa3: {  	v3 =	vperm.xlane v3, v0;
	_ =	sdelay $0x1  }
0xa4: {  	v3 =	vadd.s32 v1, v3;
	_ =	sdelay $0x3  }
0xa5: {  	s30 =	simm.s32 $0x9A00;
	s14 =	simm.s32 $0x0  }
0xa6: {  	[tilespmem:s30], [sflag:$0x4] =	stream.indirect_vreg.gather [hbm4b:s2+s7], $0x80, v3, vm0, $0xb8;
	[tilespmem:$0x12E00] =	vst v63  }
.LBB2_2:
0xa7: {  	_ =	swait.ge [sflag:s18], $0x2800  }
0xa8: {  	[sflag:s18] =	ssyncset.done $0x0  }
0xa9: {  	s23 =	simm.s32 $0xCA80;
	[sflag:s18] =	ssyncadd.s32 $0xFFFFD800  }
0xaa: {  	v3 =	vld [tilespmem:s23+$0x0];
	_ =	sdelay $0x1  }
0xab: {  	s3 =	simm.s32 $0x0  }
0xac: {  	s4 =	simm.s32 $0x80;
	s3 =	sand.u32 $0x3800, s3;
	v4 =	vld [tilespmem:s23+$0xFFFFFF80]  }
0xad: {  	s4 =	sand.u32 $0x380, s4;
	s3 =	sor.u32 $0x200, s3  }
0xae: {  	s25 =	sadd.s32 s4, s3;
	v5 =	vshll.u32 v3, $0x10  }
0xaf: {  	s8 =	simm.s32 $0x0;
	s4 =	sor.u32 $0x10, s25;
	v3 =	vand.u32 $0xFFFF0000, v3;
	[tilespmem:s25+$0x0] =	vst.add.f32.msk $0xffff, v5  }
0xb0: {  	s21 =	sand.u32 $0x300, s8;
	[tilespmem:s4+$0x0] =	vst.add.f32.msk $0xffff, v3  }
0xb1: {  	s8 =	sadd.s32 s21, s3;
	v5 =	vshll.u32 v4, $0x10;
	v3 =	vld [tilespmem:s23+$0x10]  }
0xb2: {  	s3 =	sor.u32 $0x10, s8;
	v4 =	vand.u32 $0xFFFF0000, v4;
	[tilespmem:s8+$0x0] =	vst.add.f32.msk $0xffff, v5  }
0xb3: {  	[tilespmem:s3+$0x0] =	vst.add.f32.msk $0xffff, v4  }
0xb4: {  	v4 =	vld [tilespmem:s23+$0xFFFFFF90];
	_ =	sdelay $0x1  }
0xb5: {  	s22 =	sor.u32 $0x20, s25;
	v5 =	vshll.u32 v3, $0x10  }
0xb6: {  	s24 =	sor.u32 $0x30, s25;
	v3 =	vand.u32 $0xFFFF0000, v3;
	[tilespmem:s22+$0x0] =	vst.add.f32.msk $0xffff, v5  }
0xb7: {  	[tilespmem:s24+$0x0] =	vst.add.f32.msk $0xffff, v3  }
0xb8: {  	s28 =	sor.u32 $0x20, s8;
	v5 =	vshll.u32 v4, $0x10;
	v3 =	vld [tilespmem:s23+$0x20]  }
0xb9: {  	s4 =	sor.u32 $0x30, s8;
	v4 =	vand.u32 $0xFFFF0000, v4;
	[tilespmem:s28+$0x0] =	vst.add.f32.msk $0xffff, v5  }
0xba: {  	[tilespmem:s4+$0x0] =	vst.add.f32.msk $0xffff, v4  }
0xbb: {  	v4 =	vld [tilespmem:s23+$0xFFFFFFA0];
	_ =	sdelay $0x1  }
0xbc: {  	s29 =	sor.u32 $0x40, s25;
	v5 =	vshll.u32 v3, $0x10  }
0xbd: {  	s30 =	sor.u32 $0x50, s25;
	v3 =	vand.u32 $0xFFFF0000, v3;
	[tilespmem:s29+$0x0] =	vst.add.f32.msk $0xffff, v5  }
0xbe: {  	[tilespmem:s30+$0x0] =	vst.add.f32.msk $0xffff, v3  }
0xbf: {  	s4 =	sor.u32 $0x40, s8;
	v5 =	vshll.u32 v4, $0x10;
	v3 =	vld [tilespmem:s23+$0x30]  }
0xc0: {  	s6 =	sor.u32 $0x50, s8;
	v4 =	vand.u32 $0xFFFF0000, v4;
	[tilespmem:s4+$0x0] =	vst.add.f32.msk $0xffff, v5  }
0xc1: {  	[tilespmem:s6+$0x0] =	vst.add.f32.msk $0xffff, v4  }
0xc2: {  	v4 =	vld [tilespmem:s23+$0xFFFFFFB0];
	_ =	sdelay $0x1  }
0xc3: {  	s9 =	sor.u32 $0x60, s25;
	v5 =	vshll.u32 v3, $0x10  }
0xc4: {  	s10 =	sor.u32 $0x70, s25;
	v3 =	vand.u32 $0xFFFF0000, v3;
	[tilespmem:s9+$0x0] =	vst.add.f32.msk $0xffff, v5  }
0xc5: {  	[tilespmem:s10+$0x0] =	vst.add.f32.msk $0xffff, v3  }
0xc6: {  	s11 =	sor.u32 $0x60, s8;
	v5 =	vshll.u32 v4, $0x10;
	v3 =	vld [tilespmem:s23+$0x40]  }
0xc7: {  	s15 =	sor.u32 $0x70, s8;
	v4 =	vand.u32 $0xFFFF0000, v4;
	[tilespmem:s11+$0x0] =	vst.add.f32.msk $0xffff, v5  }
0xc8: {  	[tilespmem:s15+$0x0] =	vst.add.f32.msk $0xffff, v4  }
0xc9: {  	v4 =	vld [tilespmem:s23+$0xFFFFFFC0];
	_ =	sdelay $0x1  }
0xca: {  	v5 =	vshll.u32 v3, $0x10  }
0xcb: {  	v3 =	vand.u32 $0xFFFF0000, v3;
	[tilespmem:s25+$0x400] =	vst.add.f32.msk $0xffff, v5  }
0xcc: {  	[tilespmem:s25+$0x410] =	vst.add.f32.msk $0xffff, v3  }
0xcd: {  	v5 =	vshll.u32 v4, $0x10;
	v3 =	vld [tilespmem:s23+$0x50]  }
0xce: {  	v4 =	vand.u32 $0xFFFF0000, v4;
	[tilespmem:s8+$0x400] =	vst.add.f32.msk $0xffff, v5  }
0xcf: {  	s9 =	simm.s32 $0xCB80;
	[tilespmem:s8+$0x410] =	vst.add.f32.msk $0xffff, v4  }
0xd0: {  	v5 =	vld [tilespmem:s9+$0x0]  }
0xd1: {  	v4 =	vld [tilespmem:s23+$0xFFFFFFD0]  }
0xd2: {  	s21 =	simm.s32 $0x200;
	v7 =	vld [tilespmem:s9+$0xFFFFFF80];
	v6 =	vshll.u32 v3, $0x10  }
0xd3: {  	s17 =	sand.u32 $0x3800, s21;
	s22 =	simm.s32 $0x180;
	v3 =	vand.u32 $0xFFFF0000, v3;
	[tilespmem:s25+$0x420] =	vst.add.f32.msk $0xffff, v6  }
0xd4: {  	s3 =	sor.u32 $0x200, s17;
	s19 =	sand.u32 $0x380, s22;
	[tilespmem:s25+$0x430] =	vst.add.f32.msk $0xffff, v3  }
0xd5: {  	s15 =	sadd.s32 s19, s3;
	v8 =	vshll.u32 v5, $0x10;
	v3 =	vld [tilespmem:s23+$0x60]  }
0xd6: {  	v6 =	vshll.u32 v4, $0x10;
	[tilespmem:s15+$0x0] =	vst.add.f32.msk $0xffff, v8  }
0xd7: {  	s4 =	sor.u32 $0x10, s15;
	v5 =	vand.u32 $0xFFFF0000, v5;
	[tilespmem:s8+$0x420] =	vst.add.f32.msk $0xffff, v6  }
0xd8: {  	v4 =	vand.u32 $0xFFFF0000, v4;
	[tilespmem:s4+$0x0] =	vst.add.f32.msk $0xffff, v5  }
0xd9: {  	[tilespmem:s8+$0x430] =	vst.add.f32.msk $0xffff, v4  }
0xda: {  	s24 =	simm.s32 $0x100;
	v5 =	vld [tilespmem:s9+$0x10];
	v6 =	vshll.u32 v3, $0x10  }
0xdb: {  	s4 =	sand.u32 $0x300, s24;
	v3 =	vand.u32 $0xFFFF0000, v3;
	[tilespmem:s25+$0x440] =	vst.add.f32.msk $0xffff, v6  }
0xdc: {  	s17 =	sadd.s32 s4, s3;
	v6 =	vshll.u32 v7, $0x10;
	[tilespmem:s25+$0x450] =	vst.add.f32.msk $0xffff, v3  }
0xdd: {  	s3 =	sor.u32 $0x10, s17;
	v3 =	vand.u32 $0xFFFF0000, v7;
	[tilespmem:s17+$0x0] =	vst.add.f32.msk $0xffff, v6  }
0xde: {  	[tilespmem:s3+$0x0] =	vst.add.f32.msk $0xffff, v3  }
0xdf: {  	s28 =	sor.u32 $0x20, s15;
	v7 =	vshll.u32 v5, $0x10;
	v3 =	vld [tilespmem:s9+$0xFFFFFF90]  }
0xe0: {  	s29 =	sor.u32 $0x30, s15;
	v4 =	vand.u32 $0xFFFF0000, v5;
	[tilespmem:s28+$0x0] =	vst.add.f32.msk $0xffff, v7  }
0xe1: {  	[tilespmem:s29+$0x0] =	vst.add.f32.msk $0xffff, v4  }
0xe2: {  	v5 =	vld [tilespmem:s9+$0x20]  }
0xe3: {  	v6 =	vld [tilespmem:s23+$0x70]  }
0xe4: {  	s30 =	sor.u32 $0x20, s17;
	v4 =	vshll.u32 v3, $0x10  }
0xe5: {  	s4 =	sor.u32 $0x30, s17;
	v3 =	vand.u32 $0xFFFF0000, v3;
	[tilespmem:s30+$0x0] =	vst.add.f32.msk $0xffff, v4  }
0xe6: {  	[tilespmem:s4+$0x0] =	vst.add.f32.msk $0xffff, v3  }
0xe7: {  	s6 =	sor.u32 $0x40, s15;
	v7 =	vshll.u32 v5, $0x10;
	v4 =	vld [tilespmem:s9+$0xFFFFFFA0]  }
0xe8: {  	[tilespmem:s6+$0x0] =	vst.add.f32.msk $0xffff, v7;
	v3 =	vand.u32 $0xFFFF0000, v6  }
0xe9: {  	[tilespmem:s25+$0x470] =	vst.add.f32.msk $0xffff, v3  }
0xea: {  	s10 =	sor.u32 $0x50, s15;
	v5 =	vand.u32 $0xFFFF0000, v5;
	v3 =	vld [tilespmem:s23+$0xFFFFFFE0]  }
0xeb: {  	[tilespmem:s10+$0x0] =	vst.add.f32.msk $0xffff, v5  }
0xec: {  	s11 =	sor.u32 $0x40, s17;
	v7 =	vld [tilespmem:s9+$0x30];
	v5 =	vshll.u32 v4, $0x10  }
0xed: {  	s19 =	sor.u32 $0x50, s17;
	v4 =	vand.u32 $0xFFFF0000, v4;
	[tilespmem:s11+$0x0] =	vst.add.f32.msk $0xffff, v5  }
0xee: {  	[tilespmem:s19+$0x0] =	vst.add.f32.msk $0xffff, v4  }
0xef: {  	v4 =	vshll.u32 v3, $0x10;
	v5 =	vld [tilespmem:s9+$0xFFFFFFB0]  }
0xf0: {  	v3 =	vand.u32 $0xFFFF0000, v3;
	[tilespmem:s8+$0x440] =	vst.add.f32.msk $0xffff, v4  }
0xf1: {  	s24 =	sor.u32 $0x60, s15;
	v4 =	vshll.u32 v7, $0x10;
	[tilespmem:s8+$0x450] =	vst.add.f32.msk $0xffff, v3  }
0xf2: {  	s28 =	sor.u32 $0x70, s15;
	v3 =	vand.u32 $0xFFFF0000, v7;
	[tilespmem:s24+$0x0] =	vst.add.f32.msk $0xffff, v4  }
0xf3: {  	[tilespmem:s28+$0x0] =	vst.add.f32.msk $0xffff, v3  }
0xf4: {  	s29 =	sor.u32 $0x60, s17;
	v4 =	vld [tilespmem:s9+$0x40];
	v3 =	vshll.u32 v5, $0x10  }
0xf5: {  	s30 =	sor.u32 $0x70, s17;
	v5 =	vand.u32 $0xFFFF0000, v5;
	[tilespmem:s29+$0x0] =	vst.add.f32.msk $0xffff, v3  }
0xf6: {  	[tilespmem:s30+$0x0] =	vst.add.f32.msk $0xffff, v5  }
0xf7: {  	v3 =	vld [tilespmem:s9+$0xFFFFFFC0]  }
0xf8: {  	v5 =	vshll.u32 v6, $0x10;
	v6 =	vld [tilespmem:s23+$0xFFFFFFF0]  }
0xf9: {  	v7 =	vshll.u32 v4, $0x10;
	[tilespmem:s25+$0x460] =	vst.add.f32.msk $0xffff, v5  }
0xfa: {  	v4 =	vand.u32 $0xFFFF0000, v4;
	[tilespmem:s15+$0x400] =	vst.add.f32.msk $0xffff, v7  }
0xfb: {  	[tilespmem:s15+$0x410] =	vst.add.f32.msk $0xffff, v4  }
0xfc: {  	v4 =	vld [tilespmem:s9+$0x50];
	v5 =	vshll.u32 v3, $0x10  }
0xfd: {  	v3 =	vand.u32 $0xFFFF0000, v3;
	[tilespmem:s17+$0x400] =	vst.add.f32.msk $0xffff, v5  }
0xfe: {  	[tilespmem:s17+$0x410] =	vst.add.f32.msk $0xffff, v3  }
0xff: {  	v7 =	vshll.u32 v6, $0x10;
	v5 =	vld [tilespmem:s9+$0xFFFFFFD0]  }
0x100: {  	s23 =	simm.s32 $0x2;
	s25 =	simm.s32 $0xCC80;
	[tilespmem:s8+$0x460] =	vst.add.f32.msk $0xffff, v7;
	v3 =	vand.u32 $0xFFFF0000, v6  }
.LBB2_3:
0x101: {  	v6 =	vld [tilespmem:s25+$0x0];
	v7 =	vshll.u32 v4, $0x10  }
0x102: {  	v4 =	vand.u32 $0xFFFF0000, v4;
	[tilespmem:s15+$0x420] =	vst.add.f32.msk $0xffff, v7  }
0x103: {  	s21 =	sadd.s32 $0x200, s21;
	[tilespmem:s15+$0x430] =	vst.add.f32.msk $0xffff, v4  }
0x104: {  	s22 =	sadd.s32 $0x100, s22;
	s3 =	sand.u32 $0x3800, s21;
	v4 =	vshll.u32 v5, $0x10;
	v5 =	vand.u32 $0xFFFF0000, v5;
	v7 =	vld [tilespmem:s9+$0x60]  }
0x105: {  	s4 =	sadd.s32 $0xFFFFFF80, s22;
	s19 =	sand.u32 $0x380, s22;
	s3 =	sor.u32 $0x200, s3;
	v8 =	vld [tilespmem:s25+$0xFFFFFF80]  }
0x106: {  	s4 =	sand.u32 $0x300, s4;
	s19 =	sadd.s32 s19, s3;
	v9 =	vshll.u32 v6, $0x10;
	[tilespmem:s17+$0x420] =	vst.add.f32.msk $0xffff, v4  }
0x107: {  	s3 =	sadd.s32 s4, s3;
	s4 =	sor.u32 $0x10, s19;
	v4 =	vand.u32 $0xFFFF0000, v6;
	[tilespmem:s19+$0x0] =	vst.add.f32.msk $0xffff, v9  }
0x108: {  	s6 =	sor.u32 $0x10, s3;
	s10 =	sor.u32 $0x20, s3;
	s11 =	sor.u32 $0x30, s3;
	[tilespmem:s4+$0x0] =	vst.add.f32.msk $0xffff, v4  }
0x109: {  	s28 =	sor.u32 $0x40, s3;
	s30 =	sor.u32 $0x50, s3;
	s29 =	sor.u32 $0x60, s3;
	v4 =	vld [tilespmem:s25+$0x10];
	v6 =	vshll.u32 v7, $0x10  }
0x10a: {  	s24 =	sor.u32 $0x70, s3;
	v7 =	vand.u32 $0xFFFF0000, v7;
	v9 =	vshll.u32 v8, $0x10;
	v8 =	vand.u32 $0xFFFF0000, v8;
	[tilespmem:s15+$0x440] =	vst.add.f32.msk $0xffff, v6  }
0x10b: {  	s23 =	sadd.s32 $0x2, s23;
	[tilespmem:s15+$0x450] =	vst.add.f32.msk $0xffff, v7  }
0x10c: {  	p0 =	slt.u32 s23, $0x26;
	v6 =	vld [tilespmem:s9+$0x70]  }
0x10d: {  	[tilespmem:s3+$0x0] =	vst.add.f32.msk $0xffff, v9  }
0x10e: {  	[tilespmem:s6+$0x0] =	vst.add.f32.msk $0xffff, v8  }
0x10f: {  	v7 =	vld [tilespmem:s25+$0xFFFFFF90]  }
0x110: {  	s4 =	sor.u32 $0x20, s19;
	v8 =	vshll.u32 v4, $0x10;
	[tilespmem:s17+$0x430] =	vst.add.f32.msk $0xffff, v5  }
0x111: {  	[tilespmem:s4+$0x0] =	vst.add.f32.msk $0xffff, v8;
	v5 =	vshll.u32 v6, $0x10;
	v6 =	vand.u32 $0xFFFF0000, v6  }
0x112: {  	v4 =	vand.u32 $0xFFFF0000, v4;
	s4 =	sor.u32 $0x30, s19;
	[tilespmem:s15+$0x470] =	vst.add.f32.msk $0xffff, v6  }
0x113: {  	[tilespmem:s4+$0x0] =	vst.add.f32.msk $0xffff, v4  }
0x114: {  	v4 =	vshll.u32 v7, $0x10;
	v6 =	vand.u32 $0xFFFF0000, v7;
	v7 =	vld [tilespmem:s25+$0x20]  }
0x115: {  	[tilespmem:s10+$0x0] =	vst.add.f32.msk $0xffff, v4  }
0x116: {  	[tilespmem:s11+$0x0] =	vst.add.f32.msk $0xffff, v6  }
0x117: {  	v4 =	vld [tilespmem:s25+$0xFFFFFFA0]  }
0x118: {  	v6 =	vld [tilespmem:s9+$0xFFFFFFE0]  }
0x119: {  	s4 =	sor.u32 $0x40, s19;
	v8 =	vshll.u32 v7, $0x10;
	[tilespmem:s8+$0x470] =	vst.add.f32.msk $0xffff, v3;
	s8 =	smov.u32 s17;
	s17 =	smov.u32 s3  }
0x11a: {  	v3 =	vand.u32 $0xFFFF0000, v7;
	s3 =	sor.u32 $0x50, s19;
	[tilespmem:s4+$0x0] =	vst.add.f32.msk $0xffff, v8  }
0x11b: {  	[tilespmem:s3+$0x0] =	vst.add.f32.msk $0xffff, v3  }
0x11c: {  	v3 =	vshll.u32 v4, $0x10;
	v4 =	vand.u32 $0xFFFF0000, v4;
	v7 =	vld [tilespmem:s25+$0x30]  }
0x11d: {  	[tilespmem:s28+$0x0] =	vst.add.f32.msk $0xffff, v3;
	v3 =	vshll.u32 v6, $0x10;
	v6 =	vand.u32 $0xFFFF0000, v6  }
0x11e: {  	[tilespmem:s30+$0x0] =	vst.add.f32.msk $0xffff, v4  }
0x11f: {  	v4 =	vld [tilespmem:s25+$0xFFFFFFB0]  }
0x120: {  	[tilespmem:s8+$0x440] =	vst.add.f32.msk $0xffff, v3  }
0x121: {  	s3 =	sor.u32 $0x60, s19;
	v3 =	vshll.u32 v7, $0x10;
	[tilespmem:s8+$0x450] =	vst.add.f32.msk $0xffff, v6  }
0x122: {  	v6 =	vand.u32 $0xFFFF0000, v7;
	[tilespmem:s3+$0x0] =	vst.add.f32.msk $0xffff, v3;
	s3 =	sor.u32 $0x70, s19  }
0x123: {  	[tilespmem:s3+$0x0] =	vst.add.f32.msk $0xffff, v6  }
0x124: {  	v3 =	vshll.u32 v4, $0x10;
	v4 =	vand.u32 $0xFFFF0000, v4;
	v6 =	vld [tilespmem:s25+$0x40]  }
0x125: {  	[tilespmem:s29+$0x0] =	vst.add.f32.msk $0xffff, v3  }
0x126: {  	[tilespmem:s24+$0x0] =	vst.add.f32.msk $0xffff, v4  }
0x127: {  	v3 =	vld [tilespmem:s25+$0xFFFFFFC0]  }
0x128: {  	v7 =	vld [tilespmem:s9+$0xFFFFFFF0];
	s9 =	smov.u32 s25  }
0x129: {  	v4 =	vshll.u32 v6, $0x10;
	[tilespmem:s15+$0x460] =	vst.add.f32.msk $0xffff, v5;
	s15 =	smov.u32 s19  }
0x12a: {  	v5 =	vand.u32 $0xFFFF0000, v6;
	[tilespmem:s15+$0x400] =	vst.add.f32.msk $0xffff, v4  }
0x12b: {  	[tilespmem:s15+$0x410] =	vst.add.f32.msk $0xffff, v5  }
.Ltmp2:
0x12c: {  	v5 =	vshll.u32 v3, $0x10;
	v6 =	vand.u32 $0xFFFF0000, v3;
	v4 =	vld [tilespmem:s25+$0x50];
	(pc) =	sbr.rel @p0 .LBB2_3-.Ltmp2, $4  }
0x12d: {  	[tilespmem:s17+$0x400] =	vst.add.f32.msk $0xffff, v5;
	v8 =	vshll.u32 v7, $0x10;
	v3 =	vand.u32 $0xFFFF0000, v7  }
0x12e: {  	[tilespmem:s17+$0x410] =	vst.add.f32.msk $0xffff, v6  }
0x12f: {  	v5 =	vld [tilespmem:s25+$0xFFFFFFD0]  }
0x130: {  	s25 =	sadd.s32 $0x100, s25;
	[tilespmem:s8+$0x460] =	vst.add.f32.msk $0xffff, v8  }
0x131: {  	v6 =	vshll.u32 v4, $0x10  }
0x132: {  	v4 =	vand.u32 $0xFFFF0000, v4;
	[tilespmem:s15+$0x420] =	vst.add.f32.msk $0xffff, v6  }
0x133: {  	[tilespmem:s15+$0x430] =	vst.add.f32.msk $0xffff, v4  }
0x134: {  	v6 =	vld [tilespmem:s9+$0x60]  }
0x135: {  	v4 =	vshll.u32 v5, $0x10  }
0x136: {  	v5 =	vand.u32 $0xFFFF0000, v5;
	[tilespmem:s17+$0x420] =	vst.add.f32.msk $0xffff, v4  }
0x137: {  	[tilespmem:s17+$0x430] =	vst.add.f32.msk $0xffff, v5  }
0x138: {  	v4 =	vld [tilespmem:s9+$0xFFFFFFE0]  }
0x139: {  	v5 =	vshll.u32 v6, $0x10  }
0x13a: {  	v6 =	vand.u32 $0xFFFF0000, v6;
	[tilespmem:s15+$0x440] =	vst.add.f32.msk $0xffff, v5  }
0x13b: {  	[tilespmem:s15+$0x450] =	vst.add.f32.msk $0xffff, v6  }
0x13c: {  	v5 =	vld [tilespmem:s9+$0x70]  }
0x13d: {  	v6 =	vshll.u32 v4, $0x10  }
0x13e: {  	v4 =	vand.u32 $0xFFFF0000, v4;
	[tilespmem:s17+$0x440] =	vst.add.f32.msk $0xffff, v6  }
0x13f: {  	[tilespmem:s17+$0x450] =	vst.add.f32.msk $0xffff, v4  }
0x140: {  	v4 =	vld [tilespmem:s9+$0xFFFFFFF0]  }
0x141: {  	[tilespmem:s8+$0x470] =	vst.add.f32.msk $0xffff, v3;
	v6 =	vand.u32 $0xFFFF0000, v5  }
0x142: {  	v5 =	vshll.u32 v5, $0x10;
	[tilespmem:s15+$0x470] =	vst.add.f32.msk $0xffff, v6  }
0x143: {  	s9 =	smul.u32 $0x190, s14;
	[tilespmem:s15+$0x460] =	vst.add.f32.msk $0xffff, v5  }
0x144: {  	s3 =	rddreg [dreg:$0x5]  }
0x145: {  	v3 =	vshll.u32 v4, $0x10;
	s15 =	sadd.s32 s3, s9  }
0x146: {  	s11 =	rddreg [dreg:$0x3];
	v4 =	vand.u32 $0xFFFF0000, v4;
	[tilespmem:s17+$0x460] =	vst.add.f32.msk $0xffff, v3;
	s8 =	sshll.u32 s15, $0x5  }
0x147: {  	s4 =	simm.s32 $0x200;
	p0 =	seq.s32 s14, $0x0;
	[tilespmem:s17+$0x470] =	vst.add.f32.msk $0xffff, v4;
	s3 =	sadd.s32 s11, s8  }
0x148: {  	[hbm4b:s3+s7] =	stream.linear.scatter [tilespmem:s4], [sflag:$0x6], $0x2800, $0x38;
	[tilespmem:$0x12E00] =	vst v63  }
0x149: {  	s3 =	simm.s32 @!p0 $0xA  }
0x14a: {  	_ =	swait.ge @!p0 [sflag:s3], $0x2800  }
0x14b: {  	[sflag:s3] =	ssyncset.done @!p0 $0x0  }
0x14c: {  	[sflag:s3] =	ssyncadd.s32 @!p0 $0xFFFFD800  }
0x14d: {  	v3 =	vld [tilespmem:$0xA0];
	_ =	sdelay $0x4  }
0x14e: {  	v4 =	vshll.u32 v3, $0x1  }
0x14f: {  	v3 =	vand.u32 $0x7, v3;
	v4 =	vand.u32 $0xFFFFFFF0, v4  }
0x150: {  	v3 =	vor.u32 v3, v4  }
0x151: {  	v4 =	vperm.xlane v3, v0;
	_ =	sdelay $0x1  }
0x152: {  	v3 =	vperm.xlane v3, v2;
	v4 =	vadd.s32 v1, v4;
	_ =	sdelay $0x1  }
0x153: {  	v3 =	vadd.s32 v1, v3;
	_ =	sdelay $0x1  }
0x154: {  	s17 =	simm.s32 $0x0  }
0x155: {  	[tilespmem:s20], [sflag:$0x5] =	stream.indirect_vreg.gather [hbm4b:s2+s17], $0x80, v4, vm0, $0xb8;
	[tilespmem:$0x12E00] =	vst v63  }
0x156: {  	s21 =	simm.s32 $0xAA00  }
0x157: {  	[tilespmem:s21], [sflag:$0x5] =	stream.indirect_vreg.gather [hbm4b:s2+s17], $0x80, v3, vm0, $0xb8;
	[tilespmem:$0x12E00] =	vst v63  }
0x158: {  	v3 =	vld [tilespmem:$0xB0];
	_ =	sdelay $0x4  }
0x159: {  	v4 =	vshll.u32 v3, $0x1  }
0x15a: {  	v3 =	vand.u32 $0x7, v3;
	v4 =	vand.u32 $0xFFFFFFF0, v4  }
0x15b: {  	v3 =	vor.u32 v3, v4  }
0x15c: {  	v4 =	vperm.xlane v3, v0;
	_ =	sdelay $0x1  }
0x15d: {  	v3 =	vperm.xlane v3, v2;
	v4 =	vadd.s32 v1, v4;
	_ =	sdelay $0x1  }
0x15e: {  	v3 =	vadd.s32 v1, v3;
	_ =	sdelay $0x1  }
0x15f: {  	s22 =	simm.s32 $0xB200  }
0x160: {  	[tilespmem:s22], [sflag:$0x5] =	stream.indirect_vreg.gather [hbm4b:s2+s17], $0x80, v4, vm0, $0xb8;
	[tilespmem:$0x12E00] =	vst v63  }
0x161: {  	s23 =	simm.s32 $0xBA00  }
0x162: {  	[tilespmem:s23], [sflag:$0x5] =	stream.indirect_vreg.gather [hbm4b:s2+s17], $0x80, v3, vm0, $0xb8;
	[tilespmem:$0x12E00] =	vst v63  }
0x163: {  	v3 =	vld.msk [tilespmem:$0xC0], $0xff;
	_ =	sdelay $0x4  }
0x164: {  	v4 =	vshll.u32 v3, $0x1  }
0x165: {  	v3 =	vand.u32 $0x7, v3;
	v4 =	vand.u32 $0xFFFFFFF0, v4  }
0x166: {  	v3 =	vor.u32 v3, v4  }
0x167: {  	v3 =	vperm.xlane v3, v0;
	_ =	sdelay $0x1  }
0x168: {  	v3 =	vadd.s32 v1, v3;
	_ =	sdelay $0x3  }
0x169: {  	s24 =	simm.s32 $0xC200  }
0x16a: {  	[tilespmem:s24], [sflag:$0x5] =	stream.indirect_vreg.gather [hbm4b:s2+s17], $0x80, v3, vm0, $0xb8;
	[tilespmem:$0x12E00] =	vst v63  }
0x16b: {  	_ =	swait.ge [sflag:s26], $0x2800  }
0x16c: {  	[sflag:s26] =	ssyncset.done $0x0  }
0x16d: {  	s19 =	simm.s32 $0xDEF0;
	[sflag:s26] =	ssyncadd.s32 $0xFFFFD800  }
0x16e: {  	v3 =	vld [tilespmem:s19+$0xFFFFFF90];
	_ =	sdelay $0x3  }
0x16f: {  	s25 =	sand.u32 $0x3800, s17;
	s3 =	sand.u32 $0x300, s17;
	v4 =	vld [tilespmem:s19+$0xFFFFFF10]  }
0x170: {  	s17 =	sor.u32 s3, s25;
	v5 =	vshll.u32 v3, $0x10  }
0x171: {  	v3 =	vand.u32 $0xFFFF0000, v3;
	[tilespmem:s17+$0x2A80] =	vst.add.f32.msk $0xffff, v5  }
0x172: {  	[tilespmem:s17+$0x2A90] =	vst.add.f32.msk $0xffff, v3  }
0x173: {  	v3 =	vld [tilespmem:s19+$0xFFFFFFA0]  }
0x174: {  	v5 =	vshll.u32 v4, $0x10  }
0x175: {  	v4 =	vand.u32 $0xFFFF0000, v4;
	[tilespmem:s17+$0x2A00] =	vst.add.f32.msk $0xffff, v5  }
0x176: {  	[tilespmem:s17+$0x2A10] =	vst.add.f32.msk $0xffff, v4  }
0x177: {  	v4 =	vld [tilespmem:s19+$0xFFFFFF20]  }
0x178: {  	v5 =	vshll.u32 v3, $0x10  }
0x179: {  	v3 =	vand.u32 $0xFFFF0000, v3;
	[tilespmem:s17+$0x2AA0] =	vst.add.f32.msk $0xffff, v5  }
0x17a: {  	[tilespmem:s17+$0x2AB0] =	vst.add.f32.msk $0xffff, v3  }
0x17b: {  	v3 =	vld [tilespmem:s19+$0xFFFFFFB0]  }
0x17c: {  	v5 =	vshll.u32 v4, $0x10  }
0x17d: {  	v4 =	vand.u32 $0xFFFF0000, v4;
	[tilespmem:s17+$0x2A20] =	vst.add.f32.msk $0xffff, v5  }
0x17e: {  	[tilespmem:s17+$0x2A30] =	vst.add.f32.msk $0xffff, v4  }
0x17f: {  	v4 =	vld [tilespmem:s19+$0xFFFFFF30]  }
0x180: {  	v5 =	vshll.u32 v3, $0x10  }
0x181: {  	v3 =	vand.u32 $0xFFFF0000, v3;
	[tilespmem:s17+$0x2AC0] =	vst.add.f32.msk $0xffff, v5  }
0x182: {  	[tilespmem:s17+$0x2AD0] =	vst.add.f32.msk $0xffff, v3  }
0x183: {  	v3 =	vld [tilespmem:s19+$0xFFFFFFC0]  }
0x184: {  	v5 =	vshll.u32 v4, $0x10  }
0x185: {  	v4 =	vand.u32 $0xFFFF0000, v4;
	[tilespmem:s17+$0x2A40] =	vst.add.f32.msk $0xffff, v5  }
0x186: {  	[tilespmem:s17+$0x2A50] =	vst.add.f32.msk $0xffff, v4  }
0x187: {  	v4 =	vld [tilespmem:s19+$0xFFFFFF40]  }
0x188: {  	v5 =	vshll.u32 v3, $0x10  }
0x189: {  	v3 =	vand.u32 $0xFFFF0000, v3;
	[tilespmem:s17+$0x2AE0] =	vst.add.f32.msk $0xffff, v5  }
0x18a: {  	[tilespmem:s17+$0x2AF0] =	vst.add.f32.msk $0xffff, v3  }
0x18b: {  	v3 =	vld [tilespmem:s19+$0xFFFFFFD0]  }
0x18c: {  	v5 =	vshll.u32 v4, $0x10  }
0x18d: {  	v4 =	vand.u32 $0xFFFF0000, v4;
	[tilespmem:s17+$0x2A60] =	vst.add.f32.msk $0xffff, v5  }
0x18e: {  	[tilespmem:s17+$0x2A70] =	vst.add.f32.msk $0xffff, v4  }
0x18f: {  	v4 =	vld [tilespmem:s19+$0xFFFFFF50]  }
0x190: {  	v5 =	vshll.u32 v3, $0x10  }
0x191: {  	v3 =	vand.u32 $0xFFFF0000, v3;
	[tilespmem:s17+$0x2E80] =	vst.add.f32.msk $0xffff, v5  }
0x192: {  	[tilespmem:s17+$0x2E90] =	vst.add.f32.msk $0xffff, v3  }
0x193: {  	s21 =	simm.s32 $0xDFF0;
	v3 =	vld [tilespmem:s19+$0xFFFFFFE0]  }
0x194: {  	v7 =	vld [tilespmem:s21+$0xFFFFFF10];
	v5 =	vshll.u32 v4, $0x10  }
0x195: {  	[tilespmem:s17+$0x2E00] =	vst.add.f32.msk $0xffff, v5  }
0x196: {  	v4 =	vand.u32 $0xFFFF0000, v4;
	v5 =	vld [tilespmem:s21+$0xFFFFFF90]  }
0x197: {  	[tilespmem:s17+$0x2E10] =	vst.add.f32.msk $0xffff, v4  }
0x198: {  	v4 =	vld [tilespmem:s19+$0xFFFFFF60];
	v6 =	vshll.u32 v3, $0x10  }
0x199: {  	s23 =	simm.s32 $0x200;
	s25 =	simm.s32 $0x100;
	v3 =	vand.u32 $0xFFFF0000, v3;
	[tilespmem:s17+$0x2EA0] =	vst.add.f32.msk $0xffff, v6  }
0x19a: {  	s28 =	sand.u32 $0x3800, s23;
	s30 =	sand.u32 $0x300, s25;
	[tilespmem:s17+$0x2EB0] =	vst.add.f32.msk $0xffff, v3  }
0x19b: {  	s22 =	sor.u32 s30, s28;
	v8 =	vshll.u32 v5, $0x10;
	v3 =	vld [tilespmem:s19+$0xFFFFFFF0]  }
0x19c: {  	v5 =	vand.u32 $0xFFFF0000, v5;
	[tilespmem:s22+$0x2A80] =	vst.add.f32.msk $0xffff, v8  }
0x19d: {  	v6 =	vshll.u32 v4, $0x10;
	[tilespmem:s22+$0x2A90] =	vst.add.f32.msk $0xffff, v5  }
0x19e: {  	[tilespmem:s17+$0x2E20] =	vst.add.f32.msk $0xffff, v6  }
0x19f: {  	v4 =	vand.u32 $0xFFFF0000, v4;
	v5 =	vld [tilespmem:s21+$0xFFFFFFA0]  }
0x1a0: {  	[tilespmem:s17+$0x2E30] =	vst.add.f32.msk $0xffff, v4;
	v6 =	vshll.u32 v3, $0x10  }
0x1a1: {  	v3 =	vand.u32 $0xFFFF0000, v3;
	[tilespmem:s17+$0x2EC0] =	vst.add.f32.msk $0xffff, v6  }
0x1a2: {  	v6 =	vshll.u32 v7, $0x10;
	[tilespmem:s17+$0x2ED0] =	vst.add.f32.msk $0xffff, v3  }
0x1a3: {  	v3 =	vand.u32 $0xFFFF0000, v7;
	[tilespmem:s22+$0x2A00] =	vst.add.f32.msk $0xffff, v6  }
0x1a4: {  	[tilespmem:s22+$0x2A10] =	vst.add.f32.msk $0xffff, v3  }
0x1a5: {  	v4 =	vand.u32 $0xFFFF0000, v5;
	v3 =	vld [tilespmem:s21+$0xFFFFFF20]  }
0x1a6: {  	v7 =	vshll.u32 v5, $0x10;
	[tilespmem:s22+$0x2AB0] =	vst.add.f32.msk $0xffff, v4  }
0x1a7: {  	[tilespmem:s22+$0x2AA0] =	vst.add.f32.msk $0xffff, v7  }
0x1a8: {  	v5 =	vld [tilespmem:s21+$0xFFFFFFB0]  }
0x1a9: {  	v6 =	vld [tilespmem:s19+$0x0]  }
0x1aa: {  	v4 =	vshll.u32 v3, $0x10  }
0x1ab: {  	v3 =	vand.u32 $0xFFFF0000, v3;
	[tilespmem:s22+$0x2A20] =	vst.add.f32.msk $0xffff, v4  }
0x1ac: {  	[tilespmem:s22+$0x2A30] =	vst.add.f32.msk $0xffff, v3  }
0x1ad: {  	v7 =	vshll.u32 v5, $0x10;
	v4 =	vld [tilespmem:s21+$0xFFFFFF30]  }
0x1ae: {  	v3 =	vand.u32 $0xFFFF0000, v6;
	[tilespmem:s22+$0x2AC0] =	vst.add.f32.msk $0xffff, v7  }
0x1af: {  	[tilespmem:s17+$0x2EF0] =	vst.add.f32.msk $0xffff, v3  }
0x1b0: {  	v5 =	vand.u32 $0xFFFF0000, v5;
	v3 =	vld [tilespmem:s19+$0xFFFFFF70]  }
0x1b1: {  	[tilespmem:s22+$0x2AD0] =	vst.add.f32.msk $0xffff, v5  }
0x1b2: {  	v7 =	vld [tilespmem:s21+$0xFFFFFFC0];
	v5 =	vshll.u32 v4, $0x10  }
0x1b3: {  	v4 =	vand.u32 $0xFFFF0000, v4;
	[tilespmem:s22+$0x2A40] =	vst.add.f32.msk $0xffff, v5  }
0x1b4: {  	[tilespmem:s22+$0x2A50] =	vst.add.f32.msk $0xffff, v4  }
0x1b5: {  	v4 =	vshll.u32 v3, $0x10;
	v5 =	vld [tilespmem:s21+$0xFFFFFF40]  }
0x1b6: {  	v3 =	vand.u32 $0xFFFF0000, v3;
	[tilespmem:s17+$0x2E40] =	vst.add.f32.msk $0xffff, v4  }
0x1b7: {  	v4 =	vshll.u32 v7, $0x10;
	[tilespmem:s17+$0x2E50] =	vst.add.f32.msk $0xffff, v3  }
0x1b8: {  	v3 =	vand.u32 $0xFFFF0000, v7;
	[tilespmem:s22+$0x2AE0] =	vst.add.f32.msk $0xffff, v4  }
0x1b9: {  	[tilespmem:s22+$0x2AF0] =	vst.add.f32.msk $0xffff, v3  }
0x1ba: {  	v4 =	vld [tilespmem:s21+$0xFFFFFFD0];
	v3 =	vshll.u32 v5, $0x10  }
0x1bb: {  	v5 =	vand.u32 $0xFFFF0000, v5;
	[tilespmem:s22+$0x2A60] =	vst.add.f32.msk $0xffff, v3  }
0x1bc: {  	[tilespmem:s22+$0x2A70] =	vst.add.f32.msk $0xffff, v5  }
0x1bd: {  	v3 =	vld [tilespmem:s21+$0xFFFFFF50]  }
0x1be: {  	v5 =	vshll.u32 v6, $0x10;
	v6 =	vld [tilespmem:s19+$0xFFFFFF80]  }
0x1bf: {  	v7 =	vshll.u32 v4, $0x10;
	[tilespmem:s17+$0x2EE0] =	vst.add.f32.msk $0xffff, v5  }
0x1c0: {  	v4 =	vand.u32 $0xFFFF0000, v4;
	[tilespmem:s22+$0x2E80] =	vst.add.f32.msk $0xffff, v7  }
0x1c1: {  	[tilespmem:s22+$0x2E90] =	vst.add.f32.msk $0xffff, v4  }
0x1c2: {  	v4 =	vld [tilespmem:s21+$0xFFFFFFE0];
	v5 =	vshll.u32 v3, $0x10  }
0x1c3: {  	v3 =	vand.u32 $0xFFFF0000, v3;
	[tilespmem:s22+$0x2E00] =	vst.add.f32.msk $0xffff, v5  }
0x1c4: {  	[tilespmem:s22+$0x2E10] =	vst.add.f32.msk $0xffff, v3  }
0x1c5: {  	v7 =	vshll.u32 v6, $0x10;
	v5 =	vld [tilespmem:s21+$0xFFFFFF60]  }
0x1c6: {  	s29 =	simm.s32 $0x2;
	s19 =	simm.s32 $0xE0F0;
	[tilespmem:s17+$0x2E60] =	vst.add.f32.msk $0xffff, v7;
	v3 =	vand.u32 $0xFFFF0000, v6  }
.LBB2_5:
0x1c7: {  	v6 =	vld [tilespmem:s19+$0xFFFFFF90];
	v7 =	vshll.u32 v4, $0x10  }
0x1c8: {  	v4 =	vand.u32 $0xFFFF0000, v4;
	[tilespmem:s22+$0x2EA0] =	vst.add.f32.msk $0xffff, v7  }
0x1c9: {  	[tilespmem:s22+$0x2EB0] =	vst.add.f32.msk $0xffff, v4  }
0x1ca: {  	s23 =	sadd.s32 $0x200, s23;
	s25 =	sadd.s32 $0x100, s25;
	v4 =	vshll.u32 v5, $0x10;
	v5 =	vand.u32 $0xFFFF0000, v5;
	v7 =	vld [tilespmem:s21+$0xFFFFFFF0]  }
0x1cb: {  	s3 =	sand.u32 $0x3800, s23;
	s4 =	sand.u32 $0x300, s25;
	v8 =	vld [tilespmem:s19+$0xFFFFFF10]  }
0x1cc: {  	s3 =	sor.u32 s4, s3;
	v9 =	vshll.u32 v6, $0x10;
	[tilespmem:s22+$0x2E20] =	vst.add.f32.msk $0xffff, v4  }
0x1cd: {  	v4 =	vand.u32 $0xFFFF0000, v6;
	[tilespmem:s3+$0x2A80] =	vst.add.f32.msk $0xffff, v9  }
0x1ce: {  	[tilespmem:s3+$0x2A90] =	vst.add.f32.msk $0xffff, v4  }
0x1cf: {  	v4 =	vld [tilespmem:s19+$0xFFFFFFA0];
	v6 =	vshll.u32 v7, $0x10  }
0x1d0: {  	v7 =	vand.u32 $0xFFFF0000, v7;
	v9 =	vshll.u32 v8, $0x10;
	v8 =	vand.u32 $0xFFFF0000, v8;
	[tilespmem:s22+$0x2EC0] =	vst.add.f32.msk $0xffff, v6  }
0x1d1: {  	s29 =	sadd.s32 $0x2, s29;
	[tilespmem:s22+$0x2ED0] =	vst.add.f32.msk $0xffff, v7  }
0x1d2: {  	p0 =	slt.u32 s29, $0x26;
	v6 =	vld [tilespmem:s21+$0x0]  }
0x1d3: {  	[tilespmem:s3+$0x2A00] =	vst.add.f32.msk $0xffff, v9  }
0x1d4: {  	[tilespmem:s3+$0x2A10] =	vst.add.f32.msk $0xffff, v8  }
0x1d5: {  	v7 =	vld [tilespmem:s19+$0xFFFFFF20]  }
0x1d6: {  	v8 =	vshll.u32 v4, $0x10;
	[tilespmem:s22+$0x2E30] =	vst.add.f32.msk $0xffff, v5  }
0x1d7: {  	[tilespmem:s3+$0x2AA0] =	vst.add.f32.msk $0xffff, v8;
	v5 =	vshll.u32 v6, $0x10;
	v6 =	vand.u32 $0xFFFF0000, v6  }
0x1d8: {  	v4 =	vand.u32 $0xFFFF0000, v4;
	[tilespmem:s22+$0x2EF0] =	vst.add.f32.msk $0xffff, v6  }
0x1d9: {  	[tilespmem:s3+$0x2AB0] =	vst.add.f32.msk $0xffff, v4  }
0x1da: {  	v4 =	vshll.u32 v7, $0x10;
	v6 =	vand.u32 $0xFFFF0000, v7;
	v7 =	vld [tilespmem:s19+$0xFFFFFFB0]  }
0x1db: {  	[tilespmem:s3+$0x2A20] =	vst.add.f32.msk $0xffff, v4  }
0x1dc: {  	[tilespmem:s3+$0x2A30] =	vst.add.f32.msk $0xffff, v6  }
0x1dd: {  	v4 =	vld [tilespmem:s19+$0xFFFFFF30]  }
0x1de: {  	v6 =	vld [tilespmem:s21+$0xFFFFFF70]  }
0x1df: {  	v8 =	vshll.u32 v7, $0x10;
	[tilespmem:s17+$0x2E70] =	vst.add.f32.msk $0xffff, v3;
	s17 =	smov.u32 s22;
	s22 =	smov.u32 s3  }
0x1e0: {  	v3 =	vand.u32 $0xFFFF0000, v7;
	[tilespmem:s22+$0x2AC0] =	vst.add.f32.msk $0xffff, v8  }
0x1e1: {  	[tilespmem:s22+$0x2AD0] =	vst.add.f32.msk $0xffff, v3  }
0x1e2: {  	v3 =	vshll.u32 v4, $0x10;
	v4 =	vand.u32 $0xFFFF0000, v4;
	v7 =	vld [tilespmem:s19+$0xFFFFFFC0]  }
0x1e3: {  	[tilespmem:s22+$0x2A40] =	vst.add.f32.msk $0xffff, v3;
	v3 =	vshll.u32 v6, $0x10;
	v6 =	vand.u32 $0xFFFF0000, v6  }
0x1e4: {  	[tilespmem:s22+$0x2A50] =	vst.add.f32.msk $0xffff, v4  }
0x1e5: {  	v4 =	vld [tilespmem:s19+$0xFFFFFF40]  }
0x1e6: {  	[tilespmem:s17+$0x2E40] =	vst.add.f32.msk $0xffff, v3  }
0x1e7: {  	v3 =	vshll.u32 v7, $0x10;
	[tilespmem:s17+$0x2E50] =	vst.add.f32.msk $0xffff, v6  }
0x1e8: {  	v6 =	vand.u32 $0xFFFF0000, v7;
	[tilespmem:s22+$0x2AE0] =	vst.add.f32.msk $0xffff, v3  }
0x1e9: {  	[tilespmem:s22+$0x2AF0] =	vst.add.f32.msk $0xffff, v6  }
0x1ea: {  	v3 =	vshll.u32 v4, $0x10;
	v4 =	vand.u32 $0xFFFF0000, v4;
	v6 =	vld [tilespmem:s19+$0xFFFFFFD0]  }
0x1eb: {  	[tilespmem:s22+$0x2A60] =	vst.add.f32.msk $0xffff, v3  }
0x1ec: {  	[tilespmem:s22+$0x2A70] =	vst.add.f32.msk $0xffff, v4  }
0x1ed: {  	v3 =	vld [tilespmem:s19+$0xFFFFFF50]  }
0x1ee: {  	v7 =	vld [tilespmem:s21+$0xFFFFFF80];
	s21 =	smov.u32 s19  }
0x1ef: {  	v4 =	vshll.u32 v6, $0x10;
	[tilespmem:s17+$0x2EE0] =	vst.add.f32.msk $0xffff, v5  }
0x1f0: {  	v5 =	vand.u32 $0xFFFF0000, v6;
	[tilespmem:s22+$0x2E80] =	vst.add.f32.msk $0xffff, v4  }
0x1f1: {  	[tilespmem:s22+$0x2E90] =	vst.add.f32.msk $0xffff, v5  }
.Ltmp3:
0x1f2: {  	v5 =	vshll.u32 v3, $0x10;
	v6 =	vand.u32 $0xFFFF0000, v3;
	v4 =	vld [tilespmem:s19+$0xFFFFFFE0];
	(pc) =	sbr.rel @p0 .LBB2_5-.Ltmp3, $4  }
0x1f3: {  	[tilespmem:s22+$0x2E00] =	vst.add.f32.msk $0xffff, v5;
	v8 =	vshll.u32 v7, $0x10;
	v3 =	vand.u32 $0xFFFF0000, v7  }
0x1f4: {  	[tilespmem:s22+$0x2E10] =	vst.add.f32.msk $0xffff, v6  }
0x1f5: {  	v5 =	vld [tilespmem:s19+$0xFFFFFF60]  }
0x1f6: {  	s19 =	sadd.s32 $0x100, s19;
	[tilespmem:s17+$0x2E60] =	vst.add.f32.msk $0xffff, v8  }
0x1f7: {  	v6 =	vshll.u32 v4, $0x10  }
0x1f8: {  	v4 =	vand.u32 $0xFFFF0000, v4;
	[tilespmem:s22+$0x2EA0] =	vst.add.f32.msk $0xffff, v6  }
0x1f9: {  	[tilespmem:s22+$0x2EB0] =	vst.add.f32.msk $0xffff, v4  }
0x1fa: {  	v6 =	vld [tilespmem:s21+$0xFFFFFFF0];
	v4 =	vshll.u32 v5, $0x10  }
0x1fb: {  	v5 =	vand.u32 $0xFFFF0000, v5;
	[tilespmem:s22+$0x2E20] =	vst.add.f32.msk $0xffff, v4  }
0x1fc: {  	[tilespmem:s22+$0x2E30] =	vst.add.f32.msk $0xffff, v5  }
0x1fd: {  	v4 =	vld [tilespmem:s21+$0xFFFFFF70];
	_ =	sdelay $0x1  }
0x1fe: {  	v5 =	vshll.u32 v6, $0x10  }
0x1ff: {  	v6 =	vand.u32 $0xFFFF0000, v6;
	[tilespmem:s22+$0x2EC0] =	vst.add.f32.msk $0xffff, v5  }
0x200: {  	[tilespmem:s22+$0x2ED0] =	vst.add.f32.msk $0xffff, v6  }
0x201: {  	v5 =	vld [tilespmem:s21+$0x0];
	v6 =	vshll.u32 v4, $0x10  }
0x202: {  	v4 =	vand.u32 $0xFFFF0000, v4;
	[tilespmem:s22+$0x2E40] =	vst.add.f32.msk $0xffff, v6  }
0x203: {  	[tilespmem:s22+$0x2E50] =	vst.add.f32.msk $0xffff, v4  }
0x204: {  	v4 =	vld [tilespmem:s21+$0xFFFFFF80];
	_ =	sdelay $0x2  }
0x205: {  	[tilespmem:s17+$0x2E70] =	vst.add.f32.msk $0xffff, v3;
	v6 =	vand.u32 $0xFFFF0000, v5  }
0x206: {  	v5 =	vshll.u32 v5, $0x10;
	[tilespmem:s22+$0x2EF0] =	vst.add.f32.msk $0xffff, v6  }
0x207: {  	[tilespmem:s22+$0x2EE0] =	vst.add.f32.msk $0xffff, v5;
	v3 =	vshll.u32 v4, $0x10  }
0x208: {  	v4 =	vand.u32 $0xFFFF0000, v4;
	[tilespmem:s22+$0x2E60] =	vst.add.f32.msk $0xffff, v3  }
0x209: {  	[tilespmem:s22+$0x2E70] =	vst.add.f32.msk $0xffff, v4  }
0x20a: {  	s4 =	simm.s32 $0x0;
	s3 =	rddreg [dreg:$0x8]  }
0x20b: {  	s6 =	simm.s32 $0x2A00;
	s11 =	simm.s32 $0x6;
	s3 =	sadd.s32 s8, s3  }
0x20c: {  	[hbm4b:s3+s4] =	stream.linear.scatter [tilespmem:s6], [sflag:$0x7], $0x2800, $0x38;
	[tilespmem:$0x12E00] =	vst v63  }
0x20d: {  	_ =	swait.ge [sflag:s11], $0x2800  }
0x20e: {  	[sflag:s11] =	ssyncset.done $0x0  }
0x20f: {  	s17 =	simm.s32 $0xC;
	[sflag:s11] =	ssyncadd.s32 $0xFFFFD800  }
0x210: {  	_ =	swait.ge [sflag:s17], $0xC8  }
0x211: {  	[sflag:s17] =	ssyncset.done $0x0  }
0x212: {  	[sflag:s17] =	ssyncadd.s32 $0xFFFFFF38  }
0x213: {  	v3 =	vld [tilespmem:$0x100];
	_ =	sdelay $0x4  }
0x214: {  	v4 =	vshll.u32 v3, $0x1  }
0x215: {  	v3 =	vand.u32 $0x7, v3;
	v4 =	vand.u32 $0xFFFFFFF0, v4  }
0x216: {  	v3 =	vor.u32 v3, v4  }
0x217: {  	v4 =	vperm.xlane v3, v0;
	_ =	sdelay $0x1  }
0x218: {  	v3 =	vperm.xlane v3, v2;
	v4 =	vadd.s32 v1, v4;
	_ =	sdelay $0x1  }
0x219: {  	v3 =	vadd.s32 v1, v3;
	_ =	sdelay $0x1  }
0x21a: {  	s19 =	simm.s32 $0x200  }
0x21b: {  	[tilespmem:s19], [sflag:$0x1] =	stream.indirect_vreg.gather [hbm4b:s2+s4], $0x80, v4, vm0, $0xb8;
	[tilespmem:$0x12E00] =	vst v63  }
0x21c: {  	s21 =	simm.s32 $0xA00  }
0x21d: {  	[tilespmem:s21], [sflag:$0x1] =	stream.indirect_vreg.gather [hbm4b:s2+s4], $0x80, v3, vm0, $0xb8;
	[tilespmem:$0x12E00] =	vst v63  }
0x21e: {  	v3 =	vld [tilespmem:$0x110];
	_ =	sdelay $0x4  }
0x21f: {  	v4 =	vshll.u32 v3, $0x1  }
0x220: {  	v3 =	vand.u32 $0x7, v3;
	v4 =	vand.u32 $0xFFFFFFF0, v4  }
0x221: {  	v3 =	vor.u32 v3, v4  }
0x222: {  	v4 =	vperm.xlane v3, v0;
	_ =	sdelay $0x1  }
0x223: {  	v3 =	vperm.xlane v3, v2;
	v4 =	vadd.s32 v1, v4;
	_ =	sdelay $0x1  }
0x224: {  	v3 =	vadd.s32 v1, v3;
	_ =	sdelay $0x1  }
0x225: {  	s22 =	simm.s32 $0x1200  }
0x226: {  	[tilespmem:s22], [sflag:$0x1] =	stream.indirect_vreg.gather [hbm4b:s2+s4], $0x80, v4, vm0, $0xb8;
	[tilespmem:$0x12E00] =	vst v63  }
0x227: {  	s23 =	simm.s32 $0x1A00  }
0x228: {  	[tilespmem:s23], [sflag:$0x1] =	stream.indirect_vreg.gather [hbm4b:s2+s4], $0x80, v3, vm0, $0xb8;
	[tilespmem:$0x12E00] =	vst v63  }
0x229: {  	v3 =	vld.msk [tilespmem:$0x120], $0xff;
	_ =	sdelay $0x4  }
0x22a: {  	v4 =	vshll.u32 v3, $0x1  }
0x22b: {  	v3 =	vand.u32 $0x7, v3;
	v4 =	vand.u32 $0xFFFFFFF0, v4  }
0x22c: {  	v3 =	vor.u32 v3, v4  }
0x22d: {  	v3 =	vperm.xlane v3, v0;
	_ =	sdelay $0x1  }
0x22e: {  	v3 =	vadd.s32 v1, v3;
	_ =	sdelay $0x3  }
0x22f: {  	s24 =	simm.s32 $0x2200  }
0x230: {  	[tilespmem:s24], [sflag:$0x1] =	stream.indirect_vreg.gather [hbm4b:s2+s4], $0x80, v3, vm0, $0xb8;
	[tilespmem:$0x12E00] =	vst v63  }
0x231: {  	_ =	swait.ge [sflag:s31], $0x2800  }
0x232: {  	[sflag:s31] =	ssyncset.done $0x0  }
0x233: {  	s19 =	simm.s32 $0xF2F0;
	[sflag:s31] =	ssyncadd.s32 $0xFFFFD800  }
0x234: {  	v3 =	vld [tilespmem:s19+$0xFFFFFF90];
	_ =	sdelay $0x3  }
0x235: {  	s25 =	sand.u32 $0x3800, s4;
	s4 =	sand.u32 $0x300, s4;
	v4 =	vld [tilespmem:s19+$0xFFFFFF10]  }
0x236: {  	s17 =	sor.u32 s4, s25;
	v5 =	vshll.u32 v3, $0x10  }
0x237: {  	v3 =	vand.u32 $0xFFFF0000, v3;
	[tilespmem:s17+$0x5280] =	vst.add.f32.msk $0xffff, v5  }
0x238: {  	[tilespmem:s17+$0x5290] =	vst.add.f32.msk $0xffff, v3  }
0x239: {  	v3 =	vld [tilespmem:s19+$0xFFFFFFA0]  }
0x23a: {  	v5 =	vshll.u32 v4, $0x10  }
0x23b: {  	v4 =	vand.u32 $0xFFFF0000, v4;
	[tilespmem:s17+$0x5200] =	vst.add.f32.msk $0xffff, v5  }
0x23c: {  	[tilespmem:s17+$0x5210] =	vst.add.f32.msk $0xffff, v4  }
0x23d: {  	v4 =	vld [tilespmem:s19+$0xFFFFFF20]  }
0x23e: {  	v5 =	vshll.u32 v3, $0x10  }
0x23f: {  	v3 =	vand.u32 $0xFFFF0000, v3;
	[tilespmem:s17+$0x52A0] =	vst.add.f32.msk $0xffff, v5  }
0x240: {  	[tilespmem:s17+$0x52B0] =	vst.add.f32.msk $0xffff, v3  }
0x241: {  	v3 =	vld [tilespmem:s19+$0xFFFFFFB0]  }
0x242: {  	v5 =	vshll.u32 v4, $0x10  }
0x243: {  	v4 =	vand.u32 $0xFFFF0000, v4;
	[tilespmem:s17+$0x5220] =	vst.add.f32.msk $0xffff, v5  }
0x244: {  	[tilespmem:s17+$0x5230] =	vst.add.f32.msk $0xffff, v4  }
0x245: {  	v4 =	vld [tilespmem:s19+$0xFFFFFF30]  }
0x246: {  	v5 =	vshll.u32 v3, $0x10  }
0x247: {  	v3 =	vand.u32 $0xFFFF0000, v3;
	[tilespmem:s17+$0x52C0] =	vst.add.f32.msk $0xffff, v5  }
0x248: {  	[tilespmem:s17+$0x52D0] =	vst.add.f32.msk $0xffff, v3  }
0x249: {  	v3 =	vld [tilespmem:s19+$0xFFFFFFC0]  }
0x24a: {  	v5 =	vshll.u32 v4, $0x10  }
0x24b: {  	v4 =	vand.u32 $0xFFFF0000, v4;
	[tilespmem:s17+$0x5240] =	vst.add.f32.msk $0xffff, v5  }
0x24c: {  	[tilespmem:s17+$0x5250] =	vst.add.f32.msk $0xffff, v4  }
0x24d: {  	v4 =	vld [tilespmem:s19+$0xFFFFFF40]  }
0x24e: {  	v5 =	vshll.u32 v3, $0x10  }
0x24f: {  	v3 =	vand.u32 $0xFFFF0000, v3;
	[tilespmem:s17+$0x52E0] =	vst.add.f32.msk $0xffff, v5  }
0x250: {  	[tilespmem:s17+$0x52F0] =	vst.add.f32.msk $0xffff, v3  }
0x251: {  	v3 =	vld [tilespmem:s19+$0xFFFFFFD0]  }
0x252: {  	v5 =	vshll.u32 v4, $0x10  }
0x253: {  	v4 =	vand.u32 $0xFFFF0000, v4;
	[tilespmem:s17+$0x5260] =	vst.add.f32.msk $0xffff, v5  }
0x254: {  	[tilespmem:s17+$0x5270] =	vst.add.f32.msk $0xffff, v4  }
0x255: {  	v4 =	vld [tilespmem:s19+$0xFFFFFF50]  }
0x256: {  	v5 =	vshll.u32 v3, $0x10  }
0x257: {  	v3 =	vand.u32 $0xFFFF0000, v3;
	[tilespmem:s17+$0x5680] =	vst.add.f32.msk $0xffff, v5  }
0x258: {  	[tilespmem:s17+$0x5690] =	vst.add.f32.msk $0xffff, v3  }
0x259: {  	s21 =	simm.s32 $0xF3F0;
	v3 =	vld [tilespmem:s19+$0xFFFFFFE0]  }
0x25a: {  	v7 =	vld [tilespmem:s21+$0xFFFFFF10];
	v5 =	vshll.u32 v4, $0x10  }
0x25b: {  	[tilespmem:s17+$0x5600] =	vst.add.f32.msk $0xffff, v5  }
0x25c: {  	v4 =	vand.u32 $0xFFFF0000, v4;
	v5 =	vld [tilespmem:s21+$0xFFFFFF90]  }
0x25d: {  	[tilespmem:s17+$0x5610] =	vst.add.f32.msk $0xffff, v4  }
0x25e: {  	v4 =	vld [tilespmem:s19+$0xFFFFFF60];
	v6 =	vshll.u32 v3, $0x10  }
0x25f: {  	s23 =	simm.s32 $0x200;
	s25 =	simm.s32 $0x100;
	v3 =	vand.u32 $0xFFFF0000, v3;
	[tilespmem:s17+$0x56A0] =	vst.add.f32.msk $0xffff, v6  }
0x260: {  	s28 =	sand.u32 $0x3800, s23;
	s30 =	sand.u32 $0x300, s25;
	[tilespmem:s17+$0x56B0] =	vst.add.f32.msk $0xffff, v3  }
0x261: {  	s22 =	sor.u32 s30, s28;
	v8 =	vshll.u32 v5, $0x10;
	v3 =	vld [tilespmem:s19+$0xFFFFFFF0]  }
0x262: {  	v5 =	vand.u32 $0xFFFF0000, v5;
	[tilespmem:s22+$0x5280] =	vst.add.f32.msk $0xffff, v8  }
0x263: {  	v6 =	vshll.u32 v4, $0x10;
	[tilespmem:s22+$0x5290] =	vst.add.f32.msk $0xffff, v5  }
0x264: {  	[tilespmem:s17+$0x5620] =	vst.add.f32.msk $0xffff, v6  }
0x265: {  	v4 =	vand.u32 $0xFFFF0000, v4;
	v5 =	vld [tilespmem:s21+$0xFFFFFFA0]  }
0x266: {  	[tilespmem:s17+$0x5630] =	vst.add.f32.msk $0xffff, v4;
	v6 =	vshll.u32 v3, $0x10  }
0x267: {  	v3 =	vand.u32 $0xFFFF0000, v3;
	[tilespmem:s17+$0x56C0] =	vst.add.f32.msk $0xffff, v6  }
0x268: {  	v6 =	vshll.u32 v7, $0x10;
	[tilespmem:s17+$0x56D0] =	vst.add.f32.msk $0xffff, v3  }
0x269: {  	v3 =	vand.u32 $0xFFFF0000, v7;
	[tilespmem:s22+$0x5200] =	vst.add.f32.msk $0xffff, v6  }
0x26a: {  	[tilespmem:s22+$0x5210] =	vst.add.f32.msk $0xffff, v3  }
0x26b: {  	v4 =	vand.u32 $0xFFFF0000, v5;
	v3 =	vld [tilespmem:s21+$0xFFFFFF20]  }
0x26c: {  	v7 =	vshll.u32 v5, $0x10;
	[tilespmem:s22+$0x52B0] =	vst.add.f32.msk $0xffff, v4  }
0x26d: {  	[tilespmem:s22+$0x52A0] =	vst.add.f32.msk $0xffff, v7  }
0x26e: {  	v5 =	vld [tilespmem:s21+$0xFFFFFFB0]  }
0x26f: {  	v6 =	vld [tilespmem:s19+$0x0]  }
0x270: {  	v4 =	vshll.u32 v3, $0x10  }
0x271: {  	v3 =	vand.u32 $0xFFFF0000, v3;
	[tilespmem:s22+$0x5220] =	vst.add.f32.msk $0xffff, v4  }
0x272: {  	[tilespmem:s22+$0x5230] =	vst.add.f32.msk $0xffff, v3  }
0x273: {  	v7 =	vshll.u32 v5, $0x10;
	v4 =	vld [tilespmem:s21+$0xFFFFFF30]  }
0x274: {  	v3 =	vand.u32 $0xFFFF0000, v6;
	[tilespmem:s22+$0x52C0] =	vst.add.f32.msk $0xffff, v7  }
0x275: {  	[tilespmem:s17+$0x56F0] =	vst.add.f32.msk $0xffff, v3  }
0x276: {  	v5 =	vand.u32 $0xFFFF0000, v5;
	v3 =	vld [tilespmem:s19+$0xFFFFFF70]  }
0x277: {  	[tilespmem:s22+$0x52D0] =	vst.add.f32.msk $0xffff, v5  }
0x278: {  	v7 =	vld [tilespmem:s21+$0xFFFFFFC0];
	v5 =	vshll.u32 v4, $0x10  }
0x279: {  	v4 =	vand.u32 $0xFFFF0000, v4;
	[tilespmem:s22+$0x5240] =	vst.add.f32.msk $0xffff, v5  }
0x27a: {  	[tilespmem:s22+$0x5250] =	vst.add.f32.msk $0xffff, v4  }
0x27b: {  	v4 =	vshll.u32 v3, $0x10;
	v5 =	vld [tilespmem:s21+$0xFFFFFF40]  }
0x27c: {  	v3 =	vand.u32 $0xFFFF0000, v3;
	[tilespmem:s17+$0x5640] =	vst.add.f32.msk $0xffff, v4  }
0x27d: {  	v4 =	vshll.u32 v7, $0x10;
	[tilespmem:s17+$0x5650] =	vst.add.f32.msk $0xffff, v3  }
0x27e: {  	v3 =	vand.u32 $0xFFFF0000, v7;
	[tilespmem:s22+$0x52E0] =	vst.add.f32.msk $0xffff, v4  }
0x27f: {  	[tilespmem:s22+$0x52F0] =	vst.add.f32.msk $0xffff, v3  }
0x280: {  	v4 =	vld [tilespmem:s21+$0xFFFFFFD0];
	v3 =	vshll.u32 v5, $0x10  }
0x281: {  	v5 =	vand.u32 $0xFFFF0000, v5;
	[tilespmem:s22+$0x5260] =	vst.add.f32.msk $0xffff, v3  }
0x282: {  	[tilespmem:s22+$0x5270] =	vst.add.f32.msk $0xffff, v5  }
0x283: {  	v3 =	vld [tilespmem:s21+$0xFFFFFF50]  }
0x284: {  	v5 =	vshll.u32 v6, $0x10;
	v6 =	vld [tilespmem:s19+$0xFFFFFF80]  }
0x285: {  	v7 =	vshll.u32 v4, $0x10;
	[tilespmem:s17+$0x56E0] =	vst.add.f32.msk $0xffff, v5  }
0x286: {  	v4 =	vand.u32 $0xFFFF0000, v4;
	[tilespmem:s22+$0x5680] =	vst.add.f32.msk $0xffff, v7  }
0x287: {  	[tilespmem:s22+$0x5690] =	vst.add.f32.msk $0xffff, v4  }
0x288: {  	v4 =	vld [tilespmem:s21+$0xFFFFFFE0];
	v5 =	vshll.u32 v3, $0x10  }
0x289: {  	v3 =	vand.u32 $0xFFFF0000, v3;
	[tilespmem:s22+$0x5600] =	vst.add.f32.msk $0xffff, v5  }
0x28a: {  	[tilespmem:s22+$0x5610] =	vst.add.f32.msk $0xffff, v3  }
0x28b: {  	v7 =	vshll.u32 v6, $0x10;
	v5 =	vld [tilespmem:s21+$0xFFFFFF60]  }
0x28c: {  	s29 =	simm.s32 $0x2;
	s19 =	simm.s32 $0xF4F0;
	[tilespmem:s17+$0x5660] =	vst.add.f32.msk $0xffff, v7;
	v3 =	vand.u32 $0xFFFF0000, v6  }
.LBB2_7:
0x28d: {  	v6 =	vld [tilespmem:s19+$0xFFFFFF90];
	v7 =	vshll.u32 v4, $0x10  }
0x28e: {  	v4 =	vand.u32 $0xFFFF0000, v4;
	[tilespmem:s22+$0x56A0] =	vst.add.f32.msk $0xffff, v7  }
0x28f: {  	[tilespmem:s22+$0x56B0] =	vst.add.f32.msk $0xffff, v4  }
0x290: {  	s23 =	sadd.s32 $0x200, s23;
	s25 =	sadd.s32 $0x100, s25;
	v4 =	vshll.u32 v5, $0x10;
	v5 =	vand.u32 $0xFFFF0000, v5;
	v7 =	vld [tilespmem:s21+$0xFFFFFFF0]  }
0x291: {  	s3 =	sand.u32 $0x3800, s23;
	s4 =	sand.u32 $0x300, s25;
	v8 =	vld [tilespmem:s19+$0xFFFFFF10]  }
0x292: {  	s3 =	sor.u32 s4, s3;
	v9 =	vshll.u32 v6, $0x10;
	[tilespmem:s22+$0x5620] =	vst.add.f32.msk $0xffff, v4  }
0x293: {  	v4 =	vand.u32 $0xFFFF0000, v6;
	[tilespmem:s3+$0x5280] =	vst.add.f32.msk $0xffff, v9  }
0x294: {  	[tilespmem:s3+$0x5290] =	vst.add.f32.msk $0xffff, v4  }
0x295: {  	v4 =	vld [tilespmem:s19+$0xFFFFFFA0];
	v6 =	vshll.u32 v7, $0x10  }
0x296: {  	v7 =	vand.u32 $0xFFFF0000, v7;
	v9 =	vshll.u32 v8, $0x10;
	v8 =	vand.u32 $0xFFFF0000, v8;
	[tilespmem:s22+$0x56C0] =	vst.add.f32.msk $0xffff, v6  }
0x297: {  	s29 =	sadd.s32 $0x2, s29;
	[tilespmem:s22+$0x56D0] =	vst.add.f32.msk $0xffff, v7  }
0x298: {  	p0 =	slt.u32 s29, $0x26;
	v6 =	vld [tilespmem:s21+$0x0]  }
0x299: {  	[tilespmem:s3+$0x5200] =	vst.add.f32.msk $0xffff, v9  }
0x29a: {  	[tilespmem:s3+$0x5210] =	vst.add.f32.msk $0xffff, v8  }
0x29b: {  	v7 =	vld [tilespmem:s19+$0xFFFFFF20]  }
0x29c: {  	v8 =	vshll.u32 v4, $0x10;
	[tilespmem:s22+$0x5630] =	vst.add.f32.msk $0xffff, v5  }
0x29d: {  	[tilespmem:s3+$0x52A0] =	vst.add.f32.msk $0xffff, v8;
	v5 =	vshll.u32 v6, $0x10;
	v6 =	vand.u32 $0xFFFF0000, v6  }
0x29e: {  	v4 =	vand.u32 $0xFFFF0000, v4;
	[tilespmem:s22+$0x56F0] =	vst.add.f32.msk $0xffff, v6  }
0x29f: {  	[tilespmem:s3+$0x52B0] =	vst.add.f32.msk $0xffff, v4  }
0x2a0: {  	v4 =	vshll.u32 v7, $0x10;
	v6 =	vand.u32 $0xFFFF0000, v7;
	v7 =	vld [tilespmem:s19+$0xFFFFFFB0]  }
0x2a1: {  	[tilespmem:s3+$0x5220] =	vst.add.f32.msk $0xffff, v4  }
0x2a2: {  	[tilespmem:s3+$0x5230] =	vst.add.f32.msk $0xffff, v6  }
0x2a3: {  	v4 =	vld [tilespmem:s19+$0xFFFFFF30]  }
0x2a4: {  	v6 =	vld [tilespmem:s21+$0xFFFFFF70]  }
0x2a5: {  	v8 =	vshll.u32 v7, $0x10;
	[tilespmem:s17+$0x5670] =	vst.add.f32.msk $0xffff, v3;
	s17 =	smov.u32 s22;
	s22 =	smov.u32 s3  }
0x2a6: {  	v3 =	vand.u32 $0xFFFF0000, v7;
	[tilespmem:s22+$0x52C0] =	vst.add.f32.msk $0xffff, v8  }
0x2a7: {  	[tilespmem:s22+$0x52D0] =	vst.add.f32.msk $0xffff, v3  }
0x2a8: {  	v3 =	vshll.u32 v4, $0x10;
	v4 =	vand.u32 $0xFFFF0000, v4;
	v7 =	vld [tilespmem:s19+$0xFFFFFFC0]  }
0x2a9: {  	[tilespmem:s22+$0x5240] =	vst.add.f32.msk $0xffff, v3;
	v3 =	vshll.u32 v6, $0x10;
	v6 =	vand.u32 $0xFFFF0000, v6  }
0x2aa: {  	[tilespmem:s22+$0x5250] =	vst.add.f32.msk $0xffff, v4  }
0x2ab: {  	v4 =	vld [tilespmem:s19+$0xFFFFFF40]  }
0x2ac: {  	[tilespmem:s17+$0x5640] =	vst.add.f32.msk $0xffff, v3  }
0x2ad: {  	v3 =	vshll.u32 v7, $0x10;
	[tilespmem:s17+$0x5650] =	vst.add.f32.msk $0xffff, v6  }
0x2ae: {  	v6 =	vand.u32 $0xFFFF0000, v7;
	[tilespmem:s22+$0x52E0] =	vst.add.f32.msk $0xffff, v3  }
0x2af: {  	[tilespmem:s22+$0x52F0] =	vst.add.f32.msk $0xffff, v6  }
0x2b0: {  	v3 =	vshll.u32 v4, $0x10;
	v4 =	vand.u32 $0xFFFF0000, v4;
	v6 =	vld [tilespmem:s19+$0xFFFFFFD0]  }
0x2b1: {  	[tilespmem:s22+$0x5260] =	vst.add.f32.msk $0xffff, v3  }
0x2b2: {  	[tilespmem:s22+$0x5270] =	vst.add.f32.msk $0xffff, v4  }
0x2b3: {  	v3 =	vld [tilespmem:s19+$0xFFFFFF50]  }
0x2b4: {  	v7 =	vld [tilespmem:s21+$0xFFFFFF80];
	s21 =	smov.u32 s19  }
0x2b5: {  	v4 =	vshll.u32 v6, $0x10;
	[tilespmem:s17+$0x56E0] =	vst.add.f32.msk $0xffff, v5  }
0x2b6: {  	v5 =	vand.u32 $0xFFFF0000, v6;
	[tilespmem:s22+$0x5680] =	vst.add.f32.msk $0xffff, v4  }
0x2b7: {  	[tilespmem:s22+$0x5690] =	vst.add.f32.msk $0xffff, v5  }
.Ltmp4:
0x2b8: {  	v5 =	vshll.u32 v3, $0x10;
	v6 =	vand.u32 $0xFFFF0000, v3;
	v4 =	vld [tilespmem:s19+$0xFFFFFFE0];
	(pc) =	sbr.rel @p0 .LBB2_7-.Ltmp4, $4  }
0x2b9: {  	[tilespmem:s22+$0x5600] =	vst.add.f32.msk $0xffff, v5;
	v8 =	vshll.u32 v7, $0x10;
	v3 =	vand.u32 $0xFFFF0000, v7  }
0x2ba: {  	[tilespmem:s22+$0x5610] =	vst.add.f32.msk $0xffff, v6  }
0x2bb: {  	v5 =	vld [tilespmem:s19+$0xFFFFFF60]  }
0x2bc: {  	s19 =	sadd.s32 $0x100, s19;
	[tilespmem:s17+$0x5660] =	vst.add.f32.msk $0xffff, v8  }
0x2bd: {  	v6 =	vshll.u32 v4, $0x10  }
0x2be: {  	v4 =	vand.u32 $0xFFFF0000, v4;
	[tilespmem:s22+$0x56A0] =	vst.add.f32.msk $0xffff, v6  }
0x2bf: {  	[tilespmem:s22+$0x56B0] =	vst.add.f32.msk $0xffff, v4  }
0x2c0: {  	v6 =	vld [tilespmem:s21+$0xFFFFFFF0];
	v4 =	vshll.u32 v5, $0x10  }
0x2c1: {  	v5 =	vand.u32 $0xFFFF0000, v5;
	[tilespmem:s22+$0x5620] =	vst.add.f32.msk $0xffff, v4  }
0x2c2: {  	[tilespmem:s22+$0x5630] =	vst.add.f32.msk $0xffff, v5  }
0x2c3: {  	v4 =	vld [tilespmem:s21+$0xFFFFFF70];
	_ =	sdelay $0x1  }
0x2c4: {  	v5 =	vshll.u32 v6, $0x10  }
0x2c5: {  	v6 =	vand.u32 $0xFFFF0000, v6;
	[tilespmem:s22+$0x56C0] =	vst.add.f32.msk $0xffff, v5  }
0x2c6: {  	[tilespmem:s22+$0x56D0] =	vst.add.f32.msk $0xffff, v6  }
0x2c7: {  	v5 =	vld [tilespmem:s21+$0x0];
	v6 =	vshll.u32 v4, $0x10  }
0x2c8: {  	v4 =	vand.u32 $0xFFFF0000, v4;
	[tilespmem:s22+$0x5640] =	vst.add.f32.msk $0xffff, v6  }
0x2c9: {  	[tilespmem:s22+$0x5650] =	vst.add.f32.msk $0xffff, v4  }
0x2ca: {  	v4 =	vld [tilespmem:s21+$0xFFFFFF80];
	_ =	sdelay $0x2  }
0x2cb: {  	[tilespmem:s17+$0x5670] =	vst.add.f32.msk $0xffff, v3;
	v6 =	vand.u32 $0xFFFF0000, v5  }
0x2cc: {  	v5 =	vshll.u32 v5, $0x10;
	[tilespmem:s22+$0x56F0] =	vst.add.f32.msk $0xffff, v6  }
0x2cd: {  	[tilespmem:s22+$0x56E0] =	vst.add.f32.msk $0xffff, v5;
	v3 =	vshll.u32 v4, $0x10  }
0x2ce: {  	v4 =	vand.u32 $0xFFFF0000, v4;
	[tilespmem:s22+$0x5660] =	vst.add.f32.msk $0xffff, v3  }
0x2cf: {  	[tilespmem:s22+$0x5670] =	vst.add.f32.msk $0xffff, v4  }
0x2d0: {  	s4 =	simm.s32 $0x0;
	s3 =	rddreg [dreg:$0x9]  }
0x2d1: {  	s6 =	simm.s32 $0x5200;
	s17 =	simm.s32 $0x7;
	s3 =	sadd.s32 s8, s3  }
0x2d2: {  	[hbm4b:s3+s4] =	stream.linear.scatter [tilespmem:s6], [sflag:$0x8], $0x2800, $0x38;
	[tilespmem:$0x12E00] =	vst v63  }
0x2d3: {  	_ =	swait.ge [sflag:s17], $0x2800  }
0x2d4: {  	[sflag:s17] =	ssyncset.done $0x0  }
0x2d5: {  	[sflag:s17] =	ssyncadd.s32 $0xFFFFD800  }
0x2d6: {  	v3 =	vld [tilespmem:$0x128];
	_ =	sdelay $0x4  }
0x2d7: {  	v4 =	vshll.u32 v3, $0x1  }
0x2d8: {  	v3 =	vand.u32 $0x7, v3;
	v4 =	vand.u32 $0xFFFFFFF0, v4  }
0x2d9: {  	v3 =	vor.u32 v3, v4  }
0x2da: {  	v4 =	vperm.xlane v3, v0;
	_ =	sdelay $0x1  }
0x2db: {  	v3 =	vperm.xlane v3, v2;
	v4 =	vadd.s32 v1, v4;
	_ =	sdelay $0x1  }
0x2dc: {  	v3 =	vadd.s32 v1, v3;
	_ =	sdelay $0x1  }
0x2dd: {  	s19 =	simm.s32 $0x2A00  }
0x2de: {  	[tilespmem:s19], [sflag:$0x2] =	stream.indirect_vreg.gather [hbm4b:s2+s4], $0x80, v4, vm0, $0xb8;
	[tilespmem:$0x12E00] =	vst v63  }
0x2df: {  	s21 =	simm.s32 $0x3200  }
0x2e0: {  	[tilespmem:s21], [sflag:$0x2] =	stream.indirect_vreg.gather [hbm4b:s2+s4], $0x80, v3, vm0, $0xb8;
	[tilespmem:$0x12E00] =	vst v63  }
0x2e1: {  	v3 =	vld [tilespmem:$0x138];
	_ =	sdelay $0x4  }
0x2e2: {  	v4 =	vshll.u32 v3, $0x1  }
0x2e3: {  	v3 =	vand.u32 $0x7, v3;
	v4 =	vand.u32 $0xFFFFFFF0, v4  }
0x2e4: {  	v3 =	vor.u32 v3, v4  }
0x2e5: {  	v4 =	vperm.xlane v3, v0;
	_ =	sdelay $0x1  }
0x2e6: {  	v3 =	vperm.xlane v3, v2;
	v4 =	vadd.s32 v1, v4;
	_ =	sdelay $0x1  }
0x2e7: {  	v3 =	vadd.s32 v1, v3;
	_ =	sdelay $0x1  }
0x2e8: {  	s22 =	simm.s32 $0x3A00  }
0x2e9: {  	[tilespmem:s22], [sflag:$0x2] =	stream.indirect_vreg.gather [hbm4b:s2+s4], $0x80, v4, vm0, $0xb8;
	[tilespmem:$0x12E00] =	vst v63  }
0x2ea: {  	s23 =	simm.s32 $0x4200  }
0x2eb: {  	[tilespmem:s23], [sflag:$0x2] =	stream.indirect_vreg.gather [hbm4b:s2+s4], $0x80, v3, vm0, $0xb8;
	[tilespmem:$0x12E00] =	vst v63  }
0x2ec: {  	v3 =	vld.msk [tilespmem:$0x148], $0xff;
	_ =	sdelay $0x4  }
0x2ed: {  	v4 =	vshll.u32 v3, $0x1  }
0x2ee: {  	v3 =	vand.u32 $0x7, v3;
	v4 =	vand.u32 $0xFFFFFFF0, v4  }
0x2ef: {  	v3 =	vor.u32 v3, v4  }
0x2f0: {  	v3 =	vperm.xlane v3, v0;
	_ =	sdelay $0x1  }
0x2f1: {  	v3 =	vadd.s32 v1, v3;
	_ =	sdelay $0x3  }
0x2f2: {  	s24 =	simm.s32 $0x4A00  }
0x2f3: {  	[tilespmem:s24], [sflag:$0x2] =	stream.indirect_vreg.gather [hbm4b:s2+s4], $0x80, v3, vm0, $0xb8;
	[tilespmem:$0x12E00] =	vst v63  }
0x2f4: {  	_ =	swait.ge [sflag:s0], $0x2800  }
0x2f5: {  	[sflag:s0] =	ssyncset.done $0x0  }
0x2f6: {  	s19 =	simm.s32 $0x106F0;
	[sflag:s0] =	ssyncadd.s32 $0xFFFFD800  }
0x2f7: {  	v3 =	vld [tilespmem:s19+$0xFFFFFF90];
	_ =	sdelay $0x3  }
0x2f8: {  	s25 =	sand.u32 $0x3800, s4;
	s4 =	sand.u32 $0x300, s4;
	v4 =	vld [tilespmem:s19+$0xFFFFFF10]  }
0x2f9: {  	s17 =	sor.u32 s4, s25;
	v5 =	vshll.u32 v3, $0x10  }
0x2fa: {  	v3 =	vand.u32 $0xFFFF0000, v3;
	[tilespmem:s17+$0x7A80] =	vst.add.f32.msk $0xffff, v5  }
0x2fb: {  	[tilespmem:s17+$0x7A90] =	vst.add.f32.msk $0xffff, v3  }
0x2fc: {  	v3 =	vld [tilespmem:s19+$0xFFFFFFA0]  }
0x2fd: {  	v5 =	vshll.u32 v4, $0x10  }
0x2fe: {  	v4 =	vand.u32 $0xFFFF0000, v4;
	[tilespmem:s17+$0x7A00] =	vst.add.f32.msk $0xffff, v5  }
0x2ff: {  	[tilespmem:s17+$0x7A10] =	vst.add.f32.msk $0xffff, v4  }
0x300: {  	v4 =	vld [tilespmem:s19+$0xFFFFFF20]  }
0x301: {  	v5 =	vshll.u32 v3, $0x10  }
0x302: {  	v3 =	vand.u32 $0xFFFF0000, v3;
	[tilespmem:s17+$0x7AA0] =	vst.add.f32.msk $0xffff, v5  }
0x303: {  	[tilespmem:s17+$0x7AB0] =	vst.add.f32.msk $0xffff, v3  }
0x304: {  	v3 =	vld [tilespmem:s19+$0xFFFFFFB0]  }
0x305: {  	v5 =	vshll.u32 v4, $0x10  }
0x306: {  	v4 =	vand.u32 $0xFFFF0000, v4;
	[tilespmem:s17+$0x7A20] =	vst.add.f32.msk $0xffff, v5  }
0x307: {  	[tilespmem:s17+$0x7A30] =	vst.add.f32.msk $0xffff, v4  }
0x308: {  	v4 =	vld [tilespmem:s19+$0xFFFFFF30]  }
0x309: {  	v5 =	vshll.u32 v3, $0x10  }
0x30a: {  	v3 =	vand.u32 $0xFFFF0000, v3;
	[tilespmem:s17+$0x7AC0] =	vst.add.f32.msk $0xffff, v5  }
0x30b: {  	[tilespmem:s17+$0x7AD0] =	vst.add.f32.msk $0xffff, v3  }
0x30c: {  	v3 =	vld [tilespmem:s19+$0xFFFFFFC0]  }
0x30d: {  	v5 =	vshll.u32 v4, $0x10  }
0x30e: {  	v4 =	vand.u32 $0xFFFF0000, v4;
	[tilespmem:s17+$0x7A40] =	vst.add.f32.msk $0xffff, v5  }
0x30f: {  	[tilespmem:s17+$0x7A50] =	vst.add.f32.msk $0xffff, v4  }
0x310: {  	v4 =	vld [tilespmem:s19+$0xFFFFFF40]  }
0x311: {  	v5 =	vshll.u32 v3, $0x10  }
0x312: {  	v3 =	vand.u32 $0xFFFF0000, v3;
	[tilespmem:s17+$0x7AE0] =	vst.add.f32.msk $0xffff, v5  }
0x313: {  	[tilespmem:s17+$0x7AF0] =	vst.add.f32.msk $0xffff, v3  }
0x314: {  	v3 =	vld [tilespmem:s19+$0xFFFFFFD0]  }
0x315: {  	v5 =	vshll.u32 v4, $0x10  }
0x316: {  	v4 =	vand.u32 $0xFFFF0000, v4;
	[tilespmem:s17+$0x7A60] =	vst.add.f32.msk $0xffff, v5  }
0x317: {  	[tilespmem:s17+$0x7A70] =	vst.add.f32.msk $0xffff, v4  }
0x318: {  	v4 =	vld [tilespmem:s19+$0xFFFFFF50]  }
0x319: {  	v5 =	vshll.u32 v3, $0x10  }
0x31a: {  	v3 =	vand.u32 $0xFFFF0000, v3;
	[tilespmem:s17+$0x7E80] =	vst.add.f32.msk $0xffff, v5  }
0x31b: {  	[tilespmem:s17+$0x7E90] =	vst.add.f32.msk $0xffff, v3  }
0x31c: {  	s21 =	simm.s32 $0x107F0;
	v3 =	vld [tilespmem:s19+$0xFFFFFFE0]  }
0x31d: {  	v7 =	vld [tilespmem:s21+$0xFFFFFF10];
	v5 =	vshll.u32 v4, $0x10  }
0x31e: {  	[tilespmem:s17+$0x7E00] =	vst.add.f32.msk $0xffff, v5  }
0x31f: {  	v4 =	vand.u32 $0xFFFF0000, v4;
	v5 =	vld [tilespmem:s21+$0xFFFFFF90]  }
0x320: {  	[tilespmem:s17+$0x7E10] =	vst.add.f32.msk $0xffff, v4  }
0x321: {  	v4 =	vld [tilespmem:s19+$0xFFFFFF60];
	v6 =	vshll.u32 v3, $0x10  }
0x322: {  	s23 =	simm.s32 $0x200;
	s25 =	simm.s32 $0x100;
	v3 =	vand.u32 $0xFFFF0000, v3;
	[tilespmem:s17+$0x7EA0] =	vst.add.f32.msk $0xffff, v6  }
0x323: {  	s28 =	sand.u32 $0x3800, s23;
	s30 =	sand.u32 $0x300, s25;
	[tilespmem:s17+$0x7EB0] =	vst.add.f32.msk $0xffff, v3  }
0x324: {  	s22 =	sor.u32 s30, s28;
	v8 =	vshll.u32 v5, $0x10;
	v3 =	vld [tilespmem:s19+$0xFFFFFFF0]  }
0x325: {  	v5 =	vand.u32 $0xFFFF0000, v5;
	[tilespmem:s22+$0x7A80] =	vst.add.f32.msk $0xffff, v8  }
0x326: {  	v6 =	vshll.u32 v4, $0x10;
	[tilespmem:s22+$0x7A90] =	vst.add.f32.msk $0xffff, v5  }
0x327: {  	[tilespmem:s17+$0x7E20] =	vst.add.f32.msk $0xffff, v6  }
0x328: {  	v4 =	vand.u32 $0xFFFF0000, v4;
	v5 =	vld [tilespmem:s21+$0xFFFFFFA0]  }
0x329: {  	[tilespmem:s17+$0x7E30] =	vst.add.f32.msk $0xffff, v4;
	v6 =	vshll.u32 v3, $0x10  }
0x32a: {  	v3 =	vand.u32 $0xFFFF0000, v3;
	[tilespmem:s17+$0x7EC0] =	vst.add.f32.msk $0xffff, v6  }
0x32b: {  	v6 =	vshll.u32 v7, $0x10;
	[tilespmem:s17+$0x7ED0] =	vst.add.f32.msk $0xffff, v3  }
0x32c: {  	v3 =	vand.u32 $0xFFFF0000, v7;
	[tilespmem:s22+$0x7A00] =	vst.add.f32.msk $0xffff, v6  }
0x32d: {  	[tilespmem:s22+$0x7A10] =	vst.add.f32.msk $0xffff, v3  }
0x32e: {  	v4 =	vand.u32 $0xFFFF0000, v5;
	v3 =	vld [tilespmem:s21+$0xFFFFFF20]  }
0x32f: {  	v7 =	vshll.u32 v5, $0x10;
	[tilespmem:s22+$0x7AB0] =	vst.add.f32.msk $0xffff, v4  }
0x330: {  	[tilespmem:s22+$0x7AA0] =	vst.add.f32.msk $0xffff, v7  }
0x331: {  	v5 =	vld [tilespmem:s21+$0xFFFFFFB0]  }
0x332: {  	v6 =	vld [tilespmem:s19+$0x0]  }
0x333: {  	v4 =	vshll.u32 v3, $0x10  }
0x334: {  	v3 =	vand.u32 $0xFFFF0000, v3;
	[tilespmem:s22+$0x7A20] =	vst.add.f32.msk $0xffff, v4  }
0x335: {  	[tilespmem:s22+$0x7A30] =	vst.add.f32.msk $0xffff, v3  }
0x336: {  	v7 =	vshll.u32 v5, $0x10;
	v4 =	vld [tilespmem:s21+$0xFFFFFF30]  }
0x337: {  	v3 =	vand.u32 $0xFFFF0000, v6;
	[tilespmem:s22+$0x7AC0] =	vst.add.f32.msk $0xffff, v7  }
0x338: {  	[tilespmem:s17+$0x7EF0] =	vst.add.f32.msk $0xffff, v3  }
0x339: {  	v5 =	vand.u32 $0xFFFF0000, v5;
	v3 =	vld [tilespmem:s19+$0xFFFFFF70]  }
0x33a: {  	[tilespmem:s22+$0x7AD0] =	vst.add.f32.msk $0xffff, v5  }
0x33b: {  	v7 =	vld [tilespmem:s21+$0xFFFFFFC0];
	v5 =	vshll.u32 v4, $0x10  }
0x33c: {  	v4 =	vand.u32 $0xFFFF0000, v4;
	[tilespmem:s22+$0x7A40] =	vst.add.f32.msk $0xffff, v5  }
0x33d: {  	[tilespmem:s22+$0x7A50] =	vst.add.f32.msk $0xffff, v4  }
0x33e: {  	v4 =	vshll.u32 v3, $0x10;
	v5 =	vld [tilespmem:s21+$0xFFFFFF40]  }
0x33f: {  	v3 =	vand.u32 $0xFFFF0000, v3;
	[tilespmem:s17+$0x7E40] =	vst.add.f32.msk $0xffff, v4  }
0x340: {  	v4 =	vshll.u32 v7, $0x10;
	[tilespmem:s17+$0x7E50] =	vst.add.f32.msk $0xffff, v3  }
0x341: {  	v3 =	vand.u32 $0xFFFF0000, v7;
	[tilespmem:s22+$0x7AE0] =	vst.add.f32.msk $0xffff, v4  }
0x342: {  	[tilespmem:s22+$0x7AF0] =	vst.add.f32.msk $0xffff, v3  }
0x343: {  	v4 =	vld [tilespmem:s21+$0xFFFFFFD0];
	v3 =	vshll.u32 v5, $0x10  }
0x344: {  	v5 =	vand.u32 $0xFFFF0000, v5;
	[tilespmem:s22+$0x7A60] =	vst.add.f32.msk $0xffff, v3  }
0x345: {  	[tilespmem:s22+$0x7A70] =	vst.add.f32.msk $0xffff, v5  }
0x346: {  	v3 =	vld [tilespmem:s21+$0xFFFFFF50]  }
0x347: {  	v5 =	vshll.u32 v6, $0x10;
	v6 =	vld [tilespmem:s19+$0xFFFFFF80]  }
0x348: {  	v7 =	vshll.u32 v4, $0x10;
	[tilespmem:s17+$0x7EE0] =	vst.add.f32.msk $0xffff, v5  }
0x349: {  	v4 =	vand.u32 $0xFFFF0000, v4;
	[tilespmem:s22+$0x7E80] =	vst.add.f32.msk $0xffff, v7  }
0x34a: {  	[tilespmem:s22+$0x7E90] =	vst.add.f32.msk $0xffff, v4  }
0x34b: {  	v4 =	vld [tilespmem:s21+$0xFFFFFFE0];
	v5 =	vshll.u32 v3, $0x10  }
0x34c: {  	v3 =	vand.u32 $0xFFFF0000, v3;
	[tilespmem:s22+$0x7E00] =	vst.add.f32.msk $0xffff, v5  }
0x34d: {  	[tilespmem:s22+$0x7E10] =	vst.add.f32.msk $0xffff, v3  }
0x34e: {  	v7 =	vshll.u32 v6, $0x10;
	v5 =	vld [tilespmem:s21+$0xFFFFFF60]  }
0x34f: {  	s29 =	simm.s32 $0x2;
	s19 =	simm.s32 $0x108F0;
	[tilespmem:s17+$0x7E60] =	vst.add.f32.msk $0xffff, v7;
	v3 =	vand.u32 $0xFFFF0000, v6  }
.LBB2_9:
0x350: {  	v6 =	vld [tilespmem:s19+$0xFFFFFF90];
	v7 =	vshll.u32 v4, $0x10  }
0x351: {  	v4 =	vand.u32 $0xFFFF0000, v4;
	[tilespmem:s22+$0x7EA0] =	vst.add.f32.msk $0xffff, v7  }
0x352: {  	[tilespmem:s22+$0x7EB0] =	vst.add.f32.msk $0xffff, v4  }
0x353: {  	s23 =	sadd.s32 $0x200, s23;
	s25 =	sadd.s32 $0x100, s25;
	v4 =	vshll.u32 v5, $0x10;
	v5 =	vand.u32 $0xFFFF0000, v5;
	v7 =	vld [tilespmem:s21+$0xFFFFFFF0]  }
0x354: {  	s3 =	sand.u32 $0x3800, s23;
	s4 =	sand.u32 $0x300, s25;
	v8 =	vld [tilespmem:s19+$0xFFFFFF10]  }
0x355: {  	s3 =	sor.u32 s4, s3;
	v9 =	vshll.u32 v6, $0x10;
	[tilespmem:s22+$0x7E20] =	vst.add.f32.msk $0xffff, v4  }
0x356: {  	v4 =	vand.u32 $0xFFFF0000, v6;
	[tilespmem:s3+$0x7A80] =	vst.add.f32.msk $0xffff, v9  }
0x357: {  	[tilespmem:s3+$0x7A90] =	vst.add.f32.msk $0xffff, v4  }
0x358: {  	v4 =	vld [tilespmem:s19+$0xFFFFFFA0];
	v6 =	vshll.u32 v7, $0x10  }
0x359: {  	v7 =	vand.u32 $0xFFFF0000, v7;
	v9 =	vshll.u32 v8, $0x10;
	v8 =	vand.u32 $0xFFFF0000, v8;
	[tilespmem:s22+$0x7EC0] =	vst.add.f32.msk $0xffff, v6  }
0x35a: {  	s29 =	sadd.s32 $0x2, s29;
	[tilespmem:s22+$0x7ED0] =	vst.add.f32.msk $0xffff, v7  }
0x35b: {  	p0 =	slt.u32 s29, $0x26;
	v6 =	vld [tilespmem:s21+$0x0]  }
0x35c: {  	[tilespmem:s3+$0x7A00] =	vst.add.f32.msk $0xffff, v9  }
0x35d: {  	[tilespmem:s3+$0x7A10] =	vst.add.f32.msk $0xffff, v8  }
0x35e: {  	v7 =	vld [tilespmem:s19+$0xFFFFFF20]  }
0x35f: {  	v8 =	vshll.u32 v4, $0x10;
	[tilespmem:s22+$0x7E30] =	vst.add.f32.msk $0xffff, v5  }
0x360: {  	[tilespmem:s3+$0x7AA0] =	vst.add.f32.msk $0xffff, v8;
	v5 =	vshll.u32 v6, $0x10;
	v6 =	vand.u32 $0xFFFF0000, v6  }
0x361: {  	v4 =	vand.u32 $0xFFFF0000, v4;
	[tilespmem:s22+$0x7EF0] =	vst.add.f32.msk $0xffff, v6  }
0x362: {  	[tilespmem:s3+$0x7AB0] =	vst.add.f32.msk $0xffff, v4  }
0x363: {  	v4 =	vshll.u32 v7, $0x10;
	v6 =	vand.u32 $0xFFFF0000, v7;
	v7 =	vld [tilespmem:s19+$0xFFFFFFB0]  }
0x364: {  	[tilespmem:s3+$0x7A20] =	vst.add.f32.msk $0xffff, v4  }
0x365: {  	[tilespmem:s3+$0x7A30] =	vst.add.f32.msk $0xffff, v6  }
0x366: {  	v4 =	vld [tilespmem:s19+$0xFFFFFF30]  }
0x367: {  	v6 =	vld [tilespmem:s21+$0xFFFFFF70]  }
0x368: {  	v8 =	vshll.u32 v7, $0x10;
	[tilespmem:s17+$0x7E70] =	vst.add.f32.msk $0xffff, v3;
	s17 =	smov.u32 s22;
	s22 =	smov.u32 s3  }
0x369: {  	v3 =	vand.u32 $0xFFFF0000, v7;
	[tilespmem:s22+$0x7AC0] =	vst.add.f32.msk $0xffff, v8  }
0x36a: {  	[tilespmem:s22+$0x7AD0] =	vst.add.f32.msk $0xffff, v3  }
0x36b: {  	v3 =	vshll.u32 v4, $0x10;
	v4 =	vand.u32 $0xFFFF0000, v4;
	v7 =	vld [tilespmem:s19+$0xFFFFFFC0]  }
0x36c: {  	[tilespmem:s22+$0x7A40] =	vst.add.f32.msk $0xffff, v3;
	v3 =	vshll.u32 v6, $0x10;
	v6 =	vand.u32 $0xFFFF0000, v6  }
0x36d: {  	[tilespmem:s22+$0x7A50] =	vst.add.f32.msk $0xffff, v4  }
0x36e: {  	v4 =	vld [tilespmem:s19+$0xFFFFFF40]  }
0x36f: {  	[tilespmem:s17+$0x7E40] =	vst.add.f32.msk $0xffff, v3  }
0x370: {  	v3 =	vshll.u32 v7, $0x10;
	[tilespmem:s17+$0x7E50] =	vst.add.f32.msk $0xffff, v6  }
0x371: {  	v6 =	vand.u32 $0xFFFF0000, v7;
	[tilespmem:s22+$0x7AE0] =	vst.add.f32.msk $0xffff, v3  }
0x372: {  	[tilespmem:s22+$0x7AF0] =	vst.add.f32.msk $0xffff, v6  }
0x373: {  	v3 =	vshll.u32 v4, $0x10;
	v4 =	vand.u32 $0xFFFF0000, v4;
	v6 =	vld [tilespmem:s19+$0xFFFFFFD0]  }
0x374: {  	[tilespmem:s22+$0x7A60] =	vst.add.f32.msk $0xffff, v3  }
0x375: {  	[tilespmem:s22+$0x7A70] =	vst.add.f32.msk $0xffff, v4  }
0x376: {  	v3 =	vld [tilespmem:s19+$0xFFFFFF50]  }
0x377: {  	v7 =	vld [tilespmem:s21+$0xFFFFFF80];
	s21 =	smov.u32 s19  }
0x378: {  	v4 =	vshll.u32 v6, $0x10;
	[tilespmem:s17+$0x7EE0] =	vst.add.f32.msk $0xffff, v5  }
0x379: {  	v5 =	vand.u32 $0xFFFF0000, v6;
	[tilespmem:s22+$0x7E80] =	vst.add.f32.msk $0xffff, v4  }
0x37a: {  	[tilespmem:s22+$0x7E90] =	vst.add.f32.msk $0xffff, v5  }
.Ltmp5:
0x37b: {  	v5 =	vshll.u32 v3, $0x10;
	v6 =	vand.u32 $0xFFFF0000, v3;
	v4 =	vld [tilespmem:s19+$0xFFFFFFE0];
	(pc) =	sbr.rel @p0 .LBB2_9-.Ltmp5, $4  }
0x37c: {  	[tilespmem:s22+$0x7E00] =	vst.add.f32.msk $0xffff, v5;
	v8 =	vshll.u32 v7, $0x10;
	v3 =	vand.u32 $0xFFFF0000, v7  }
0x37d: {  	[tilespmem:s22+$0x7E10] =	vst.add.f32.msk $0xffff, v6  }
0x37e: {  	v5 =	vld [tilespmem:s19+$0xFFFFFF60]  }
0x37f: {  	s19 =	sadd.s32 $0x100, s19;
	[tilespmem:s17+$0x7E60] =	vst.add.f32.msk $0xffff, v8  }
0x380: {  	v6 =	vshll.u32 v4, $0x10  }
0x381: {  	v4 =	vand.u32 $0xFFFF0000, v4;
	[tilespmem:s22+$0x7EA0] =	vst.add.f32.msk $0xffff, v6  }
0x382: {  	[tilespmem:s22+$0x7EB0] =	vst.add.f32.msk $0xffff, v4  }
0x383: {  	v6 =	vld [tilespmem:s21+$0xFFFFFFF0];
	v4 =	vshll.u32 v5, $0x10  }
0x384: {  	v5 =	vand.u32 $0xFFFF0000, v5;
	[tilespmem:s22+$0x7E20] =	vst.add.f32.msk $0xffff, v4  }
0x385: {  	[tilespmem:s22+$0x7E30] =	vst.add.f32.msk $0xffff, v5  }
0x386: {  	v4 =	vld [tilespmem:s21+$0xFFFFFF70];
	_ =	sdelay $0x1  }
0x387: {  	v5 =	vshll.u32 v6, $0x10  }
0x388: {  	v6 =	vand.u32 $0xFFFF0000, v6;
	[tilespmem:s22+$0x7EC0] =	vst.add.f32.msk $0xffff, v5  }
0x389: {  	[tilespmem:s22+$0x7ED0] =	vst.add.f32.msk $0xffff, v6  }
0x38a: {  	v5 =	vld [tilespmem:s21+$0x0];
	v6 =	vshll.u32 v4, $0x10  }
0x38b: {  	v4 =	vand.u32 $0xFFFF0000, v4;
	[tilespmem:s22+$0x7E40] =	vst.add.f32.msk $0xffff, v6  }
0x38c: {  	[tilespmem:s22+$0x7E50] =	vst.add.f32.msk $0xffff, v4  }
0x38d: {  	v4 =	vld [tilespmem:s21+$0xFFFFFF80];
	_ =	sdelay $0x2  }
0x38e: {  	[tilespmem:s17+$0x7E70] =	vst.add.f32.msk $0xffff, v3;
	v6 =	vand.u32 $0xFFFF0000, v5  }
0x38f: {  	v5 =	vshll.u32 v5, $0x10;
	[tilespmem:s22+$0x7EF0] =	vst.add.f32.msk $0xffff, v6  }
0x390: {  	[tilespmem:s22+$0x7EE0] =	vst.add.f32.msk $0xffff, v5;
	v3 =	vshll.u32 v4, $0x10  }
0x391: {  	v4 =	vand.u32 $0xFFFF0000, v4;
	[tilespmem:s22+$0x7E60] =	vst.add.f32.msk $0xffff, v3  }
0x392: {  	s3 =	sadd.s32 s8, s12;
	s4 =	simm.s32 $0x0;
	s17 =	simm.s32 $0x8;
	[tilespmem:s22+$0x7E70] =	vst.add.f32.msk $0xffff, v4  }
0x393: {  	[hbm4b:s3+s4] =	stream.linear.scatter [tilespmem:s16], [sflag:$0x9], $0x2800, $0x38;
	[tilespmem:$0x12E00] =	vst v63  }
0x394: {  	_ =	swait.ge [sflag:s17], $0x2800  }
0x395: {  	[sflag:s17] =	ssyncset.done $0x0  }
0x396: {  	[sflag:s17] =	ssyncadd.s32 $0xFFFFD800  }
0x397: {  	v3 =	vld [tilespmem:$0x150];
	_ =	sdelay $0x4  }
0x398: {  	v4 =	vshll.u32 v3, $0x1  }
0x399: {  	v3 =	vand.u32 $0x7, v3;
	v4 =	vand.u32 $0xFFFFFFF0, v4  }
0x39a: {  	v3 =	vor.u32 v3, v4  }
0x39b: {  	v4 =	vperm.xlane v3, v0;
	_ =	sdelay $0x1  }
0x39c: {  	v3 =	vperm.xlane v3, v2;
	v4 =	vadd.s32 v1, v4;
	_ =	sdelay $0x1  }
0x39d: {  	v3 =	vadd.s32 v1, v3;
	_ =	sdelay $0x1  }
0x39e: {  	s19 =	simm.s32 $0x5200  }
0x39f: {  	[tilespmem:s19], [sflag:$0x3] =	stream.indirect_vreg.gather [hbm4b:s2+s4], $0x80, v4, vm0, $0xb8;
	[tilespmem:$0x12E00] =	vst v63  }
0x3a0: {  	s21 =	simm.s32 $0x5A00  }
0x3a1: {  	[tilespmem:s21], [sflag:$0x3] =	stream.indirect_vreg.gather [hbm4b:s2+s4], $0x80, v3, vm0, $0xb8;
	[tilespmem:$0x12E00] =	vst v63  }
0x3a2: {  	v3 =	vld [tilespmem:$0x160];
	_ =	sdelay $0x4  }
0x3a3: {  	v4 =	vshll.u32 v3, $0x1  }
0x3a4: {  	v3 =	vand.u32 $0x7, v3;
	v4 =	vand.u32 $0xFFFFFFF0, v4  }
0x3a5: {  	v3 =	vor.u32 v3, v4  }
0x3a6: {  	v4 =	vperm.xlane v3, v0;
	_ =	sdelay $0x1  }
0x3a7: {  	v3 =	vperm.xlane v3, v2;
	v4 =	vadd.s32 v1, v4;
	_ =	sdelay $0x1  }
0x3a8: {  	v3 =	vadd.s32 v1, v3;
	_ =	sdelay $0x1  }
0x3a9: {  	s22 =	simm.s32 $0x6200  }
0x3aa: {  	[tilespmem:s22], [sflag:$0x3] =	stream.indirect_vreg.gather [hbm4b:s2+s4], $0x80, v4, vm0, $0xb8;
	[tilespmem:$0x12E00] =	vst v63  }
0x3ab: {  	s23 =	simm.s32 $0x6A00  }
0x3ac: {  	[tilespmem:s23], [sflag:$0x3] =	stream.indirect_vreg.gather [hbm4b:s2+s4], $0x80, v3, vm0, $0xb8;
	[tilespmem:$0x12E00] =	vst v63  }
0x3ad: {  	v3 =	vld.msk [tilespmem:$0x170], $0xff;
	_ =	sdelay $0x4  }
0x3ae: {  	v4 =	vshll.u32 v3, $0x1  }
0x3af: {  	v3 =	vand.u32 $0x7, v3;
	v4 =	vand.u32 $0xFFFFFFF0, v4  }
0x3b0: {  	v3 =	vor.u32 v3, v4  }
0x3b1: {  	v3 =	vperm.xlane v3, v0;
	_ =	sdelay $0x1  }
0x3b2: {  	v3 =	vadd.s32 v1, v3;
	_ =	sdelay $0x3  }
0x3b3: {  	s24 =	simm.s32 $0x7200  }
0x3b4: {  	[tilespmem:s24], [sflag:$0x3] =	stream.indirect_vreg.gather [hbm4b:s2+s4], $0x80, v3, vm0, $0xb8;
	[tilespmem:$0x12E00] =	vst v63  }
0x3b5: {  	_ =	swait.ge [sflag:s1], $0x2800  }
0x3b6: {  	[sflag:s1] =	ssyncset.done $0x0  }
0x3b7: {  	s19 =	simm.s32 $0x11AF0;
	[sflag:s1] =	ssyncadd.s32 $0xFFFFD800  }
0x3b8: {  	v3 =	vld [tilespmem:s19+$0xFFFFFF90];
	_ =	sdelay $0x3  }
0x3b9: {  	s25 =	sand.u32 $0x3800, s4;
	s4 =	sand.u32 $0x300, s4;
	v4 =	vld [tilespmem:s19+$0xFFFFFF10]  }
0x3ba: {  	s17 =	sor.u32 s4, s25;
	v5 =	vshll.u32 v3, $0x10  }
0x3bb: {  	v3 =	vand.u32 $0xFFFF0000, v3;
	[tilespmem:s17+$0xA280] =	vst.add.f32.msk $0xffff, v5  }
0x3bc: {  	[tilespmem:s17+$0xA290] =	vst.add.f32.msk $0xffff, v3  }
0x3bd: {  	v3 =	vld [tilespmem:s19+$0xFFFFFFA0]  }
0x3be: {  	v5 =	vshll.u32 v4, $0x10  }
0x3bf: {  	v4 =	vand.u32 $0xFFFF0000, v4;
	[tilespmem:s17+$0xA200] =	vst.add.f32.msk $0xffff, v5  }
0x3c0: {  	[tilespmem:s17+$0xA210] =	vst.add.f32.msk $0xffff, v4  }
0x3c1: {  	v4 =	vld [tilespmem:s19+$0xFFFFFF20]  }
0x3c2: {  	v5 =	vshll.u32 v3, $0x10  }
0x3c3: {  	v3 =	vand.u32 $0xFFFF0000, v3;
	[tilespmem:s17+$0xA2A0] =	vst.add.f32.msk $0xffff, v5  }
0x3c4: {  	[tilespmem:s17+$0xA2B0] =	vst.add.f32.msk $0xffff, v3  }
0x3c5: {  	v3 =	vld [tilespmem:s19+$0xFFFFFFB0]  }
0x3c6: {  	v5 =	vshll.u32 v4, $0x10  }
0x3c7: {  	v4 =	vand.u32 $0xFFFF0000, v4;
	[tilespmem:s17+$0xA220] =	vst.add.f32.msk $0xffff, v5  }
0x3c8: {  	[tilespmem:s17+$0xA230] =	vst.add.f32.msk $0xffff, v4  }
0x3c9: {  	v4 =	vld [tilespmem:s19+$0xFFFFFF30]  }
0x3ca: {  	v5 =	vshll.u32 v3, $0x10  }
0x3cb: {  	v3 =	vand.u32 $0xFFFF0000, v3;
	[tilespmem:s17+$0xA2C0] =	vst.add.f32.msk $0xffff, v5  }
0x3cc: {  	[tilespmem:s17+$0xA2D0] =	vst.add.f32.msk $0xffff, v3  }
0x3cd: {  	v3 =	vld [tilespmem:s19+$0xFFFFFFC0]  }
0x3ce: {  	v5 =	vshll.u32 v4, $0x10  }
0x3cf: {  	v4 =	vand.u32 $0xFFFF0000, v4;
	[tilespmem:s17+$0xA240] =	vst.add.f32.msk $0xffff, v5  }
0x3d0: {  	[tilespmem:s17+$0xA250] =	vst.add.f32.msk $0xffff, v4  }
0x3d1: {  	v4 =	vld [tilespmem:s19+$0xFFFFFF40]  }
0x3d2: {  	v5 =	vshll.u32 v3, $0x10  }
0x3d3: {  	v3 =	vand.u32 $0xFFFF0000, v3;
	[tilespmem:s17+$0xA2E0] =	vst.add.f32.msk $0xffff, v5  }
0x3d4: {  	[tilespmem:s17+$0xA2F0] =	vst.add.f32.msk $0xffff, v3  }
0x3d5: {  	v3 =	vld [tilespmem:s19+$0xFFFFFFD0]  }
0x3d6: {  	v5 =	vshll.u32 v4, $0x10  }
0x3d7: {  	v4 =	vand.u32 $0xFFFF0000, v4;
	[tilespmem:s17+$0xA260] =	vst.add.f32.msk $0xffff, v5  }
0x3d8: {  	[tilespmem:s17+$0xA270] =	vst.add.f32.msk $0xffff, v4  }
0x3d9: {  	v4 =	vld [tilespmem:s19+$0xFFFFFF50]  }
0x3da: {  	v5 =	vshll.u32 v3, $0x10  }
0x3db: {  	v3 =	vand.u32 $0xFFFF0000, v3;
	[tilespmem:s17+$0xA680] =	vst.add.f32.msk $0xffff, v5  }
0x3dc: {  	[tilespmem:s17+$0xA690] =	vst.add.f32.msk $0xffff, v3  }
0x3dd: {  	s21 =	simm.s32 $0x11BF0;
	v3 =	vld [tilespmem:s19+$0xFFFFFFE0]  }
0x3de: {  	v7 =	vld [tilespmem:s21+$0xFFFFFF10];
	v5 =	vshll.u32 v4, $0x10  }
0x3df: {  	[tilespmem:s17+$0xA600] =	vst.add.f32.msk $0xffff, v5  }
0x3e0: {  	v4 =	vand.u32 $0xFFFF0000, v4;
	v5 =	vld [tilespmem:s21+$0xFFFFFF90]  }
0x3e1: {  	[tilespmem:s17+$0xA610] =	vst.add.f32.msk $0xffff, v4  }
0x3e2: {  	v4 =	vld [tilespmem:s19+$0xFFFFFF60];
	v6 =	vshll.u32 v3, $0x10  }
0x3e3: {  	s23 =	simm.s32 $0x200;
	s25 =	simm.s32 $0x100;
	v3 =	vand.u32 $0xFFFF0000, v3;
	[tilespmem:s17+$0xA6A0] =	vst.add.f32.msk $0xffff, v6  }
0x3e4: {  	s28 =	sand.u32 $0x3800, s23;
	s30 =	sand.u32 $0x300, s25;
	[tilespmem:s17+$0xA6B0] =	vst.add.f32.msk $0xffff, v3  }
0x3e5: {  	s22 =	sor.u32 s30, s28;
	v8 =	vshll.u32 v5, $0x10;
	v3 =	vld [tilespmem:s19+$0xFFFFFFF0]  }
0x3e6: {  	v5 =	vand.u32 $0xFFFF0000, v5;
	[tilespmem:s22+$0xA280] =	vst.add.f32.msk $0xffff, v8  }
0x3e7: {  	v6 =	vshll.u32 v4, $0x10;
	[tilespmem:s22+$0xA290] =	vst.add.f32.msk $0xffff, v5  }
0x3e8: {  	[tilespmem:s17+$0xA620] =	vst.add.f32.msk $0xffff, v6  }
0x3e9: {  	v4 =	vand.u32 $0xFFFF0000, v4;
	v5 =	vld [tilespmem:s21+$0xFFFFFFA0]  }
0x3ea: {  	[tilespmem:s17+$0xA630] =	vst.add.f32.msk $0xffff, v4;
	v6 =	vshll.u32 v3, $0x10  }
0x3eb: {  	v3 =	vand.u32 $0xFFFF0000, v3;
	[tilespmem:s17+$0xA6C0] =	vst.add.f32.msk $0xffff, v6  }
0x3ec: {  	v6 =	vshll.u32 v7, $0x10;
	[tilespmem:s17+$0xA6D0] =	vst.add.f32.msk $0xffff, v3  }
0x3ed: {  	v3 =	vand.u32 $0xFFFF0000, v7;
	[tilespmem:s22+$0xA200] =	vst.add.f32.msk $0xffff, v6  }
0x3ee: {  	[tilespmem:s22+$0xA210] =	vst.add.f32.msk $0xffff, v3  }
0x3ef: {  	v4 =	vand.u32 $0xFFFF0000, v5;
	v3 =	vld [tilespmem:s21+$0xFFFFFF20]  }
0x3f0: {  	v7 =	vshll.u32 v5, $0x10;
	[tilespmem:s22+$0xA2B0] =	vst.add.f32.msk $0xffff, v4  }
0x3f1: {  	[tilespmem:s22+$0xA2A0] =	vst.add.f32.msk $0xffff, v7  }
0x3f2: {  	v5 =	vld [tilespmem:s21+$0xFFFFFFB0]  }
0x3f3: {  	v6 =	vld [tilespmem:s19+$0x0]  }
0x3f4: {  	v4 =	vshll.u32 v3, $0x10  }
0x3f5: {  	v3 =	vand.u32 $0xFFFF0000, v3;
	[tilespmem:s22+$0xA220] =	vst.add.f32.msk $0xffff, v4  }
0x3f6: {  	[tilespmem:s22+$0xA230] =	vst.add.f32.msk $0xffff, v3  }
0x3f7: {  	v7 =	vshll.u32 v5, $0x10;
	v4 =	vld [tilespmem:s21+$0xFFFFFF30]  }
0x3f8: {  	v3 =	vand.u32 $0xFFFF0000, v6;
	[tilespmem:s22+$0xA2C0] =	vst.add.f32.msk $0xffff, v7  }
0x3f9: {  	[tilespmem:s17+$0xA6F0] =	vst.add.f32.msk $0xffff, v3  }
0x3fa: {  	v5 =	vand.u32 $0xFFFF0000, v5;
	v3 =	vld [tilespmem:s19+$0xFFFFFF70]  }
0x3fb: {  	[tilespmem:s22+$0xA2D0] =	vst.add.f32.msk $0xffff, v5  }
0x3fc: {  	v7 =	vld [tilespmem:s21+$0xFFFFFFC0];
	v5 =	vshll.u32 v4, $0x10  }
0x3fd: {  	v4 =	vand.u32 $0xFFFF0000, v4;
	[tilespmem:s22+$0xA240] =	vst.add.f32.msk $0xffff, v5  }
0x3fe: {  	[tilespmem:s22+$0xA250] =	vst.add.f32.msk $0xffff, v4  }
0x3ff: {  	v4 =	vshll.u32 v3, $0x10;
	v5 =	vld [tilespmem:s21+$0xFFFFFF40]  }
0x400: {  	v3 =	vand.u32 $0xFFFF0000, v3;
	[tilespmem:s17+$0xA640] =	vst.add.f32.msk $0xffff, v4  }
0x401: {  	v4 =	vshll.u32 v7, $0x10;
	[tilespmem:s17+$0xA650] =	vst.add.f32.msk $0xffff, v3  }
0x402: {  	v3 =	vand.u32 $0xFFFF0000, v7;
	[tilespmem:s22+$0xA2E0] =	vst.add.f32.msk $0xffff, v4  }
0x403: {  	[tilespmem:s22+$0xA2F0] =	vst.add.f32.msk $0xffff, v3  }
0x404: {  	v4 =	vld [tilespmem:s21+$0xFFFFFFD0];
	v3 =	vshll.u32 v5, $0x10  }
0x405: {  	v5 =	vand.u32 $0xFFFF0000, v5;
	[tilespmem:s22+$0xA260] =	vst.add.f32.msk $0xffff, v3  }
0x406: {  	[tilespmem:s22+$0xA270] =	vst.add.f32.msk $0xffff, v5  }
0x407: {  	v3 =	vld [tilespmem:s21+$0xFFFFFF50]  }
0x408: {  	v5 =	vshll.u32 v6, $0x10;
	v6 =	vld [tilespmem:s19+$0xFFFFFF80]  }
0x409: {  	v7 =	vshll.u32 v4, $0x10;
	[tilespmem:s17+$0xA6E0] =	vst.add.f32.msk $0xffff, v5  }
0x40a: {  	v4 =	vand.u32 $0xFFFF0000, v4;
	[tilespmem:s22+$0xA680] =	vst.add.f32.msk $0xffff, v7  }
0x40b: {  	[tilespmem:s22+$0xA690] =	vst.add.f32.msk $0xffff, v4  }
0x40c: {  	v4 =	vld [tilespmem:s21+$0xFFFFFFE0];
	v5 =	vshll.u32 v3, $0x10  }
0x40d: {  	v3 =	vand.u32 $0xFFFF0000, v3;
	[tilespmem:s22+$0xA600] =	vst.add.f32.msk $0xffff, v5  }
0x40e: {  	[tilespmem:s22+$0xA610] =	vst.add.f32.msk $0xffff, v3  }
0x40f: {  	v7 =	vshll.u32 v6, $0x10;
	v5 =	vld [tilespmem:s21+$0xFFFFFF60]  }
0x410: {  	s29 =	simm.s32 $0x2;
	s19 =	simm.s32 $0x11CF0;
	[tilespmem:s17+$0xA660] =	vst.add.f32.msk $0xffff, v7;
	v3 =	vand.u32 $0xFFFF0000, v6  }
.LBB2_11:
0x411: {  	v6 =	vld [tilespmem:s19+$0xFFFFFF90];
	v7 =	vshll.u32 v4, $0x10  }
0x412: {  	v4 =	vand.u32 $0xFFFF0000, v4;
	[tilespmem:s22+$0xA6A0] =	vst.add.f32.msk $0xffff, v7  }
0x413: {  	[tilespmem:s22+$0xA6B0] =	vst.add.f32.msk $0xffff, v4  }
0x414: {  	s23 =	sadd.s32 $0x200, s23;
	s25 =	sadd.s32 $0x100, s25;
	v4 =	vshll.u32 v5, $0x10;
	v5 =	vand.u32 $0xFFFF0000, v5;
	v7 =	vld [tilespmem:s21+$0xFFFFFFF0]  }
0x415: {  	s3 =	sand.u32 $0x3800, s23;
	s4 =	sand.u32 $0x300, s25;
	v8 =	vld [tilespmem:s19+$0xFFFFFF10]  }
0x416: {  	s3 =	sor.u32 s4, s3;
	v9 =	vshll.u32 v6, $0x10;
	[tilespmem:s22+$0xA620] =	vst.add.f32.msk $0xffff, v4  }
0x417: {  	v4 =	vand.u32 $0xFFFF0000, v6;
	[tilespmem:s3+$0xA280] =	vst.add.f32.msk $0xffff, v9  }
0x418: {  	[tilespmem:s3+$0xA290] =	vst.add.f32.msk $0xffff, v4  }
0x419: {  	v4 =	vld [tilespmem:s19+$0xFFFFFFA0];
	v6 =	vshll.u32 v7, $0x10  }
0x41a: {  	v7 =	vand.u32 $0xFFFF0000, v7;
	v9 =	vshll.u32 v8, $0x10;
	v8 =	vand.u32 $0xFFFF0000, v8;
	[tilespmem:s22+$0xA6C0] =	vst.add.f32.msk $0xffff, v6  }
0x41b: {  	s29 =	sadd.s32 $0x2, s29;
	[tilespmem:s22+$0xA6D0] =	vst.add.f32.msk $0xffff, v7  }
0x41c: {  	p0 =	slt.u32 s29, $0x26;
	v6 =	vld [tilespmem:s21+$0x0]  }
0x41d: {  	[tilespmem:s3+$0xA200] =	vst.add.f32.msk $0xffff, v9  }
0x41e: {  	[tilespmem:s3+$0xA210] =	vst.add.f32.msk $0xffff, v8  }
0x41f: {  	v7 =	vld [tilespmem:s19+$0xFFFFFF20]  }
0x420: {  	v8 =	vshll.u32 v4, $0x10;
	[tilespmem:s22+$0xA630] =	vst.add.f32.msk $0xffff, v5  }
0x421: {  	[tilespmem:s3+$0xA2A0] =	vst.add.f32.msk $0xffff, v8;
	v5 =	vshll.u32 v6, $0x10;
	v6 =	vand.u32 $0xFFFF0000, v6  }
0x422: {  	v4 =	vand.u32 $0xFFFF0000, v4;
	[tilespmem:s22+$0xA6F0] =	vst.add.f32.msk $0xffff, v6  }
0x423: {  	[tilespmem:s3+$0xA2B0] =	vst.add.f32.msk $0xffff, v4  }
0x424: {  	v4 =	vshll.u32 v7, $0x10;
	v6 =	vand.u32 $0xFFFF0000, v7;
	v7 =	vld [tilespmem:s19+$0xFFFFFFB0]  }
0x425: {  	[tilespmem:s3+$0xA220] =	vst.add.f32.msk $0xffff, v4  }
0x426: {  	[tilespmem:s3+$0xA230] =	vst.add.f32.msk $0xffff, v6  }
0x427: {  	v4 =	vld [tilespmem:s19+$0xFFFFFF30]  }
0x428: {  	v6 =	vld [tilespmem:s21+$0xFFFFFF70]  }
0x429: {  	v8 =	vshll.u32 v7, $0x10;
	[tilespmem:s17+$0xA670] =	vst.add.f32.msk $0xffff, v3;
	s17 =	smov.u32 s22;
	s22 =	smov.u32 s3  }
0x42a: {  	v3 =	vand.u32 $0xFFFF0000, v7;
	[tilespmem:s22+$0xA2C0] =	vst.add.f32.msk $0xffff, v8  }
0x42b: {  	[tilespmem:s22+$0xA2D0] =	vst.add.f32.msk $0xffff, v3  }
0x42c: {  	v3 =	vshll.u32 v4, $0x10;
	v4 =	vand.u32 $0xFFFF0000, v4;
	v7 =	vld [tilespmem:s19+$0xFFFFFFC0]  }
0x42d: {  	[tilespmem:s22+$0xA240] =	vst.add.f32.msk $0xffff, v3;
	v3 =	vshll.u32 v6, $0x10;
	v6 =	vand.u32 $0xFFFF0000, v6  }
0x42e: {  	[tilespmem:s22+$0xA250] =	vst.add.f32.msk $0xffff, v4  }
0x42f: {  	v4 =	vld [tilespmem:s19+$0xFFFFFF40]  }
0x430: {  	[tilespmem:s17+$0xA640] =	vst.add.f32.msk $0xffff, v3  }
0x431: {  	v3 =	vshll.u32 v7, $0x10;
	[tilespmem:s17+$0xA650] =	vst.add.f32.msk $0xffff, v6  }
0x432: {  	v6 =	vand.u32 $0xFFFF0000, v7;
	[tilespmem:s22+$0xA2E0] =	vst.add.f32.msk $0xffff, v3  }
0x433: {  	[tilespmem:s22+$0xA2F0] =	vst.add.f32.msk $0xffff, v6  }
0x434: {  	v3 =	vshll.u32 v4, $0x10;
	v4 =	vand.u32 $0xFFFF0000, v4;
	v6 =	vld [tilespmem:s19+$0xFFFFFFD0]  }
0x435: {  	[tilespmem:s22+$0xA260] =	vst.add.f32.msk $0xffff, v3  }
0x436: {  	[tilespmem:s22+$0xA270] =	vst.add.f32.msk $0xffff, v4  }
0x437: {  	v3 =	vld [tilespmem:s19+$0xFFFFFF50]  }
0x438: {  	v7 =	vld [tilespmem:s21+$0xFFFFFF80];
	s21 =	smov.u32 s19  }
0x439: {  	v4 =	vshll.u32 v6, $0x10;
	[tilespmem:s17+$0xA6E0] =	vst.add.f32.msk $0xffff, v5  }
0x43a: {  	v5 =	vand.u32 $0xFFFF0000, v6;
	[tilespmem:s22+$0xA680] =	vst.add.f32.msk $0xffff, v4  }
0x43b: {  	[tilespmem:s22+$0xA690] =	vst.add.f32.msk $0xffff, v5  }
.Ltmp6:
0x43c: {  	v5 =	vshll.u32 v3, $0x10;
	v6 =	vand.u32 $0xFFFF0000, v3;
	v4 =	vld [tilespmem:s19+$0xFFFFFFE0];
	(pc) =	sbr.rel @p0 .LBB2_11-.Ltmp6, $4  }
0x43d: {  	[tilespmem:s22+$0xA600] =	vst.add.f32.msk $0xffff, v5;
	v8 =	vshll.u32 v7, $0x10;
	v3 =	vand.u32 $0xFFFF0000, v7  }
0x43e: {  	[tilespmem:s22+$0xA610] =	vst.add.f32.msk $0xffff, v6  }
0x43f: {  	v5 =	vld [tilespmem:s19+$0xFFFFFF60]  }
0x440: {  	s19 =	sadd.s32 $0x100, s19;
	[tilespmem:s17+$0xA660] =	vst.add.f32.msk $0xffff, v8  }
0x441: {  	v6 =	vshll.u32 v4, $0x10  }
0x442: {  	v4 =	vand.u32 $0xFFFF0000, v4;
	[tilespmem:s22+$0xA6A0] =	vst.add.f32.msk $0xffff, v6  }
0x443: {  	[tilespmem:s22+$0xA6B0] =	vst.add.f32.msk $0xffff, v4  }
0x444: {  	v6 =	vld [tilespmem:s21+$0xFFFFFFF0];
	v4 =	vshll.u32 v5, $0x10  }
0x445: {  	v5 =	vand.u32 $0xFFFF0000, v5;
	[tilespmem:s22+$0xA620] =	vst.add.f32.msk $0xffff, v4  }
0x446: {  	[tilespmem:s22+$0xA630] =	vst.add.f32.msk $0xffff, v5  }
0x447: {  	v4 =	vld [tilespmem:s21+$0xFFFFFF70];
	_ =	sdelay $0x1  }
0x448: {  	v5 =	vshll.u32 v6, $0x10  }
0x449: {  	v6 =	vand.u32 $0xFFFF0000, v6;
	[tilespmem:s22+$0xA6C0] =	vst.add.f32.msk $0xffff, v5  }
0x44a: {  	[tilespmem:s22+$0xA6D0] =	vst.add.f32.msk $0xffff, v6  }
0x44b: {  	v5 =	vld [tilespmem:s21+$0x0];
	v6 =	vshll.u32 v4, $0x10  }
0x44c: {  	v4 =	vand.u32 $0xFFFF0000, v4;
	[tilespmem:s22+$0xA640] =	vst.add.f32.msk $0xffff, v6  }
0x44d: {  	[tilespmem:s22+$0xA650] =	vst.add.f32.msk $0xffff, v4  }
0x44e: {  	v4 =	vld [tilespmem:s21+$0xFFFFFF80];
	_ =	sdelay $0x2  }
0x44f: {  	[tilespmem:s17+$0xA670] =	vst.add.f32.msk $0xffff, v3;
	v6 =	vand.u32 $0xFFFF0000, v5  }
0x450: {  	v5 =	vshll.u32 v5, $0x10;
	[tilespmem:s22+$0xA6F0] =	vst.add.f32.msk $0xffff, v6  }
0x451: {  	[tilespmem:s22+$0xA6E0] =	vst.add.f32.msk $0xffff, v5;
	v3 =	vshll.u32 v4, $0x10  }
0x452: {  	v4 =	vand.u32 $0xFFFF0000, v4;
	[tilespmem:s22+$0xA660] =	vst.add.f32.msk $0xffff, v3  }
0x453: {  	s3 =	sadd.s32 s8, s13;
	p0 =	seq.s32 s14, $0x3F;
	[tilespmem:s22+$0xA670] =	vst.add.f32.msk $0xffff, v4  }
0x454: {  	[hbm4b:s3+s7] =	stream.linear.scatter [tilespmem:s20], [sflag:$0xA], $0x2800, $0x38;
	[tilespmem:$0x12E00] =	vst v63  }
0x455: {  	s4 =	rddreg [dreg:$0x0];
	s3 =	sshrl.u32 @!p0 s15, $0x3  }
0x456: {  	s3 =	sadd.s32 @!p0 s4, s3  }
0x457: {  	s4 =	simm.s32 @!p0 $0x0;
	s3 =	sadd.s32 @!p0 $0x32, s3  }
0x458: {  	[tilespmem:s4], [sflag:$0xB] =	stream.linear.gather @!p0 [hbm4b:s3+s4], $0xC8, $0x38;
	[tilespmem:$0x12E00] =	vst v63  }
0x459: {  	_ =	swait.ge [sflag:s5], $0x2800  }
0x45a: {  	[sflag:s5] =	ssyncset.done $0x0  }
0x45b: {  	[sflag:s5] =	ssyncadd.s32 $0xFFFFD800  }
0x45c: {  	v3 =	vld [tilespmem:$0x178];
	_ =	sdelay $0x4  }
0x45d: {  	v4 =	vshll.u32 v3, $0x1  }
0x45e: {  	v3 =	vand.u32 $0x7, v3;
	v4 =	vand.u32 $0xFFFFFFF0, v4  }
0x45f: {  	v3 =	vor.u32 v3, v4  }
0x460: {  	v4 =	vperm.xlane v3, v0;
	_ =	sdelay $0x1  }
0x461: {  	v3 =	vperm.xlane v3, v2;
	v4 =	vadd.s32 v1, v4;
	_ =	sdelay $0x1  }
0x462: {  	v3 =	vadd.s32 v1, v3;
	_ =	sdelay $0x1  }
0x463: {  	s23 =	simm.s32 $0x0  }
0x464: {  	[tilespmem:s16], [sflag:$0x4] =	stream.indirect_vreg.gather [hbm4b:s2+s23], $0x80, v4, vm0, $0xb8;
	[tilespmem:$0x12E00] =	vst v63  }
0x465: {  	s24 =	simm.s32 $0x8200  }
0x466: {  	[tilespmem:s24], [sflag:$0x4] =	stream.indirect_vreg.gather [hbm4b:s2+s23], $0x80, v3, vm0, $0xb8;
	[tilespmem:$0x12E00] =	vst v63  }
0x467: {  	v3 =	vld [tilespmem:$0x188];
	_ =	sdelay $0x4  }
0x468: {  	v4 =	vshll.u32 v3, $0x1  }
0x469: {  	v3 =	vand.u32 $0x7, v3;
	v4 =	vand.u32 $0xFFFFFFF0, v4  }
0x46a: {  	v3 =	vor.u32 v3, v4  }
0x46b: {  	v4 =	vperm.xlane v3, v0;
	_ =	sdelay $0x1  }
0x46c: {  	v3 =	vperm.xlane v3, v2;
	v4 =	vadd.s32 v1, v4;
	_ =	sdelay $0x1  }
0x46d: {  	v3 =	vadd.s32 v1, v3;
	_ =	sdelay $0x1  }
0x46e: {  	s25 =	simm.s32 $0x8A00  }
0x46f: {  	[tilespmem:s25], [sflag:$0x4] =	stream.indirect_vreg.gather [hbm4b:s2+s23], $0x80, v4, vm0, $0xb8;
	[tilespmem:$0x12E00] =	vst v63  }
0x470: {  	s28 =	simm.s32 $0x9200  }
0x471: {  	[tilespmem:s28], [sflag:$0x4] =	stream.indirect_vreg.gather [hbm4b:s2+s23], $0x80, v3, vm0, $0xb8;
	[tilespmem:$0x12E00] =	vst v63  }
0x472: {  	v3 =	vld.msk [tilespmem:$0x198], $0xff;
	_ =	sdelay $0x4  }
0x473: {  	v4 =	vshll.u32 v3, $0x1  }
0x474: {  	v3 =	vand.u32 $0x7, v3;
	v4 =	vand.u32 $0xFFFFFFF0, v4  }
0x475: {  	v3 =	vor.u32 v3, v4  }
0x476: {  	v3 =	vperm.xlane v3, v0;
	_ =	sdelay $0x1  }
0x477: {  	v3 =	vadd.s32 v1, v3;
	_ =	sdelay $0x3  }
0x478: {  	s30 =	simm.s32 $0x9A00  }
0x479: {  	[tilespmem:s30], [sflag:$0x4] =	stream.indirect_vreg.gather [hbm4b:s2+s23], $0x80, v3, vm0, $0xb8;
	[tilespmem:$0x12E00] =	vst v63  }
0x47a: {  	_ =	swait.ge [sflag:s18], $0x2800  }
0x47b: {  	[sflag:s18] =	ssyncset.done $0x0  }
0x47c: {  	s25 =	simm.s32 $0xCA80;
	[sflag:s18] =	ssyncadd.s32 $0xFFFFD800  }
0x47d: {  	v3 =	vld [tilespmem:s25+$0x0];
	_ =	sdelay $0x2  }
0x47e: {  	s6 =	simm.s32 $0x80;
	s3 =	sand.u32 $0x3800, s23  }
0x47f: {  	s4 =	sand.u32 $0x380, s6;
	s3 =	sor.u32 $0x200, s3;
	v4 =	vld [tilespmem:s25+$0xFFFFFF80]  }
0x480: {  	s29 =	sadd.s32 s4, s3;
	v5 =	vshll.u32 v3, $0x10  }
0x481: {  	s4 =	sor.u32 $0x10, s29;
	v3 =	vand.u32 $0xFFFF0000, v3;
	[tilespmem:s29+$0x0] =	vst.add.f32.msk $0xffff, v5  }
0x482: {  	s6 =	simm.s32 $0x0;
	[tilespmem:s4+$0x0] =	vst.add.f32.msk $0xffff, v3  }
0x483: {  	s8 =	sand.u32 $0x300, s6;
	v3 =	vld [tilespmem:s25+$0x10]  }
0x484: {  	s8 =	sadd.s32 s8, s3;
	v5 =	vshll.u32 v4, $0x10  }
0x485: {  	s3 =	sor.u32 $0x10, s8;
	v4 =	vand.u32 $0xFFFF0000, v4;
	[tilespmem:s8+$0x0] =	vst.add.f32.msk $0xffff, v5  }
0x486: {  	[tilespmem:s3+$0x0] =	vst.add.f32.msk $0xffff, v4  }
0x487: {  	v4 =	vld [tilespmem:s25+$0xFFFFFF90]  }
0x488: {  	s10 =	sor.u32 $0x20, s29;
	v5 =	vshll.u32 v3, $0x10  }
0x489: {  	s11 =	sor.u32 $0x30, s29;
	v3 =	vand.u32 $0xFFFF0000, v3;
	[tilespmem:s10+$0x0] =	vst.add.f32.msk $0xffff, v5  }
0x48a: {  	[tilespmem:s11+$0x0] =	vst.add.f32.msk $0xffff, v3  }
0x48b: {  	v3 =	vld [tilespmem:s25+$0x20]  }
0x48c: {  	s15 =	sor.u32 $0x20, s8;
	v5 =	vshll.u32 v4, $0x10  }
0x48d: {  	s4 =	sor.u32 $0x30, s8;
	v4 =	vand.u32 $0xFFFF0000, v4;
	[tilespmem:s15+$0x0] =	vst.add.f32.msk $0xffff, v5  }
0x48e: {  	[tilespmem:s4+$0x0] =	vst.add.f32.msk $0xffff, v4  }
0x48f: {  	v4 =	vld [tilespmem:s25+$0xFFFFFFA0]  }
0x490: {  	s17 =	sor.u32 $0x40, s29;
	v5 =	vshll.u32 v3, $0x10  }
0x491: {  	s19 =	sor.u32 $0x50, s29;
	v3 =	vand.u32 $0xFFFF0000, v3;
	[tilespmem:s17+$0x0] =	vst.add.f32.msk $0xffff, v5  }
0x492: {  	[tilespmem:s19+$0x0] =	vst.add.f32.msk $0xffff, v3  }
0x493: {  	v3 =	vld [tilespmem:s25+$0x30]  }
0x494: {  	s21 =	sor.u32 $0x40, s8;
	v5 =	vshll.u32 v4, $0x10  }
0x495: {  	s22 =	sor.u32 $0x50, s8;
	v4 =	vand.u32 $0xFFFF0000, v4;
	[tilespmem:s21+$0x0] =	vst.add.f32.msk $0xffff, v5  }
0x496: {  	[tilespmem:s22+$0x0] =	vst.add.f32.msk $0xffff, v4  }
0x497: {  	v4 =	vld [tilespmem:s25+$0xFFFFFFB0]  }
0x498: {  	s23 =	sor.u32 $0x60, s29;
	v5 =	vshll.u32 v3, $0x10  }
0x499: {  	s24 =	sor.u32 $0x70, s29;
	v3 =	vand.u32 $0xFFFF0000, v3;
	[tilespmem:s23+$0x0] =	vst.add.f32.msk $0xffff, v5  }
0x49a: {  	[tilespmem:s24+$0x0] =	vst.add.f32.msk $0xffff, v3  }
0x49b: {  	v3 =	vld [tilespmem:s25+$0x40]  }
0x49c: {  	s28 =	sor.u32 $0x60, s8;
	v5 =	vshll.u32 v4, $0x10  }
0x49d: {  	s30 =	sor.u32 $0x70, s8;
	v4 =	vand.u32 $0xFFFF0000, v4;
	[tilespmem:s28+$0x0] =	vst.add.f32.msk $0xffff, v5  }
0x49e: {  	[tilespmem:s30+$0x0] =	vst.add.f32.msk $0xffff, v4  }
0x49f: {  	v4 =	vld [tilespmem:s25+$0xFFFFFFC0]  }
0x4a0: {  	v5 =	vshll.u32 v3, $0x10  }
0x4a1: {  	v3 =	vand.u32 $0xFFFF0000, v3;
	[tilespmem:s29+$0x400] =	vst.add.f32.msk $0xffff, v5  }
0x4a2: {  	s15 =	simm.s32 $0xCB80;
	[tilespmem:s29+$0x410] =	vst.add.f32.msk $0xffff, v3  }
0x4a3: {  	v3 =	vld [tilespmem:s15+$0x0]  }
0x4a4: {  	v5 =	vshll.u32 v4, $0x10;
	v6 =	vld [tilespmem:s25+$0x50]  }
0x4a5: {  	s22 =	simm.s32 $0x200;
	v4 =	vand.u32 $0xFFFF0000, v4;
	[tilespmem:s8+$0x400] =	vst.add.f32.msk $0xffff, v5  }
0x4a6: {  	s6 =	sand.u32 $0x3800, s22;
	s23 =	simm.s32 $0x180;
	[tilespmem:s8+$0x410] =	vst.add.f32.msk $0xffff, v4  }
0x4a7: {  	s3 =	sor.u32 $0x200, s6;
	s10 =	sand.u32 $0x380, s23;
	v4 =	vld [tilespmem:s15+$0xFFFFFF80]  }
0x4a8: {  	s17 =	sadd.s32 s10, s3;
	v5 =	vld [tilespmem:s25+$0xFFFFFFD0];
	v7 =	vshll.u32 v3, $0x10  }
0x4a9: {  	s4 =	sor.u32 $0x10, s17;
	v3 =	vand.u32 $0xFFFF0000, v3;
	[tilespmem:s17+$0x0] =	vst.add.f32.msk $0xffff, v7  }
0x4aa: {  	s11 =	simm.s32 $0x100;
	v7 =	vshll.u32 v6, $0x10;
	[tilespmem:s4+$0x0] =	vst.add.f32.msk $0xffff, v3  }
0x4ab: {  	[tilespmem:s29+$0x420] =	vst.add.f32.msk $0xffff, v7;
	s4 =	sand.u32 $0x300, s11  }
0x4ac: {  	v7 =	vshll.u32 v4, $0x10;
	s21 =	sadd.s32 s4, s3;
	v3 =	vld [tilespmem:s15+$0x10]  }
0x4ad: {  	v4 =	vand.u32 $0xFFFF0000, v4;
	s3 =	sor.u32 $0x10, s21;
	[tilespmem:s21+$0x0] =	vst.add.f32.msk $0xffff, v7  }
0x4ae: {  	[tilespmem:s3+$0x0] =	vst.add.f32.msk $0xffff, v4  }
0x4af: {  	v4 =	vand.u32 $0xFFFF0000, v6;
	v6 =	vld [tilespmem:s15+$0xFFFFFF90]  }
0x4b0: {  	[tilespmem:s29+$0x430] =	vst.add.f32.msk $0xffff, v4  }
0x4b1: {  	s19 =	sor.u32 $0x20, s17;
	v4 =	vld [tilespmem:s25+$0x60];
	v7 =	vshll.u32 v3, $0x10  }
0x4b2: {  	s24 =	sor.u32 $0x30, s17;
	v3 =	vand.u32 $0xFFFF0000, v3;
	[tilespmem:s19+$0x0] =	vst.add.f32.msk $0xffff, v7  }
0x4b3: {  	[tilespmem:s24+$0x0] =	vst.add.f32.msk $0xffff, v3  }
0x4b4: {  	s28 =	sor.u32 $0x20, s21;
	v3 =	vshll.u32 v6, $0x10;
	v7 =	vld [tilespmem:s15+$0x20]  }
0x4b5: {  	s30 =	sor.u32 $0x30, s21;
	[tilespmem:s28+$0x0] =	vst.add.f32.msk $0xffff, v3;
	v3 =	vand.u32 $0xFFFF0000, v6  }
0x4b6: {  	[tilespmem:s30+$0x0] =	vst.add.f32.msk $0xffff, v3  }
0x4b7: {  	v3 =	vshll.u32 v5, $0x10;
	v6 =	vld [tilespmem:s15+$0xFFFFFFA0]  }
0x4b8: {  	[tilespmem:s8+$0x420] =	vst.add.f32.msk $0xffff, v3;
	v3 =	vshll.u32 v4, $0x10  }
0x4b9: {  	s4 =	sor.u32 $0x40, s17;
	[tilespmem:s29+$0x440] =	vst.add.f32.msk $0xffff, v3;
	v3 =	vshll.u32 v7, $0x10  }
0x4ba: {  	s6 =	sor.u32 $0x50, s17;
	v7 =	vand.u32 $0xFFFF0000, v7;
	[tilespmem:s4+$0x0] =	vst.add.f32.msk $0xffff, v3  }
0x4bb: {  	v3 =	vand.u32 $0xFFFF0000, v4;
	[tilespmem:s6+$0x0] =	vst.add.f32.msk $0xffff, v7  }
0x4bc: {  	[tilespmem:s29+$0x450] =	vst.add.f32.msk $0xffff, v3  }
0x4bd: {  	s10 =	sor.u32 $0x40, s21;
	v3 =	vshll.u32 v6, $0x10;
	v4 =	vld [tilespmem:s15+$0x30]  }
0x4be: {  	s11 =	sor.u32 $0x50, s21;
	[tilespmem:s10+$0x0] =	vst.add.f32.msk $0xffff, v3;
	v3 =	vand.u32 $0xFFFF0000, v6  }
0x4bf: {  	[tilespmem:s11+$0x0] =	vst.add.f32.msk $0xffff, v3  }
0x4c0: {  	v5 =	vand.u32 $0xFFFF0000, v5;
	v3 =	vld [tilespmem:s15+$0xFFFFFFB0]  }
0x4c1: {  	[tilespmem:s8+$0x430] =	vst.add.f32.msk $0xffff, v5  }
0x4c2: {  	v5 =	vld [tilespmem:s25+$0xFFFFFFE0]  }
0x4c3: {  	s19 =	sor.u32 $0x60, s17;
	v6 =	vld [tilespmem:s25+$0x70];
	v7 =	vshll.u32 v4, $0x10  }
0x4c4: {  	s24 =	sor.u32 $0x70, s17;
	v4 =	vand.u32 $0xFFFF0000, v4;
	[tilespmem:s19+$0x0] =	vst.add.f32.msk $0xffff, v7  }
0x4c5: {  	s28 =	sor.u32 $0x60, s21;
	[tilespmem:s24+$0x0] =	vst.add.f32.msk $0xffff, v4;
	v4 =	vshll.u32 v3, $0x10  }
0x4c6: {  	[tilespmem:s28+$0x0] =	vst.add.f32.msk $0xffff, v4  }
0x4c7: {  	s30 =	sor.u32 $0x70, s21;
	v3 =	vand.u32 $0xFFFF0000, v3;
	v4 =	vld [tilespmem:s15+$0x40]  }
0x4c8: {  	[tilespmem:s30+$0x0] =	vst.add.f32.msk $0xffff, v3;
	v3 =	vand.u32 $0xFFFF0000, v6  }
0x4c9: {  	[tilespmem:s29+$0x470] =	vst.add.f32.msk $0xffff, v3;
	v3 =	vshll.u32 v5, $0x10  }
0x4ca: {  	v5 =	vand.u32 $0xFFFF0000, v5;
	[tilespmem:s8+$0x440] =	vst.add.f32.msk $0xffff, v3  }
0x4cb: {  	[tilespmem:s8+$0x450] =	vst.add.f32.msk $0xffff, v5  }
0x4cc: {  	v3 =	vld [tilespmem:s15+$0xFFFFFFC0]  }
0x4cd: {  	v5 =	vshll.u32 v6, $0x10;
	v6 =	vld [tilespmem:s25+$0xFFFFFFF0]  }
0x4ce: {  	[tilespmem:s29+$0x460] =	vst.add.f32.msk $0xffff, v5;
	v7 =	vshll.u32 v4, $0x10  }
0x4cf: {  	v4 =	vand.u32 $0xFFFF0000, v4;
	[tilespmem:s17+$0x400] =	vst.add.f32.msk $0xffff, v7  }
0x4d0: {  	[tilespmem:s17+$0x410] =	vst.add.f32.msk $0xffff, v4  }
0x4d1: {  	v4 =	vld [tilespmem:s15+$0x50];
	v5 =	vshll.u32 v3, $0x10  }
0x4d2: {  	v3 =	vand.u32 $0xFFFF0000, v3;
	[tilespmem:s21+$0x400] =	vst.add.f32.msk $0xffff, v5  }
0x4d3: {  	[tilespmem:s21+$0x410] =	vst.add.f32.msk $0xffff, v3  }
0x4d4: {  	v7 =	vshll.u32 v6, $0x10;
	v5 =	vld [tilespmem:s15+$0xFFFFFFD0]  }
0x4d5: {  	s25 =	simm.s32 $0x2;
	s29 =	simm.s32 $0xCC80;
	v3 =	vand.u32 $0xFFFF0000, v6;
	[tilespmem:s8+$0x460] =	vst.add.f32.msk $0xffff, v7  }
.LBB2_13:
0x4d6: {  	v6 =	vld [tilespmem:s29+$0x0];
	v7 =	vshll.u32 v4, $0x10  }
0x4d7: {  	v4 =	vand.u32 $0xFFFF0000, v4;
	[tilespmem:s17+$0x420] =	vst.add.f32.msk $0xffff, v7  }
0x4d8: {  	s22 =	sadd.s32 $0x200, s22;
	[tilespmem:s17+$0x430] =	vst.add.f32.msk $0xffff, v4  }
0x4d9: {  	s23 =	sadd.s32 $0x100, s23;
	s3 =	sand.u32 $0x3800, s22;
	v4 =	vshll.u32 v5, $0x10;
	v5 =	vand.u32 $0xFFFF0000, v5;
	v7 =	vld [tilespmem:s15+$0x60]  }
0x4da: {  	s4 =	sadd.s32 $0xFFFFFF80, s23;
	s6 =	sand.u32 $0x380, s23;
	s3 =	sor.u32 $0x200, s3;
	v8 =	vld [tilespmem:s29+$0xFFFFFF80]  }
0x4db: {  	s4 =	sand.u32 $0x300, s4;
	s19 =	sadd.s32 s6, s3;
	v9 =	vshll.u32 v6, $0x10;
	[tilespmem:s21+$0x420] =	vst.add.f32.msk $0xffff, v4  }
0x4dc: {  	s4 =	sadd.s32 s4, s3;
	s3 =	sor.u32 $0x10, s19;
	v4 =	vand.u32 $0xFFFF0000, v6;
	[tilespmem:s19+$0x0] =	vst.add.f32.msk $0xffff, v9  }
0x4dd: {  	s6 =	sor.u32 $0x10, s4;
	s10 =	sor.u32 $0x20, s4;
	s11 =	sor.u32 $0x30, s4;
	[tilespmem:s3+$0x0] =	vst.add.f32.msk $0xffff, v4  }
0x4de: {  	s28 =	sor.u32 $0x50, s4;
	s24 =	sor.u32 $0x60, s4;
	s3 =	sor.u32 $0x40, s4;
	v4 =	vld [tilespmem:s29+$0x10];
	v6 =	vshll.u32 v7, $0x10  }
0x4df: {  	s30 =	sor.u32 $0x70, s4;
	v7 =	vand.u32 $0xFFFF0000, v7;
	v9 =	vshll.u32 v8, $0x10;
	v8 =	vand.u32 $0xFFFF0000, v8;
	[tilespmem:s17+$0x440] =	vst.add.f32.msk $0xffff, v6  }
0x4e0: {  	s25 =	sadd.s32 $0x2, s25;
	[tilespmem:s17+$0x450] =	vst.add.f32.msk $0xffff, v7  }
0x4e1: {  	p1 =	slt.u32 s25, $0x26;
	v6 =	vld [tilespmem:s15+$0x70]  }
0x4e2: {  	[tilespmem:s4+$0x0] =	vst.add.f32.msk $0xffff, v9  }
0x4e3: {  	[tilespmem:s6+$0x0] =	vst.add.f32.msk $0xffff, v8  }
0x4e4: {  	v7 =	vld [tilespmem:s29+$0xFFFFFF90]  }
0x4e5: {  	v8 =	vshll.u32 v4, $0x10;
	s6 =	sor.u32 $0x20, s19;
	[tilespmem:s21+$0x430] =	vst.add.f32.msk $0xffff, v5  }
0x4e6: {  	[tilespmem:s6+$0x0] =	vst.add.f32.msk $0xffff, v8;
	v5 =	vshll.u32 v6, $0x10;
	v6 =	vand.u32 $0xFFFF0000, v6  }
0x4e7: {  	v4 =	vand.u32 $0xFFFF0000, v4;
	s6 =	sor.u32 $0x30, s19;
	[tilespmem:s17+$0x470] =	vst.add.f32.msk $0xffff, v6  }
0x4e8: {  	[tilespmem:s6+$0x0] =	vst.add.f32.msk $0xffff, v4  }
0x4e9: {  	v4 =	vshll.u32 v7, $0x10;
	v6 =	vand.u32 $0xFFFF0000, v7;
	v7 =	vld [tilespmem:s29+$0x20]  }
0x4ea: {  	[tilespmem:s10+$0x0] =	vst.add.f32.msk $0xffff, v4  }
0x4eb: {  	[tilespmem:s11+$0x0] =	vst.add.f32.msk $0xffff, v6  }
0x4ec: {  	v4 =	vld [tilespmem:s29+$0xFFFFFFA0]  }
0x4ed: {  	v6 =	vld [tilespmem:s15+$0xFFFFFFE0]  }
0x4ee: {  	s6 =	sor.u32 $0x40, s19;
	v8 =	vshll.u32 v7, $0x10;
	[tilespmem:s8+$0x470] =	vst.add.f32.msk $0xffff, v3;
	s8 =	smov.u32 s21;
	s21 =	smov.u32 s4  }
0x4ef: {  	v3 =	vand.u32 $0xFFFF0000, v7;
	s4 =	sor.u32 $0x50, s19;
	[tilespmem:s6+$0x0] =	vst.add.f32.msk $0xffff, v8  }
0x4f0: {  	[tilespmem:s4+$0x0] =	vst.add.f32.msk $0xffff, v3  }
0x4f1: {  	v3 =	vshll.u32 v4, $0x10;
	v4 =	vand.u32 $0xFFFF0000, v4;
	v7 =	vld [tilespmem:s29+$0x30]  }
0x4f2: {  	[tilespmem:s3+$0x0] =	vst.add.f32.msk $0xffff, v3;
	v3 =	vshll.u32 v6, $0x10;
	v6 =	vand.u32 $0xFFFF0000, v6  }
0x4f3: {  	[tilespmem:s28+$0x0] =	vst.add.f32.msk $0xffff, v4  }
0x4f4: {  	v4 =	vld [tilespmem:s29+$0xFFFFFFB0]  }
0x4f5: {  	[tilespmem:s8+$0x440] =	vst.add.f32.msk $0xffff, v3  }
0x4f6: {  	s3 =	sor.u32 $0x60, s19;
	v3 =	vshll.u32 v7, $0x10;
	[tilespmem:s8+$0x450] =	vst.add.f32.msk $0xffff, v6  }
0x4f7: {  	v6 =	vand.u32 $0xFFFF0000, v7;
	[tilespmem:s3+$0x0] =	vst.add.f32.msk $0xffff, v3;
	s3 =	sor.u32 $0x70, s19  }
0x4f8: {  	[tilespmem:s3+$0x0] =	vst.add.f32.msk $0xffff, v6  }
0x4f9: {  	v3 =	vshll.u32 v4, $0x10;
	v4 =	vand.u32 $0xFFFF0000, v4;
	v6 =	vld [tilespmem:s29+$0x40]  }
0x4fa: {  	[tilespmem:s24+$0x0] =	vst.add.f32.msk $0xffff, v3  }
0x4fb: {  	[tilespmem:s30+$0x0] =	vst.add.f32.msk $0xffff, v4  }
0x4fc: {  	v3 =	vld [tilespmem:s29+$0xFFFFFFC0]  }
0x4fd: {  	v7 =	vld [tilespmem:s15+$0xFFFFFFF0];
	s15 =	smov.u32 s29  }
0x4fe: {  	v4 =	vshll.u32 v6, $0x10;
	[tilespmem:s17+$0x460] =	vst.add.f32.msk $0xffff, v5;
	s17 =	smov.u32 s19  }
0x4ff: {  	v5 =	vand.u32 $0xFFFF0000, v6;
	[tilespmem:s17+$0x400] =	vst.add.f32.msk $0xffff, v4  }
0x500: {  	[tilespmem:s17+$0x410] =	vst.add.f32.msk $0xffff, v5  }
.Ltmp7:
0x501: {  	v5 =	vshll.u32 v3, $0x10;
	v6 =	vand.u32 $0xFFFF0000, v3;
	v4 =	vld [tilespmem:s29+$0x50];
	(pc) =	sbr.rel @p1 .LBB2_13-.Ltmp7, $4  }
0x502: {  	[tilespmem:s21+$0x400] =	vst.add.f32.msk $0xffff, v5;
	v8 =	vshll.u32 v7, $0x10;
	v3 =	vand.u32 $0xFFFF0000, v7  }
0x503: {  	[tilespmem:s21+$0x410] =	vst.add.f32.msk $0xffff, v6  }
0x504: {  	v5 =	vld [tilespmem:s29+$0xFFFFFFD0]  }
0x505: {  	s29 =	sadd.s32 $0x100, s29;
	[tilespmem:s8+$0x460] =	vst.add.f32.msk $0xffff, v8  }
0x506: {  	v6 =	vshll.u32 v4, $0x10  }
0x507: {  	v4 =	vand.u32 $0xFFFF0000, v4;
	[tilespmem:s17+$0x420] =	vst.add.f32.msk $0xffff, v6  }
0x508: {  	[tilespmem:s17+$0x430] =	vst.add.f32.msk $0xffff, v4  }
0x509: {  	v6 =	vld [tilespmem:s15+$0x60]  }
0x50a: {  	v4 =	vshll.u32 v5, $0x10  }
0x50b: {  	v5 =	vand.u32 $0xFFFF0000, v5;
	[tilespmem:s21+$0x420] =	vst.add.f32.msk $0xffff, v4  }
0x50c: {  	[tilespmem:s21+$0x430] =	vst.add.f32.msk $0xffff, v5  }
0x50d: {  	v4 =	vld [tilespmem:s15+$0xFFFFFFE0]  }
0x50e: {  	v5 =	vshll.u32 v6, $0x10  }
0x50f: {  	v6 =	vand.u32 $0xFFFF0000, v6;
	[tilespmem:s17+$0x440] =	vst.add.f32.msk $0xffff, v5  }
0x510: {  	[tilespmem:s17+$0x450] =	vst.add.f32.msk $0xffff, v6  }
0x511: {  	v5 =	vld [tilespmem:s15+$0x70]  }
0x512: {  	v6 =	vshll.u32 v4, $0x10  }
0x513: {  	v4 =	vand.u32 $0xFFFF0000, v4;
	[tilespmem:s21+$0x440] =	vst.add.f32.msk $0xffff, v6  }
0x514: {  	[tilespmem:s21+$0x450] =	vst.add.f32.msk $0xffff, v4  }
0x515: {  	v4 =	vld [tilespmem:s15+$0xFFFFFFF0]  }
0x516: {  	[tilespmem:s8+$0x470] =	vst.add.f32.msk $0xffff, v3;
	v6 =	vand.u32 $0xFFFF0000, v5  }
0x517: {  	v5 =	vshll.u32 v5, $0x10;
	[tilespmem:s17+$0x470] =	vst.add.f32.msk $0xffff, v6  }
0x518: {  	[tilespmem:s17+$0x460] =	vst.add.f32.msk $0xffff, v5  }
0x519: {  	s3 =	rddreg [dreg:$0xa]  }
0x51a: {  	v3 =	vshll.u32 v4, $0x10;
	s9 =	sadd.s32 s9, s3  }
0x51b: {  	s19 =	rddreg [dreg:$0x3];
	s4 =	simm.s32 $0x0;
	v4 =	vand.u32 $0xFFFF0000, v4;
	[tilespmem:s21+$0x460] =	vst.add.f32.msk $0xffff, v3;
	s15 =	sshll.u32 s9, $0x5  }
0x51c: {  	s6 =	simm.s32 $0x200;
	[tilespmem:s21+$0x470] =	vst.add.f32.msk $0xffff, v4;
	s21 =	simm.s32 $0xA;
	s3 =	sadd.s32 s19, s15  }
0x51d: {  	[hbm4b:s3+s4] =	stream.linear.scatter [tilespmem:s6], [sflag:$0x6], $0x2800, $0x38;
	[tilespmem:$0x12E00] =	vst v63  }
0x51e: {  	_ =	swait.ge [sflag:s21], $0x2800  }
0x51f: {  	[sflag:s21] =	ssyncset.done $0x0  }
0x520: {  	[sflag:s21] =	ssyncadd.s32 $0xFFFFD800  }
0x521: {  	v3 =	vld [tilespmem:$0x1A0];
	_ =	sdelay $0x4  }
0x522: {  	v4 =	vshll.u32 v3, $0x1  }
0x523: {  	v3 =	vand.u32 $0x7, v3;
	v4 =	vand.u32 $0xFFFFFFF0, v4  }
0x524: {  	v3 =	vor.u32 v3, v4  }
0x525: {  	v4 =	vperm.xlane v3, v0;
	_ =	sdelay $0x1  }
0x526: {  	v3 =	vperm.xlane v3, v2;
	v4 =	vadd.s32 v1, v4;
	_ =	sdelay $0x1  }
0x527: {  	v3 =	vadd.s32 v1, v3;
	_ =	sdelay $0x2  }
0x528: {  	[tilespmem:s20], [sflag:$0x5] =	stream.indirect_vreg.gather [hbm4b:s2+s4], $0x80, v4, vm0, $0xb8;
	[tilespmem:$0x12E00] =	vst v63  }
0x529: {  	s22 =	simm.s32 $0xAA00  }
0x52a: {  	[tilespmem:s22], [sflag:$0x5] =	stream.indirect_vreg.gather [hbm4b:s2+s4], $0x80, v3, vm0, $0xb8;
	[tilespmem:$0x12E00] =	vst v63  }
0x52b: {  	v3 =	vld [tilespmem:$0x1B0];
	_ =	sdelay $0x4  }
0x52c: {  	v4 =	vshll.u32 v3, $0x1  }
0x52d: {  	v3 =	vand.u32 $0x7, v3;
	v4 =	vand.u32 $0xFFFFFFF0, v4  }
0x52e: {  	v3 =	vor.u32 v3, v4  }
0x52f: {  	v4 =	vperm.xlane v3, v0;
	_ =	sdelay $0x1  }
0x530: {  	v3 =	vperm.xlane v3, v2;
	v4 =	vadd.s32 v1, v4;
	_ =	sdelay $0x1  }
0x531: {  	v3 =	vadd.s32 v1, v3;
	_ =	sdelay $0x1  }
0x532: {  	s23 =	simm.s32 $0xB200  }
0x533: {  	[tilespmem:s23], [sflag:$0x5] =	stream.indirect_vreg.gather [hbm4b:s2+s4], $0x80, v4, vm0, $0xb8;
	[tilespmem:$0x12E00] =	vst v63  }
0x534: {  	s24 =	simm.s32 $0xBA00  }
0x535: {  	[tilespmem:s24], [sflag:$0x5] =	stream.indirect_vreg.gather [hbm4b:s2+s4], $0x80, v3, vm0, $0xb8;
	[tilespmem:$0x12E00] =	vst v63  }
0x536: {  	v3 =	vld.msk [tilespmem:$0x1C0], $0xff;
	_ =	sdelay $0x4  }
0x537: {  	v4 =	vshll.u32 v3, $0x1  }
0x538: {  	v3 =	vand.u32 $0x7, v3;
	v4 =	vand.u32 $0xFFFFFFF0, v4  }
0x539: {  	v3 =	vor.u32 v3, v4  }
0x53a: {  	v3 =	vperm.xlane v3, v0;
	_ =	sdelay $0x1  }
0x53b: {  	v3 =	vadd.s32 v1, v3;
	_ =	sdelay $0x3  }
0x53c: {  	s25 =	simm.s32 $0xC200  }
0x53d: {  	[tilespmem:s25], [sflag:$0x5] =	stream.indirect_vreg.gather [hbm4b:s2+s4], $0x80, v3, vm0, $0xb8;
	[tilespmem:$0x12E00] =	vst v63  }
0x53e: {  	_ =	swait.ge [sflag:s26], $0x2800  }
0x53f: {  	[sflag:s26] =	ssyncset.done $0x0  }
0x540: {  	s19 =	simm.s32 $0xDEF0;
	[sflag:s26] =	ssyncadd.s32 $0xFFFFD800  }
0x541: {  	v3 =	vld [tilespmem:s19+$0xFFFFFF90];
	_ =	sdelay $0x3  }
0x542: {  	s28 =	sand.u32 $0x3800, s4;
	s4 =	sand.u32 $0x300, s4;
	v4 =	vld [tilespmem:s19+$0xFFFFFF10]  }
0x543: {  	s8 =	sor.u32 s4, s28;
	v5 =	vshll.u32 v3, $0x10  }
0x544: {  	v3 =	vand.u32 $0xFFFF0000, v3;
	[tilespmem:s8+$0x2A80] =	vst.add.f32.msk $0xffff, v5  }
0x545: {  	[tilespmem:s8+$0x2A90] =	vst.add.f32.msk $0xffff, v3  }
0x546: {  	v3 =	vld [tilespmem:s19+$0xFFFFFFA0]  }
0x547: {  	v5 =	vshll.u32 v4, $0x10  }
0x548: {  	v4 =	vand.u32 $0xFFFF0000, v4;
	[tilespmem:s8+$0x2A00] =	vst.add.f32.msk $0xffff, v5  }
0x549: {  	[tilespmem:s8+$0x2A10] =	vst.add.f32.msk $0xffff, v4  }
0x54a: {  	v4 =	vld [tilespmem:s19+$0xFFFFFF20]  }
0x54b: {  	v5 =	vshll.u32 v3, $0x10  }
0x54c: {  	v3 =	vand.u32 $0xFFFF0000, v3;
	[tilespmem:s8+$0x2AA0] =	vst.add.f32.msk $0xffff, v5  }
0x54d: {  	[tilespmem:s8+$0x2AB0] =	vst.add.f32.msk $0xffff, v3  }
0x54e: {  	v3 =	vld [tilespmem:s19+$0xFFFFFFB0]  }
0x54f: {  	v5 =	vshll.u32 v4, $0x10  }
0x550: {  	v4 =	vand.u32 $0xFFFF0000, v4;
	[tilespmem:s8+$0x2A20] =	vst.add.f32.msk $0xffff, v5  }
0x551: {  	[tilespmem:s8+$0x2A30] =	vst.add.f32.msk $0xffff, v4  }
0x552: {  	v4 =	vld [tilespmem:s19+$0xFFFFFF30]  }
0x553: {  	v5 =	vshll.u32 v3, $0x10  }
0x554: {  	v3 =	vand.u32 $0xFFFF0000, v3;
	[tilespmem:s8+$0x2AC0] =	vst.add.f32.msk $0xffff, v5  }
0x555: {  	[tilespmem:s8+$0x2AD0] =	vst.add.f32.msk $0xffff, v3  }
0x556: {  	v3 =	vld [tilespmem:s19+$0xFFFFFFC0]  }
0x557: {  	v5 =	vshll.u32 v4, $0x10  }
0x558: {  	v4 =	vand.u32 $0xFFFF0000, v4;
	[tilespmem:s8+$0x2A40] =	vst.add.f32.msk $0xffff, v5  }
0x559: {  	[tilespmem:s8+$0x2A50] =	vst.add.f32.msk $0xffff, v4  }
0x55a: {  	v4 =	vld [tilespmem:s19+$0xFFFFFF40]  }
0x55b: {  	v5 =	vshll.u32 v3, $0x10  }
0x55c: {  	v3 =	vand.u32 $0xFFFF0000, v3;
	[tilespmem:s8+$0x2AE0] =	vst.add.f32.msk $0xffff, v5  }
0x55d: {  	[tilespmem:s8+$0x2AF0] =	vst.add.f32.msk $0xffff, v3  }
0x55e: {  	v3 =	vld [tilespmem:s19+$0xFFFFFFD0]  }
0x55f: {  	v5 =	vshll.u32 v4, $0x10  }
0x560: {  	v4 =	vand.u32 $0xFFFF0000, v4;
	[tilespmem:s8+$0x2A60] =	vst.add.f32.msk $0xffff, v5  }
0x561: {  	[tilespmem:s8+$0x2A70] =	vst.add.f32.msk $0xffff, v4  }
0x562: {  	v4 =	vld [tilespmem:s19+$0xFFFFFF50]  }
0x563: {  	v5 =	vshll.u32 v3, $0x10  }
0x564: {  	v3 =	vand.u32 $0xFFFF0000, v3;
	[tilespmem:s8+$0x2E80] =	vst.add.f32.msk $0xffff, v5  }
0x565: {  	[tilespmem:s8+$0x2E90] =	vst.add.f32.msk $0xffff, v3  }
0x566: {  	s17 =	simm.s32 $0xDFF0;
	v3 =	vld [tilespmem:s19+$0xFFFFFFE0]  }
0x567: {  	v7 =	vld [tilespmem:s17+$0xFFFFFF10];
	v5 =	vshll.u32 v4, $0x10  }
0x568: {  	[tilespmem:s8+$0x2E00] =	vst.add.f32.msk $0xffff, v5  }
0x569: {  	v4 =	vand.u32 $0xFFFF0000, v4;
	v5 =	vld [tilespmem:s17+$0xFFFFFF90]  }
0x56a: {  	[tilespmem:s8+$0x2E10] =	vst.add.f32.msk $0xffff, v4  }
0x56b: {  	v4 =	vld [tilespmem:s19+$0xFFFFFF60];
	v6 =	vshll.u32 v3, $0x10  }
0x56c: {  	s22 =	simm.s32 $0x200;
	s23 =	simm.s32 $0x100;
	v3 =	vand.u32 $0xFFFF0000, v3;
	[tilespmem:s8+$0x2EA0] =	vst.add.f32.msk $0xffff, v6  }
0x56d: {  	s29 =	sand.u32 $0x3800, s22;
	s30 =	sand.u32 $0x300, s23;
	[tilespmem:s8+$0x2EB0] =	vst.add.f32.msk $0xffff, v3  }
0x56e: {  	s21 =	sor.u32 s30, s29;
	v8 =	vshll.u32 v5, $0x10;
	v3 =	vld [tilespmem:s19+$0xFFFFFFF0]  }
0x56f: {  	v5 =	vand.u32 $0xFFFF0000, v5;
	[tilespmem:s21+$0x2A80] =	vst.add.f32.msk $0xffff, v8  }
0x570: {  	v6 =	vshll.u32 v4, $0x10;
	[tilespmem:s21+$0x2A90] =	vst.add.f32.msk $0xffff, v5  }
0x571: {  	[tilespmem:s8+$0x2E20] =	vst.add.f32.msk $0xffff, v6  }
0x572: {  	v4 =	vand.u32 $0xFFFF0000, v4;
	v5 =	vld [tilespmem:s17+$0xFFFFFFA0]  }
0x573: {  	[tilespmem:s8+$0x2E30] =	vst.add.f32.msk $0xffff, v4;
	v6 =	vshll.u32 v3, $0x10  }
0x574: {  	v3 =	vand.u32 $0xFFFF0000, v3;
	[tilespmem:s8+$0x2EC0] =	vst.add.f32.msk $0xffff, v6  }
0x575: {  	v6 =	vshll.u32 v7, $0x10;
	[tilespmem:s8+$0x2ED0] =	vst.add.f32.msk $0xffff, v3  }
0x576: {  	v3 =	vand.u32 $0xFFFF0000, v7;
	[tilespmem:s21+$0x2A00] =	vst.add.f32.msk $0xffff, v6  }
0x577: {  	[tilespmem:s21+$0x2A10] =	vst.add.f32.msk $0xffff, v3  }
0x578: {  	v4 =	vand.u32 $0xFFFF0000, v5;
	v3 =	vld [tilespmem:s17+$0xFFFFFF20]  }
0x579: {  	v7 =	vshll.u32 v5, $0x10;
	[tilespmem:s21+$0x2AB0] =	vst.add.f32.msk $0xffff, v4  }
0x57a: {  	[tilespmem:s21+$0x2AA0] =	vst.add.f32.msk $0xffff, v7  }
0x57b: {  	v5 =	vld [tilespmem:s17+$0xFFFFFFB0]  }
0x57c: {  	v6 =	vld [tilespmem:s19+$0x0]  }
0x57d: {  	v4 =	vshll.u32 v3, $0x10  }
0x57e: {  	v3 =	vand.u32 $0xFFFF0000, v3;
	[tilespmem:s21+$0x2A20] =	vst.add.f32.msk $0xffff, v4  }
0x57f: {  	[tilespmem:s21+$0x2A30] =	vst.add.f32.msk $0xffff, v3  }
0x580: {  	v7 =	vshll.u32 v5, $0x10;
	v4 =	vld [tilespmem:s17+$0xFFFFFF30]  }
0x581: {  	v3 =	vand.u32 $0xFFFF0000, v6;
	[tilespmem:s21+$0x2AC0] =	vst.add.f32.msk $0xffff, v7  }
0x582: {  	[tilespmem:s8+$0x2EF0] =	vst.add.f32.msk $0xffff, v3  }
0x583: {  	v5 =	vand.u32 $0xFFFF0000, v5;
	v3 =	vld [tilespmem:s19+$0xFFFFFF70]  }
0x584: {  	[tilespmem:s21+$0x2AD0] =	vst.add.f32.msk $0xffff, v5  }
0x585: {  	v7 =	vld [tilespmem:s17+$0xFFFFFFC0];
	v5 =	vshll.u32 v4, $0x10  }
0x586: {  	v4 =	vand.u32 $0xFFFF0000, v4;
	[tilespmem:s21+$0x2A40] =	vst.add.f32.msk $0xffff, v5  }
0x587: {  	[tilespmem:s21+$0x2A50] =	vst.add.f32.msk $0xffff, v4  }
0x588: {  	v4 =	vshll.u32 v3, $0x10;
	v5 =	vld [tilespmem:s17+$0xFFFFFF40]  }
0x589: {  	v3 =	vand.u32 $0xFFFF0000, v3;
	[tilespmem:s8+$0x2E40] =	vst.add.f32.msk $0xffff, v4  }
0x58a: {  	v4 =	vshll.u32 v7, $0x10;
	[tilespmem:s8+$0x2E50] =	vst.add.f32.msk $0xffff, v3  }
0x58b: {  	v3 =	vand.u32 $0xFFFF0000, v7;
	[tilespmem:s21+$0x2AE0] =	vst.add.f32.msk $0xffff, v4  }
0x58c: {  	[tilespmem:s21+$0x2AF0] =	vst.add.f32.msk $0xffff, v3  }
0x58d: {  	v4 =	vld [tilespmem:s17+$0xFFFFFFD0];
	v3 =	vshll.u32 v5, $0x10  }
0x58e: {  	v5 =	vand.u32 $0xFFFF0000, v5;
	[tilespmem:s21+$0x2A60] =	vst.add.f32.msk $0xffff, v3  }
0x58f: {  	[tilespmem:s21+$0x2A70] =	vst.add.f32.msk $0xffff, v5  }
0x590: {  	v3 =	vld [tilespmem:s17+$0xFFFFFF50]  }
0x591: {  	v5 =	vshll.u32 v6, $0x10;
	v6 =	vld [tilespmem:s19+$0xFFFFFF80]  }
0x592: {  	v7 =	vshll.u32 v4, $0x10;
	[tilespmem:s8+$0x2EE0] =	vst.add.f32.msk $0xffff, v5  }
0x593: {  	v4 =	vand.u32 $0xFFFF0000, v4;
	[tilespmem:s21+$0x2E80] =	vst.add.f32.msk $0xffff, v7  }
0x594: {  	[tilespmem:s21+$0x2E90] =	vst.add.f32.msk $0xffff, v4  }
0x595: {  	v4 =	vld [tilespmem:s17+$0xFFFFFFE0];
	v5 =	vshll.u32 v3, $0x10  }
0x596: {  	v3 =	vand.u32 $0xFFFF0000, v3;
	[tilespmem:s21+$0x2E00] =	vst.add.f32.msk $0xffff, v5  }
0x597: {  	[tilespmem:s21+$0x2E10] =	vst.add.f32.msk $0xffff, v3  }
0x598: {  	v7 =	vshll.u32 v6, $0x10;
	v5 =	vld [tilespmem:s17+$0xFFFFFF60]  }
0x599: {  	s25 =	simm.s32 $0x2;
	s19 =	simm.s32 $0xE0F0;
	[tilespmem:s8+$0x2E60] =	vst.add.f32.msk $0xffff, v7;
	v3 =	vand.u32 $0xFFFF0000, v6  }
.LBB2_15:
0x59a: {  	v6 =	vld [tilespmem:s19+$0xFFFFFF90];
	v7 =	vshll.u32 v4, $0x10  }
0x59b: {  	v4 =	vand.u32 $0xFFFF0000, v4;
	[tilespmem:s21+$0x2EA0] =	vst.add.f32.msk $0xffff, v7  }
0x59c: {  	[tilespmem:s21+$0x2EB0] =	vst.add.f32.msk $0xffff, v4  }
0x59d: {  	s22 =	sadd.s32 $0x200, s22;
	s23 =	sadd.s32 $0x100, s23;
	v4 =	vshll.u32 v5, $0x10;
	v5 =	vand.u32 $0xFFFF0000, v5;
	v7 =	vld [tilespmem:s17+$0xFFFFFFF0]  }
0x59e: {  	s3 =	sand.u32 $0x3800, s22;
	s4 =	sand.u32 $0x300, s23;
	v8 =	vld [tilespmem:s19+$0xFFFFFF10]  }
0x59f: {  	s3 =	sor.u32 s4, s3;
	v9 =	vshll.u32 v6, $0x10;
	[tilespmem:s21+$0x2E20] =	vst.add.f32.msk $0xffff, v4  }
0x5a0: {  	v4 =	vand.u32 $0xFFFF0000, v6;
	[tilespmem:s3+$0x2A80] =	vst.add.f32.msk $0xffff, v9  }
0x5a1: {  	[tilespmem:s3+$0x2A90] =	vst.add.f32.msk $0xffff, v4  }
0x5a2: {  	v4 =	vld [tilespmem:s19+$0xFFFFFFA0];
	v6 =	vshll.u32 v7, $0x10  }
0x5a3: {  	v7 =	vand.u32 $0xFFFF0000, v7;
	v9 =	vshll.u32 v8, $0x10;
	v8 =	vand.u32 $0xFFFF0000, v8;
	[tilespmem:s21+$0x2EC0] =	vst.add.f32.msk $0xffff, v6  }
0x5a4: {  	s25 =	sadd.s32 $0x2, s25;
	[tilespmem:s21+$0x2ED0] =	vst.add.f32.msk $0xffff, v7  }
0x5a5: {  	p1 =	slt.u32 s25, $0x26;
	v6 =	vld [tilespmem:s17+$0x0]  }
0x5a6: {  	[tilespmem:s3+$0x2A00] =	vst.add.f32.msk $0xffff, v9  }
0x5a7: {  	[tilespmem:s3+$0x2A10] =	vst.add.f32.msk $0xffff, v8  }
0x5a8: {  	v7 =	vld [tilespmem:s19+$0xFFFFFF20]  }
0x5a9: {  	v8 =	vshll.u32 v4, $0x10;
	[tilespmem:s21+$0x2E30] =	vst.add.f32.msk $0xffff, v5  }
0x5aa: {  	[tilespmem:s3+$0x2AA0] =	vst.add.f32.msk $0xffff, v8;
	v5 =	vshll.u32 v6, $0x10;
	v6 =	vand.u32 $0xFFFF0000, v6  }
0x5ab: {  	v4 =	vand.u32 $0xFFFF0000, v4;
	[tilespmem:s21+$0x2EF0] =	vst.add.f32.msk $0xffff, v6  }
0x5ac: {  	[tilespmem:s3+$0x2AB0] =	vst.add.f32.msk $0xffff, v4  }
0x5ad: {  	v4 =	vshll.u32 v7, $0x10;
	v6 =	vand.u32 $0xFFFF0000, v7;
	v7 =	vld [tilespmem:s19+$0xFFFFFFB0]  }
0x5ae: {  	[tilespmem:s3+$0x2A20] =	vst.add.f32.msk $0xffff, v4  }
0x5af: {  	[tilespmem:s3+$0x2A30] =	vst.add.f32.msk $0xffff, v6  }
0x5b0: {  	v4 =	vld [tilespmem:s19+$0xFFFFFF30]  }
0x5b1: {  	v6 =	vld [tilespmem:s17+$0xFFFFFF70]  }
0x5b2: {  	v8 =	vshll.u32 v7, $0x10;
	[tilespmem:s8+$0x2E70] =	vst.add.f32.msk $0xffff, v3;
	s8 =	smov.u32 s21;
	s21 =	smov.u32 s3  }
0x5b3: {  	v3 =	vand.u32 $0xFFFF0000, v7;
	[tilespmem:s21+$0x2AC0] =	vst.add.f32.msk $0xffff, v8  }
0x5b4: {  	[tilespmem:s21+$0x2AD0] =	vst.add.f32.msk $0xffff, v3  }
0x5b5: {  	v3 =	vshll.u32 v4, $0x10;
	v4 =	vand.u32 $0xFFFF0000, v4;
	v7 =	vld [tilespmem:s19+$0xFFFFFFC0]  }
0x5b6: {  	[tilespmem:s21+$0x2A40] =	vst.add.f32.msk $0xffff, v3;
	v3 =	vshll.u32 v6, $0x10;
	v6 =	vand.u32 $0xFFFF0000, v6  }
0x5b7: {  	[tilespmem:s21+$0x2A50] =	vst.add.f32.msk $0xffff, v4  }
0x5b8: {  	v4 =	vld [tilespmem:s19+$0xFFFFFF40]  }
0x5b9: {  	[tilespmem:s8+$0x2E40] =	vst.add.f32.msk $0xffff, v3  }
0x5ba: {  	v3 =	vshll.u32 v7, $0x10;
	[tilespmem:s8+$0x2E50] =	vst.add.f32.msk $0xffff, v6  }
0x5bb: {  	v6 =	vand.u32 $0xFFFF0000, v7;
	[tilespmem:s21+$0x2AE0] =	vst.add.f32.msk $0xffff, v3  }
0x5bc: {  	[tilespmem:s21+$0x2AF0] =	vst.add.f32.msk $0xffff, v6  }
0x5bd: {  	v3 =	vshll.u32 v4, $0x10;
	v4 =	vand.u32 $0xFFFF0000, v4;
	v6 =	vld [tilespmem:s19+$0xFFFFFFD0]  }
0x5be: {  	[tilespmem:s21+$0x2A60] =	vst.add.f32.msk $0xffff, v3  }
0x5bf: {  	[tilespmem:s21+$0x2A70] =	vst.add.f32.msk $0xffff, v4  }
0x5c0: {  	v3 =	vld [tilespmem:s19+$0xFFFFFF50]  }
0x5c1: {  	v7 =	vld [tilespmem:s17+$0xFFFFFF80];
	s17 =	smov.u32 s19  }
0x5c2: {  	v4 =	vshll.u32 v6, $0x10;
	[tilespmem:s8+$0x2EE0] =	vst.add.f32.msk $0xffff, v5  }
0x5c3: {  	v5 =	vand.u32 $0xFFFF0000, v6;
	[tilespmem:s21+$0x2E80] =	vst.add.f32.msk $0xffff, v4  }
0x5c4: {  	[tilespmem:s21+$0x2E90] =	vst.add.f32.msk $0xffff, v5  }
.Ltmp8:
0x5c5: {  	v5 =	vshll.u32 v3, $0x10;
	v6 =	vand.u32 $0xFFFF0000, v3;
	v4 =	vld [tilespmem:s19+$0xFFFFFFE0];
	(pc) =	sbr.rel @p1 .LBB2_15-.Ltmp8, $4  }
0x5c6: {  	[tilespmem:s21+$0x2E00] =	vst.add.f32.msk $0xffff, v5;
	v8 =	vshll.u32 v7, $0x10;
	v3 =	vand.u32 $0xFFFF0000, v7  }
0x5c7: {  	[tilespmem:s21+$0x2E10] =	vst.add.f32.msk $0xffff, v6  }
0x5c8: {  	v5 =	vld [tilespmem:s19+$0xFFFFFF60]  }
0x5c9: {  	s19 =	sadd.s32 $0x100, s19;
	[tilespmem:s8+$0x2E60] =	vst.add.f32.msk $0xffff, v8  }
0x5ca: {  	v6 =	vshll.u32 v4, $0x10  }
0x5cb: {  	v4 =	vand.u32 $0xFFFF0000, v4;
	[tilespmem:s21+$0x2EA0] =	vst.add.f32.msk $0xffff, v6  }
0x5cc: {  	[tilespmem:s21+$0x2EB0] =	vst.add.f32.msk $0xffff, v4  }
0x5cd: {  	v6 =	vld [tilespmem:s17+$0xFFFFFFF0];
	v4 =	vshll.u32 v5, $0x10  }
0x5ce: {  	v5 =	vand.u32 $0xFFFF0000, v5;
	[tilespmem:s21+$0x2E20] =	vst.add.f32.msk $0xffff, v4  }
0x5cf: {  	[tilespmem:s21+$0x2E30] =	vst.add.f32.msk $0xffff, v5  }
0x5d0: {  	v4 =	vld [tilespmem:s17+$0xFFFFFF70];
	_ =	sdelay $0x1  }
0x5d1: {  	v5 =	vshll.u32 v6, $0x10  }
0x5d2: {  	v6 =	vand.u32 $0xFFFF0000, v6;
	[tilespmem:s21+$0x2EC0] =	vst.add.f32.msk $0xffff, v5  }
0x5d3: {  	[tilespmem:s21+$0x2ED0] =	vst.add.f32.msk $0xffff, v6  }
0x5d4: {  	v5 =	vld [tilespmem:s17+$0x0];
	v6 =	vshll.u32 v4, $0x10  }
0x5d5: {  	v4 =	vand.u32 $0xFFFF0000, v4;
	[tilespmem:s21+$0x2E40] =	vst.add.f32.msk $0xffff, v6  }
0x5d6: {  	[tilespmem:s21+$0x2E50] =	vst.add.f32.msk $0xffff, v4  }
0x5d7: {  	v4 =	vld [tilespmem:s17+$0xFFFFFF80];
	_ =	sdelay $0x2  }
0x5d8: {  	[tilespmem:s8+$0x2E70] =	vst.add.f32.msk $0xffff, v3;
	v6 =	vand.u32 $0xFFFF0000, v5  }
0x5d9: {  	v5 =	vshll.u32 v5, $0x10;
	[tilespmem:s21+$0x2EF0] =	vst.add.f32.msk $0xffff, v6  }
0x5da: {  	[tilespmem:s21+$0x2EE0] =	vst.add.f32.msk $0xffff, v5;
	v3 =	vshll.u32 v4, $0x10  }
0x5db: {  	v4 =	vand.u32 $0xFFFF0000, v4;
	[tilespmem:s21+$0x2E60] =	vst.add.f32.msk $0xffff, v3  }
0x5dc: {  	[tilespmem:s21+$0x2E70] =	vst.add.f32.msk $0xffff, v4  }
0x5dd: {  	s3 =	rddreg [dreg:$0x8]  }
0x5de: {  	s4 =	simm.s32 $0x2A00;
	s3 =	sadd.s32 s15, s3  }
0x5df: {  	[hbm4b:s3+s7] =	stream.linear.scatter [tilespmem:s4], [sflag:$0x7], $0x2800, $0x38;
	[tilespmem:$0x12E00] =	vst v63  }
0x5e0: {  	s3 =	simm.s32 @!p0 $0x6  }
0x5e1: {  	_ =	swait.ge @!p0 [sflag:s3], $0x2800  }
0x5e2: {  	[sflag:s3] =	ssyncset.done @!p0 $0x0  }
0x5e3: {  	[sflag:s3] =	ssyncadd.s32 @!p0 $0xFFFFD800;
	s3 =	simm.s32 @!p0 $0xB  }
0x5e4: {  	_ =	swait.ge @!p0 [sflag:s3], $0xC8  }
0x5e5: {  	[sflag:s3] =	ssyncset.done @!p0 $0x0  }
0x5e6: {  	[sflag:s3] =	ssyncadd.s32 @!p0 $0xFFFFFF38  }
0x5e7: {  	v3 =	vld @!p0 [tilespmem:$0x0];
	_ =	sdelay $0x4  }
0x5e8: {  	v4 =	vshll.u32 @!p0 v3, $0x1  }
0x5e9: {  	v5 =	vlaneseq.u32 @!p0;
	v3 =	vand.u32 @!p0 $0x7, v3;
	v4 =	vand.u32 @!p0 $0xFFFFFFF0, v4  }
0x5ea: {  	v6 =	vshrl.u32 @!p0 v5, $0x3;
	v3 =	vor.u32 @!p0 v3, v4;
	v4 =	vand.u32 @!p0 $0x7, v5  }
0x5eb: {  	v6 =	vmul.u32 @!p0 $0x8, v6;
	v7 =	vperm.xlane @!p0 v3, v4  }
0x5ec: {  	v5 =	vor.u32 @!p0 $0x8, v5  }
0x5ed: {  	v3 =	vperm.xlane @!p0 v3, v5;
	v7 =	vadd.s32 @!p0 v6, v7;
	_ =	sdelay $0x1  }
0x5ee: {  	v3 =	vadd.s32 @!p0 v6, v3;
	_ =	sdelay $0x1  }
0x5ef: {  	vm1 =	vmmov @!p0 $0xffff;
	s4 =	simm.s32 @!p0 $0x200;
	s3 =	simm.s32 @!p0 $0x0  }
0x5f0: {  	[tilespmem:s4], [sflag:$0x1] =	stream.indirect_vreg.gather @!p0 [hbm4b:s2+s3], $0x80, v7, vm1, $0xb8;
	[tilespmem:$0x12E00] =	vst v63  }
0x5f1: {  	s4 =	simm.s32 @!p0 $0xA00  }
0x5f2: {  	[tilespmem:s4], [sflag:$0x1] =	stream.indirect_vreg.gather @!p0 [hbm4b:s2+s3], $0x80, v3, vm1, $0xb8;
	[tilespmem:$0x12E00] =	vst v63  }
0x5f3: {  	v3 =	vld @!p0 [tilespmem:$0x10];
	_ =	sdelay $0x4  }
0x5f4: {  	v7 =	vshll.u32 @!p0 v3, $0x1  }
0x5f5: {  	v3 =	vand.u32 @!p0 $0x7, v3;
	v7 =	vand.u32 @!p0 $0xFFFFFFF0, v7  }
0x5f6: {  	v3 =	vor.u32 @!p0 v3, v7  }
0x5f7: {  	v7 =	vperm.xlane @!p0 v3, v4;
	_ =	sdelay $0x1  }
0x5f8: {  	v3 =	vperm.xlane @!p0 v3, v5;
	v7 =	vadd.s32 @!p0 v6, v7;
	_ =	sdelay $0x1  }
0x5f9: {  	v3 =	vadd.s32 @!p0 v6, v3;
	_ =	sdelay $0x1  }
0x5fa: {  	s4 =	simm.s32 @!p0 $0x1200  }
0x5fb: {  	[tilespmem:s4], [sflag:$0x1] =	stream.indirect_vreg.gather @!p0 [hbm4b:s2+s3], $0x80, v7, vm1, $0xb8;
	[tilespmem:$0x12E00] =	vst v63  }
0x5fc: {  	s4 =	simm.s32 @!p0 $0x1A00  }
0x5fd: {  	[tilespmem:s4], [sflag:$0x1] =	stream.indirect_vreg.gather @!p0 [hbm4b:s2+s3], $0x80, v3, vm1, $0xb8;
	[tilespmem:$0x12E00] =	vst v63  }
0x5fe: {  	v3 =	vld.msk @!p0 [tilespmem:$0x20], $0xff;
	_ =	sdelay $0x4  }
0x5ff: {  	v5 =	vshll.u32 @!p0 v3, $0x1  }
0x600: {  	v3 =	vand.u32 @!p0 $0x7, v3;
	v5 =	vand.u32 @!p0 $0xFFFFFFF0, v5  }
0x601: {  	v3 =	vor.u32 @!p0 v3, v5  }
0x602: {  	v3 =	vperm.xlane @!p0 v3, v4;
	_ =	sdelay $0x1  }
0x603: {  	v3 =	vadd.s32 @!p0 v6, v3;
	_ =	sdelay $0x3  }
0x604: {  	s4 =	simm.s32 @!p0 $0x2200  }
0x605: {  	[tilespmem:s4], [sflag:$0x1] =	stream.indirect_vreg.gather @!p0 [hbm4b:s2+s3], $0x80, v3, vm1, $0xb8;
	[tilespmem:$0x12E00] =	vst v63  }
0x606: {  	_ =	swait.ge [sflag:s31], $0x2800  }
0x607: {  	[sflag:s31] =	ssyncset.done $0x0  }
0x608: {  	s19 =	simm.s32 $0xF2F0;
	[sflag:s31] =	ssyncadd.s32 $0xFFFFD800  }
0x609: {  	v3 =	vld [tilespmem:s19+$0xFFFFFF90];
	_ =	sdelay $0x2  }
0x60a: {  	s25 =	simm.s32 $0x0  }
0x60b: {  	s28 =	sand.u32 $0x3800, s25;
	s3 =	sand.u32 $0x300, s25;
	v4 =	vld [tilespmem:s19+$0xFFFFFF10]  }
0x60c: {  	s8 =	sor.u32 s3, s28;
	v5 =	vshll.u32 v3, $0x10  }
0x60d: {  	v3 =	vand.u32 $0xFFFF0000, v3;
	[tilespmem:s8+$0x5280] =	vst.add.f32.msk $0xffff, v5  }
0x60e: {  	[tilespmem:s8+$0x5290] =	vst.add.f32.msk $0xffff, v3  }
0x60f: {  	v3 =	vld [tilespmem:s19+$0xFFFFFFA0]  }
0x610: {  	v5 =	vshll.u32 v4, $0x10  }
0x611: {  	v4 =	vand.u32 $0xFFFF0000, v4;
	[tilespmem:s8+$0x5200] =	vst.add.f32.msk $0xffff, v5  }
0x612: {  	[tilespmem:s8+$0x5210] =	vst.add.f32.msk $0xffff, v4  }
0x613: {  	v4 =	vld [tilespmem:s19+$0xFFFFFF20]  }
0x614: {  	v5 =	vshll.u32 v3, $0x10  }
0x615: {  	v3 =	vand.u32 $0xFFFF0000, v3;
	[tilespmem:s8+$0x52A0] =	vst.add.f32.msk $0xffff, v5  }
0x616: {  	[tilespmem:s8+$0x52B0] =	vst.add.f32.msk $0xffff, v3  }
0x617: {  	v3 =	vld [tilespmem:s19+$0xFFFFFFB0]  }
0x618: {  	v5 =	vshll.u32 v4, $0x10  }
0x619: {  	v4 =	vand.u32 $0xFFFF0000, v4;
	[tilespmem:s8+$0x5220] =	vst.add.f32.msk $0xffff, v5  }
0x61a: {  	[tilespmem:s8+$0x5230] =	vst.add.f32.msk $0xffff, v4  }
0x61b: {  	v4 =	vld [tilespmem:s19+$0xFFFFFF30]  }
0x61c: {  	v5 =	vshll.u32 v3, $0x10  }
0x61d: {  	v3 =	vand.u32 $0xFFFF0000, v3;
	[tilespmem:s8+$0x52C0] =	vst.add.f32.msk $0xffff, v5  }
0x61e: {  	[tilespmem:s8+$0x52D0] =	vst.add.f32.msk $0xffff, v3  }
0x61f: {  	v3 =	vld [tilespmem:s19+$0xFFFFFFC0]  }
0x620: {  	v5 =	vshll.u32 v4, $0x10  }
0x621: {  	v4 =	vand.u32 $0xFFFF0000, v4;
	[tilespmem:s8+$0x5240] =	vst.add.f32.msk $0xffff, v5  }
0x622: {  	[tilespmem:s8+$0x5250] =	vst.add.f32.msk $0xffff, v4  }
0x623: {  	v4 =	vld [tilespmem:s19+$0xFFFFFF40]  }
0x624: {  	v5 =	vshll.u32 v3, $0x10  }
0x625: {  	v3 =	vand.u32 $0xFFFF0000, v3;
	[tilespmem:s8+$0x52E0] =	vst.add.f32.msk $0xffff, v5  }
0x626: {  	[tilespmem:s8+$0x52F0] =	vst.add.f32.msk $0xffff, v3  }
0x627: {  	v3 =	vld [tilespmem:s19+$0xFFFFFFD0]  }
0x628: {  	v5 =	vshll.u32 v4, $0x10  }
0x629: {  	v4 =	vand.u32 $0xFFFF0000, v4;
	[tilespmem:s8+$0x5260] =	vst.add.f32.msk $0xffff, v5  }
0x62a: {  	[tilespmem:s8+$0x5270] =	vst.add.f32.msk $0xffff, v4  }
0x62b: {  	v4 =	vld [tilespmem:s19+$0xFFFFFF50]  }
0x62c: {  	v5 =	vshll.u32 v3, $0x10  }
0x62d: {  	v3 =	vand.u32 $0xFFFF0000, v3;
	[tilespmem:s8+$0x5680] =	vst.add.f32.msk $0xffff, v5  }
0x62e: {  	[tilespmem:s8+$0x5690] =	vst.add.f32.msk $0xffff, v3  }
0x62f: {  	s17 =	simm.s32 $0xF3F0;
	v3 =	vld [tilespmem:s19+$0xFFFFFFE0]  }
0x630: {  	v7 =	vld [tilespmem:s17+$0xFFFFFF10];
	v5 =	vshll.u32 v4, $0x10  }
0x631: {  	[tilespmem:s8+$0x5600] =	vst.add.f32.msk $0xffff, v5  }
0x632: {  	v4 =	vand.u32 $0xFFFF0000, v4;
	v5 =	vld [tilespmem:s17+$0xFFFFFF90]  }
0x633: {  	[tilespmem:s8+$0x5610] =	vst.add.f32.msk $0xffff, v4  }
0x634: {  	v4 =	vld [tilespmem:s19+$0xFFFFFF60];
	v6 =	vshll.u32 v3, $0x10  }
0x635: {  	s22 =	simm.s32 $0x200;
	s23 =	simm.s32 $0x100;
	v3 =	vand.u32 $0xFFFF0000, v3;
	[tilespmem:s8+$0x56A0] =	vst.add.f32.msk $0xffff, v6  }
0x636: {  	s29 =	sand.u32 $0x3800, s22;
	s30 =	sand.u32 $0x300, s23;
	[tilespmem:s8+$0x56B0] =	vst.add.f32.msk $0xffff, v3  }
0x637: {  	s21 =	sor.u32 s30, s29;
	v8 =	vshll.u32 v5, $0x10;
	v3 =	vld [tilespmem:s19+$0xFFFFFFF0]  }
0x638: {  	v5 =	vand.u32 $0xFFFF0000, v5;
	[tilespmem:s21+$0x5280] =	vst.add.f32.msk $0xffff, v8  }
0x639: {  	v6 =	vshll.u32 v4, $0x10;
	[tilespmem:s21+$0x5290] =	vst.add.f32.msk $0xffff, v5  }
0x63a: {  	[tilespmem:s8+$0x5620] =	vst.add.f32.msk $0xffff, v6  }
0x63b: {  	v4 =	vand.u32 $0xFFFF0000, v4;
	v5 =	vld [tilespmem:s17+$0xFFFFFFA0]  }
0x63c: {  	[tilespmem:s8+$0x5630] =	vst.add.f32.msk $0xffff, v4;
	v6 =	vshll.u32 v3, $0x10  }
0x63d: {  	v3 =	vand.u32 $0xFFFF0000, v3;
	[tilespmem:s8+$0x56C0] =	vst.add.f32.msk $0xffff, v6  }
0x63e: {  	v6 =	vshll.u32 v7, $0x10;
	[tilespmem:s8+$0x56D0] =	vst.add.f32.msk $0xffff, v3  }
0x63f: {  	v3 =	vand.u32 $0xFFFF0000, v7;
	[tilespmem:s21+$0x5200] =	vst.add.f32.msk $0xffff, v6  }
0x640: {  	[tilespmem:s21+$0x5210] =	vst.add.f32.msk $0xffff, v3  }
0x641: {  	v4 =	vand.u32 $0xFFFF0000, v5;
	v3 =	vld [tilespmem:s17+$0xFFFFFF20]  }
0x642: {  	v7 =	vshll.u32 v5, $0x10;
	[tilespmem:s21+$0x52B0] =	vst.add.f32.msk $0xffff, v4  }
0x643: {  	[tilespmem:s21+$0x52A0] =	vst.add.f32.msk $0xffff, v7  }
0x644: {  	v5 =	vld [tilespmem:s17+$0xFFFFFFB0]  }
0x645: {  	v6 =	vld [tilespmem:s19+$0x0]  }
0x646: {  	v4 =	vshll.u32 v3, $0x10  }
0x647: {  	v3 =	vand.u32 $0xFFFF0000, v3;
	[tilespmem:s21+$0x5220] =	vst.add.f32.msk $0xffff, v4  }
0x648: {  	[tilespmem:s21+$0x5230] =	vst.add.f32.msk $0xffff, v3  }
0x649: {  	v7 =	vshll.u32 v5, $0x10;
	v4 =	vld [tilespmem:s17+$0xFFFFFF30]  }
0x64a: {  	v3 =	vand.u32 $0xFFFF0000, v6;
	[tilespmem:s21+$0x52C0] =	vst.add.f32.msk $0xffff, v7  }
0x64b: {  	[tilespmem:s8+$0x56F0] =	vst.add.f32.msk $0xffff, v3  }
0x64c: {  	v5 =	vand.u32 $0xFFFF0000, v5;
	v3 =	vld [tilespmem:s19+$0xFFFFFF70]  }
0x64d: {  	[tilespmem:s21+$0x52D0] =	vst.add.f32.msk $0xffff, v5  }
0x64e: {  	v7 =	vld [tilespmem:s17+$0xFFFFFFC0];
	v5 =	vshll.u32 v4, $0x10  }
0x64f: {  	v4 =	vand.u32 $0xFFFF0000, v4;
	[tilespmem:s21+$0x5240] =	vst.add.f32.msk $0xffff, v5  }
0x650: {  	[tilespmem:s21+$0x5250] =	vst.add.f32.msk $0xffff, v4  }
0x651: {  	v4 =	vshll.u32 v3, $0x10;
	v5 =	vld [tilespmem:s17+$0xFFFFFF40]  }
0x652: {  	v3 =	vand.u32 $0xFFFF0000, v3;
	[tilespmem:s8+$0x5640] =	vst.add.f32.msk $0xffff, v4  }
0x653: {  	v4 =	vshll.u32 v7, $0x10;
	[tilespmem:s8+$0x5650] =	vst.add.f32.msk $0xffff, v3  }
0x654: {  	v3 =	vand.u32 $0xFFFF0000, v7;
	[tilespmem:s21+$0x52E0] =	vst.add.f32.msk $0xffff, v4  }
0x655: {  	[tilespmem:s21+$0x52F0] =	vst.add.f32.msk $0xffff, v3  }
0x656: {  	v4 =	vld [tilespmem:s17+$0xFFFFFFD0];
	v3 =	vshll.u32 v5, $0x10  }
0x657: {  	v5 =	vand.u32 $0xFFFF0000, v5;
	[tilespmem:s21+$0x5260] =	vst.add.f32.msk $0xffff, v3  }
0x658: {  	[tilespmem:s21+$0x5270] =	vst.add.f32.msk $0xffff, v5  }
0x659: {  	v3 =	vld [tilespmem:s17+$0xFFFFFF50]  }
0x65a: {  	v5 =	vshll.u32 v6, $0x10;
	v6 =	vld [tilespmem:s19+$0xFFFFFF80]  }
0x65b: {  	v7 =	vshll.u32 v4, $0x10;
	[tilespmem:s8+$0x56E0] =	vst.add.f32.msk $0xffff, v5  }
0x65c: {  	v4 =	vand.u32 $0xFFFF0000, v4;
	[tilespmem:s21+$0x5680] =	vst.add.f32.msk $0xffff, v7  }
0x65d: {  	[tilespmem:s21+$0x5690] =	vst.add.f32.msk $0xffff, v4  }
0x65e: {  	v4 =	vld [tilespmem:s17+$0xFFFFFFE0];
	v5 =	vshll.u32 v3, $0x10  }
0x65f: {  	v3 =	vand.u32 $0xFFFF0000, v3;
	[tilespmem:s21+$0x5600] =	vst.add.f32.msk $0xffff, v5  }
0x660: {  	[tilespmem:s21+$0x5610] =	vst.add.f32.msk $0xffff, v3  }
0x661: {  	v7 =	vshll.u32 v6, $0x10;
	v5 =	vld [tilespmem:s17+$0xFFFFFF60]  }
0x662: {  	s25 =	simm.s32 $0x2;
	s19 =	simm.s32 $0xF4F0;
	[tilespmem:s8+$0x5660] =	vst.add.f32.msk $0xffff, v7;
	v3 =	vand.u32 $0xFFFF0000, v6  }
.LBB2_17:
0x663: {  	v6 =	vld [tilespmem:s19+$0xFFFFFF90];
	v7 =	vshll.u32 v4, $0x10  }
0x664: {  	v4 =	vand.u32 $0xFFFF0000, v4;
	[tilespmem:s21+$0x56A0] =	vst.add.f32.msk $0xffff, v7  }
0x665: {  	[tilespmem:s21+$0x56B0] =	vst.add.f32.msk $0xffff, v4  }
0x666: {  	s22 =	sadd.s32 $0x200, s22;
	s23 =	sadd.s32 $0x100, s23;
	v4 =	vshll.u32 v5, $0x10;
	v5 =	vand.u32 $0xFFFF0000, v5;
	v7 =	vld [tilespmem:s17+$0xFFFFFFF0]  }
0x667: {  	s3 =	sand.u32 $0x3800, s22;
	s4 =	sand.u32 $0x300, s23;
	v8 =	vld [tilespmem:s19+$0xFFFFFF10]  }
0x668: {  	s3 =	sor.u32 s4, s3;
	v9 =	vshll.u32 v6, $0x10;
	[tilespmem:s21+$0x5620] =	vst.add.f32.msk $0xffff, v4  }
0x669: {  	v4 =	vand.u32 $0xFFFF0000, v6;
	[tilespmem:s3+$0x5280] =	vst.add.f32.msk $0xffff, v9  }
0x66a: {  	[tilespmem:s3+$0x5290] =	vst.add.f32.msk $0xffff, v4  }
0x66b: {  	v4 =	vld [tilespmem:s19+$0xFFFFFFA0];
	v6 =	vshll.u32 v7, $0x10  }
0x66c: {  	v7 =	vand.u32 $0xFFFF0000, v7;
	v9 =	vshll.u32 v8, $0x10;
	v8 =	vand.u32 $0xFFFF0000, v8;
	[tilespmem:s21+$0x56C0] =	vst.add.f32.msk $0xffff, v6  }
0x66d: {  	s25 =	sadd.s32 $0x2, s25;
	[tilespmem:s21+$0x56D0] =	vst.add.f32.msk $0xffff, v7  }
0x66e: {  	p1 =	slt.u32 s25, $0x26;
	v6 =	vld [tilespmem:s17+$0x0]  }
0x66f: {  	[tilespmem:s3+$0x5200] =	vst.add.f32.msk $0xffff, v9  }
0x670: {  	[tilespmem:s3+$0x5210] =	vst.add.f32.msk $0xffff, v8  }
0x671: {  	v7 =	vld [tilespmem:s19+$0xFFFFFF20]  }
0x672: {  	v8 =	vshll.u32 v4, $0x10;
	[tilespmem:s21+$0x5630] =	vst.add.f32.msk $0xffff, v5  }
0x673: {  	[tilespmem:s3+$0x52A0] =	vst.add.f32.msk $0xffff, v8;
	v5 =	vshll.u32 v6, $0x10;
	v6 =	vand.u32 $0xFFFF0000, v6  }
0x674: {  	v4 =	vand.u32 $0xFFFF0000, v4;
	[tilespmem:s21+$0x56F0] =	vst.add.f32.msk $0xffff, v6  }
0x675: {  	[tilespmem:s3+$0x52B0] =	vst.add.f32.msk $0xffff, v4  }
0x676: {  	v4 =	vshll.u32 v7, $0x10;
	v6 =	vand.u32 $0xFFFF0000, v7;
	v7 =	vld [tilespmem:s19+$0xFFFFFFB0]  }
0x677: {  	[tilespmem:s3+$0x5220] =	vst.add.f32.msk $0xffff, v4  }
0x678: {  	[tilespmem:s3+$0x5230] =	vst.add.f32.msk $0xffff, v6  }
0x679: {  	v4 =	vld [tilespmem:s19+$0xFFFFFF30]  }
0x67a: {  	v6 =	vld [tilespmem:s17+$0xFFFFFF70]  }
0x67b: {  	v8 =	vshll.u32 v7, $0x10;
	[tilespmem:s8+$0x5670] =	vst.add.f32.msk $0xffff, v3;
	s8 =	smov.u32 s21;
	s21 =	smov.u32 s3  }
0x67c: {  	v3 =	vand.u32 $0xFFFF0000, v7;
	[tilespmem:s21+$0x52C0] =	vst.add.f32.msk $0xffff, v8  }
0x67d: {  	[tilespmem:s21+$0x52D0] =	vst.add.f32.msk $0xffff, v3  }
0x67e: {  	v3 =	vshll.u32 v4, $0x10;
	v4 =	vand.u32 $0xFFFF0000, v4;
	v7 =	vld [tilespmem:s19+$0xFFFFFFC0]  }
0x67f: {  	[tilespmem:s21+$0x5240] =	vst.add.f32.msk $0xffff, v3;
	v3 =	vshll.u32 v6, $0x10;
	v6 =	vand.u32 $0xFFFF0000, v6  }
0x680: {  	[tilespmem:s21+$0x5250] =	vst.add.f32.msk $0xffff, v4  }
0x681: {  	v4 =	vld [tilespmem:s19+$0xFFFFFF40]  }
0x682: {  	[tilespmem:s8+$0x5640] =	vst.add.f32.msk $0xffff, v3  }
0x683: {  	v3 =	vshll.u32 v7, $0x10;
	[tilespmem:s8+$0x5650] =	vst.add.f32.msk $0xffff, v6  }
0x684: {  	v6 =	vand.u32 $0xFFFF0000, v7;
	[tilespmem:s21+$0x52E0] =	vst.add.f32.msk $0xffff, v3  }
0x685: {  	[tilespmem:s21+$0x52F0] =	vst.add.f32.msk $0xffff, v6  }
0x686: {  	v3 =	vshll.u32 v4, $0x10;
	v4 =	vand.u32 $0xFFFF0000, v4;
	v6 =	vld [tilespmem:s19+$0xFFFFFFD0]  }
0x687: {  	[tilespmem:s21+$0x5260] =	vst.add.f32.msk $0xffff, v3  }
0x688: {  	[tilespmem:s21+$0x5270] =	vst.add.f32.msk $0xffff, v4  }
0x689: {  	v3 =	vld [tilespmem:s19+$0xFFFFFF50]  }
0x68a: {  	v7 =	vld [tilespmem:s17+$0xFFFFFF80];
	s17 =	smov.u32 s19  }
0x68b: {  	v4 =	vshll.u32 v6, $0x10;
	[tilespmem:s8+$0x56E0] =	vst.add.f32.msk $0xffff, v5  }
0x68c: {  	v5 =	vand.u32 $0xFFFF0000, v6;
	[tilespmem:s21+$0x5680] =	vst.add.f32.msk $0xffff, v4  }
0x68d: {  	[tilespmem:s21+$0x5690] =	vst.add.f32.msk $0xffff, v5  }
.Ltmp9:
0x68e: {  	v5 =	vshll.u32 v3, $0x10;
	v6 =	vand.u32 $0xFFFF0000, v3;
	v4 =	vld [tilespmem:s19+$0xFFFFFFE0];
	(pc) =	sbr.rel @p1 .LBB2_17-.Ltmp9, $4  }
0x68f: {  	[tilespmem:s21+$0x5600] =	vst.add.f32.msk $0xffff, v5;
	v8 =	vshll.u32 v7, $0x10;
	v3 =	vand.u32 $0xFFFF0000, v7  }
0x690: {  	[tilespmem:s21+$0x5610] =	vst.add.f32.msk $0xffff, v6  }
0x691: {  	v5 =	vld [tilespmem:s19+$0xFFFFFF60]  }
0x692: {  	s19 =	sadd.s32 $0x100, s19;
	[tilespmem:s8+$0x5660] =	vst.add.f32.msk $0xffff, v8  }
0x693: {  	v6 =	vshll.u32 v4, $0x10  }
0x694: {  	v4 =	vand.u32 $0xFFFF0000, v4;
	[tilespmem:s21+$0x56A0] =	vst.add.f32.msk $0xffff, v6  }
0x695: {  	[tilespmem:s21+$0x56B0] =	vst.add.f32.msk $0xffff, v4  }
0x696: {  	v6 =	vld [tilespmem:s17+$0xFFFFFFF0];
	v4 =	vshll.u32 v5, $0x10  }
0x697: {  	v5 =	vand.u32 $0xFFFF0000, v5;
	[tilespmem:s21+$0x5620] =	vst.add.f32.msk $0xffff, v4  }
0x698: {  	[tilespmem:s21+$0x5630] =	vst.add.f32.msk $0xffff, v5  }
0x699: {  	v4 =	vld [tilespmem:s17+$0xFFFFFF70];
	_ =	sdelay $0x1  }
0x69a: {  	v5 =	vshll.u32 v6, $0x10  }
0x69b: {  	v6 =	vand.u32 $0xFFFF0000, v6;
	[tilespmem:s21+$0x56C0] =	vst.add.f32.msk $0xffff, v5  }
0x69c: {  	[tilespmem:s21+$0x56D0] =	vst.add.f32.msk $0xffff, v6  }
0x69d: {  	v5 =	vld [tilespmem:s17+$0x0];
	v6 =	vshll.u32 v4, $0x10  }
0x69e: {  	v4 =	vand.u32 $0xFFFF0000, v4;
	[tilespmem:s21+$0x5640] =	vst.add.f32.msk $0xffff, v6  }
0x69f: {  	[tilespmem:s21+$0x5650] =	vst.add.f32.msk $0xffff, v4  }
0x6a0: {  	v4 =	vld [tilespmem:s17+$0xFFFFFF80];
	_ =	sdelay $0x2  }
0x6a1: {  	[tilespmem:s8+$0x5670] =	vst.add.f32.msk $0xffff, v3;
	v6 =	vand.u32 $0xFFFF0000, v5  }
0x6a2: {  	v5 =	vshll.u32 v5, $0x10;
	[tilespmem:s21+$0x56F0] =	vst.add.f32.msk $0xffff, v6  }
0x6a3: {  	[tilespmem:s21+$0x56E0] =	vst.add.f32.msk $0xffff, v5;
	v3 =	vshll.u32 v4, $0x10  }
0x6a4: {  	v4 =	vand.u32 $0xFFFF0000, v4;
	[tilespmem:s21+$0x5660] =	vst.add.f32.msk $0xffff, v3  }
0x6a5: {  	[tilespmem:s21+$0x5670] =	vst.add.f32.msk $0xffff, v4  }
0x6a6: {  	s3 =	rddreg [dreg:$0x9]  }
0x6a7: {  	s4 =	simm.s32 $0x5200;
	s3 =	sadd.s32 s15, s3  }
0x6a8: {  	[hbm4b:s3+s7] =	stream.linear.scatter [tilespmem:s4], [sflag:$0x8], $0x2800, $0x38;
	[tilespmem:$0x12E00] =	vst v63  }
0x6a9: {  	s3 =	simm.s32 @!p0 $0x7  }
0x6aa: {  	_ =	swait.ge @!p0 [sflag:s3], $0x2800  }
0x6ab: {  	[sflag:s3] =	ssyncset.done @!p0 $0x0  }
0x6ac: {  	[sflag:s3] =	ssyncadd.s32 @!p0 $0xFFFFD800  }
0x6ad: {  	v3 =	vld @!p0 [tilespmem:$0x28];
	_ =	sdelay $0x4  }
0x6ae: {  	v4 =	vshll.u32 @!p0 v3, $0x1  }
0x6af: {  	v5 =	vlaneseq.u32 @!p0;
	v3 =	vand.u32 @!p0 $0x7, v3;
	v4 =	vand.u32 @!p0 $0xFFFFFFF0, v4  }
0x6b0: {  	v6 =	vshrl.u32 @!p0 v5, $0x3;
	v3 =	vor.u32 @!p0 v3, v4;
	v4 =	vand.u32 @!p0 $0x7, v5  }
0x6b1: {  	v6 =	vmul.u32 @!p0 $0x8, v6;
	v7 =	vperm.xlane @!p0 v3, v4  }
0x6b2: {  	v5 =	vor.u32 @!p0 $0x8, v5  }
0x6b3: {  	v3 =	vperm.xlane @!p0 v3, v5;
	v7 =	vadd.s32 @!p0 v6, v7;
	_ =	sdelay $0x1  }
0x6b4: {  	v3 =	vadd.s32 @!p0 v6, v3;
	_ =	sdelay $0x1  }
0x6b5: {  	s4 =	simm.s32 @!p0 $0x2A00;
	s3 =	simm.s32 @!p0 $0x0  }
0x6b6: {  	[tilespmem:s4], [sflag:$0x2] =	stream.indirect_vreg.gather @!p0 [hbm4b:s2+s3], $0x80, v7, vm1, $0xb8;
	[tilespmem:$0x12E00] =	vst v63  }
0x6b7: {  	s4 =	simm.s32 @!p0 $0x3200  }
0x6b8: {  	[tilespmem:s4], [sflag:$0x2] =	stream.indirect_vreg.gather @!p0 [hbm4b:s2+s3], $0x80, v3, vm1, $0xb8;
	[tilespmem:$0x12E00] =	vst v63  }
0x6b9: {  	v3 =	vld @!p0 [tilespmem:$0x38];
	_ =	sdelay $0x4  }
0x6ba: {  	v7 =	vshll.u32 @!p0 v3, $0x1  }
0x6bb: {  	v3 =	vand.u32 @!p0 $0x7, v3;
	v7 =	vand.u32 @!p0 $0xFFFFFFF0, v7  }
0x6bc: {  	v3 =	vor.u32 @!p0 v3, v7  }
0x6bd: {  	v7 =	vperm.xlane @!p0 v3, v4;
	_ =	sdelay $0x1  }
0x6be: {  	v3 =	vperm.xlane @!p0 v3, v5;
	v7 =	vadd.s32 @!p0 v6, v7;
	_ =	sdelay $0x1  }
0x6bf: {  	v3 =	vadd.s32 @!p0 v6, v3;
	_ =	sdelay $0x1  }
0x6c0: {  	s4 =	simm.s32 @!p0 $0x3A00  }
0x6c1: {  	[tilespmem:s4], [sflag:$0x2] =	stream.indirect_vreg.gather @!p0 [hbm4b:s2+s3], $0x80, v7, vm1, $0xb8;
	[tilespmem:$0x12E00] =	vst v63  }
0x6c2: {  	s4 =	simm.s32 @!p0 $0x4200  }
0x6c3: {  	[tilespmem:s4], [sflag:$0x2] =	stream.indirect_vreg.gather @!p0 [hbm4b:s2+s3], $0x80, v3, vm1, $0xb8;
	[tilespmem:$0x12E00] =	vst v63  }
0x6c4: {  	v3 =	vld.msk @!p0 [tilespmem:$0x48], $0xff;
	_ =	sdelay $0x4  }
0x6c5: {  	v5 =	vshll.u32 @!p0 v3, $0x1  }
0x6c6: {  	v3 =	vand.u32 @!p0 $0x7, v3;
	v5 =	vand.u32 @!p0 $0xFFFFFFF0, v5  }
0x6c7: {  	v3 =	vor.u32 @!p0 v3, v5  }
0x6c8: {  	v3 =	vperm.xlane @!p0 v3, v4;
	_ =	sdelay $0x1  }
0x6c9: {  	v3 =	vadd.s32 @!p0 v6, v3;
	_ =	sdelay $0x3  }
0x6ca: {  	s4 =	simm.s32 @!p0 $0x4A00  }
0x6cb: {  	[tilespmem:s4], [sflag:$0x2] =	stream.indirect_vreg.gather @!p0 [hbm4b:s2+s3], $0x80, v3, vm1, $0xb8;
	[tilespmem:$0x12E00] =	vst v63  }
0x6cc: {  	_ =	swait.ge [sflag:s0], $0x2800  }
0x6cd: {  	[sflag:s0] =	ssyncset.done $0x0  }
0x6ce: {  	s19 =	simm.s32 $0x106F0;
	[sflag:s0] =	ssyncadd.s32 $0xFFFFD800  }
0x6cf: {  	v3 =	vld [tilespmem:s19+$0xFFFFFF90];
	_ =	sdelay $0x2  }
0x6d0: {  	s25 =	simm.s32 $0x0  }
0x6d1: {  	s28 =	sand.u32 $0x3800, s25;
	s3 =	sand.u32 $0x300, s25;
	v4 =	vld [tilespmem:s19+$0xFFFFFF10]  }
0x6d2: {  	s8 =	sor.u32 s3, s28;
	v5 =	vshll.u32 v3, $0x10  }
0x6d3: {  	v3 =	vand.u32 $0xFFFF0000, v3;
	[tilespmem:s8+$0x7A80] =	vst.add.f32.msk $0xffff, v5  }
0x6d4: {  	[tilespmem:s8+$0x7A90] =	vst.add.f32.msk $0xffff, v3  }
0x6d5: {  	v3 =	vld [tilespmem:s19+$0xFFFFFFA0]  }
0x6d6: {  	v5 =	vshll.u32 v4, $0x10  }
0x6d7: {  	v4 =	vand.u32 $0xFFFF0000, v4;
	[tilespmem:s8+$0x7A00] =	vst.add.f32.msk $0xffff, v5  }
0x6d8: {  	[tilespmem:s8+$0x7A10] =	vst.add.f32.msk $0xffff, v4  }
0x6d9: {  	v4 =	vld [tilespmem:s19+$0xFFFFFF20]  }
0x6da: {  	v5 =	vshll.u32 v3, $0x10  }
0x6db: {  	v3 =	vand.u32 $0xFFFF0000, v3;
	[tilespmem:s8+$0x7AA0] =	vst.add.f32.msk $0xffff, v5  }
0x6dc: {  	[tilespmem:s8+$0x7AB0] =	vst.add.f32.msk $0xffff, v3  }
0x6dd: {  	v3 =	vld [tilespmem:s19+$0xFFFFFFB0]  }
0x6de: {  	v5 =	vshll.u32 v4, $0x10  }
0x6df: {  	v4 =	vand.u32 $0xFFFF0000, v4;
	[tilespmem:s8+$0x7A20] =	vst.add.f32.msk $0xffff, v5  }
0x6e0: {  	[tilespmem:s8+$0x7A30] =	vst.add.f32.msk $0xffff, v4  }
0x6e1: {  	v4 =	vld [tilespmem:s19+$0xFFFFFF30]  }
0x6e2: {  	v5 =	vshll.u32 v3, $0x10  }
0x6e3: {  	v3 =	vand.u32 $0xFFFF0000, v3;
	[tilespmem:s8+$0x7AC0] =	vst.add.f32.msk $0xffff, v5  }
0x6e4: {  	[tilespmem:s8+$0x7AD0] =	vst.add.f32.msk $0xffff, v3  }
0x6e5: {  	v3 =	vld [tilespmem:s19+$0xFFFFFFC0]  }
0x6e6: {  	v5 =	vshll.u32 v4, $0x10  }
0x6e7: {  	v4 =	vand.u32 $0xFFFF0000, v4;
	[tilespmem:s8+$0x7A40] =	vst.add.f32.msk $0xffff, v5  }
0x6e8: {  	[tilespmem:s8+$0x7A50] =	vst.add.f32.msk $0xffff, v4  }
0x6e9: {  	v4 =	vld [tilespmem:s19+$0xFFFFFF40]  }
0x6ea: {  	v5 =	vshll.u32 v3, $0x10  }
0x6eb: {  	v3 =	vand.u32 $0xFFFF0000, v3;
	[tilespmem:s8+$0x7AE0] =	vst.add.f32.msk $0xffff, v5  }
0x6ec: {  	[tilespmem:s8+$0x7AF0] =	vst.add.f32.msk $0xffff, v3  }
0x6ed: {  	v3 =	vld [tilespmem:s19+$0xFFFFFFD0]  }
0x6ee: {  	v5 =	vshll.u32 v4, $0x10  }
0x6ef: {  	v4 =	vand.u32 $0xFFFF0000, v4;
	[tilespmem:s8+$0x7A60] =	vst.add.f32.msk $0xffff, v5  }
0x6f0: {  	[tilespmem:s8+$0x7A70] =	vst.add.f32.msk $0xffff, v4  }
0x6f1: {  	v4 =	vld [tilespmem:s19+$0xFFFFFF50]  }
0x6f2: {  	v5 =	vshll.u32 v3, $0x10  }
0x6f3: {  	v3 =	vand.u32 $0xFFFF0000, v3;
	[tilespmem:s8+$0x7E80] =	vst.add.f32.msk $0xffff, v5  }
0x6f4: {  	[tilespmem:s8+$0x7E90] =	vst.add.f32.msk $0xffff, v3  }
0x6f5: {  	s17 =	simm.s32 $0x107F0;
	v3 =	vld [tilespmem:s19+$0xFFFFFFE0]  }
0x6f6: {  	v7 =	vld [tilespmem:s17+$0xFFFFFF10];
	v5 =	vshll.u32 v4, $0x10  }
0x6f7: {  	[tilespmem:s8+$0x7E00] =	vst.add.f32.msk $0xffff, v5  }
0x6f8: {  	v4 =	vand.u32 $0xFFFF0000, v4;
	v5 =	vld [tilespmem:s17+$0xFFFFFF90]  }
0x6f9: {  	[tilespmem:s8+$0x7E10] =	vst.add.f32.msk $0xffff, v4  }
0x6fa: {  	v4 =	vld [tilespmem:s19+$0xFFFFFF60];
	v6 =	vshll.u32 v3, $0x10  }
0x6fb: {  	s22 =	simm.s32 $0x200;
	s23 =	simm.s32 $0x100;
	v3 =	vand.u32 $0xFFFF0000, v3;
	[tilespmem:s8+$0x7EA0] =	vst.add.f32.msk $0xffff, v6  }
0x6fc: {  	s29 =	sand.u32 $0x3800, s22;
	s30 =	sand.u32 $0x300, s23;
	[tilespmem:s8+$0x7EB0] =	vst.add.f32.msk $0xffff, v3  }
0x6fd: {  	s21 =	sor.u32 s30, s29;
	v8 =	vshll.u32 v5, $0x10;
	v3 =	vld [tilespmem:s19+$0xFFFFFFF0]  }
0x6fe: {  	v5 =	vand.u32 $0xFFFF0000, v5;
	[tilespmem:s21+$0x7A80] =	vst.add.f32.msk $0xffff, v8  }
0x6ff: {  	v6 =	vshll.u32 v4, $0x10;
	[tilespmem:s21+$0x7A90] =	vst.add.f32.msk $0xffff, v5  }
0x700: {  	[tilespmem:s8+$0x7E20] =	vst.add.f32.msk $0xffff, v6  }
0x701: {  	v4 =	vand.u32 $0xFFFF0000, v4;
	v5 =	vld [tilespmem:s17+$0xFFFFFFA0]  }
0x702: {  	[tilespmem:s8+$0x7E30] =	vst.add.f32.msk $0xffff, v4;
	v6 =	vshll.u32 v3, $0x10  }
0x703: {  	v3 =	vand.u32 $0xFFFF0000, v3;
	[tilespmem:s8+$0x7EC0] =	vst.add.f32.msk $0xffff, v6  }
0x704: {  	v6 =	vshll.u32 v7, $0x10;
	[tilespmem:s8+$0x7ED0] =	vst.add.f32.msk $0xffff, v3  }
0x705: {  	v3 =	vand.u32 $0xFFFF0000, v7;
	[tilespmem:s21+$0x7A00] =	vst.add.f32.msk $0xffff, v6  }
0x706: {  	[tilespmem:s21+$0x7A10] =	vst.add.f32.msk $0xffff, v3  }
0x707: {  	v4 =	vand.u32 $0xFFFF0000, v5;
	v3 =	vld [tilespmem:s17+$0xFFFFFF20]  }
0x708: {  	v7 =	vshll.u32 v5, $0x10;
	[tilespmem:s21+$0x7AB0] =	vst.add.f32.msk $0xffff, v4  }
0x709: {  	[tilespmem:s21+$0x7AA0] =	vst.add.f32.msk $0xffff, v7  }
0x70a: {  	v5 =	vld [tilespmem:s17+$0xFFFFFFB0]  }
0x70b: {  	v6 =	vld [tilespmem:s19+$0x0]  }
0x70c: {  	v4 =	vshll.u32 v3, $0x10  }
0x70d: {  	v3 =	vand.u32 $0xFFFF0000, v3;
	[tilespmem:s21+$0x7A20] =	vst.add.f32.msk $0xffff, v4  }
0x70e: {  	[tilespmem:s21+$0x7A30] =	vst.add.f32.msk $0xffff, v3  }
0x70f: {  	v7 =	vshll.u32 v5, $0x10;
	v4 =	vld [tilespmem:s17+$0xFFFFFF30]  }
0x710: {  	v3 =	vand.u32 $0xFFFF0000, v6;
	[tilespmem:s21+$0x7AC0] =	vst.add.f32.msk $0xffff, v7  }
0x711: {  	[tilespmem:s8+$0x7EF0] =	vst.add.f32.msk $0xffff, v3  }
0x712: {  	v5 =	vand.u32 $0xFFFF0000, v5;
	v3 =	vld [tilespmem:s19+$0xFFFFFF70]  }
0x713: {  	[tilespmem:s21+$0x7AD0] =	vst.add.f32.msk $0xffff, v5  }
0x714: {  	v7 =	vld [tilespmem:s17+$0xFFFFFFC0];
	v5 =	vshll.u32 v4, $0x10  }
0x715: {  	v4 =	vand.u32 $0xFFFF0000, v4;
	[tilespmem:s21+$0x7A40] =	vst.add.f32.msk $0xffff, v5  }
0x716: {  	[tilespmem:s21+$0x7A50] =	vst.add.f32.msk $0xffff, v4  }
0x717: {  	v4 =	vshll.u32 v3, $0x10;
	v5 =	vld [tilespmem:s17+$0xFFFFFF40]  }
0x718: {  	v3 =	vand.u32 $0xFFFF0000, v3;
	[tilespmem:s8+$0x7E40] =	vst.add.f32.msk $0xffff, v4  }
0x719: {  	v4 =	vshll.u32 v7, $0x10;
	[tilespmem:s8+$0x7E50] =	vst.add.f32.msk $0xffff, v3  }
0x71a: {  	v3 =	vand.u32 $0xFFFF0000, v7;
	[tilespmem:s21+$0x7AE0] =	vst.add.f32.msk $0xffff, v4  }
0x71b: {  	[tilespmem:s21+$0x7AF0] =	vst.add.f32.msk $0xffff, v3  }
0x71c: {  	v4 =	vld [tilespmem:s17+$0xFFFFFFD0];
	v3 =	vshll.u32 v5, $0x10  }
0x71d: {  	v5 =	vand.u32 $0xFFFF0000, v5;
	[tilespmem:s21+$0x7A60] =	vst.add.f32.msk $0xffff, v3  }
0x71e: {  	[tilespmem:s21+$0x7A70] =	vst.add.f32.msk $0xffff, v5  }
0x71f: {  	v3 =	vld [tilespmem:s17+$0xFFFFFF50]  }
0x720: {  	v5 =	vshll.u32 v6, $0x10;
	v6 =	vld [tilespmem:s19+$0xFFFFFF80]  }
0x721: {  	v7 =	vshll.u32 v4, $0x10;
	[tilespmem:s8+$0x7EE0] =	vst.add.f32.msk $0xffff, v5  }
0x722: {  	v4 =	vand.u32 $0xFFFF0000, v4;
	[tilespmem:s21+$0x7E80] =	vst.add.f32.msk $0xffff, v7  }
0x723: {  	[tilespmem:s21+$0x7E90] =	vst.add.f32.msk $0xffff, v4  }
0x724: {  	v4 =	vld [tilespmem:s17+$0xFFFFFFE0];
	v5 =	vshll.u32 v3, $0x10  }
0x725: {  	v3 =	vand.u32 $0xFFFF0000, v3;
	[tilespmem:s21+$0x7E00] =	vst.add.f32.msk $0xffff, v5  }
0x726: {  	[tilespmem:s21+$0x7E10] =	vst.add.f32.msk $0xffff, v3  }
0x727: {  	v7 =	vshll.u32 v6, $0x10;
	v5 =	vld [tilespmem:s17+$0xFFFFFF60]  }
0x728: {  	s25 =	simm.s32 $0x2;
	s19 =	simm.s32 $0x108F0;
	[tilespmem:s8+$0x7E60] =	vst.add.f32.msk $0xffff, v7;
	v3 =	vand.u32 $0xFFFF0000, v6  }
.LBB2_19:
0x729: {  	v6 =	vld [tilespmem:s19+$0xFFFFFF90];
	v7 =	vshll.u32 v4, $0x10  }
0x72a: {  	v4 =	vand.u32 $0xFFFF0000, v4;
	[tilespmem:s21+$0x7EA0] =	vst.add.f32.msk $0xffff, v7  }
0x72b: {  	[tilespmem:s21+$0x7EB0] =	vst.add.f32.msk $0xffff, v4  }
0x72c: {  	s22 =	sadd.s32 $0x200, s22;
	s23 =	sadd.s32 $0x100, s23;
	v4 =	vshll.u32 v5, $0x10;
	v5 =	vand.u32 $0xFFFF0000, v5;
	v7 =	vld [tilespmem:s17+$0xFFFFFFF0]  }
0x72d: {  	s3 =	sand.u32 $0x3800, s22;
	s4 =	sand.u32 $0x300, s23;
	v8 =	vld [tilespmem:s19+$0xFFFFFF10]  }
0x72e: {  	s3 =	sor.u32 s4, s3;
	v9 =	vshll.u32 v6, $0x10;
	[tilespmem:s21+$0x7E20] =	vst.add.f32.msk $0xffff, v4  }
0x72f: {  	v4 =	vand.u32 $0xFFFF0000, v6;
	[tilespmem:s3+$0x7A80] =	vst.add.f32.msk $0xffff, v9  }
0x730: {  	[tilespmem:s3+$0x7A90] =	vst.add.f32.msk $0xffff, v4  }
0x731: {  	v4 =	vld [tilespmem:s19+$0xFFFFFFA0];
	v6 =	vshll.u32 v7, $0x10  }
0x732: {  	v7 =	vand.u32 $0xFFFF0000, v7;
	v9 =	vshll.u32 v8, $0x10;
	v8 =	vand.u32 $0xFFFF0000, v8;
	[tilespmem:s21+$0x7EC0] =	vst.add.f32.msk $0xffff, v6  }
0x733: {  	s25 =	sadd.s32 $0x2, s25;
	[tilespmem:s21+$0x7ED0] =	vst.add.f32.msk $0xffff, v7  }
0x734: {  	p1 =	slt.u32 s25, $0x26;
	v6 =	vld [tilespmem:s17+$0x0]  }
0x735: {  	[tilespmem:s3+$0x7A00] =	vst.add.f32.msk $0xffff, v9  }
0x736: {  	[tilespmem:s3+$0x7A10] =	vst.add.f32.msk $0xffff, v8  }
0x737: {  	v7 =	vld [tilespmem:s19+$0xFFFFFF20]  }
0x738: {  	v8 =	vshll.u32 v4, $0x10;
	[tilespmem:s21+$0x7E30] =	vst.add.f32.msk $0xffff, v5  }
0x739: {  	[tilespmem:s3+$0x7AA0] =	vst.add.f32.msk $0xffff, v8;
	v5 =	vshll.u32 v6, $0x10;
	v6 =	vand.u32 $0xFFFF0000, v6  }
0x73a: {  	v4 =	vand.u32 $0xFFFF0000, v4;
	[tilespmem:s21+$0x7EF0] =	vst.add.f32.msk $0xffff, v6  }
0x73b: {  	[tilespmem:s3+$0x7AB0] =	vst.add.f32.msk $0xffff, v4  }
0x73c: {  	v4 =	vshll.u32 v7, $0x10;
	v6 =	vand.u32 $0xFFFF0000, v7;
	v7 =	vld [tilespmem:s19+$0xFFFFFFB0]  }
0x73d: {  	[tilespmem:s3+$0x7A20] =	vst.add.f32.msk $0xffff, v4  }
0x73e: {  	[tilespmem:s3+$0x7A30] =	vst.add.f32.msk $0xffff, v6  }
0x73f: {  	v4 =	vld [tilespmem:s19+$0xFFFFFF30]  }
0x740: {  	v6 =	vld [tilespmem:s17+$0xFFFFFF70]  }
0x741: {  	v8 =	vshll.u32 v7, $0x10;
	[tilespmem:s8+$0x7E70] =	vst.add.f32.msk $0xffff, v3;
	s8 =	smov.u32 s21;
	s21 =	smov.u32 s3  }
0x742: {  	v3 =	vand.u32 $0xFFFF0000, v7;
	[tilespmem:s21+$0x7AC0] =	vst.add.f32.msk $0xffff, v8  }
0x743: {  	[tilespmem:s21+$0x7AD0] =	vst.add.f32.msk $0xffff, v3  }
0x744: {  	v3 =	vshll.u32 v4, $0x10;
	v4 =	vand.u32 $0xFFFF0000, v4;
	v7 =	vld [tilespmem:s19+$0xFFFFFFC0]  }
0x745: {  	[tilespmem:s21+$0x7A40] =	vst.add.f32.msk $0xffff, v3;
	v3 =	vshll.u32 v6, $0x10;
	v6 =	vand.u32 $0xFFFF0000, v6  }
0x746: {  	[tilespmem:s21+$0x7A50] =	vst.add.f32.msk $0xffff, v4  }
0x747: {  	v4 =	vld [tilespmem:s19+$0xFFFFFF40]  }
0x748: {  	[tilespmem:s8+$0x7E40] =	vst.add.f32.msk $0xffff, v3  }
0x749: {  	v3 =	vshll.u32 v7, $0x10;
	[tilespmem:s8+$0x7E50] =	vst.add.f32.msk $0xffff, v6  }
0x74a: {  	v6 =	vand.u32 $0xFFFF0000, v7;
	[tilespmem:s21+$0x7AE0] =	vst.add.f32.msk $0xffff, v3  }
0x74b: {  	[tilespmem:s21+$0x7AF0] =	vst.add.f32.msk $0xffff, v6  }
0x74c: {  	v3 =	vshll.u32 v4, $0x10;
	v4 =	vand.u32 $0xFFFF0000, v4;
	v6 =	vld [tilespmem:s19+$0xFFFFFFD0]  }
0x74d: {  	[tilespmem:s21+$0x7A60] =	vst.add.f32.msk $0xffff, v3  }
0x74e: {  	[tilespmem:s21+$0x7A70] =	vst.add.f32.msk $0xffff, v4  }
0x74f: {  	v3 =	vld [tilespmem:s19+$0xFFFFFF50]  }
0x750: {  	v7 =	vld [tilespmem:s17+$0xFFFFFF80];
	s17 =	smov.u32 s19  }
0x751: {  	v4 =	vshll.u32 v6, $0x10;
	[tilespmem:s8+$0x7EE0] =	vst.add.f32.msk $0xffff, v5  }
0x752: {  	v5 =	vand.u32 $0xFFFF0000, v6;
	[tilespmem:s21+$0x7E80] =	vst.add.f32.msk $0xffff, v4  }
0x753: {  	[tilespmem:s21+$0x7E90] =	vst.add.f32.msk $0xffff, v5  }
.Ltmp10:
0x754: {  	v5 =	vshll.u32 v3, $0x10;
	v6 =	vand.u32 $0xFFFF0000, v3;
	v4 =	vld [tilespmem:s19+$0xFFFFFFE0];
	(pc) =	sbr.rel @p1 .LBB2_19-.Ltmp10, $4  }
0x755: {  	[tilespmem:s21+$0x7E00] =	vst.add.f32.msk $0xffff, v5;
	v8 =	vshll.u32 v7, $0x10;
	v3 =	vand.u32 $0xFFFF0000, v7  }
0x756: {  	[tilespmem:s21+$0x7E10] =	vst.add.f32.msk $0xffff, v6  }
0x757: {  	v5 =	vld [tilespmem:s19+$0xFFFFFF60]  }
0x758: {  	s19 =	sadd.s32 $0x100, s19;
	[tilespmem:s8+$0x7E60] =	vst.add.f32.msk $0xffff, v8  }
0x759: {  	v6 =	vshll.u32 v4, $0x10  }
0x75a: {  	v4 =	vand.u32 $0xFFFF0000, v4;
	[tilespmem:s21+$0x7EA0] =	vst.add.f32.msk $0xffff, v6  }
0x75b: {  	[tilespmem:s21+$0x7EB0] =	vst.add.f32.msk $0xffff, v4  }
0x75c: {  	v6 =	vld [tilespmem:s17+$0xFFFFFFF0];
	v4 =	vshll.u32 v5, $0x10  }
0x75d: {  	v5 =	vand.u32 $0xFFFF0000, v5;
	[tilespmem:s21+$0x7E20] =	vst.add.f32.msk $0xffff, v4  }
0x75e: {  	[tilespmem:s21+$0x7E30] =	vst.add.f32.msk $0xffff, v5  }
0x75f: {  	v4 =	vld [tilespmem:s17+$0xFFFFFF70];
	_ =	sdelay $0x1  }
0x760: {  	v5 =	vshll.u32 v6, $0x10  }
0x761: {  	v6 =	vand.u32 $0xFFFF0000, v6;
	[tilespmem:s21+$0x7EC0] =	vst.add.f32.msk $0xffff, v5  }
0x762: {  	[tilespmem:s21+$0x7ED0] =	vst.add.f32.msk $0xffff, v6  }
0x763: {  	v5 =	vld [tilespmem:s17+$0x0];
	v6 =	vshll.u32 v4, $0x10  }
0x764: {  	v4 =	vand.u32 $0xFFFF0000, v4;
	[tilespmem:s21+$0x7E40] =	vst.add.f32.msk $0xffff, v6  }
0x765: {  	[tilespmem:s21+$0x7E50] =	vst.add.f32.msk $0xffff, v4  }
0x766: {  	v4 =	vld [tilespmem:s17+$0xFFFFFF80];
	_ =	sdelay $0x2  }
0x767: {  	[tilespmem:s8+$0x7E70] =	vst.add.f32.msk $0xffff, v3;
	v6 =	vand.u32 $0xFFFF0000, v5  }
0x768: {  	v5 =	vshll.u32 v5, $0x10;
	[tilespmem:s21+$0x7EF0] =	vst.add.f32.msk $0xffff, v6  }
0x769: {  	[tilespmem:s21+$0x7EE0] =	vst.add.f32.msk $0xffff, v5;
	v3 =	vshll.u32 v4, $0x10  }
0x76a: {  	v4 =	vand.u32 $0xFFFF0000, v4;
	[tilespmem:s21+$0x7E60] =	vst.add.f32.msk $0xffff, v3  }
0x76b: {  	s3 =	sadd.s32 s15, s12;
	[tilespmem:s21+$0x7E70] =	vst.add.f32.msk $0xffff, v4  }
0x76c: {  	[hbm4b:s3+s7] =	stream.linear.scatter [tilespmem:s16], [sflag:$0x9], $0x2800, $0x38;
	[tilespmem:$0x12E00] =	vst v63  }
0x76d: {  	s3 =	simm.s32 @!p0 $0x8  }
0x76e: {  	_ =	swait.ge @!p0 [sflag:s3], $0x2800  }
0x76f: {  	[sflag:s3] =	ssyncset.done @!p0 $0x0  }
0x770: {  	[sflag:s3] =	ssyncadd.s32 @!p0 $0xFFFFD800  }
0x771: {  	v3 =	vld @!p0 [tilespmem:$0x50];
	_ =	sdelay $0x4  }
0x772: {  	v4 =	vshll.u32 @!p0 v3, $0x1  }
0x773: {  	v5 =	vlaneseq.u32 @!p0;
	v3 =	vand.u32 @!p0 $0x7, v3;
	v4 =	vand.u32 @!p0 $0xFFFFFFF0, v4  }
0x774: {  	v6 =	vshrl.u32 @!p0 v5, $0x3;
	v3 =	vor.u32 @!p0 v3, v4;
	v4 =	vand.u32 @!p0 $0x7, v5  }
0x775: {  	v6 =	vmul.u32 @!p0 $0x8, v6;
	v7 =	vperm.xlane @!p0 v3, v4  }
0x776: {  	v5 =	vor.u32 @!p0 $0x8, v5  }
0x777: {  	v3 =	vperm.xlane @!p0 v3, v5;
	v7 =	vadd.s32 @!p0 v6, v7;
	_ =	sdelay $0x1  }
0x778: {  	v3 =	vadd.s32 @!p0 v6, v3;
	_ =	sdelay $0x1  }
0x779: {  	s4 =	simm.s32 @!p0 $0x5200;
	s3 =	simm.s32 @!p0 $0x0  }
0x77a: {  	[tilespmem:s4], [sflag:$0x3] =	stream.indirect_vreg.gather @!p0 [hbm4b:s2+s3], $0x80, v7, vm1, $0xb8;
	[tilespmem:$0x12E00] =	vst v63  }
0x77b: {  	s4 =	simm.s32 @!p0 $0x5A00  }
0x77c: {  	[tilespmem:s4], [sflag:$0x3] =	stream.indirect_vreg.gather @!p0 [hbm4b:s2+s3], $0x80, v3, vm1, $0xb8;
	[tilespmem:$0x12E00] =	vst v63  }
0x77d: {  	v3 =	vld @!p0 [tilespmem:$0x60];
	_ =	sdelay $0x4  }
0x77e: {  	v7 =	vshll.u32 @!p0 v3, $0x1  }
0x77f: {  	v3 =	vand.u32 @!p0 $0x7, v3;
	v7 =	vand.u32 @!p0 $0xFFFFFFF0, v7  }
0x780: {  	v3 =	vor.u32 @!p0 v3, v7  }
0x781: {  	v7 =	vperm.xlane @!p0 v3, v4;
	_ =	sdelay $0x1  }
0x782: {  	v3 =	vperm.xlane @!p0 v3, v5;
	v7 =	vadd.s32 @!p0 v6, v7;
	_ =	sdelay $0x1  }
0x783: {  	v3 =	vadd.s32 @!p0 v6, v3;
	_ =	sdelay $0x1  }
0x784: {  	s4 =	simm.s32 @!p0 $0x6200  }
0x785: {  	[tilespmem:s4], [sflag:$0x3] =	stream.indirect_vreg.gather @!p0 [hbm4b:s2+s3], $0x80, v7, vm1, $0xb8;
	[tilespmem:$0x12E00] =	vst v63  }
0x786: {  	s4 =	simm.s32 @!p0 $0x6A00  }
0x787: {  	[tilespmem:s4], [sflag:$0x3] =	stream.indirect_vreg.gather @!p0 [hbm4b:s2+s3], $0x80, v3, vm1, $0xb8;
	[tilespmem:$0x12E00] =	vst v63  }
0x788: {  	v3 =	vld.msk @!p0 [tilespmem:$0x70], $0xff;
	_ =	sdelay $0x4  }
0x789: {  	v5 =	vshll.u32 @!p0 v3, $0x1  }
0x78a: {  	v3 =	vand.u32 @!p0 $0x7, v3;
	v5 =	vand.u32 @!p0 $0xFFFFFFF0, v5  }
0x78b: {  	v3 =	vor.u32 @!p0 v3, v5  }
0x78c: {  	v3 =	vperm.xlane @!p0 v3, v4;
	_ =	sdelay $0x1  }
0x78d: {  	v3 =	vadd.s32 @!p0 v6, v3;
	_ =	sdelay $0x3  }
0x78e: {  	s4 =	simm.s32 @!p0 $0x7200  }
0x78f: {  	[tilespmem:s4], [sflag:$0x3] =	stream.indirect_vreg.gather @!p0 [hbm4b:s2+s3], $0x80, v3, vm1, $0xb8;
	[tilespmem:$0x12E00] =	vst v63  }
0x790: {  	_ =	swait.ge [sflag:s1], $0x2800  }
0x791: {  	[sflag:s1] =	ssyncset.done $0x0  }
0x792: {  	s19 =	simm.s32 $0x11AF0;
	[sflag:s1] =	ssyncadd.s32 $0xFFFFD800  }
0x793: {  	v3 =	vld [tilespmem:s19+$0xFFFFFF90];
	_ =	sdelay $0x2  }
0x794: {  	s25 =	simm.s32 $0x0  }
0x795: {  	s28 =	sand.u32 $0x3800, s25;
	s3 =	sand.u32 $0x300, s25;
	v4 =	vld [tilespmem:s19+$0xFFFFFF10]  }
0x796: {  	s8 =	sor.u32 s3, s28;
	v5 =	vshll.u32 v3, $0x10  }
0x797: {  	v3 =	vand.u32 $0xFFFF0000, v3;
	[tilespmem:s8+$0xA280] =	vst.add.f32.msk $0xffff, v5  }
0x798: {  	[tilespmem:s8+$0xA290] =	vst.add.f32.msk $0xffff, v3  }
0x799: {  	v3 =	vld [tilespmem:s19+$0xFFFFFFA0]  }
0x79a: {  	v5 =	vshll.u32 v4, $0x10  }
0x79b: {  	v4 =	vand.u32 $0xFFFF0000, v4;
	[tilespmem:s8+$0xA200] =	vst.add.f32.msk $0xffff, v5  }
0x79c: {  	[tilespmem:s8+$0xA210] =	vst.add.f32.msk $0xffff, v4  }
0x79d: {  	v4 =	vld [tilespmem:s19+$0xFFFFFF20]  }
0x79e: {  	v5 =	vshll.u32 v3, $0x10  }
0x79f: {  	v3 =	vand.u32 $0xFFFF0000, v3;
	[tilespmem:s8+$0xA2A0] =	vst.add.f32.msk $0xffff, v5  }
0x7a0: {  	[tilespmem:s8+$0xA2B0] =	vst.add.f32.msk $0xffff, v3  }
0x7a1: {  	v3 =	vld [tilespmem:s19+$0xFFFFFFB0]  }
0x7a2: {  	v5 =	vshll.u32 v4, $0x10  }
0x7a3: {  	v4 =	vand.u32 $0xFFFF0000, v4;
	[tilespmem:s8+$0xA220] =	vst.add.f32.msk $0xffff, v5  }
0x7a4: {  	[tilespmem:s8+$0xA230] =	vst.add.f32.msk $0xffff, v4  }
0x7a5: {  	v4 =	vld [tilespmem:s19+$0xFFFFFF30]  }
0x7a6: {  	v5 =	vshll.u32 v3, $0x10  }
0x7a7: {  	v3 =	vand.u32 $0xFFFF0000, v3;
	[tilespmem:s8+$0xA2C0] =	vst.add.f32.msk $0xffff, v5  }
0x7a8: {  	[tilespmem:s8+$0xA2D0] =	vst.add.f32.msk $0xffff, v3  }
0x7a9: {  	v3 =	vld [tilespmem:s19+$0xFFFFFFC0]  }
0x7aa: {  	v5 =	vshll.u32 v4, $0x10  }
0x7ab: {  	v4 =	vand.u32 $0xFFFF0000, v4;
	[tilespmem:s8+$0xA240] =	vst.add.f32.msk $0xffff, v5  }
0x7ac: {  	[tilespmem:s8+$0xA250] =	vst.add.f32.msk $0xffff, v4  }
0x7ad: {  	v4 =	vld [tilespmem:s19+$0xFFFFFF40]  }
0x7ae: {  	v5 =	vshll.u32 v3, $0x10  }
0x7af: {  	v3 =	vand.u32 $0xFFFF0000, v3;
	[tilespmem:s8+$0xA2E0] =	vst.add.f32.msk $0xffff, v5  }
0x7b0: {  	[tilespmem:s8+$0xA2F0] =	vst.add.f32.msk $0xffff, v3  }
0x7b1: {  	v3 =	vld [tilespmem:s19+$0xFFFFFFD0]  }
0x7b2: {  	v5 =	vshll.u32 v4, $0x10  }
0x7b3: {  	v4 =	vand.u32 $0xFFFF0000, v4;
	[tilespmem:s8+$0xA260] =	vst.add.f32.msk $0xffff, v5  }
0x7b4: {  	[tilespmem:s8+$0xA270] =	vst.add.f32.msk $0xffff, v4  }
0x7b5: {  	v4 =	vld [tilespmem:s19+$0xFFFFFF50]  }
0x7b6: {  	v5 =	vshll.u32 v3, $0x10  }
0x7b7: {  	v3 =	vand.u32 $0xFFFF0000, v3;
	[tilespmem:s8+$0xA680] =	vst.add.f32.msk $0xffff, v5  }
0x7b8: {  	[tilespmem:s8+$0xA690] =	vst.add.f32.msk $0xffff, v3  }
0x7b9: {  	s17 =	simm.s32 $0x11BF0;
	v3 =	vld [tilespmem:s19+$0xFFFFFFE0]  }
0x7ba: {  	v7 =	vld [tilespmem:s17+$0xFFFFFF10];
	v5 =	vshll.u32 v4, $0x10  }
0x7bb: {  	[tilespmem:s8+$0xA600] =	vst.add.f32.msk $0xffff, v5  }
0x7bc: {  	v4 =	vand.u32 $0xFFFF0000, v4;
	v5 =	vld [tilespmem:s17+$0xFFFFFF90]  }
0x7bd: {  	[tilespmem:s8+$0xA610] =	vst.add.f32.msk $0xffff, v4  }
0x7be: {  	v4 =	vld [tilespmem:s19+$0xFFFFFF60];
	v6 =	vshll.u32 v3, $0x10  }
0x7bf: {  	s22 =	simm.s32 $0x200;
	s23 =	simm.s32 $0x100;
	v3 =	vand.u32 $0xFFFF0000, v3;
	[tilespmem:s8+$0xA6A0] =	vst.add.f32.msk $0xffff, v6  }
0x7c0: {  	s29 =	sand.u32 $0x3800, s22;
	s30 =	sand.u32 $0x300, s23;
	[tilespmem:s8+$0xA6B0] =	vst.add.f32.msk $0xffff, v3  }
0x7c1: {  	s21 =	sor.u32 s30, s29;
	v8 =	vshll.u32 v5, $0x10;
	v3 =	vld [tilespmem:s19+$0xFFFFFFF0]  }
0x7c2: {  	v5 =	vand.u32 $0xFFFF0000, v5;
	[tilespmem:s21+$0xA280] =	vst.add.f32.msk $0xffff, v8  }
0x7c3: {  	v6 =	vshll.u32 v4, $0x10;
	[tilespmem:s21+$0xA290] =	vst.add.f32.msk $0xffff, v5  }
0x7c4: {  	[tilespmem:s8+$0xA620] =	vst.add.f32.msk $0xffff, v6  }
0x7c5: {  	v4 =	vand.u32 $0xFFFF0000, v4;
	v5 =	vld [tilespmem:s17+$0xFFFFFFA0]  }
0x7c6: {  	[tilespmem:s8+$0xA630] =	vst.add.f32.msk $0xffff, v4;
	v6 =	vshll.u32 v3, $0x10  }
0x7c7: {  	v3 =	vand.u32 $0xFFFF0000, v3;
	[tilespmem:s8+$0xA6C0] =	vst.add.f32.msk $0xffff, v6  }
0x7c8: {  	v6 =	vshll.u32 v7, $0x10;
	[tilespmem:s8+$0xA6D0] =	vst.add.f32.msk $0xffff, v3  }
0x7c9: {  	v3 =	vand.u32 $0xFFFF0000, v7;
	[tilespmem:s21+$0xA200] =	vst.add.f32.msk $0xffff, v6  }
0x7ca: {  	[tilespmem:s21+$0xA210] =	vst.add.f32.msk $0xffff, v3  }
0x7cb: {  	v4 =	vand.u32 $0xFFFF0000, v5;
	v3 =	vld [tilespmem:s17+$0xFFFFFF20]  }
0x7cc: {  	v7 =	vshll.u32 v5, $0x10;
	[tilespmem:s21+$0xA2B0] =	vst.add.f32.msk $0xffff, v4  }
0x7cd: {  	[tilespmem:s21+$0xA2A0] =	vst.add.f32.msk $0xffff, v7  }
0x7ce: {  	v5 =	vld [tilespmem:s17+$0xFFFFFFB0]  }
0x7cf: {  	v6 =	vld [tilespmem:s19+$0x0]  }
0x7d0: {  	v4 =	vshll.u32 v3, $0x10  }
0x7d1: {  	v3 =	vand.u32 $0xFFFF0000, v3;
	[tilespmem:s21+$0xA220] =	vst.add.f32.msk $0xffff, v4  }
0x7d2: {  	[tilespmem:s21+$0xA230] =	vst.add.f32.msk $0xffff, v3  }
0x7d3: {  	v7 =	vshll.u32 v5, $0x10;
	v4 =	vld [tilespmem:s17+$0xFFFFFF30]  }
0x7d4: {  	v3 =	vand.u32 $0xFFFF0000, v6;
	[tilespmem:s21+$0xA2C0] =	vst.add.f32.msk $0xffff, v7  }
0x7d5: {  	[tilespmem:s8+$0xA6F0] =	vst.add.f32.msk $0xffff, v3  }
0x7d6: {  	v5 =	vand.u32 $0xFFFF0000, v5;
	v3 =	vld [tilespmem:s19+$0xFFFFFF70]  }
0x7d7: {  	[tilespmem:s21+$0xA2D0] =	vst.add.f32.msk $0xffff, v5  }
0x7d8: {  	v7 =	vld [tilespmem:s17+$0xFFFFFFC0];
	v5 =	vshll.u32 v4, $0x10  }
0x7d9: {  	v4 =	vand.u32 $0xFFFF0000, v4;
	[tilespmem:s21+$0xA240] =	vst.add.f32.msk $0xffff, v5  }
0x7da: {  	[tilespmem:s21+$0xA250] =	vst.add.f32.msk $0xffff, v4  }
0x7db: {  	v4 =	vshll.u32 v3, $0x10;
	v5 =	vld [tilespmem:s17+$0xFFFFFF40]  }
0x7dc: {  	v3 =	vand.u32 $0xFFFF0000, v3;
	[tilespmem:s8+$0xA640] =	vst.add.f32.msk $0xffff, v4  }
0x7dd: {  	v4 =	vshll.u32 v7, $0x10;
	[tilespmem:s8+$0xA650] =	vst.add.f32.msk $0xffff, v3  }
0x7de: {  	v3 =	vand.u32 $0xFFFF0000, v7;
	[tilespmem:s21+$0xA2E0] =	vst.add.f32.msk $0xffff, v4  }
0x7df: {  	[tilespmem:s21+$0xA2F0] =	vst.add.f32.msk $0xffff, v3  }
0x7e0: {  	v4 =	vld [tilespmem:s17+$0xFFFFFFD0];
	v3 =	vshll.u32 v5, $0x10  }
0x7e1: {  	v5 =	vand.u32 $0xFFFF0000, v5;
	[tilespmem:s21+$0xA260] =	vst.add.f32.msk $0xffff, v3  }
0x7e2: {  	[tilespmem:s21+$0xA270] =	vst.add.f32.msk $0xffff, v5  }
0x7e3: {  	v3 =	vld [tilespmem:s17+$0xFFFFFF50]  }
0x7e4: {  	v5 =	vshll.u32 v6, $0x10;
	v6 =	vld [tilespmem:s19+$0xFFFFFF80]  }
0x7e5: {  	v7 =	vshll.u32 v4, $0x10;
	[tilespmem:s8+$0xA6E0] =	vst.add.f32.msk $0xffff, v5  }
0x7e6: {  	v4 =	vand.u32 $0xFFFF0000, v4;
	[tilespmem:s21+$0xA680] =	vst.add.f32.msk $0xffff, v7  }
0x7e7: {  	[tilespmem:s21+$0xA690] =	vst.add.f32.msk $0xffff, v4  }
0x7e8: {  	v4 =	vld [tilespmem:s17+$0xFFFFFFE0];
	v5 =	vshll.u32 v3, $0x10  }
0x7e9: {  	v3 =	vand.u32 $0xFFFF0000, v3;
	[tilespmem:s21+$0xA600] =	vst.add.f32.msk $0xffff, v5  }
0x7ea: {  	[tilespmem:s21+$0xA610] =	vst.add.f32.msk $0xffff, v3  }
0x7eb: {  	v7 =	vshll.u32 v6, $0x10;
	v5 =	vld [tilespmem:s17+$0xFFFFFF60]  }
0x7ec: {  	s25 =	simm.s32 $0x2;
	s19 =	simm.s32 $0x11CF0;
	[tilespmem:s8+$0xA660] =	vst.add.f32.msk $0xffff, v7;
	v3 =	vand.u32 $0xFFFF0000, v6  }
.LBB2_21:
0x7ed: {  	v6 =	vld [tilespmem:s19+$0xFFFFFF90];
	v7 =	vshll.u32 v4, $0x10  }
0x7ee: {  	v4 =	vand.u32 $0xFFFF0000, v4;
	[tilespmem:s21+$0xA6A0] =	vst.add.f32.msk $0xffff, v7  }
0x7ef: {  	[tilespmem:s21+$0xA6B0] =	vst.add.f32.msk $0xffff, v4  }
0x7f0: {  	s22 =	sadd.s32 $0x200, s22;
	s23 =	sadd.s32 $0x100, s23;
	v4 =	vshll.u32 v5, $0x10;
	v5 =	vand.u32 $0xFFFF0000, v5;
	v7 =	vld [tilespmem:s17+$0xFFFFFFF0]  }
0x7f1: {  	s3 =	sand.u32 $0x3800, s22;
	s4 =	sand.u32 $0x300, s23;
	v8 =	vld [tilespmem:s19+$0xFFFFFF10]  }
0x7f2: {  	s3 =	sor.u32 s4, s3;
	v9 =	vshll.u32 v6, $0x10;
	[tilespmem:s21+$0xA620] =	vst.add.f32.msk $0xffff, v4  }
0x7f3: {  	v4 =	vand.u32 $0xFFFF0000, v6;
	[tilespmem:s3+$0xA280] =	vst.add.f32.msk $0xffff, v9  }
0x7f4: {  	[tilespmem:s3+$0xA290] =	vst.add.f32.msk $0xffff, v4  }
0x7f5: {  	v4 =	vld [tilespmem:s19+$0xFFFFFFA0];
	v6 =	vshll.u32 v7, $0x10  }
0x7f6: {  	v7 =	vand.u32 $0xFFFF0000, v7;
	v9 =	vshll.u32 v8, $0x10;
	v8 =	vand.u32 $0xFFFF0000, v8;
	[tilespmem:s21+$0xA6C0] =	vst.add.f32.msk $0xffff, v6  }
0x7f7: {  	s25 =	sadd.s32 $0x2, s25;
	[tilespmem:s21+$0xA6D0] =	vst.add.f32.msk $0xffff, v7  }
0x7f8: {  	p1 =	slt.u32 s25, $0x26;
	v6 =	vld [tilespmem:s17+$0x0]  }
0x7f9: {  	[tilespmem:s3+$0xA200] =	vst.add.f32.msk $0xffff, v9  }
0x7fa: {  	[tilespmem:s3+$0xA210] =	vst.add.f32.msk $0xffff, v8  }
0x7fb: {  	v7 =	vld [tilespmem:s19+$0xFFFFFF20]  }
0x7fc: {  	v8 =	vshll.u32 v4, $0x10;
	[tilespmem:s21+$0xA630] =	vst.add.f32.msk $0xffff, v5  }
0x7fd: {  	[tilespmem:s3+$0xA2A0] =	vst.add.f32.msk $0xffff, v8;
	v5 =	vshll.u32 v6, $0x10;
	v6 =	vand.u32 $0xFFFF0000, v6  }
0x7fe: {  	v4 =	vand.u32 $0xFFFF0000, v4;
	[tilespmem:s21+$0xA6F0] =	vst.add.f32.msk $0xffff, v6  }
0x7ff: {  	[tilespmem:s3+$0xA2B0] =	vst.add.f32.msk $0xffff, v4  }
0x800: {  	v4 =	vshll.u32 v7, $0x10;
	v6 =	vand.u32 $0xFFFF0000, v7;
	v7 =	vld [tilespmem:s19+$0xFFFFFFB0]  }
0x801: {  	[tilespmem:s3+$0xA220] =	vst.add.f32.msk $0xffff, v4  }
0x802: {  	[tilespmem:s3+$0xA230] =	vst.add.f32.msk $0xffff, v6  }
0x803: {  	v4 =	vld [tilespmem:s19+$0xFFFFFF30]  }
0x804: {  	v6 =	vld [tilespmem:s17+$0xFFFFFF70]  }
0x805: {  	v8 =	vshll.u32 v7, $0x10;
	[tilespmem:s8+$0xA670] =	vst.add.f32.msk $0xffff, v3;
	s8 =	smov.u32 s21;
	s21 =	smov.u32 s3  }
0x806: {  	v3 =	vand.u32 $0xFFFF0000, v7;
	[tilespmem:s21+$0xA2C0] =	vst.add.f32.msk $0xffff, v8  }
0x807: {  	[tilespmem:s21+$0xA2D0] =	vst.add.f32.msk $0xffff, v3  }
0x808: {  	v3 =	vshll.u32 v4, $0x10;
	v4 =	vand.u32 $0xFFFF0000, v4;
	v7 =	vld [tilespmem:s19+$0xFFFFFFC0]  }
0x809: {  	[tilespmem:s21+$0xA240] =	vst.add.f32.msk $0xffff, v3;
	v3 =	vshll.u32 v6, $0x10;
	v6 =	vand.u32 $0xFFFF0000, v6  }
0x80a: {  	[tilespmem:s21+$0xA250] =	vst.add.f32.msk $0xffff, v4  }
0x80b: {  	v4 =	vld [tilespmem:s19+$0xFFFFFF40]  }
0x80c: {  	[tilespmem:s8+$0xA640] =	vst.add.f32.msk $0xffff, v3  }
0x80d: {  	v3 =	vshll.u32 v7, $0x10;
	[tilespmem:s8+$0xA650] =	vst.add.f32.msk $0xffff, v6  }
0x80e: {  	v6 =	vand.u32 $0xFFFF0000, v7;
	[tilespmem:s21+$0xA2E0] =	vst.add.f32.msk $0xffff, v3  }
0x80f: {  	[tilespmem:s21+$0xA2F0] =	vst.add.f32.msk $0xffff, v6  }
0x810: {  	v3 =	vshll.u32 v4, $0x10;
	v4 =	vand.u32 $0xFFFF0000, v4;
	v6 =	vld [tilespmem:s19+$0xFFFFFFD0]  }
0x811: {  	[tilespmem:s21+$0xA260] =	vst.add.f32.msk $0xffff, v3  }
0x812: {  	[tilespmem:s21+$0xA270] =	vst.add.f32.msk $0xffff, v4  }
0x813: {  	v3 =	vld [tilespmem:s19+$0xFFFFFF50]  }
0x814: {  	v7 =	vld [tilespmem:s17+$0xFFFFFF80];
	s17 =	smov.u32 s19  }
0x815: {  	v4 =	vshll.u32 v6, $0x10;
	[tilespmem:s8+$0xA6E0] =	vst.add.f32.msk $0xffff, v5  }
0x816: {  	v5 =	vand.u32 $0xFFFF0000, v6;
	[tilespmem:s21+$0xA680] =	vst.add.f32.msk $0xffff, v4  }
0x817: {  	[tilespmem:s21+$0xA690] =	vst.add.f32.msk $0xffff, v5  }
.Ltmp11:
0x818: {  	v5 =	vshll.u32 v3, $0x10;
	v6 =	vand.u32 $0xFFFF0000, v3;
	v4 =	vld [tilespmem:s19+$0xFFFFFFE0];
	(pc) =	sbr.rel @p1 .LBB2_21-.Ltmp11, $4  }
0x819: {  	[tilespmem:s21+$0xA600] =	vst.add.f32.msk $0xffff, v5;
	v8 =	vshll.u32 v7, $0x10;
	v3 =	vand.u32 $0xFFFF0000, v7  }
0x81a: {  	[tilespmem:s21+$0xA610] =	vst.add.f32.msk $0xffff, v6  }
0x81b: {  	v5 =	vld [tilespmem:s19+$0xFFFFFF60]  }
0x81c: {  	s19 =	sadd.s32 $0x100, s19;
	[tilespmem:s8+$0xA660] =	vst.add.f32.msk $0xffff, v8  }
0x81d: {  	v6 =	vshll.u32 v4, $0x10  }
0x81e: {  	v58 =	vand.u32 $0xFFFF0000, v4;
	[tilespmem:s21+$0xA6A0] =	vst.add.f32.msk $0xffff, v6  }
0x81f: {  	[tilespmem:s21+$0xA6B0] =	vst.add.f32.msk $0xffff, v58  }
0x820: {  	v6 =	vld [tilespmem:s17+$0xFFFFFFF0];
	v59 =	vshll.u32 v5, $0x10  }
0x821: {  	v60 =	vand.u32 $0xFFFF0000, v5;
	[tilespmem:s21+$0xA620] =	vst.add.f32.msk $0xffff, v59  }
0x822: {  	[tilespmem:s21+$0xA630] =	vst.add.f32.msk $0xffff, v60  }
0x823: {  	v4 =	vld [tilespmem:s17+$0xFFFFFF70];
	_ =	sdelay $0x1  }
0x824: {  	v61 =	vshll.u32 v6, $0x10  }
0x825: {  	v6 =	vand.u32 $0xFFFF0000, v6;
	[tilespmem:s21+$0xA6C0] =	vst.add.f32.msk $0xffff, v61  }
0x826: {  	[tilespmem:s21+$0xA6D0] =	vst.add.f32.msk $0xffff, v6  }
0x827: {  	v5 =	vld [tilespmem:s17+$0x0];
	v62 =	vshll.u32 v4, $0x10  }
0x828: {  	v4 =	vand.u32 $0xFFFF0000, v4;
	[tilespmem:s21+$0xA640] =	vst.add.f32.msk $0xffff, v62  }
0x829: {  	[tilespmem:s21+$0xA650] =	vst.add.f32.msk $0xffff, v4  }
0x82a: {  	v4 =	vld [tilespmem:s17+$0xFFFFFF80];
	_ =	sdelay $0x2  }
0x82b: {  	[tilespmem:s8+$0xA670] =	vst.add.f32.msk $0xffff, v3;
	v63 =	vand.u32 $0xFFFF0000, v5  }
.Ltmp12:
0x82c: {  	v5 =	vshll.u32 v5, $0x10;
	[tilespmem:s21+$0xA6F0] =	vst.add.f32.msk $0xffff, v63;
	(pc) =	sbr.rel @p0 .LBB2_24-.Ltmp12, $4  }
0x82d: {  	[tilespmem:s21+$0xA6E0] =	vst.add.f32.msk $0xffff, v5;
	v3 =	vshll.u32 v4, $0x10  }
0x82e: {  	v4 =	vand.u32 $0xFFFF0000, v4;
	[tilespmem:s21+$0xA660] =	vst.add.f32.msk $0xffff, v3  }
0x82f: {  	s3 =	sadd.s32 s15, s13;
	[tilespmem:s21+$0xA670] =	vst.add.f32.msk $0xffff, v4  }
0x830: {  	[hbm4b:s3+s7] =	stream.linear.scatter [tilespmem:s20], [sflag:$0xA], $0x2800, $0x38;
	[tilespmem:$0x12E00] =	vst v63  }
0x831: {  	s3 =	sshrl.u32 s9, $0x3;
	s4 =	rddreg [dreg:$0x0]  }
0x832: {  	s3 =	sadd.s32 s4, s3  }
0x833: {  	s24 =	simm.s32 $0x100;
	s3 =	sadd.s32 $0x32, s3  }
0x834: {  	[tilespmem:s24], [sflag:$0xC] =	stream.linear.gather [hbm4b:s3+s7], $0xC8, $0x38;
	[tilespmem:$0x12E00] =	vst v63  }
0x835: {  	_ =	swait.ge [sflag:s5], $0x2800  }
0x836: {  	[sflag:s5] =	ssyncset.done $0x0  }
0x837: {  	[sflag:s5] =	ssyncadd.s32 $0xFFFFD800  }
0x838: {  	v3 =	vld [tilespmem:$0x78];
	_ =	sdelay $0x4  }
0x839: {  	v4 =	vshll.u32 v3, $0x1  }
0x83a: {  	v3 =	vand.u32 $0x7, v3;
	v4 =	vand.u32 $0xFFFFFFF0, v4  }
0x83b: {  	v3 =	vor.u32 v3, v4  }
0x83c: {  	v4 =	vperm.xlane v3, v0;
	_ =	sdelay $0x1  }
0x83d: {  	v3 =	vperm.xlane v3, v2;
	v4 =	vadd.s32 v1, v4;
	_ =	sdelay $0x1  }
0x83e: {  	v3 =	vadd.s32 v1, v3;
	_ =	sdelay $0x2  }
0x83f: {  	[tilespmem:s16], [sflag:$0x4] =	stream.indirect_vreg.gather [hbm4b:s2+s7], $0x80, v4, vm0, $0xb8;
	[tilespmem:$0x12E00] =	vst v63  }
0x840: {  	s25 =	simm.s32 $0x8200  }
0x841: {  	[tilespmem:s25], [sflag:$0x4] =	stream.indirect_vreg.gather [hbm4b:s2+s7], $0x80, v3, vm0, $0xb8;
	[tilespmem:$0x12E00] =	vst v63  }
0x842: {  	v3 =	vld [tilespmem:$0x88];
	_ =	sdelay $0x4  }
0x843: {  	v62 =	vshll.u32 v3, $0x1  }
0x844: {  	v3 =	vand.u32 $0x7, v3;
	v4 =	vand.u32 $0xFFFFFFF0, v62  }
0x845: {  	v3 =	vor.u32 v3, v4  }
0x846: {  	v4 =	vperm.xlane v3, v0;
	_ =	sdelay $0x1  }
0x847: {  	v3 =	vperm.xlane v3, v2;
	v4 =	vadd.s32 v1, v4;
	_ =	sdelay $0x1  }
0x848: {  	v3 =	vadd.s32 v1, v3;
	_ =	sdelay $0x1  }
0x849: {  	s28 =	simm.s32 $0x8A00  }
0x84a: {  	[tilespmem:s28], [sflag:$0x4] =	stream.indirect_vreg.gather [hbm4b:s2+s7], $0x80, v4, vm0, $0xb8;
	[tilespmem:$0x12E00] =	vst v63  }
0x84b: {  	s29 =	simm.s32 $0x9200  }
0x84c: {  	[tilespmem:s29], [sflag:$0x4] =	stream.indirect_vreg.gather [hbm4b:s2+s7], $0x80, v3, vm0, $0xb8;
	[tilespmem:$0x12E00] =	vst v63  }
0x84d: {  	v3 =	vld.msk [tilespmem:$0x98], $0xff;
	_ =	sdelay $0x4  }
0x84e: {  	v63 =	vshll.u32 v3, $0x1  }
0x84f: {  	v3 =	vand.u32 $0x7, v3;
	v4 =	vand.u32 $0xFFFFFFF0, v63  }
0x850: {  	v3 =	vor.u32 v3, v4  }
0x851: {  	v3 =	vperm.xlane v3, v0;
	_ =	sdelay $0x1  }
0x852: {  	v3 =	vadd.s32 v1, v3  }
.Ltmp13:
0x853: {  	_ = 	snop;
	(pc) =	sbr.rel .LBB2_2-.Ltmp13, $3  }
0x854: {  	_ =	sdelay $0x1  }
0x855: {  	s30 =	simm.s32 $0x9A00;
	s14 =	sadd.s32 $0x1, s14  }
0x856: {  	[tilespmem:s30], [sflag:$0x4] =	stream.indirect_vreg.gather [hbm4b:s2+s7], $0x80, v3, vm0, $0xb8;
	[tilespmem:$0x12E00] =	vst v63  }
.LBB2_25:
0x857: {  	_ =	sfence.sel $0x180000  }
0x858: {  	[bflag:$0x0] =	sbarrier.arrive $0xFFFF  }
0x859: {  	_ =	strace $0x90000047  }
0x85a: {  	s0 =	stileid.u32;
	[bflag:$0x2] =	sbarrier.arrive $0xFFFF  }
0x85b: {  	p0 =	sne.s32 s0, $0x0;
	s0 =	rddreg [dreg:$0x4]  }
0x85c: {  	s0 =	sadd.s32 @!p0 $0x100000, s0  }
0x85d: {  	[sflag:s0] =	ssyncadd.tile.s32 @!p0 $0x1;
	_ =	shalt  }
.Lfunc_end2:
_tile_overlayer_lowered:
.L_overlay_start_2:
0x85e: {  	(tag) =	ssettag $0x2  }
0x85f: {  	s0 =	rddreg [dreg:$0x0];
	s2 =	stileid.u32  }
0x860: {  	s1 =	rddreg [dreg:$0x1];
	p0 =	sne.s32 s2, $0x0  }
0x861: {  	s3 =	rddreg [dreg:$0x2];
	[bflag:$0x3] =	sbarrier.arrive $0xFFFF;
	s2 =	simm.s32 @!p0 $0x1C0D  }
0x862: {  	[timem:s3], [sflag:s2] =	dma.local @!p0 [hbm:s0], s1  }
0x863: {  	s0 =	simm.s32 @!p0 $0xD  }
0x864: {  	_ =	swait.ge @!p0 [sflag:s0], s1  }
0x865: {  	s1 =	ssub.s32 @!p0 $0x0, s1;
	[sflag:s0] =	ssyncset.done @!p0 $0x0  }
0x866: {  	[sflag:s0] =	ssyncadd.s32 @!p0 s1  }
0x867: {  	[bflag:$0x3] =	sbarrier.arrive $0xFFFF  }
0x868: {  	_ =	shalt  }

</sc_bundles>
